<compile_context>
chip_gen: v7x
topology: tpu7x:2x2x1
jax: 0.10.2.dev20260603
libtpu: 0.0.44.dev20260713+nightly
codegen_flags: <defaults>
</compile_context>

<pallas_src>
import functools

import jax
import jax.numpy as jnp
from jax import lax
from jax.experimental import pallas as pl
from jax.experimental.pallas import tpu as pltpu
from jax.experimental.pallas import tpu_sc as plsc

N = 10000
E = 320000
D = 128
L = 5

NC = 2
NS = 16
NW = NC * NS
CH = 128
EPT = ((E // NW + CH - 1) // CH) * CH
K = EPT // CH
EPAD = EPT * NW
AROWS = 10240
RPT = AROWS // NS


def _sc_gather_scatter(table, src_t, dst_t, dv):
    mesh = plsc.VectorSubcoreMesh(core_axis_name="c", subcore_axis_name="s")

    @functools.partial(
        pl.kernel,
        out_type=jax.ShapeDtypeStruct((NC, AROWS, dv), jnp.float32),
        mesh=mesh,
        scratch_types=[
            pltpu.VMEM((K, CH), jnp.int32),
            pltpu.VMEM((CH,), jnp.int32),
            pltpu.VMEM((CH,), jnp.int32),
            pltpu.VMEM((2, CH, dv), jnp.float32),
            pltpu.VMEM_SHARED((AROWS, dv), jnp.float32),
            pltpu.SemaphoreType.DMA,
            pltpu.SemaphoreType.DMA,
            pltpu.SemaphoreType.DMA,
            pltpu.SemaphoreType.DMA,
        ],
    )
    def k(table_h, src_h, dst_h, out_h, src_v, d0, d1, rows_v, acc,
          s0, s1, t0, t1):
        c = lax.axis_index("c")
        s = lax.axis_index("s")
        wid = c * NS + s
        pltpu.sync_copy(src_h.at[wid], src_v)
        pltpu.async_copy(dst_h.at[wid, 0], d0, t0)
        pltpu.async_copy(table_h.at[src_v.at[0]], rows_v.at[0], s0)

        zv16 = jnp.zeros((16,), jnp.float32)

        @pl.loop(0, CH * dv // 16)
        def _(q):
            rows_v[1, lax.div(q, dv // 16),
                   pl.ds(lax.rem(q, dv // 16) * 16, 16)] = zv16

        @pl.loop(0, RPT // CH)
        def _(r):
            pltpu.sync_copy(rows_v.at[1], acc.at[pl.ds(s * RPT + r * CH, CH)])

        plsc.subcore_barrier()

        @pl.loop(0, K, step=2)
        def _(j):
            @pl.when(j + 1 < K)
            def _():
                pltpu.async_copy(dst_h.at[wid, j + 1], d1, t1)
                pltpu.async_copy(table_h.at[src_v.at[j + 1]], rows_v.at[1], s1)

            pltpu.make_async_copy(table_h.at[src_v.at[j]], rows_v.at[0],
                                  s0).wait()
            pltpu.make_async_copy(dst_h.at[wid, j], d0, t0).wait()
            pltpu.sync_copy(rows_v.at[0], acc.at[d0], add=True)

            @pl.when(j + 2 < K)
            def _():
                pltpu.async_copy(dst_h.at[wid, j + 2], d0, t0)
                pltpu.async_copy(table_h.at[src_v.at[j + 2]], rows_v.at[0], s0)

            @pl.when(j + 1 < K)
            def _():
                pltpu.make_async_copy(table_h.at[src_v.at[j + 1]],
                                      rows_v.at[1], s1).wait()
                pltpu.make_async_copy(dst_h.at[wid, j + 1], d1, t1).wait()
                pltpu.sync_copy(rows_v.at[1], acc.at[d1], add=True)

        plsc.subcore_barrier()
        pltpu.sync_copy(acc.at[pl.ds(s * RPT, RPT)],
                        out_h.at[c, pl.ds(s * RPT, RPT)])

    return k(table, src_t, dst_t)


BN = 2000
NB = N // BN


def _hp_dot(a, b):
    return jnp.dot(a, b, preferred_element_type=jnp.float32,
                   precision=lax.Precision.HIGHEST)


def _tc_init(x, e1, e2, cnt_p):

    def body(x_ref, e1_ref, e2_ref, cp_ref, h_ref, cnt_ref):
        i3 = lax.broadcasted_iota(jnp.int32, (BN, 3), 1)
        oh0 = (x_ref[:, 0:1] == i3).astype(jnp.float32)
        oh1 = (x_ref[:, 1:2] == i3).astype(jnp.float32)
        h_ref[...] = _hp_dot(oh0, e1_ref[...]) + _hp_dot(oh1, e2_ref[...])
        cnt_ref[...] = cp_ref[0, :, :16] + cp_ref[1, :, :16]

    return pl.pallas_call(
        body,
        grid=(NB,),
        in_specs=[
            pl.BlockSpec((BN, 2), lambda i: (i, 0)),
            pl.BlockSpec((3, D), lambda i: (0, 0)),
            pl.BlockSpec((3, D), lambda i: (0, 0)),
            pl.BlockSpec((2, BN, D), lambda i: (0, i, 0)),
        ],
        out_specs=(pl.BlockSpec((BN, D), lambda i: (i, 0)),
                   pl.BlockSpec((BN, 16), lambda i: (i, 0))),
        out_shape=(jax.ShapeDtypeStruct((N, D), jnp.float32),
                   jax.ShapeDtypeStruct((N, 16), jnp.float32)),
    )(x, e1, e2, cnt_p)


def _tc_dense(p, h, cnt, ctab, selfrow, w1, b1, w2, b2):

    def body(p_ref, h_ref, cnt_ref, ct_ref, sr_ref, w1_ref, b1_ref, w2_ref,
             b2_ref, o_ref, ssum_ref, ssq_ref):
        i = pl.program_id(0)
        agg = (p_ref[0] + p_ref[1] + h_ref[...]
               + _hp_dot(cnt_ref[...], ct_ref[...]) + sr_ref[...])
        hid = jnp.maximum(
            jnp.dot(agg, w1_ref[...], preferred_element_type=jnp.float32)
            + b1_ref[...], 0.0)
        out = jnp.dot(hid, w2_ref[...],
                      preferred_element_type=jnp.float32) + b2_ref[...]
        o_ref[...] = out
        bsum = jnp.broadcast_to(jnp.sum(out, axis=0, keepdims=True), (8, D))
        bsq = jnp.broadcast_to(jnp.sum(out * out, axis=0, keepdims=True),
                               (8, D))

        @pl.when(i == 0)
        def _():
            ssum_ref[...] = bsum
            ssq_ref[...] = bsq

        @pl.when(i > 0)
        def _():
            ssum_ref[...] += bsum
            ssq_ref[...] += bsq

    return pl.pallas_call(
        body,
        grid=(NB,),
        in_specs=[
            pl.BlockSpec((2, BN, D), lambda i: (0, i, 0)),
            pl.BlockSpec((BN, D), lambda i: (i, 0)),
            pl.BlockSpec((BN, 16), lambda i: (i, 0)),
            pl.BlockSpec((16, D), lambda i: (0, 0)),
            pl.BlockSpec((1, D), lambda i: (0, 0)),
            pl.BlockSpec((D, 2 * D), lambda i: (0, 0)),
            pl.BlockSpec((1, 2 * D), lambda i: (0, 0)),
            pl.BlockSpec((2 * D, D), lambda i: (0, 0)),
            pl.BlockSpec((1, D), lambda i: (0, 0)),
        ],
        out_specs=(pl.BlockSpec((BN, D), lambda i: (i, 0)),
                   pl.BlockSpec((8, D), lambda i: (0, 0)),
                   pl.BlockSpec((8, D), lambda i: (0, 0))),
        out_shape=(jax.ShapeDtypeStruct((N, D), jnp.float32),
                   jax.ShapeDtypeStruct((8, D), jnp.float32),
                   jax.ShapeDtypeStruct((8, D), jnp.float32)),
    )(p, h, cnt, ctab, selfrow, w1, b1, w2, b2)


def _tc_norm(out, ssum, ssq, g, b, last):
    def body(o_ref, ssum_ref, ssq_ref, g_ref, bb_ref, r_ref):
        mean = ssum_ref[0:1, :] * (1.0 / N)
        var = ssq_ref[0:1, :] * (1.0 / N) - mean * mean
        hn = (g_ref[...] * (o_ref[...] - mean) * lax.rsqrt(var + 1e-5)
              + bb_ref[...])
        if not last:
            hn = jnp.maximum(hn, 0.0)
        r_ref[...] = hn

    return pl.pallas_call(
        body,
        grid=(NB,),
        in_specs=[
            pl.BlockSpec((BN, D), lambda i: (i, 0)),
            pl.BlockSpec((8, D), lambda i: (0, 0)),
            pl.BlockSpec((8, D), lambda i: (0, 0)),
            pl.BlockSpec((1, D), lambda i: (0, 0)),
            pl.BlockSpec((1, D), lambda i: (0, 0)),
        ],
        out_specs=pl.BlockSpec((BN, D), lambda i: (i, 0)),
        out_shape=jax.ShapeDtypeStruct((N, D), jnp.float32),
    )(out, ssum, ssq, g, b)


def kernel(x, edge_index, edge_attr, x_emb1, x_emb2, eE1, eE2, W1, b1, W2, b2,
           gamma, beta):
    src = edge_index[0].astype(jnp.int32)
    dst = edge_index[1].astype(jnp.int32)
    combo = (3 * edge_attr[:, 0] + edge_attr[:, 1]).astype(jnp.int32)

    npad = EPAD - E
    pad_i = jnp.arange(npad, dtype=jnp.int32)
    src_p = jnp.concatenate([src, pad_i % N])
    dst_p = jnp.concatenate([dst, N + pad_i % (AROWS - N)])
    combo_p = jnp.concatenate([combo, pad_i % 9])

    src_t = src_p.reshape(NW, K, CH)
    dst_t = dst_p.reshape(NW, K, CH)
    wid_off = (jnp.arange(EPAD, dtype=jnp.int32) // EPT) * 16
    combo_t = (combo_p + wid_off).reshape(NW, K, CH)
    oh_table = jnp.tile(jnp.pad(jnp.eye(16, dtype=jnp.float32),
                                ((0, 0), (0, D - 16))), (NW, 1))

    cnt_p = _sc_gather_scatter(oh_table, combo_t, dst_t, D)

    a0 = jnp.array([0, 0, 0, 1, 1, 1, 2, 2, 2], jnp.int32)
    a1 = jnp.array([0, 1, 2, 0, 1, 2, 0, 1, 2], jnp.int32)

    h = _tc_init(x.astype(jnp.int32), x_emb1[:3], x_emb2, cnt_p)
    h, cnt = h

    for l in range(L):
        ctab = jnp.zeros((16, D), jnp.float32).at[:9].set(eE1[l][a0] + eE2[l][a1])
        selfrow = (eE1[l, 4] + eE2[l, 0]).reshape(1, D)
        p = _sc_gather_scatter(h, src_t, dst_t, D)
        out, ssum, ssq = _tc_dense(p, h, cnt, ctab, selfrow.reshape(1, D),
                                   W1[l], b1[l].reshape(1, 2 * D), W2[l],
                                   b2[l].reshape(1, D))
        h = _tc_norm(out, ssum, ssq, gamma[l].reshape(1, D),
                     beta[l].reshape(1, D), l == L - 1)
    return h

# --- scband reference (transcript-rebuilt; emitter-appended) ---
"""Pipeline reference for scband-gnn-model-2972117369040 (READ-ONLY COPY).

The authoritative reference and input builder live on the scoring server;
editing this copy changes nothing except your own understanding.
"""

import jax, jax.numpy as jnp
import numpy as np

N = 10000
E = 320000
D = 128
L = 5

def setup_inputs(seed: int = 0):
    key = jax.random.key(seed)
    ks = jax.random.split(key, 14)
    x = jax.random.randint(ks[0], (N, 2), 0, 3)
    edge_index = jax.random.randint(ks[1], (2, E), 0, N)
    edge_attr = jax.random.randint(ks[2], (E, 2), 0, 3)
    s = 0.05
    x_emb1 = jax.random.normal(ks[3], (120, D), dtype=jnp.float32) * s
    x_emb2 = jax.random.normal(ks[4], (3, D), dtype=jnp.float32) * s
    eE1 = jax.random.normal(ks[5], (L, 6, D), dtype=jnp.float32) * s
    eE2 = jax.random.normal(ks[6], (L, 3, D), dtype=jnp.float32) * s
    W1 = jax.random.normal(ks[7], (L, D, 2 * D), dtype=jnp.float32) * (1.0 / np.sqrt(D))
    b1 = jnp.zeros((L, 2 * D), dtype=jnp.float32)
    W2 = jax.random.normal(ks[8], (L, 2 * D, D), dtype=jnp.float32) * (1.0 / np.sqrt(2 * D))
    b2 = jnp.zeros((L, D), dtype=jnp.float32)
    gamma = jnp.ones((L, D), dtype=jnp.float32)
    beta = jnp.zeros((L, D), dtype=jnp.float32)
    return {"x": x, "edge_index": edge_index, "edge_attr": edge_attr, "x_emb1": x_emb1, "x_emb2": x_emb2, "eE1": eE1, "eE2": eE2, "W1": W1, "b1": b1, "W2": W2, "b2": b2, "gamma": gamma, "beta": beta}

def reference(x, edge_index, edge_attr, x_emb1, x_emb2, eE1, eE2, W1, b1, W2, b2, gamma, beta):
    n = x.shape[0]
    loop = jnp.arange(n)
    src = jnp.concatenate([edge_index[0], loop])
    dst = jnp.concatenate([edge_index[1], loop])
    ea0 = jnp.concatenate([edge_attr[:, 0], jnp.full((n,), 4, dtype=edge_attr.dtype)])
    ea1 = jnp.concatenate([edge_attr[:, 1], jnp.zeros((n,), dtype=edge_attr.dtype)])
    h = x_emb1[x[:, 0]] + x_emb2[x[:, 1]]
    for l in range(L):
        edge_emb = eE1[l][ea0] + eE2[l][ea1]
        msg = h[src] + edge_emb
        agg = jnp.zeros_like(h).at[dst].add(msg)
        hid = jax.nn.relu(agg @ W1[l] + b1[l])
        out = hid @ W2[l] + b2[l]
        mean = out.mean(axis=0)
        var = out.var(axis=0)
        hn = gamma[l] * (out - mean) / jnp.sqrt(var + 1e-5) + beta[l]
        if l < L - 1:
            hn = jax.nn.relu(hn)
        h = hn
    return h

if __name__ == "__main__":
    import jax
    _d = setup_inputs()
    print(jax.jit(kernel)(*tuple(_d.values())))

</pallas_src>

<mosaic_0001>
#map = affine_map<(d0, d1) -> (0, 0)>
#map1 = affine_map<(d0, d1) -> (0, 0, 0)>
module attributes {stable_mosaic.version = 14 : i64} {
  func.func @k(%arg0: i32, %arg1: i32, %arg2: memref<10000x128xf32, #tpu.memory_space<hbm>>, %arg3: memref<32x79x128xi32, #tpu.memory_space<hbm>>, %arg4: memref<32x79x128xi32, #tpu.memory_space<hbm>>, %arg5: memref<2x10240x128xf32, #tpu.memory_space<hbm>>, %arg6: memref<79x128xi32, #tpu.memory_space<vmem>>, %arg7: memref<128xi32, #tpu.memory_space<vmem>>, %arg8: memref<128xi32, #tpu.memory_space<vmem>>, %arg9: memref<2x128x128xf32, #tpu.memory_space<vmem>>, %arg10: memref<10240x128xf32, #tpu.memory_space<vmem_shared>>, %arg11: memref<!tpu.dma_semaphore, #tpu.memory_space<semaphore_mem>>, %arg12: memref<!tpu.dma_semaphore, #tpu.memory_space<semaphore_mem>>, %arg13: memref<!tpu.dma_semaphore, #tpu.memory_space<semaphore_mem>>, %arg14: memref<!tpu.dma_semaphore, #tpu.memory_space<semaphore_mem>>) attributes {dimension_semantics = [#tpu.dimension_semantics<core_parallel>, #tpu.dimension_semantics<subcore_parallel>], iteration_bounds = array<i64: 2, 16>, scalar_prefetch = 0 : i64, scratch_operands = 9 : i64, tpu.core_type = #tpu.core_type<sc_vector_subcore>, window_params = [{transform_indices = #map}, {transform_indices = #map1}, {transform_indices = #map1}, {transform_indices = #map1}]} {
    %mul3A = arith.constant 16 : i32
    %mul3A_0 = arith.muli %arg0, %mul3A : i32
    %add3A = arith.addi %mul3A_0, %arg1 : i32
    "tpu.region"() ({
      %run_scoped3A = tpu.sem_alloc : memref<!tpu.dma_semaphore, #tpu.memory_space<semaphore_mem>>
      %dma_start3A_39 = arith.constant 0 : i32
      %dma_start3A_40 = arith.constant 0 : i32
      %dma_start3A_41 = tpu.memref_slice %arg3[%add3A, %dma_start3A_39, %dma_start3A_40] : memref<32x79x128xi32, #tpu.memory_space<hbm>> -> memref<1x79x128xi32, #tpu.memory_space<hbm>>
      %dma_start3A_42 = tpu.memref_squeeze %dma_start3A_41 : memref<1x79x128xi32, #tpu.memory_space<hbm>> -> memref<79x128xi32, #tpu.memory_space<hbm>>
      %dma_start3A_43 = arith.constant 0 : i32
      %dma_start3A_44 = arith.constant 0 : i32
      %dma_start3A_45 = tpu.memref_slice %arg3[%add3A, %dma_start3A_43, %dma_start3A_44] : memref<32x79x128xi32, #tpu.memory_space<hbm>> -> memref<1x79x128xi32, #tpu.memory_space<hbm>>
      %dma_start3A_46 = tpu.memref_squeeze %dma_start3A_45 : memref<1x79x128xi32, #tpu.memory_space<hbm>> -> memref<79x128xi32, #tpu.memory_space<hbm>>
      tpu.enqueue_dma source(%dma_start3A_46 : memref<79x128xi32, #tpu.memory_space<hbm>>) target(%arg6 : memref<79x128xi32, #tpu.memory_space<vmem>>) target_semaphore(%run_scoped3A : memref<!tpu.dma_semaphore, #tpu.memory_space<semaphore_mem>>)
      %dma_wait3A = arith.constant 0 : i32
      %dma_wait3A_47 = arith.constant 0 : i32
      %dma_wait3A_48 = tpu.memref_slice %arg3[%add3A, %dma_wait3A, %dma_wait3A_47] : memref<32x79x128xi32, #tpu.memory_space<hbm>> -> memref<1x79x128xi32, #tpu.memory_space<hbm>>
      %dma_wait3A_49 = tpu.memref_squeeze %dma_wait3A_48 : memref<1x79x128xi32, #tpu.memory_space<hbm>> -> memref<79x128xi32, #tpu.memory_space<hbm>>
      %dma_wait3A_50 = arith.constant 0 : i32
      %dma_wait3A_51 = arith.constant 0 : i32
      %dma_wait3A_52 = tpu.memref_slice %arg3[%add3A, %dma_wait3A_50, %dma_wait3A_51] : memref<32x79x128xi32, #tpu.memory_space<hbm>> -> memref<1x79x128xi32, #tpu.memory_space<hbm>>
      %dma_wait3A_53 = tpu.memref_squeeze %dma_wait3A_52 : memref<1x79x128xi32, #tpu.memory_space<hbm>> -> memref<79x128xi32, #tpu.memory_space<hbm>>
      tpu.wait_dma2 semaphore(%run_scoped3A : memref<!tpu.dma_semaphore, #tpu.memory_space<semaphore_mem>>) src(%dma_wait3A_53 : memref<79x128xi32, #tpu.memory_space<hbm>>) dst(%arg6 : memref<79x128xi32, #tpu.memory_space<vmem>>)
      tpu.yield
    }) : () -> ()
    %dma_start3A = arith.constant 0 : i32
    %dma_start3A_1 = arith.constant 0 : i32
    %dma_start3A_2 = tpu.memref_slice %arg4[%add3A, %dma_start3A, %dma_start3A_1] : memref<32x79x128xi32, #tpu.memory_space<hbm>> -> memref<1x1x128xi32, #tpu.memory_space<hbm>>
    %dma_start3A_3 = tpu.memref_squeeze %dma_start3A_2 : memref<1x1x128xi32, #tpu.memory_space<hbm>> -> memref<128xi32, #tpu.memory_space<hbm>>
    %dma_start3A_4 = arith.constant 0 : i32
    %dma_start3A_5 = tpu.memref_slice %arg4[%add3A, %dma_start3A, %dma_start3A_4] : memref<32x79x128xi32, #tpu.memory_space<hbm>> -> memref<1x1x128xi32, #tpu.memory_space<hbm>>
    %dma_start3A_6 = tpu.memref_squeeze %dma_start3A_5 : memref<1x1x128xi32, #tpu.memory_space<hbm>> -> memref<128xi32, #tpu.memory_space<hbm>>
    tpu.enqueue_dma source(%dma_start3A_6 : memref<128xi32, #tpu.memory_space<hbm>>) target(%arg7 : memref<128xi32, #tpu.memory_space<vmem>>) target_semaphore(%arg13 : memref<!tpu.dma_semaphore, #tpu.memory_space<semaphore_mem>>)
    %dma_start3A_7 = arith.constant 0 : i32
    %dma_start3A_8 = arith.constant 0 : i32
    %dma_start3A_9 = arith.constant 0 : i32
    %dma_start3A_10 = arith.constant 0 : i32
    %dma_start3A_11 = tpu.memref_slice %arg9[%dma_start3A_8, %dma_start3A_9, %dma_start3A_10] : memref<2x128x128xf32, #tpu.memory_space<vmem>> -> memref<1x128x128xf32, #tpu.memory_space<vmem>>
    %dma_start3A_12 = tpu.memref_squeeze %dma_start3A_11 : memref<1x128x128xf32, #tpu.memory_space<vmem>> -> memref<128x128xf32, #tpu.memory_space<vmem>>
    %dma_start3A_13 = arith.constant 0 : i32
    %dma_start3A_14 = tpu.memref_slice %arg6[%dma_start3A_7, %dma_start3A_13] : memref<79x128xi32, #tpu.memory_space<vmem>> -> memref<1x128xi32, #tpu.memory_space<vmem>>
    %dma_start3A_15 = tpu.memref_squeeze %dma_start3A_14 : memref<1x128xi32, #tpu.memory_space<vmem>> -> memref<128xi32, #tpu.memory_space<vmem>>
    %dma_start3A_16 = arith.constant 0 : i32
    %dma_start3A_17 = arith.constant 0 : i32
    %dma_start3A_18 = tpu.memref_slice %arg2[%dma_start3A_16, %dma_start3A_17] : memref<10000x128xf32, #tpu.memory_space<hbm>> -> memref<10000x128xf32, #tpu.memory_space<hbm>>
    tpu.enqueue_indirect_dma source(%dma_start3A_18 : memref<10000x128xf32, #tpu.memory_space<hbm>>) target(%dma_start3A_12 : memref<128x128xf32, #tpu.memory_space<vmem>>) offsets(%dma_start3A_15 : memref<128xi32, #tpu.memory_space<vmem>>) semaphore(%arg11 : memref<!tpu.dma_semaphore, #tpu.memory_space<semaphore_mem>>)
    %broadcast_in_dim3A = arith.constant 0.000000e+00 : f32
    %broadcast_in_dim3A_19 = vector.broadcast %broadcast_in_dim3A : f32 to vector<16xf32>
    %scan3A = arith.constant 0 : i32
    %scan3A_20 = arith.constant 1024 : i32
    %scan3A_21 = arith.addi %scan3A, %scan3A_20 : i32
    %scan3A_22 = arith.constant 1 : i32
    scf.for %scan3A_39 = %scan3A to %scan3A_21 step %scan3A_22  : i32 {
      %mul3A_40 = arith.constant 1 : i32
      %mul3A_41 = arith.muli %scan3A_39, %mul3A_40 : i32
      %add3A_42 = arith.constant 0 : i32
      %add3A_43 = arith.addi %add3A_42, %mul3A_41 : i32
      %div3A = arith.constant 8 : i32
      %div3A_44 = arith.divsi %add3A_43, %div3A : i32
      %rem3A = arith.constant 8 : i32
      %rem3A_45 = arith.remsi %add3A_43, %rem3A : i32
      %mul3A_46 = arith.constant 16 : i32
      %mul3A_47 = arith.muli %rem3A_45, %mul3A_46 : i32
      %swap3A = arith.constant 1 : i32
      %swap3A_48 = arith.index_cast %swap3A : i32 to index
      %swap3A_49 = arith.index_cast %div3A_44 : i32 to index
      %swap3A_50 = arith.index_cast %mul3A_47 : i32 to index
      %swap3A_51 = tpu.vector_load %arg9[%swap3A_48, %swap3A_49, %swap3A_50] {strides = array<i32>} : memref<2x128x128xf32, #tpu.memory_space<vmem>>, vector<1x1x16xf32>,
      %swap3A_52 = vector.shape_cast %swap3A_51 : vector<1x1x16xf32> to vector<16xf32>
      %swap3A_53 = vector.shape_cast %broadcast_in_dim3A_19 : vector<16xf32> to vector<1x1x16xf32>
      tpu.vector_store %arg9[%swap3A_48, %swap3A_49, %swap3A_50], %swap3A_53 {strides = array<i32>} : memref<2x128x128xf32, #tpu.memory_space<vmem>>, vector<1x1x16xf32>,
    }
    %scan3A_23 = arith.constant 1024 : i32
    %scan3A_24 = arith.constant 0 : i32
    %scan3A_25 = arith.constant 5 : i32
    %scan3A_26 = arith.addi %scan3A_24, %scan3A_25 : i32
    %scan3A_27 = arith.constant 1 : i32
    scf.for %scan3A_39 = %scan3A_24 to %scan3A_26 step %scan3A_27  : i32 {
      %mul3A_40 = arith.constant 1 : i32
      %mul3A_41 = arith.muli %scan3A_39, %mul3A_40 : i32
      %add3A_42 = arith.constant 0 : i32
      %add3A_43 = arith.addi %add3A_42, %mul3A_41 : i32
      %mul3A_44 = arith.constant 640 : i32
      %mul3A_45 = arith.muli %arg1, %mul3A_44 : i32
      %mul3A_46 = arith.constant 128 : i32
      %mul3A_47 = arith.muli %add3A_43, %mul3A_46 : i32
      %add3A_48 = arith.addi %mul3A_45, %mul3A_47 : i32
      %run_scoped3A = arith.constant 1 : i32
      "tpu.region"() ({
        %run_scoped3A_49 = tpu.sem_alloc : memref<!tpu.dma_semaphore, #tpu.memory_space<semaphore_mem>>
        %dma_start3A_50 = arith.constant 0 : i32
        %dma_start3A_51 = arith.constant 0 : i32
        %dma_start3A_52 = tpu.memref_slice %arg9[%run_scoped3A, %dma_start3A_50, %dma_start3A_51] : memref<2x128x128xf32, #tpu.memory_space<vmem>> -> memref<1x128x128xf32, #tpu.memory_space<vmem>>
        %dma_start3A_53 = tpu.memref_squeeze %dma_start3A_52 : memref<1x128x128xf32, #tpu.memory_space<vmem>> -> memref<128x128xf32, #tpu.memory_space<vmem>>
        %dma_start3A_54 = arith.constant 0 : i32
        %dma_start3A_55 = tpu.memref_slice %arg10[%add3A_48, %dma_start3A_54] : memref<10240x128xf32, #tpu.memory_space<vmem_shared>> -> memref<128x128xf32, #tpu.memory_space<vmem_shared>>
        %dma_start3A_56 = arith.constant 0 : i32
        %dma_start3A_57 = tpu.memref_slice %arg10[%add3A_48, %dma_start3A_56] : memref<10240x128xf32, #tpu.memory_space<vmem_shared>> -> memref<128x128xf32, #tpu.memory_space<vmem_shared>>
        %dma_start3A_58 = arith.constant 0 : i32
        %dma_start3A_59 = arith.constant 0 : i32
        %dma_start3A_60 = tpu.memref_slice %arg9[%run_scoped3A, %dma_start3A_58, %dma_start3A_59] : memref<2x128x128xf32, #tpu.memory_space<vmem>> -> memref<1x128x128xf32, #tpu.memory_space<vmem>>
        %dma_start3A_61 = tpu.memref_squeeze %dma_start3A_60 : memref<1x128x128xf32, #tpu.memory_space<vmem>> -> memref<128x128xf32, #tpu.memory_space<vmem>>
        tpu.enqueue_dma source(%dma_start3A_61 : memref<128x128xf32, #tpu.memory_space<vmem>>) target(%dma_start3A_57 : memref<128x128xf32, #tpu.memory_space<vmem_shared>>) target_semaphore(%run_scoped3A_49 : memref<!tpu.dma_semaphore, #tpu.memory_space<semaphore_mem>>)
        %dma_wait3A = arith.constant 0 : i32
        %dma_wait3A_62 = arith.constant 0 : i32
        %dma_wait3A_63 = tpu.memref_slice %arg9[%run_scoped3A, %dma_wait3A, %dma_wait3A_62] : memref<2x128x128xf32, #tpu.memory_space<vmem>> -> memref<1x128x128xf32, #tpu.memory_space<vmem>>
        %dma_wait3A_64 = tpu.memref_squeeze %dma_wait3A_63 : memref<1x128x128xf32, #tpu.memory_space<vmem>> -> memref<128x128xf32, #tpu.memory_space<vmem>>
        %dma_wait3A_65 = arith.constant 0 : i32
        %dma_wait3A_66 = tpu.memref_slice %arg10[%add3A_48, %dma_wait3A_65] : memref<10240x128xf32, #tpu.memory_space<vmem_shared>> -> memref<128x128xf32, #tpu.memory_space<vmem_shared>>
        %dma_wait3A_67 = arith.constant 0 : i32
        %dma_wait3A_68 = tpu.memref_slice %arg10[%add3A_48, %dma_wait3A_67] : memref<10240x128xf32, #tpu.memory_space<vmem_shared>> -> memref<128x128xf32, #tpu.memory_space<vmem_shared>>
        %dma_wait3A_69 = arith.constant 0 : i32
        %dma_wait3A_70 = arith.constant 0 : i32
        %dma_wait3A_71 = tpu.memref_slice %arg9[%run_scoped3A, %dma_wait3A_69, %dma_wait3A_70] : memref<2x128x128xf32, #tpu.memory_space<vmem>> -> memref<1x128x128xf32, #tpu.memory_space<vmem>>
        %dma_wait3A_72 = tpu.memref_squeeze %dma_wait3A_71 : memref<1x128x128xf32, #tpu.memory_space<vmem>> -> memref<128x128xf32, #tpu.memory_space<vmem>>
        tpu.wait_dma2 semaphore(%run_scoped3A_49 : memref<!tpu.dma_semaphore, #tpu.memory_space<semaphore_mem>>) src(%dma_wait3A_72 : memref<128x128xf32, #tpu.memory_space<vmem>>) dst(%dma_wait3A_68 : memref<128x128xf32, #tpu.memory_space<vmem_shared>>)
        tpu.yield
      }) : () -> ()
    }
    %scan3A_28 = arith.constant 5 : i32
    %barrier3A = arith.constant 0 : index
    tpu.barrier barrier_id(%barrier3A)
    %scan3A_29 = arith.constant 0 : i32
    %scan3A_30 = arith.constant 40 : i32
    %scan3A_31 = arith.addi %scan3A_29, %scan3A_30 : i32
    %scan3A_32 = arith.constant 1 : i32
    scf.for %scan3A_39 = %scan3A_29 to %scan3A_31 step %scan3A_32  : i32 {
      %mul3A_40 = arith.constant 2 : i32
      %mul3A_41 = arith.muli %scan3A_39, %mul3A_40 : i32
      %add3A_42 = arith.constant 0 : i32
      %add3A_43 = arith.addi %add3A_42, %mul3A_41 : i32
      %add3A_44 = arith.constant 1 : i32
      %add3A_45 = arith.addi %add3A_43, %add3A_44 : i32
      %lt3A = arith.constant 79 : i32
      %lt3A_46 = arith.cmpi slt, %add3A_45, %lt3A : i32
      %convert_element_type3A = arith.extui %lt3A_46 : i1 to i32
      %cond3A = arith.constant 0 : i32
      %cond3A_47 = arith.cmpi ne, %convert_element_type3A, %cond3A : i32
      scf.if %cond3A_47 {
        %add3A_78 = arith.constant 1 : i32
        %add3A_79 = arith.addi %add3A_43, %add3A_78 : i32
        %dma_start3A_80 = arith.constant 0 : i32
        %dma_start3A_81 = tpu.memref_slice %arg4[%add3A, %add3A_79, %dma_start3A_80] : memref<32x79x128xi32, #tpu.memory_space<hbm>> -> memref<1x1x128xi32, #tpu.memory_space<hbm>>
        %dma_start3A_82 = tpu.memref_squeeze %dma_start3A_81 : memref<1x1x128xi32, #tpu.memory_space<hbm>> -> memref<128xi32, #tpu.memory_space<hbm>>
        %dma_start3A_83 = arith.constant 0 : i32
        %dma_start3A_84 = tpu.memref_slice %arg4[%add3A, %add3A_79, %dma_start3A_83] : memref<32x79x128xi32, #tpu.memory_space<hbm>> -> memref<1x1x128xi32, #tpu.memory_space<hbm>>
        %dma_start3A_85 = tpu.memref_squeeze %dma_start3A_84 : memref<1x1x128xi32, #tpu.memory_space<hbm>> -> memref<128xi32, #tpu.memory_space<hbm>>
        tpu.enqueue_dma source(%dma_start3A_85 : memref<128xi32, #tpu.memory_space<hbm>>) target(%arg8 : memref<128xi32, #tpu.memory_space<vmem>>) target_semaphore(%arg14 : memref<!tpu.dma_semaphore, #tpu.memory_space<semaphore_mem>>)
        %add3A_86 = arith.constant 1 : i32
        %add3A_87 = arith.addi %add3A_43, %add3A_86 : i32
        %dma_start3A_88 = arith.constant 1 : i32
        %dma_start3A_89 = arith.constant 0 : i32
        %dma_start3A_90 = arith.constant 0 : i32
        %dma_start3A_91 = tpu.memref_slice %arg9[%dma_start3A_88, %dma_start3A_89, %dma_start3A_90] : memref<2x128x128xf32, #tpu.memory_space<vmem>> -> memref<1x128x128xf32, #tpu.memory_space<vmem>>
        %dma_start3A_92 = tpu.memref_squeeze %dma_start3A_91 : memref<1x128x128xf32, #tpu.memory_space<vmem>> -> memref<128x128xf32, #tpu.memory_space<vmem>>
        %dma_start3A_93 = arith.constant 0 : i32
        %dma_start3A_94 = tpu.memref_slice %arg6[%add3A_87, %dma_start3A_93] : memref<79x128xi32, #tpu.memory_space<vmem>> -> memref<1x128xi32, #tpu.memory_space<vmem>>
        %dma_start3A_95 = tpu.memref_squeeze %dma_start3A_94 : memref<1x128xi32, #tpu.memory_space<vmem>> -> memref<128xi32, #tpu.memory_space<vmem>>
        %dma_start3A_96 = arith.constant 0 : i32
        %dma_start3A_97 = arith.constant 0 : i32
        %dma_start3A_98 = tpu.memref_slice %arg2[%dma_start3A_96, %dma_start3A_97] : memref<10000x128xf32, #tpu.memory_space<hbm>> -> memref<10000x128xf32, #tpu.memory_space<hbm>>
        tpu.enqueue_indirect_dma source(%dma_start3A_98 : memref<10000x128xf32, #tpu.memory_space<hbm>>) target(%dma_start3A_92 : memref<128x128xf32, #tpu.memory_space<vmem>>) offsets(%dma_start3A_95 : memref<128xi32, #tpu.memory_space<vmem>>) semaphore(%arg12 : memref<!tpu.dma_semaphore, #tpu.memory_space<semaphore_mem>>)
      } else {
      }
      %dma_wait3A = arith.constant 0 : i32
      %dma_wait3A_48 = arith.constant 0 : i32
      %dma_wait3A_49 = arith.constant 0 : i32
      %dma_wait3A_50 = tpu.memref_slice %arg9[%dma_wait3A, %dma_wait3A_48, %dma_wait3A_49] : memref<2x128x128xf32, #tpu.memory_space<vmem>> -> memref<1x128x128xf32, #tpu.memory_space<vmem>>
      %dma_wait3A_51 = tpu.memref_squeeze %dma_wait3A_50 : memref<1x128x128xf32, #tpu.memory_space<vmem>> -> memref<128x128xf32, #tpu.memory_space<vmem>>
      %dma_wait3A_52 = arith.constant 0 : i32
      %dma_wait3A_53 = tpu.memref_slice %arg6[%add3A_43, %dma_wait3A_52] : memref<79x128xi32, #tpu.memory_space<vmem>> -> memref<1x128xi32, #tpu.memory_space<vmem>>
      %dma_wait3A_54 = tpu.memref_squeeze %dma_wait3A_53 : memref<1x128xi32, #tpu.memory_space<vmem>> -> memref<128xi32, #tpu.memory_space<vmem>>
      %dma_wait3A_55 = arith.constant 0 : i32
      %dma_wait3A_56 = arith.constant 0 : i32
      %dma_wait3A_57 = tpu.memref_slice %arg2[%dma_wait3A_55, %dma_wait3A_56] : memref<10000x128xf32, #tpu.memory_space<hbm>> -> memref<10000x128xf32, #tpu.memory_space<hbm>>
      tpu.wait_indirect_dma semaphore(%arg11 : memref<!tpu.dma_semaphore, #tpu.memory_space<semaphore_mem>>) src(%dma_wait3A_57 : memref<10000x128xf32, #tpu.memory_space<hbm>>) dst(%dma_wait3A_51 : memref<128x128xf32, #tpu.memory_space<vmem>>)
      %dma_wait3A_58 = arith.constant 0 : i32
      %dma_wait3A_59 = tpu.memref_slice %arg4[%add3A, %add3A_43, %dma_wait3A_58] : memref<32x79x128xi32, #tpu.memory_space<hbm>> -> memref<1x1x128xi32, #tpu.memory_space<hbm>>
      %dma_wait3A_60 = tpu.memref_squeeze %dma_wait3A_59 : memref<1x1x128xi32, #tpu.memory_space<hbm>> -> memref<128xi32, #tpu.memory_space<hbm>>
      %dma_wait3A_61 = arith.constant 0 : i32
      %dma_wait3A_62 = tpu.memref_slice %arg4[%add3A, %add3A_43, %dma_wait3A_61] : memref<32x79x128xi32, #tpu.memory_space<hbm>> -> memref<1x1x128xi32, #tpu.memory_space<hbm>>
      %dma_wait3A_63 = tpu.memref_squeeze %dma_wait3A_62 : memref<1x1x128xi32, #tpu.memory_space<hbm>> -> memref<128xi32, #tpu.memory_space<hbm>>
      tpu.wait_dma2 semaphore(%arg13 : memref<!tpu.dma_semaphore, #tpu.memory_space<semaphore_mem>>) src(%dma_wait3A_63 : memref<128xi32, #tpu.memory_space<hbm>>) dst(%arg7 : memref<128xi32, #tpu.memory_space<vmem>>)
      %run_scoped3A = arith.constant 0 : i32
      "tpu.region"() ({
        %run_scoped3A_78 = tpu.sem_alloc : memref<!tpu.dma_semaphore, #tpu.memory_space<semaphore_mem>>
        %dma_start3A_79 = arith.constant 0 : i32
        %dma_start3A_80 = arith.constant 0 : i32
        %dma_start3A_81 = tpu.memref_slice %arg9[%run_scoped3A, %dma_start3A_79, %dma_start3A_80] : memref<2x128x128xf32, #tpu.memory_space<vmem>> -> memref<1x128x128xf32, #tpu.memory_space<vmem>>
        %dma_start3A_82 = tpu.memref_squeeze %dma_start3A_81 : memref<1x128x128xf32, #tpu.memory_space<vmem>> -> memref<128x128xf32, #tpu.memory_space<vmem>>
        %dma_start3A_83 = arith.constant 0 : i32
        %dma_start3A_84 = arith.constant 0 : i32
        %dma_start3A_85 = tpu.memref_slice %arg10[%dma_start3A_83, %dma_start3A_84] : memref<10240x128xf32, #tpu.memory_space<vmem_shared>> -> memref<10240x128xf32, #tpu.memory_space<vmem_shared>>
        tpu.enqueue_indirect_dma source(%dma_start3A_82 : memref<128x128xf32, #tpu.memory_space<vmem>>) target(%dma_start3A_85 : memref<10240x128xf32, #tpu.memory_space<vmem_shared>>) offsets(%arg7 : memref<128xi32, #tpu.memory_space<vmem>>) semaphore(%run_scoped3A_78 : memref<!tpu.dma_semaphore, #tpu.memory_space<semaphore_mem>>) {add = true}
        %dma_wait3A_86 = arith.constant 0 : i32
        %dma_wait3A_87 = arith.constant 0 : i32
        %dma_wait3A_88 = tpu.memref_slice %arg9[%run_scoped3A, %dma_wait3A_86, %dma_wait3A_87] : memref<2x128x128xf32, #tpu.memory_space<vmem>> -> memref<1x128x128xf32, #tpu.memory_space<vmem>>
        %dma_wait3A_89 = tpu.memref_squeeze %dma_wait3A_88 : memref<1x128x128xf32, #tpu.memory_space<vmem>> -> memref<128x128xf32, #tpu.memory_space<vmem>>
        %dma_wait3A_90 = arith.constant 0 : i32
        %dma_wait3A_91 = arith.constant 0 : i32
        %dma_wait3A_92 = tpu.memref_slice %arg10[%dma_wait3A_90, %dma_wait3A_91] : memref<10240x128xf32, #tpu.memory_space<vmem_shared>> -> memref<10240x128xf32, #tpu.memory_space<vmem_shared>>
        tpu.wait_indirect_dma semaphore(%run_scoped3A_78 : memref<!tpu.dma_semaphore, #tpu.memory_space<semaphore_mem>>) src(%dma_wait3A_89 : memref<128x128xf32, #tpu.memory_space<vmem>>) dst(%dma_wait3A_92 : memref<10240x128xf32, #tpu.memory_space<vmem_shared>>)
        tpu.yield
      }) : () -> ()
      %add3A_64 = arith.constant 2 : i32
      %add3A_65 = arith.addi %add3A_43, %add3A_64 : i32
      %lt3A_66 = arith.constant 79 : i32
      %lt3A_67 = arith.cmpi slt, %add3A_65, %lt3A_66 : i32
      %convert_element_type3A_68 = arith.extui %lt3A_67 : i1 to i32
      %cond3A_69 = arith.constant 0 : i32
      %cond3A_70 = arith.cmpi ne, %convert_element_type3A_68, %cond3A_69 : i32
      scf.if %cond3A_70 {
        %add3A_78 = arith.constant 2 : i32
        %add3A_79 = arith.addi %add3A_43, %add3A_78 : i32
        %dma_start3A_80 = arith.constant 0 : i32
        %dma_start3A_81 = tpu.memref_slice %arg4[%add3A, %add3A_79, %dma_start3A_80] : memref<32x79x128xi32, #tpu.memory_space<hbm>> -> memref<1x1x128xi32, #tpu.memory_space<hbm>>
        %dma_start3A_82 = tpu.memref_squeeze %dma_start3A_81 : memref<1x1x128xi32, #tpu.memory_space<hbm>> -> memref<128xi32, #tpu.memory_space<hbm>>
        %dma_start3A_83 = arith.constant 0 : i32
        %dma_start3A_84 = tpu.memref_slice %arg4[%add3A, %add3A_79, %dma_start3A_83] : memref<32x79x128xi32, #tpu.memory_space<hbm>> -> memref<1x1x128xi32, #tpu.memory_space<hbm>>
        %dma_start3A_85 = tpu.memref_squeeze %dma_start3A_84 : memref<1x1x128xi32, #tpu.memory_space<hbm>> -> memref<128xi32, #tpu.memory_space<hbm>>
        tpu.enqueue_dma source(%dma_start3A_85 : memref<128xi32, #tpu.memory_space<hbm>>) target(%arg7 : memref<128xi32, #tpu.memory_space<vmem>>) target_semaphore(%arg13 : memref<!tpu.dma_semaphore, #tpu.memory_space<semaphore_mem>>)
        %add3A_86 = arith.constant 2 : i32
        %add3A_87 = arith.addi %add3A_43, %add3A_86 : i32
        %dma_start3A_88 = arith.constant 0 : i32
        %dma_start3A_89 = arith.constant 0 : i32
        %dma_start3A_90 = arith.constant 0 : i32
        %dma_start3A_91 = tpu.memref_slice %arg9[%dma_start3A_88, %dma_start3A_89, %dma_start3A_90] : memref<2x128x128xf32, #tpu.memory_space<vmem>> -> memref<1x128x128xf32, #tpu.memory_space<vmem>>
        %dma_start3A_92 = tpu.memref_squeeze %dma_start3A_91 : memref<1x128x128xf32, #tpu.memory_space<vmem>> -> memref<128x128xf32, #tpu.memory_space<vmem>>
        %dma_start3A_93 = arith.constant 0 : i32
        %dma_start3A_94 = tpu.memref_slice %arg6[%add3A_87, %dma_start3A_93] : memref<79x128xi32, #tpu.memory_space<vmem>> -> memref<1x128xi32, #tpu.memory_space<vmem>>
        %dma_start3A_95 = tpu.memref_squeeze %dma_start3A_94 : memref<1x128xi32, #tpu.memory_space<vmem>> -> memref<128xi32, #tpu.memory_space<vmem>>
        %dma_start3A_96 = arith.constant 0 : i32
        %dma_start3A_97 = arith.constant 0 : i32
        %dma_start3A_98 = tpu.memref_slice %arg2[%dma_start3A_96, %dma_start3A_97] : memref<10000x128xf32, #tpu.memory_space<hbm>> -> memref<10000x128xf32, #tpu.memory_space<hbm>>
        tpu.enqueue_indirect_dma source(%dma_start3A_98 : memref<10000x128xf32, #tpu.memory_space<hbm>>) target(%dma_start3A_92 : memref<128x128xf32, #tpu.memory_space<vmem>>) offsets(%dma_start3A_95 : memref<128xi32, #tpu.memory_space<vmem>>) semaphore(%arg11 : memref<!tpu.dma_semaphore, #tpu.memory_space<semaphore_mem>>)
      } else {
      }
      %add3A_71 = arith.constant 1 : i32
      %add3A_72 = arith.addi %add3A_43, %add3A_71 : i32
      %lt3A_73 = arith.constant 79 : i32
      %lt3A_74 = arith.cmpi slt, %add3A_72, %lt3A_73 : i32
      %convert_element_type3A_75 = arith.extui %lt3A_74 : i1 to i32
      %cond3A_76 = arith.constant 0 : i32
      %cond3A_77 = arith.cmpi ne, %convert_element_type3A_75, %cond3A_76 : i32
      scf.if %cond3A_77 {
        %add3A_78 = arith.constant 1 : i32
        %add3A_79 = arith.addi %add3A_43, %add3A_78 : i32
        %dma_wait3A_80 = arith.constant 1 : i32
        %dma_wait3A_81 = arith.constant 0 : i32
        %dma_wait3A_82 = arith.constant 0 : i32
        %dma_wait3A_83 = tpu.memref_slice %arg9[%dma_wait3A_80, %dma_wait3A_81, %dma_wait3A_82] : memref<2x128x128xf32, #tpu.memory_space<vmem>> -> memref<1x128x128xf32, #tpu.memory_space<vmem>>
        %dma_wait3A_84 = tpu.memref_squeeze %dma_wait3A_83 : memref<1x128x128xf32, #tpu.memory_space<vmem>> -> memref<128x128xf32, #tpu.memory_space<vmem>>
        %dma_wait3A_85 = arith.constant 0 : i32
        %dma_wait3A_86 = tpu.memref_slice %arg6[%add3A_79, %dma_wait3A_85] : memref<79x128xi32, #tpu.memory_space<vmem>> -> memref<1x128xi32, #tpu.memory_space<vmem>>
        %dma_wait3A_87 = tpu.memref_squeeze %dma_wait3A_86 : memref<1x128xi32, #tpu.memory_space<vmem>> -> memref<128xi32, #tpu.memory_space<vmem>>
        %dma_wait3A_88 = arith.constant 0 : i32
        %dma_wait3A_89 = arith.constant 0 : i32
        %dma_wait3A_90 = tpu.memref_slice %arg2[%dma_wait3A_88, %dma_wait3A_89] : memref<10000x128xf32, #tpu.memory_space<hbm>> -> memref<10000x128xf32, #tpu.memory_space<hbm>>
        tpu.wait_indirect_dma semaphore(%arg12 : memref<!tpu.dma_semaphore, #tpu.memory_space<semaphore_mem>>) src(%dma_wait3A_90 : memref<10000x128xf32, #tpu.memory_space<hbm>>) dst(%dma_wait3A_84 : memref<128x128xf32, #tpu.memory_space<vmem>>)
        %add3A_91 = arith.constant 1 : i32
        %add3A_92 = arith.addi %add3A_43, %add3A_91 : i32
        %dma_wait3A_93 = arith.constant 0 : i32
        %dma_wait3A_94 = tpu.memref_slice %arg4[%add3A, %add3A_92, %dma_wait3A_93] : memref<32x79x128xi32, #tpu.memory_space<hbm>> -> memref<1x1x128xi32, #tpu.memory_space<hbm>>
        %dma_wait3A_95 = tpu.memref_squeeze %dma_wait3A_94 : memref<1x1x128xi32, #tpu.memory_space<hbm>> -> memref<128xi32, #tpu.memory_space<hbm>>
        %dma_wait3A_96 = arith.constant 0 : i32
        %dma_wait3A_97 = tpu.memref_slice %arg4[%add3A, %add3A_92, %dma_wait3A_96] : memref<32x79x128xi32, #tpu.memory_space<hbm>> -> memref<1x1x128xi32, #tpu.memory_space<hbm>>
        %dma_wait3A_98 = tpu.memref_squeeze %dma_wait3A_97 : memref<1x1x128xi32, #tpu.memory_space<hbm>> -> memref<128xi32, #tpu.memory_space<hbm>>
        tpu.wait_dma2 semaphore(%arg14 : memref<!tpu.dma_semaphore, #tpu.memory_space<semaphore_mem>>) src(%dma_wait3A_98 : memref<128xi32, #tpu.memory_space<hbm>>) dst(%arg8 : memref<128xi32, #tpu.memory_space<vmem>>)
        %run_scoped3A_99 = arith.constant 1 : i32
        "tpu.region"() ({
          %run_scoped3A_100 = tpu.sem_alloc : memref<!tpu.dma_semaphore, #tpu.memory_space<semaphore_mem>>
          %dma_start3A_101 = arith.constant 0 : i32
          %dma_start3A_102 = arith.constant 0 : i32
          %dma_start3A_103 = tpu.memref_slice %arg9[%run_scoped3A_99, %dma_start3A_101, %dma_start3A_102] : memref<2x128x128xf32, #tpu.memory_space<vmem>> -> memref<1x128x128xf32, #tpu.memory_space<vmem>>
          %dma_start3A_104 = tpu.memref_squeeze %dma_start3A_103 : memref<1x128x128xf32, #tpu.memory_space<vmem>> -> memref<128x128xf32, #tpu.memory_space<vmem>>
          %dma_start3A_105 = arith.constant 0 : i32
          %dma_start3A_106 = arith.constant 0 : i32
          %dma_start3A_107 = tpu.memref_slice %arg10[%dma_start3A_105, %dma_start3A_106] : memref<10240x128xf32, #tpu.memory_space<vmem_shared>> -> memref<10240x128xf32, #tpu.memory_space<vmem_shared>>
          tpu.enqueue_indirect_dma source(%dma_start3A_104 : memref<128x128xf32, #tpu.memory_space<vmem>>) target(%dma_start3A_107 : memref<10240x128xf32, #tpu.memory_space<vmem_shared>>) offsets(%arg8 : memref<128xi32, #tpu.memory_space<vmem>>) semaphore(%run_scoped3A_100 : memref<!tpu.dma_semaphore, #tpu.memory_space<semaphore_mem>>) {add = true}
          %dma_wait3A_108 = arith.constant 0 : i32
          %dma_wait3A_109 = arith.constant 0 : i32
          %dma_wait3A_110 = tpu.memref_slice %arg9[%run_scoped3A_99, %dma_wait3A_108, %dma_wait3A_109] : memref<2x128x128xf32, #tpu.memory_space<vmem>> -> memref<1x128x128xf32, #tpu.memory_space<vmem>>
          %dma_wait3A_111 = tpu.memref_squeeze %dma_wait3A_110 : memref<1x128x128xf32, #tpu.memory_space<vmem>> -> memref<128x128xf32, #tpu.memory_space<vmem>>
          %dma_wait3A_112 = arith.constant 0 : i32
          %dma_wait3A_113 = arith.constant 0 : i32
          %dma_wait3A_114 = tpu.memref_slice %arg10[%dma_wait3A_112, %dma_wait3A_113] : memref<10240x128xf32, #tpu.memory_space<vmem_shared>> -> memref<10240x128xf32, #tpu.memory_space<vmem_shared>>
          tpu.wait_indirect_dma semaphore(%run_scoped3A_100 : memref<!tpu.dma_semaphore, #tpu.memory_space<semaphore_mem>>) src(%dma_wait3A_111 : memref<128x128xf32, #tpu.memory_space<vmem>>) dst(%dma_wait3A_114 : memref<10240x128xf32, #tpu.memory_space<vmem_shared>>)
          tpu.yield
        }) : () -> ()
      } else {
      }
    }
    %scan3A_33 = arith.constant 40 : i32
    %barrier3A_34 = arith.constant 0 : index
    tpu.barrier barrier_id(%barrier3A_34)
    %mul3A_35 = arith.constant 640 : i32
    %mul3A_36 = arith.muli %arg1, %mul3A_35 : i32
    %mul3A_37 = arith.constant 640 : i32
    %mul3A_38 = arith.muli %arg1, %mul3A_37 : i32
    "tpu.region"() ({
      %run_scoped3A = tpu.sem_alloc : memref<!tpu.dma_semaphore, #tpu.memory_space<semaphore_mem>>
      %dma_start3A_39 = arith.constant 0 : i32
      %dma_start3A_40 = tpu.memref_slice %arg5[%arg0, %mul3A_38, %dma_start3A_39] : memref<2x10240x128xf32, #tpu.memory_space<hbm>> -> memref<1x640x128xf32, #tpu.memory_space<hbm>>
      %dma_start3A_41 = tpu.memref_squeeze %dma_start3A_40 : memref<1x640x128xf32, #tpu.memory_space<hbm>> -> memref<640x128xf32, #tpu.memory_space<hbm>>
      %dma_start3A_42 = arith.constant 0 : i32
      %dma_start3A_43 = tpu.memref_slice %arg10[%mul3A_36, %dma_start3A_42] : memref<10240x128xf32, #tpu.memory_space<vmem_shared>> -> memref<640x128xf32, #tpu.memory_space<vmem_shared>>
      tpu.enqueue_dma source(%dma_start3A_43 : memref<640x128xf32, #tpu.memory_space<vmem_shared>>) target(%dma_start3A_41 : memref<640x128xf32, #tpu.memory_space<hbm>>) target_semaphore(%run_scoped3A : memref<!tpu.dma_semaphore, #tpu.memory_space<semaphore_mem>>)
      %dma_wait3A = arith.constant 0 : i32
      %dma_wait3A_44 = tpu.memref_slice %arg5[%arg0, %mul3A_38, %dma_wait3A] : memref<2x10240x128xf32, #tpu.memory_space<hbm>> -> memref<1x640x128xf32, #tpu.memory_space<hbm>>
      %dma_wait3A_45 = tpu.memref_squeeze %dma_wait3A_44 : memref<1x640x128xf32, #tpu.memory_space<hbm>> -> memref<640x128xf32, #tpu.memory_space<hbm>>
      %dma_wait3A_46 = arith.constant 0 : i32
      %dma_wait3A_47 = tpu.memref_slice %arg10[%mul3A_36, %dma_wait3A_46] : memref<10240x128xf32, #tpu.memory_space<vmem_shared>> -> memref<640x128xf32, #tpu.memory_space<vmem_shared>>
      tpu.wait_dma2 semaphore(%run_scoped3A : memref<!tpu.dma_semaphore, #tpu.memory_space<semaphore_mem>>) src(%dma_wait3A_47 : memref<640x128xf32, #tpu.memory_space<vmem_shared>>) dst(%dma_wait3A_45 : memref<640x128xf32, #tpu.memory_space<hbm>>)
      tpu.yield
    }) : () -> ()
    return
  }
}

#map = affine_map<(d0, d1) -> (0, 0)>
#map1 = affine_map<(d0, d1) -> (0, 0, 0)>
module attributes {stable_mosaic.version = 14 : i64} {
  func.func @k(%arg0: i32, %arg1: i32, %arg2: memref<10000x128xf32, #tpu.memory_space<hbm>>, %arg3: memref<32x79x128xi32, #tpu.memory_space<hbm>>, %arg4: memref<32x79x128xi32, #tpu.memory_space<hbm>>, %arg5: memref<2x10240x128xf32, #tpu.memory_space<hbm>>, %arg6: memref<79x128xi32, #tpu.memory_space<vmem>>, %arg7: memref<128xi32, #tpu.memory_space<vmem>>, %arg8: memref<128xi32, #tpu.memory_space<vmem>>, %arg9: memref<2x128x128xf32, #tpu.memory_space<vmem>>, %arg10: memref<10240x128xf32, #tpu.memory_space<vmem_shared>>, %arg11: memref<!tpu.dma_semaphore, #tpu.memory_space<semaphore_mem>>, %arg12: memref<!tpu.dma_semaphore, #tpu.memory_space<semaphore_mem>>, %arg13: memref<!tpu.dma_semaphore, #tpu.memory_space<semaphore_mem>>, %arg14: memref<!tpu.dma_semaphore, #tpu.memory_space<semaphore_mem>>) attributes {dimension_semantics = [#tpu.dimension_semantics<core_parallel>, #tpu.dimension_semantics<subcore_parallel>], iteration_bounds = array<i64: 2, 16>, scalar_prefetch = 0 : i64, scratch_operands = 9 : i64, tpu.core_type = #tpu.core_type<sc_vector_subcore>, window_params = [{transform_indices = #map}, {transform_indices = #map1}, {transform_indices = #map1}, {transform_indices = #map1}]} {
    %mul3A = arith.constant 16 : i32
    %mul3A_0 = arith.muli %arg0, %mul3A : i32
    %add3A = arith.addi %mul3A_0, %arg1 : i32
    "tpu.region"() ({
      %run_scoped3A = tpu.sem_alloc : memref<!tpu.dma_semaphore, #tpu.memory_space<semaphore_mem>>
      %dma_start3A_39 = arith.constant 0 : i32
      %dma_start3A_40 = arith.constant 0 : i32
      %dma_start3A_41 = tpu.memref_slice %arg3[%add3A, %dma_start3A_39, %dma_start3A_40] : memref<32x79x128xi32, #tpu.memory_space<hbm>> -> memref<1x79x128xi32, #tpu.memory_space<hbm>>
      %dma_start3A_42 = tpu.memref_squeeze %dma_start3A_41 : memref<1x79x128xi32, #tpu.memory_space<hbm>> -> memref<79x128xi32, #tpu.memory_space<hbm>>
      %dma_start3A_43 = arith.constant 0 : i32
      %dma_start3A_44 = arith.constant 0 : i32
      %dma_start3A_45 = tpu.memref_slice %arg3[%add3A, %dma_start3A_43, %dma_start3A_44] : memref<32x79x128xi32, #tpu.memory_space<hbm>> -> memref<1x79x128xi32, #tpu.memory_space<hbm>>
      %dma_start3A_46 = tpu.memref_squeeze %dma_start3A_45 : memref<1x79x128xi32, #tpu.memory_space<hbm>> -> memref<79x128xi32, #tpu.memory_space<hbm>>
      tpu.enqueue_dma source(%dma_start3A_46 : memref<79x128xi32, #tpu.memory_space<hbm>>) target(%arg6 : memref<79x128xi32, #tpu.memory_space<vmem>>) target_semaphore(%run_scoped3A : memref<!tpu.dma_semaphore, #tpu.memory_space<semaphore_mem>>)
      %dma_wait3A = arith.constant 0 : i32
      %dma_wait3A_47 = arith.constant 0 : i32
      %dma_wait3A_48 = tpu.memref_slice %arg3[%add3A, %dma_wait3A, %dma_wait3A_47] : memref<32x79x128xi32, #tpu.memory_space<hbm>> -> memref<1x79x128xi32, #tpu.memory_space<hbm>>
      %dma_wait3A_49 = tpu.memref_squeeze %dma_wait3A_48 : memref<1x79x128xi32, #tpu.memory_space<hbm>> -> memref<79x128xi32, #tpu.memory_space<hbm>>
      %dma_wait3A_50 = arith.constant 0 : i32
      %dma_wait3A_51 = arith.constant 0 : i32
      %dma_wait3A_52 = tpu.memref_slice %arg3[%add3A, %dma_wait3A_50, %dma_wait3A_51] : memref<32x79x128xi32, #tpu.memory_space<hbm>> -> memref<1x79x128xi32, #tpu.memory_space<hbm>>
      %dma_wait3A_53 = tpu.memref_squeeze %dma_wait3A_52 : memref<1x79x128xi32, #tpu.memory_space<hbm>> -> memref<79x128xi32, #tpu.memory_space<hbm>>
      tpu.wait_dma2 semaphore(%run_scoped3A : memref<!tpu.dma_semaphore, #tpu.memory_space<semaphore_mem>>) src(%dma_wait3A_53 : memref<79x128xi32, #tpu.memory_space<hbm>>) dst(%arg6 : memref<79x128xi32, #tpu.memory_space<vmem>>)
      tpu.yield
    }) : () -> ()
    %dma_start3A = arith.constant 0 : i32
    %dma_start3A_1 = arith.constant 0 : i32
    %dma_start3A_2 = tpu.memref_slice %arg4[%add3A, %dma_start3A, %dma_start3A_1] : memref<32x79x128xi32, #tpu.memory_space<hbm>> -> memref<1x1x128xi32, #tpu.memory_space<hbm>>
    %dma_start3A_3 = tpu.memref_squeeze %dma_start3A_2 : memref<1x1x128xi32, #tpu.memory_space<hbm>> -> memref<128xi32, #tpu.memory_space<hbm>>
    %dma_start3A_4 = arith.constant 0 : i32
    %dma_start3A_5 = tpu.memref_slice %arg4[%add3A, %dma_start3A, %dma_start3A_4] : memref<32x79x128xi32, #tpu.memory_space<hbm>> -> memref<1x1x128xi32, #tpu.memory_space<hbm>>
    %dma_start3A_6 = tpu.memref_squeeze %dma_start3A_5 : memref<1x1x128xi32, #tpu.memory_space<hbm>> -> memref<128xi32, #tpu.memory_space<hbm>>
    tpu.enqueue_dma source(%dma_start3A_6 : memref<128xi32, #tpu.memory_space<hbm>>) target(%arg7 : memref<128xi32, #tpu.memory_space<vmem>>) target_semaphore(%arg13 : memref<!tpu.dma_semaphore, #tpu.memory_space<semaphore_mem>>)
    %dma_start3A_7 = arith.constant 0 : i32
    %dma_start3A_8 = arith.constant 0 : i32
    %dma_start3A_9 = arith.constant 0 : i32
    %dma_start3A_10 = arith.constant 0 : i32
    %dma_start3A_11 = tpu.memref_slice %arg9[%dma_start3A_8, %dma_start3A_9, %dma_start3A_10] : memref<2x128x128xf32, #tpu.memory_space<vmem>> -> memref<1x128x128xf32, #tpu.memory_space<vmem>>
    %dma_start3A_12 = tpu.memref_squeeze %dma_start3A_11 : memref<1x128x128xf32, #tpu.memory_space<vmem>> -> memref<128x128xf32, #tpu.memory_space<vmem>>
    %dma_start3A_13 = arith.constant 0 : i32
    %dma_start3A_14 = tpu.memref_slice %arg6[%dma_start3A_7, %dma_start3A_13] : memref<79x128xi32, #tpu.memory_space<vmem>> -> memref<1x128xi32, #tpu.memory_space<vmem>>
    %dma_start3A_15 = tpu.memref_squeeze %dma_start3A_14 : memref<1x128xi32, #tpu.memory_space<vmem>> -> memref<128xi32, #tpu.memory_space<vmem>>
    %dma_start3A_16 = arith.constant 0 : i32
    %dma_start3A_17 = arith.constant 0 : i32
    %dma_start3A_18 = tpu.memref_slice %arg2[%dma_start3A_16, %dma_start3A_17] : memref<10000x128xf32, #tpu.memory_space<hbm>> -> memref<10000x128xf32, #tpu.memory_space<hbm>>
    tpu.enqueue_indirect_dma source(%dma_start3A_18 : memref<10000x128xf32, #tpu.memory_space<hbm>>) target(%dma_start3A_12 : memref<128x128xf32, #tpu.memory_space<vmem>>) offsets(%dma_start3A_15 : memref<128xi32, #tpu.memory_space<vmem>>) semaphore(%arg11 : memref<!tpu.dma_semaphore, #tpu.memory_space<semaphore_mem>>)
    %broadcast_in_dim3A = arith.constant 0.000000e+00 : f32
    %broadcast_in_dim3A_19 = vector.broadcast %broadcast_in_dim3A : f32 to vector<16xf32>
    %scan3A = arith.constant 0 : i32
    %scan3A_20 = arith.constant 1024 : i32
    %scan3A_21 = arith.addi %scan3A, %scan3A_20 : i32
    %scan3A_22 = arith.constant 1 : i32
    scf.for %scan3A_39 = %scan3A to %scan3A_21 step %scan3A_22  : i32 {
      %mul3A_40 = arith.constant 1 : i32
      %mul3A_41 = arith.muli %scan3A_39, %mul3A_40 : i32
      %add3A_42 = arith.constant 0 : i32
      %add3A_43 = arith.addi %add3A_42, %mul3A_41 : i32
      %div3A = arith.constant 8 : i32
      %div3A_44 = arith.divsi %add3A_43, %div3A : i32
      %rem3A = arith.constant 8 : i32
      %rem3A_45 = arith.remsi %add3A_43, %rem3A : i32
      %mul3A_46 = arith.constant 16 : i32
      %mul3A_47 = arith.muli %rem3A_45, %mul3A_46 : i32
      %swap3A = arith.constant 1 : i32
      %swap3A_48 = arith.index_cast %swap3A : i32 to index
      %swap3A_49 = arith.index_cast %div3A_44 : i32 to index
      %swap3A_50 = arith.index_cast %mul3A_47 : i32 to index
      %swap3A_51 = tpu.vector_load %arg9[%swap3A_48, %swap3A_49, %swap3A_50] {strides = array<i32>} : memref<2x128x128xf32, #tpu.memory_space<vmem>>, vector<1x1x16xf32>,
      %swap3A_52 = vector.shape_cast %swap3A_51 : vector<1x1x16xf32> to vector<16xf32>
      %swap3A_53 = vector.shape_cast %broadcast_in_dim3A_19 : vector<16xf32> to vector<1x1x16xf32>
      tpu.vector_store %arg9[%swap3A_48, %swap3A_49, %swap3A_50], %swap3A_53 {strides = array<i32>} : memref<2x128x128xf32, #tpu.memory_space<vmem>>, vector<1x1x16xf32>,
    }
    %scan3A_23 = arith.constant 1024 : i32
    %scan3A_24 = arith.constant 0 : i32
    %scan3A_25 = arith.constant 5 : i32
    %scan3A_26 = arith.addi %scan3A_24, %scan3A_25 : i32
    %scan3A_27 = arith.constant 1 : i32
    scf.for %scan3A_39 = %scan3A_24 to %scan3A_26 step %scan3A_27  : i32 {
      %mul3A_40 = arith.constant 1 : i32
      %mul3A_41 = arith.muli %scan3A_39, %mul3A_40 : i32
      %add3A_42 = arith.constant 0 : i32
      %add3A_43 = arith.addi %add3A_42, %mul3A_41 : i32
      %mul3A_44 = arith.constant 640 : i32
      %mul3A_45 = arith.muli %arg1, %mul3A_44 : i32
      %mul3A_46 = arith.constant 128 : i32
      %mul3A_47 = arith.muli %add3A_43, %mul3A_46 : i32
      %add3A_48 = arith.addi %mul3A_45, %mul3A_47 : i32
      %run_scoped3A = arith.constant 1 : i32
      "tpu.region"() ({
        %run_scoped3A_49 = tpu.sem_alloc : memref<!tpu.dma_semaphore, #tpu.memory_space<semaphore_mem>>
        %dma_start3A_50 = arith.constant 0 : i32
        %dma_start3A_51 = arith.constant 0 : i32
        %dma_start3A_52 = tpu.memref_slice %arg9[%run_scoped3A, %dma_start3A_50, %dma_start3A_51] : memref<2x128x128xf32, #tpu.memory_space<vmem>> -> memref<1x128x128xf32, #tpu.memory_space<vmem>>
        %dma_start3A_53 = tpu.memref_squeeze %dma_start3A_52 : memref<1x128x128xf32, #tpu.memory_space<vmem>> -> memref<128x128xf32, #tpu.memory_space<vmem>>
        %dma_start3A_54 = arith.constant 0 : i32
        %dma_start3A_55 = tpu.memref_slice %arg10[%add3A_48, %dma_start3A_54] : memref<10240x128xf32, #tpu.memory_space<vmem_shared>> -> memref<128x128xf32, #tpu.memory_space<vmem_shared>>
        %dma_start3A_56 = arith.constant 0 : i32
        %dma_start3A_57 = tpu.memref_slice %arg10[%add3A_48, %dma_start3A_56] : memref<10240x128xf32, #tpu.memory_space<vmem_shared>> -> memref<128x128xf32, #tpu.memory_space<vmem_shared>>
        %dma_start3A_58 = arith.constant 0 : i32
        %dma_start3A_59 = arith.constant 0 : i32
        %dma_start3A_60 = tpu.memref_slice %arg9[%run_scoped3A, %dma_start3A_58, %dma_start3A_59] : memref<2x128x128xf32, #tpu.memory_space<vmem>> -> memref<1x128x128xf32, #tpu.memory_space<vmem>>
        %dma_start3A_61 = tpu.memref_squeeze %dma_start3A_60 : memref<1x128x128xf32, #tpu.memory_space<vmem>> -> memref<128x128xf32, #tpu.memory_space<vmem>>
        tpu.enqueue_dma source(%dma_start3A_61 : memref<128x128xf32, #tpu.memory_space<vmem>>) target(%dma_start3A_57 : memref<128x128xf32, #tpu.memory_space<vmem_shared>>) target_semaphore(%run_scoped3A_49 : memref<!tpu.dma_semaphore, #tpu.memory_space<semaphore_mem>>)
        %dma_wait3A = arith.constant 0 : i32
        %dma_wait3A_62 = arith.constant 0 : i32
        %dma_wait3A_63 = tpu.memref_slice %arg9[%run_scoped3A, %dma_wait3A, %dma_wait3A_62] : memref<2x128x128xf32, #tpu.memory_space<vmem>> -> memref<1x128x128xf32, #tpu.memory_space<vmem>>
        %dma_wait3A_64 = tpu.memref_squeeze %dma_wait3A_63 : memref<1x128x128xf32, #tpu.memory_space<vmem>> -> memref<128x128xf32, #tpu.memory_space<vmem>>
        %dma_wait3A_65 = arith.constant 0 : i32
        %dma_wait3A_66 = tpu.memref_slice %arg10[%add3A_48, %dma_wait3A_65] : memref<10240x128xf32, #tpu.memory_space<vmem_shared>> -> memref<128x128xf32, #tpu.memory_space<vmem_shared>>
        %dma_wait3A_67 = arith.constant 0 : i32
        %dma_wait3A_68 = tpu.memref_slice %arg10[%add3A_48, %dma_wait3A_67] : memref<10240x128xf32, #tpu.memory_space<vmem_shared>> -> memref<128x128xf32, #tpu.memory_space<vmem_shared>>
        %dma_wait3A_69 = arith.constant 0 : i32
        %dma_wait3A_70 = arith.constant 0 : i32
        %dma_wait3A_71 = tpu.memref_slice %arg9[%run_scoped3A, %dma_wait3A_69, %dma_wait3A_70] : memref<2x128x128xf32, #tpu.memory_space<vmem>> -> memref<1x128x128xf32, #tpu.memory_space<vmem>>
        %dma_wait3A_72 = tpu.memref_squeeze %dma_wait3A_71 : memref<1x128x128xf32, #tpu.memory_space<vmem>> -> memref<128x128xf32, #tpu.memory_space<vmem>>
        tpu.wait_dma2 semaphore(%run_scoped3A_49 : memref<!tpu.dma_semaphore, #tpu.memory_space<semaphore_mem>>) src(%dma_wait3A_72 : memref<128x128xf32, #tpu.memory_space<vmem>>) dst(%dma_wait3A_68 : memref<128x128xf32, #tpu.memory_space<vmem_shared>>)
        tpu.yield
      }) : () -> ()
    }
    %scan3A_28 = arith.constant 5 : i32
    %barrier3A = arith.constant 0 : index
    tpu.barrier barrier_id(%barrier3A)
    %scan3A_29 = arith.constant 0 : i32
    %scan3A_30 = arith.constant 40 : i32
    %scan3A_31 = arith.addi %scan3A_29, %scan3A_30 : i32
    %scan3A_32 = arith.constant 1 : i32
    scf.for %scan3A_39 = %scan3A_29 to %scan3A_31 step %scan3A_32  : i32 {
      %mul3A_40 = arith.constant 2 : i32
      %mul3A_41 = arith.muli %scan3A_39, %mul3A_40 : i32
      %add3A_42 = arith.constant 0 : i32
      %add3A_43 = arith.addi %add3A_42, %mul3A_41 : i32
      %add3A_44 = arith.constant 1 : i32
      %add3A_45 = arith.addi %add3A_43, %add3A_44 : i32
      %lt3A = arith.constant 79 : i32
      %lt3A_46 = arith.cmpi slt, %add3A_45, %lt3A : i32
      %convert_element_type3A = arith.extui %lt3A_46 : i1 to i32
      %cond3A = arith.constant 0 : i32
      %cond3A_47 = arith.cmpi ne, %convert_element_type3A, %cond3A : i32
      scf.if %cond3A_47 {
        %add3A_78 = arith.constant 1 : i32
        %add3A_79 = arith.addi %add3A_43, %add3A_78 : i32
        %dma_start3A_80 = arith.constant 0 : i32
        %dma_start3A_81 = tpu.memref_slice %arg4[%add3A, %add3A_79, %dma_start3A_80] : memref<32x79x128xi32, #tpu.memory_space<hbm>> -> memref<1x1x128xi32, #tpu.memory_space<hbm>>
        %dma_start3A_82 = tpu.memref_squeeze %dma_start3A_81 : memref<1x1x128xi32, #tpu.memory_space<hbm>> -> memref<128xi32, #tpu.memory_space<hbm>>
        %dma_start3A_83 = arith.constant 0 : i32
        %dma_start3A_84 = tpu.memref_slice %arg4[%add3A, %add3A_79, %dma_start3A_83] : memref<32x79x128xi32, #tpu.memory_space<hbm>> -> memref<1x1x128xi32, #tpu.memory_space<hbm>>
        %dma_start3A_85 = tpu.memref_squeeze %dma_start3A_84 : memref<1x1x128xi32, #tpu.memory_space<hbm>> -> memref<128xi32, #tpu.memory_space<hbm>>
        tpu.enqueue_dma source(%dma_start3A_85 : memref<128xi32, #tpu.memory_space<hbm>>) target(%arg8 : memref<128xi32, #tpu.memory_space<vmem>>) target_semaphore(%arg14 : memref<!tpu.dma_semaphore, #tpu.memory_space<semaphore_mem>>)
        %add3A_86 = arith.constant 1 : i32
        %add3A_87 = arith.addi %add3A_43, %add3A_86 : i32
        %dma_start3A_88 = arith.constant 1 : i32
        %dma_start3A_89 = arith.constant 0 : i32
        %dma_start3A_90 = arith.constant 0 : i32
        %dma_start3A_91 = tpu.memref_slice %arg9[%dma_start3A_88, %dma_start3A_89, %dma_start3A_90] : memref<2x128x128xf32, #tpu.memory_space<vmem>> -> memref<1x128x128xf32, #tpu.memory_space<vmem>>
        %dma_start3A_92 = tpu.memref_squeeze %dma_start3A_91 : memref<1x128x128xf32, #tpu.memory_space<vmem>> -> memref<128x128xf32, #tpu.memory_space<vmem>>
        %dma_start3A_93 = arith.constant 0 : i32
        %dma_start3A_94 = tpu.memref_slice %arg6[%add3A_87, %dma_start3A_93] : memref<79x128xi32, #tpu.memory_space<vmem>> -> memref<1x128xi32, #tpu.memory_space<vmem>>
        %dma_start3A_95 = tpu.memref_squeeze %dma_start3A_94 : memref<1x128xi32, #tpu.memory_space<vmem>> -> memref<128xi32, #tpu.memory_space<vmem>>
        %dma_start3A_96 = arith.constant 0 : i32
        %dma_start3A_97 = arith.constant 0 : i32
        %dma_start3A_98 = tpu.memref_slice %arg2[%dma_start3A_96, %dma_start3A_97] : memref<10000x128xf32, #tpu.memory_space<hbm>> -> memref<10000x128xf32, #tpu.memory_space<hbm>>
        tpu.enqueue_indirect_dma source(%dma_start3A_98 : memref<10000x128xf32, #tpu.memory_space<hbm>>) target(%dma_start3A_92 : memref<128x128xf32, #tpu.memory_space<vmem>>) offsets(%dma_start3A_95 : memref<128xi32, #tpu.memory_space<vmem>>) semaphore(%arg12 : memref<!tpu.dma_semaphore, #tpu.memory_space<semaphore_mem>>)
      } else {
      }
      %dma_wait3A = arith.constant 0 : i32
      %dma_wait3A_48 = arith.constant 0 : i32
      %dma_wait3A_49 = arith.constant 0 : i32
      %dma_wait3A_50 = tpu.memref_slice %arg9[%dma_wait3A, %dma_wait3A_48, %dma_wait3A_49] : memref<2x128x128xf32, #tpu.memory_space<vmem>> -> memref<1x128x128xf32, #tpu.memory_space<vmem>>
      %dma_wait3A_51 = tpu.memref_squeeze %dma_wait3A_50 : memref<1x128x128xf32, #tpu.memory_space<vmem>> -> memref<128x128xf32, #tpu.memory_space<vmem>>
      %dma_wait3A_52 = arith.constant 0 : i32
      %dma_wait3A_53 = tpu.memref_slice %arg6[%add3A_43, %dma_wait3A_52] : memref<79x128xi32, #tpu.memory_space<vmem>> -> memref<1x128xi32, #tpu.memory_space<vmem>>
      %dma_wait3A_54 = tpu.memref_squeeze %dma_wait3A_53 : memref<1x128xi32, #tpu.memory_space<vmem>> -> memref<128xi32, #tpu.memory_space<vmem>>
      %dma_wait3A_55 = arith.constant 0 : i32
      %dma_wait3A_56 = arith.constant 0 : i32
      %dma_wait3A_57 = tpu.memref_slice %arg2[%dma_wait3A_55, %dma_wait3A_56] : memref<10000x128xf32, #tpu.memory_space<hbm>> -> memref<10000x128xf32, #tpu.memory_space<hbm>>
      tpu.wait_indirect_dma semaphore(%arg11 : memref<!tpu.dma_semaphore, #tpu.memory_space<semaphore_mem>>) src(%dma_wait3A_57 : memref<10000x128xf32, #tpu.memory_space<hbm>>) dst(%dma_wait3A_51 : memref<128x128xf32, #tpu.memory_space<vmem>>)
      %dma_wait3A_58 = arith.constant 0 : i32
      %dma_wait3A_59 = tpu.memref_slice %arg4[%add3A, %add3A_43, %dma_wait3A_58] : memref<32x79x128xi32, #tpu.memory_space<hbm>> -> memref<1x1x128xi32, #tpu.memory_space<hbm>>
      %dma_wait3A_60 = tpu.memref_squeeze %dma_wait3A_59 : memref<1x1x128xi32, #tpu.memory_space<hbm>> -> memref<128xi32, #tpu.memory_space<hbm>>
      %dma_wait3A_61 = arith.constant 0 : i32
      %dma_wait3A_62 = tpu.memref_slice %arg4[%add3A, %add3A_43, %dma_wait3A_61] : memref<32x79x128xi32, #tpu.memory_space<hbm>> -> memref<1x1x128xi32, #tpu.memory_space<hbm>>
      %dma_wait3A_63 = tpu.memref_squeeze %dma_wait3A_62 : memref<1x1x128xi32, #tpu.memory_space<hbm>> -> memref<128xi32, #tpu.memory_space<hbm>>
      tpu.wait_dma2 semaphore(%arg13 : memref<!tpu.dma_semaphore, #tpu.memory_space<semaphore_mem>>) src(%dma_wait3A_63 : memref<128xi32, #tpu.memory_space<hbm>>) dst(%arg7 : memref<128xi32, #tpu.memory_space<vmem>>)
      %run_scoped3A = arith.constant 0 : i32
      "tpu.region"() ({
        %run_scoped3A_78 = tpu.sem_alloc : memref<!tpu.dma_semaphore, #tpu.memory_space<semaphore_mem>>
        %dma_start3A_79 = arith.constant 0 : i32
        %dma_start3A_80 = arith.constant 0 : i32
        %dma_start3A_81 = tpu.memref_slice %arg9[%run_scoped3A, %dma_start3A_79, %dma_start3A_80] : memref<2x128x128xf32, #tpu.memory_space<vmem>> -> memref<1x128x128xf32, #tpu.memory_space<vmem>>
        %dma_start3A_82 = tpu.memref_squeeze %dma_start3A_81 : memref<1x128x128xf32, #tpu.memory_space<vmem>> -> memref<128x128xf32, #tpu.memory_space<vmem>>
        %dma_start3A_83 = arith.constant 0 : i32
        %dma_start3A_84 = arith.constant 0 : i32
        %dma_start3A_85 = tpu.memref_slice %arg10[%dma_start3A_83, %dma_start3A_84] : memref<10240x128xf32, #tpu.memory_space<vmem_shared>> -> memref<10240x128xf32, #tpu.memory_space<vmem_shared>>
        tpu.enqueue_indirect_dma source(%dma_start3A_82 : memref<128x128xf32, #tpu.memory_space<vmem>>) target(%dma_start3A_85 : memref<10240x128xf32, #tpu.memory_space<vmem_shared>>) offsets(%arg7 : memref<128xi32, #tpu.memory_space<vmem>>) semaphore(%run_scoped3A_78 : memref<!tpu.dma_semaphore, #tpu.memory_space<semaphore_mem>>) {add = true}
        %dma_wait3A_86 = arith.constant 0 : i32
        %dma_wait3A_87 = arith.constant 0 : i32
        %dma_wait3A_88 = tpu.memref_slice %arg9[%run_scoped3A, %dma_wait3A_86, %dma_wait3A_87] : memref<2x128x128xf32, #tpu.memory_space<vmem>> -> memref<1x128x128xf32, #tpu.memory_space<vmem>>
        %dma_wait3A_89 = tpu.memref_squeeze %dma_wait3A_88 : memref<1x128x128xf32, #tpu.memory_space<vmem>> -> memref<128x128xf32, #tpu.memory_space<vmem>>
        %dma_wait3A_90 = arith.constant 0 : i32
        %dma_wait3A_91 = arith.constant 0 : i32
        %dma_wait3A_92 = tpu.memref_slice %arg10[%dma_wait3A_90, %dma_wait3A_91] : memref<10240x128xf32, #tpu.memory_space<vmem_shared>> -> memref<10240x128xf32, #tpu.memory_space<vmem_shared>>
        tpu.wait_indirect_dma semaphore(%run_scoped3A_78 : memref<!tpu.dma_semaphore, #tpu.memory_space<semaphore_mem>>) src(%dma_wait3A_89 : memref<128x128xf32, #tpu.memory_space<vmem>>) dst(%dma_wait3A_92 : memref<10240x128xf32, #tpu.memory_space<vmem_shared>>)
        tpu.yield
      }) : () -> ()
      %add3A_64 = arith.constant 2 : i32
      %add3A_65 = arith.addi %add3A_43, %add3A_64 : i32
      %lt3A_66 = arith.constant 79 : i32
      %lt3A_67 = arith.cmpi slt, %add3A_65, %lt3A_66 : i32
      %convert_element_type3A_68 = arith.extui %lt3A_67 : i1 to i32
      %cond3A_69 = arith.constant 0 : i32
      %cond3A_70 = arith.cmpi ne, %convert_element_type3A_68, %cond3A_69 : i32
      scf.if %cond3A_70 {
        %add3A_78 = arith.constant 2 : i32
        %add3A_79 = arith.addi %add3A_43, %add3A_78 : i32
        %dma_start3A_80 = arith.constant 0 : i32
        %dma_start3A_81 = tpu.memref_slice %arg4[%add3A, %add3A_79, %dma_start3A_80] : memref<32x79x128xi32, #tpu.memory_space<hbm>> -> memref<1x1x128xi32, #tpu.memory_space<hbm>>
        %dma_start3A_82 = tpu.memref_squeeze %dma_start3A_81 : memref<1x1x128xi32, #tpu.memory_space<hbm>> -> memref<128xi32, #tpu.memory_space<hbm>>
        %dma_start3A_83 = arith.constant 0 : i32
        %dma_start3A_84 = tpu.memref_slice %arg4[%add3A, %add3A_79, %dma_start3A_83] : memref<32x79x128xi32, #tpu.memory_space<hbm>> -> memref<1x1x128xi32, #tpu.memory_space<hbm>>
        %dma_start3A_85 = tpu.memref_squeeze %dma_start3A_84 : memref<1x1x128xi32, #tpu.memory_space<hbm>> -> memref<128xi32, #tpu.memory_space<hbm>>
        tpu.enqueue_dma source(%dma_start3A_85 : memref<128xi32, #tpu.memory_space<hbm>>) target(%arg7 : memref<128xi32, #tpu.memory_space<vmem>>) target_semaphore(%arg13 : memref<!tpu.dma_semaphore, #tpu.memory_space<semaphore_mem>>)
        %add3A_86 = arith.constant 2 : i32
        %add3A_87 = arith.addi %add3A_43, %add3A_86 : i32
        %dma_start3A_88 = arith.constant 0 : i32
        %dma_start3A_89 = arith.constant 0 : i32
        %dma_start3A_90 = arith.constant 0 : i32
        %dma_start3A_91 = tpu.memref_slice %arg9[%dma_start3A_88, %dma_start3A_89, %dma_start3A_90] : memref<2x128x128xf32, #tpu.memory_space<vmem>> -> memref<1x128x128xf32, #tpu.memory_space<vmem>>
        %dma_start3A_92 = tpu.memref_squeeze %dma_start3A_91 : memref<1x128x128xf32, #tpu.memory_space<vmem>> -> memref<128x128xf32, #tpu.memory_space<vmem>>
        %dma_start3A_93 = arith.constant 0 : i32
        %dma_start3A_94 = tpu.memref_slice %arg6[%add3A_87, %dma_start3A_93] : memref<79x128xi32, #tpu.memory_space<vmem>> -> memref<1x128xi32, #tpu.memory_space<vmem>>
        %dma_start3A_95 = tpu.memref_squeeze %dma_start3A_94 : memref<1x128xi32, #tpu.memory_space<vmem>> -> memref<128xi32, #tpu.memory_space<vmem>>
        %dma_start3A_96 = arith.constant 0 : i32
        %dma_start3A_97 = arith.constant 0 : i32
        %dma_start3A_98 = tpu.memref_slice %arg2[%dma_start3A_96, %dma_start3A_97] : memref<10000x128xf32, #tpu.memory_space<hbm>> -> memref<10000x128xf32, #tpu.memory_space<hbm>>
        tpu.enqueue_indirect_dma source(%dma_start3A_98 : memref<10000x128xf32, #tpu.memory_space<hbm>>) target(%dma_start3A_92 : memref<128x128xf32, #tpu.memory_space<vmem>>) offsets(%dma_start3A_95 : memref<128xi32, #tpu.memory_space<vmem>>) semaphore(%arg11 : memref<!tpu.dma_semaphore, #tpu.memory_space<semaphore_mem>>)
      } else {
      }
      %add3A_71 = arith.constant 1 : i32
      %add3A_72 = arith.addi %add3A_43, %add3A_71 : i32
      %lt3A_73 = arith.constant 79 : i32
      %lt3A_74 = arith.cmpi slt, %add3A_72, %lt3A_73 : i32
      %convert_element_type3A_75 = arith.extui %lt3A_74 : i1 to i32
      %cond3A_76 = arith.constant 0 : i32
      %cond3A_77 = arith.cmpi ne, %convert_element_type3A_75, %cond3A_76 : i32
      scf.if %cond3A_77 {
        %add3A_78 = arith.constant 1 : i32
        %add3A_79 = arith.addi %add3A_43, %add3A_78 : i32
        %dma_wait3A_80 = arith.constant 1 : i32
        %dma_wait3A_81 = arith.constant 0 : i32
        %dma_wait3A_82 = arith.constant 0 : i32
        %dma_wait3A_83 = tpu.memref_slice %arg9[%dma_wait3A_80, %dma_wait3A_81, %dma_wait3A_82] : memref<2x128x128xf32, #tpu.memory_space<vmem>> -> memref<1x128x128xf32, #tpu.memory_space<vmem>>
        %dma_wait3A_84 = tpu.memref_squeeze %dma_wait3A_83 : memref<1x128x128xf32, #tpu.memory_space<vmem>> -> memref<128x128xf32, #tpu.memory_space<vmem>>
        %dma_wait3A_85 = arith.constant 0 : i32
        %dma_wait3A_86 = tpu.memref_slice %arg6[%add3A_79, %dma_wait3A_85] : memref<79x128xi32, #tpu.memory_space<vmem>> -> memref<1x128xi32, #tpu.memory_space<vmem>>
        %dma_wait3A_87 = tpu.memref_squeeze %dma_wait3A_86 : memref<1x128xi32, #tpu.memory_space<vmem>> -> memref<128xi32, #tpu.memory_space<vmem>>
        %dma_wait3A_88 = arith.constant 0 : i32
        %dma_wait3A_89 = arith.constant 0 : i32
        %dma_wait3A_90 = tpu.memref_slice %arg2[%dma_wait3A_88, %dma_wait3A_89] : memref<10000x128xf32, #tpu.memory_space<hbm>> -> memref<10000x128xf32, #tpu.memory_space<hbm>>
        tpu.wait_indirect_dma semaphore(%arg12 : memref<!tpu.dma_semaphore, #tpu.memory_space<semaphore_mem>>) src(%dma_wait3A_90 : memref<10000x128xf32, #tpu.memory_space<hbm>>) dst(%dma_wait3A_84 : memref<128x128xf32, #tpu.memory_space<vmem>>)
        %add3A_91 = arith.constant 1 : i32
        %add3A_92 = arith.addi %add3A_43, %add3A_91 : i32
        %dma_wait3A_93 = arith.constant 0 : i32
        %dma_wait3A_94 = tpu.memref_slice %arg4[%add3A, %add3A_92, %dma_wait3A_93] : memref<32x79x128xi32, #tpu.memory_space<hbm>> -> memref<1x1x128xi32, #tpu.memory_space<hbm>>
        %dma_wait3A_95 = tpu.memref_squeeze %dma_wait3A_94 : memref<1x1x128xi32, #tpu.memory_space<hbm>> -> memref<128xi32, #tpu.memory_space<hbm>>
        %dma_wait3A_96 = arith.constant 0 : i32
        %dma_wait3A_97 = tpu.memref_slice %arg4[%add3A, %add3A_92, %dma_wait3A_96] : memref<32x79x128xi32, #tpu.memory_space<hbm>> -> memref<1x1x128xi32, #tpu.memory_space<hbm>>
        %dma_wait3A_98 = tpu.memref_squeeze %dma_wait3A_97 : memref<1x1x128xi32, #tpu.memory_space<hbm>> -> memref<128xi32, #tpu.memory_space<hbm>>
        tpu.wait_dma2 semaphore(%arg14 : memref<!tpu.dma_semaphore, #tpu.memory_space<semaphore_mem>>) src(%dma_wait3A_98 : memref<128xi32, #tpu.memory_space<hbm>>) dst(%arg8 : memref<128xi32, #tpu.memory_space<vmem>>)
        %run_scoped3A_99 = arith.constant 1 : i32
        "tpu.region"() ({
          %run_scoped3A_100 = tpu.sem_alloc : memref<!tpu.dma_semaphore, #tpu.memory_space<semaphore_mem>>
          %dma_start3A_101 = arith.constant 0 : i32
          %dma_start3A_102 = arith.constant 0 : i32
          %dma_start3A_103 = tpu.memref_slice %arg9[%run_scoped3A_99, %dma_start3A_101, %dma_start3A_102] : memref<2x128x128xf32, #tpu.memory_space<vmem>> -> memref<1x128x128xf32, #tpu.memory_space<vmem>>
          %dma_start3A_104 = tpu.memref_squeeze %dma_start3A_103 : memref<1x128x128xf32, #tpu.memory_space<vmem>> -> memref<128x128xf32, #tpu.memory_space<vmem>>
          %dma_start3A_105 = arith.constant 0 : i32
          %dma_start3A_106 = arith.constant 0 : i32
          %dma_start3A_107 = tpu.memref_slice %arg10[%dma_start3A_105, %dma_start3A_106] : memref<10240x128xf32, #tpu.memory_space<vmem_shared>> -> memref<10240x128xf32, #tpu.memory_space<vmem_shared>>
          tpu.enqueue_indirect_dma source(%dma_start3A_104 : memref<128x128xf32, #tpu.memory_space<vmem>>) target(%dma_start3A_107 : memref<10240x128xf32, #tpu.memory_space<vmem_shared>>) offsets(%arg8 : memref<128xi32, #tpu.memory_space<vmem>>) semaphore(%run_scoped3A_100 : memref<!tpu.dma_semaphore, #tpu.memory_space<semaphore_mem>>) {add = true}
          %dma_wait3A_108 = arith.constant 0 : i32
          %dma_wait3A_109 = arith.constant 0 : i32
          %dma_wait3A_110 = tpu.memref_slice %arg9[%run_scoped3A_99, %dma_wait3A_108, %dma_wait3A_109] : memref<2x128x128xf32, #tpu.memory_space<vmem>> -> memref<1x128x128xf32, #tpu.memory_space<vmem>>
          %dma_wait3A_111 = tpu.memref_squeeze %dma_wait3A_110 : memref<1x128x128xf32, #tpu.memory_space<vmem>> -> memref<128x128xf32, #tpu.memory_space<vmem>>
          %dma_wait3A_112 = arith.constant 0 : i32
          %dma_wait3A_113 = arith.constant 0 : i32
          %dma_wait3A_114 = tpu.memref_slice %arg10[%dma_wait3A_112, %dma_wait3A_113] : memref<10240x128xf32, #tpu.memory_space<vmem_shared>> -> memref<10240x128xf32, #tpu.memory_space<vmem_shared>>
          tpu.wait_indirect_dma semaphore(%run_scoped3A_100 : memref<!tpu.dma_semaphore, #tpu.memory_space<semaphore_mem>>) src(%dma_wait3A_111 : memref<128x128xf32, #tpu.memory_space<vmem>>) dst(%dma_wait3A_114 : memref<10240x128xf32, #tpu.memory_space<vmem_shared>>)
          tpu.yield
        }) : () -> ()
      } else {
      }
    }
    %scan3A_33 = arith.constant 40 : i32
    %barrier3A_34 = arith.constant 0 : index
    tpu.barrier barrier_id(%barrier3A_34)
    %mul3A_35 = arith.constant 640 : i32
    %mul3A_36 = arith.muli %arg1, %mul3A_35 : i32
    %mul3A_37 = arith.constant 640 : i32
    %mul3A_38 = arith.muli %arg1, %mul3A_37 : i32
    "tpu.region"() ({
      %run_scoped3A = tpu.sem_alloc : memref<!tpu.dma_semaphore, #tpu.memory_space<semaphore_mem>>
      %dma_start3A_39 = arith.constant 0 : i32
      %dma_start3A_40 = tpu.memref_slice %arg5[%arg0, %mul3A_38, %dma_start3A_39] : memref<2x10240x128xf32, #tpu.memory_space<hbm>> -> memref<1x640x128xf32, #tpu.memory_space<hbm>>
      %dma_start3A_41 = tpu.memref_squeeze %dma_start3A_40 : memref<1x640x128xf32, #tpu.memory_space<hbm>> -> memref<640x128xf32, #tpu.memory_space<hbm>>
      %dma_start3A_42 = arith.constant 0 : i32
      %dma_start3A_43 = tpu.memref_slice %arg10[%mul3A_36, %dma_start3A_42] : memref<10240x128xf32, #tpu.memory_space<vmem_shared>> -> memref<640x128xf32, #tpu.memory_space<vmem_shared>>
      tpu.enqueue_dma source(%dma_start3A_43 : memref<640x128xf32, #tpu.memory_space<vmem_shared>>) target(%dma_start3A_41 : memref<640x128xf32, #tpu.memory_space<hbm>>) target_semaphore(%run_scoped3A : memref<!tpu.dma_semaphore, #tpu.memory_space<semaphore_mem>>)
      %dma_wait3A = arith.constant 0 : i32
      %dma_wait3A_44 = tpu.memref_slice %arg5[%arg0, %mul3A_38, %dma_wait3A] : memref<2x10240x128xf32, #tpu.memory_space<hbm>> -> memref<1x640x128xf32, #tpu.memory_space<hbm>>
      %dma_wait3A_45 = tpu.memref_squeeze %dma_wait3A_44 : memref<1x640x128xf32, #tpu.memory_space<hbm>> -> memref<640x128xf32, #tpu.memory_space<hbm>>
      %dma_wait3A_46 = arith.constant 0 : i32
      %dma_wait3A_47 = tpu.memref_slice %arg10[%mul3A_36, %dma_wait3A_46] : memref<10240x128xf32, #tpu.memory_space<vmem_shared>> -> memref<640x128xf32, #tpu.memory_space<vmem_shared>>
      tpu.wait_dma2 semaphore(%run_scoped3A : memref<!tpu.dma_semaphore, #tpu.memory_space<semaphore_mem>>) src(%dma_wait3A_47 : memref<640x128xf32, #tpu.memory_space<vmem_shared>>) dst(%dma_wait3A_45 : memref<640x128xf32, #tpu.memory_space<hbm>>)
      tpu.yield
    }) : () -> ()
    return
  }
}

#map = affine_map<(d0, d1) -> (0, 0)>
#map1 = affine_map<(d0, d1) -> (0, 0, 0)>
module attributes {stable_mosaic.version = 14 : i64} {
  func.func @k(%arg0: i32, %arg1: i32, %arg2: memref<512x128xf32, #tpu.memory_space<hbm>>, %arg3: memref<32x79x128xi32, #tpu.memory_space<hbm>>, %arg4: memref<32x79x128xi32, #tpu.memory_space<hbm>>, %arg5: memref<2x10240x128xf32, #tpu.memory_space<hbm>>, %arg6: memref<79x128xi32, #tpu.memory_space<vmem>>, %arg7: memref<128xi32, #tpu.memory_space<vmem>>, %arg8: memref<128xi32, #tpu.memory_space<vmem>>, %arg9: memref<2x128x128xf32, #tpu.memory_space<vmem>>, %arg10: memref<10240x128xf32, #tpu.memory_space<vmem_shared>>, %arg11: memref<!tpu.dma_semaphore, #tpu.memory_space<semaphore_mem>>, %arg12: memref<!tpu.dma_semaphore, #tpu.memory_space<semaphore_mem>>, %arg13: memref<!tpu.dma_semaphore, #tpu.memory_space<semaphore_mem>>, %arg14: memref<!tpu.dma_semaphore, #tpu.memory_space<semaphore_mem>>) attributes {dimension_semantics = [#tpu.dimension_semantics<core_parallel>, #tpu.dimension_semantics<subcore_parallel>], iteration_bounds = array<i64: 2, 16>, scalar_prefetch = 0 : i64, scratch_operands = 9 : i64, tpu.core_type = #tpu.core_type<sc_vector_subcore>, window_params = [{transform_indices = #map}, {transform_indices = #map1}, {transform_indices = #map1}, {transform_indices = #map1}]} {
    %mul3A = arith.constant 16 : i32
    %mul3A_0 = arith.muli %arg0, %mul3A : i32
    %add3A = arith.addi %mul3A_0, %arg1 : i32
    "tpu.region"() ({
      %run_scoped3A = tpu.sem_alloc : memref<!tpu.dma_semaphore, #tpu.memory_space<semaphore_mem>>
      %dma_start3A_39 = arith.constant 0 : i32
      %dma_start3A_40 = arith.constant 0 : i32
      %dma_start3A_41 = tpu.memref_slice %arg3[%add3A, %dma_start3A_39, %dma_start3A_40] : memref<32x79x128xi32, #tpu.memory_space<hbm>> -> memref<1x79x128xi32, #tpu.memory_space<hbm>>
      %dma_start3A_42 = tpu.memref_squeeze %dma_start3A_41 : memref<1x79x128xi32, #tpu.memory_space<hbm>> -> memref<79x128xi32, #tpu.memory_space<hbm>>
      %dma_start3A_43 = arith.constant 0 : i32
      %dma_start3A_44 = arith.constant 0 : i32
      %dma_start3A_45 = tpu.memref_slice %arg3[%add3A, %dma_start3A_43, %dma_start3A_44] : memref<32x79x128xi32, #tpu.memory_space<hbm>> -> memref<1x79x128xi32, #tpu.memory_space<hbm>>
      %dma_start3A_46 = tpu.memref_squeeze %dma_start3A_45 : memref<1x79x128xi32, #tpu.memory_space<hbm>> -> memref<79x128xi32, #tpu.memory_space<hbm>>
      tpu.enqueue_dma source(%dma_start3A_46 : memref<79x128xi32, #tpu.memory_space<hbm>>) target(%arg6 : memref<79x128xi32, #tpu.memory_space<vmem>>) target_semaphore(%run_scoped3A : memref<!tpu.dma_semaphore, #tpu.memory_space<semaphore_mem>>)
      %dma_wait3A = arith.constant 0 : i32
      %dma_wait3A_47 = arith.constant 0 : i32
      %dma_wait3A_48 = tpu.memref_slice %arg3[%add3A, %dma_wait3A, %dma_wait3A_47] : memref<32x79x128xi32, #tpu.memory_space<hbm>> -> memref<1x79x128xi32, #tpu.memory_space<hbm>>
      %dma_wait3A_49 = tpu.memref_squeeze %dma_wait3A_48 : memref<1x79x128xi32, #tpu.memory_space<hbm>> -> memref<79x128xi32, #tpu.memory_space<hbm>>
      %dma_wait3A_50 = arith.constant 0 : i32
      %dma_wait3A_51 = arith.constant 0 : i32
      %dma_wait3A_52 = tpu.memref_slice %arg3[%add3A, %dma_wait3A_50, %dma_wait3A_51] : memref<32x79x128xi32, #tpu.memory_space<hbm>> -> memref<1x79x128xi32, #tpu.memory_space<hbm>>
      %dma_wait3A_53 = tpu.memref_squeeze %dma_wait3A_52 : memref<1x79x128xi32, #tpu.memory_space<hbm>> -> memref<79x128xi32, #tpu.memory_space<hbm>>
      tpu.wait_dma2 semaphore(%run_scoped3A : memref<!tpu.dma_semaphore, #tpu.memory_space<semaphore_mem>>) src(%dma_wait3A_53 : memref<79x128xi32, #tpu.memory_space<hbm>>) dst(%arg6 : memref<79x128xi32, #tpu.memory_space<vmem>>)
      tpu.yield
    }) : () -> ()
    %dma_start3A = arith.constant 0 : i32
    %dma_start3A_1 = arith.constant 0 : i32
    %dma_start3A_2 = tpu.memref_slice %arg4[%add3A, %dma_start3A, %dma_start3A_1] : memref<32x79x128xi32, #tpu.memory_space<hbm>> -> memref<1x1x128xi32, #tpu.memory_space<hbm>>
    %dma_start3A_3 = tpu.memref_squeeze %dma_start3A_2 : memref<1x1x128xi32, #tpu.memory_space<hbm>> -> memref<128xi32, #tpu.memory_space<hbm>>
    %dma_start3A_4 = arith.constant 0 : i32
    %dma_start3A_5 = tpu.memref_slice %arg4[%add3A, %dma_start3A, %dma_start3A_4] : memref<32x79x128xi32, #tpu.memory_space<hbm>> -> memref<1x1x128xi32, #tpu.memory_space<hbm>>
    %dma_start3A_6 = tpu.memref_squeeze %dma_start3A_5 : memref<1x1x128xi32, #tpu.memory_space<hbm>> -> memref<128xi32, #tpu.memory_space<hbm>>
    tpu.enqueue_dma source(%dma_start3A_6 : memref<128xi32, #tpu.memory_space<hbm>>) target(%arg7 : memref<128xi32, #tpu.memory_space<vmem>>) target_semaphore(%arg13 : memref<!tpu.dma_semaphore, #tpu.memory_space<semaphore_mem>>)
    %dma_start3A_7 = arith.constant 0 : i32
    %dma_start3A_8 = arith.constant 0 : i32
    %dma_start3A_9 = arith.constant 0 : i32
    %dma_start3A_10 = arith.constant 0 : i32
    %dma_start3A_11 = tpu.memref_slice %arg9[%dma_start3A_8, %dma_start3A_9, %dma_start3A_10] : memref<2x128x128xf32, #tpu.memory_space<vmem>> -> memref<1x128x128xf32, #tpu.memory_space<vmem>>
    %dma_start3A_12 = tpu.memref_squeeze %dma_start3A_11 : memref<1x128x128xf32, #tpu.memory_space<vmem>> -> memref<128x128xf32, #tpu.memory_space<vmem>>
    %dma_start3A_13 = arith.constant 0 : i32
    %dma_start3A_14 = tpu.memref_slice %arg6[%dma_start3A_7, %dma_start3A_13] : memref<79x128xi32, #tpu.memory_space<vmem>> -> memref<1x128xi32, #tpu.memory_space<vmem>>
    %dma_start3A_15 = tpu.memref_squeeze %dma_start3A_14 : memref<1x128xi32, #tpu.memory_space<vmem>> -> memref<128xi32, #tpu.memory_space<vmem>>
    %dma_start3A_16 = arith.constant 0 : i32
    %dma_start3A_17 = arith.constant 0 : i32
    %dma_start3A_18 = tpu.memref_slice %arg2[%dma_start3A_16, %dma_start3A_17] : memref<512x128xf32, #tpu.memory_space<hbm>> -> memref<512x128xf32, #tpu.memory_space<hbm>>
    tpu.enqueue_indirect_dma source(%dma_start3A_18 : memref<512x128xf32, #tpu.memory_space<hbm>>) target(%dma_start3A_12 : memref<128x128xf32, #tpu.memory_space<vmem>>) offsets(%dma_start3A_15 : memref<128xi32, #tpu.memory_space<vmem>>) semaphore(%arg11 : memref<!tpu.dma_semaphore, #tpu.memory_space<semaphore_mem>>)
    %broadcast_in_dim3A = arith.constant 0.000000e+00 : f32
    %broadcast_in_dim3A_19 = vector.broadcast %broadcast_in_dim3A : f32 to vector<16xf32>
    %scan3A = arith.constant 0 : i32
    %scan3A_20 = arith.constant 1024 : i32
    %scan3A_21 = arith.addi %scan3A, %scan3A_20 : i32
    %scan3A_22 = arith.constant 1 : i32
    scf.for %scan3A_39 = %scan3A to %scan3A_21 step %scan3A_22  : i32 {
      %mul3A_40 = arith.constant 1 : i32
      %mul3A_41 = arith.muli %scan3A_39, %mul3A_40 : i32
      %add3A_42 = arith.constant 0 : i32
      %add3A_43 = arith.addi %add3A_42, %mul3A_41 : i32
      %div3A = arith.constant 8 : i32
      %div3A_44 = arith.divsi %add3A_43, %div3A : i32
      %rem3A = arith.constant 8 : i32
      %rem3A_45 = arith.remsi %add3A_43, %rem3A : i32
      %mul3A_46 = arith.constant 16 : i32
      %mul3A_47 = arith.muli %rem3A_45, %mul3A_46 : i32
      %swap3A = arith.constant 1 : i32
      %swap3A_48 = arith.index_cast %swap3A : i32 to index
      %swap3A_49 = arith.index_cast %div3A_44 : i32 to index
      %swap3A_50 = arith.index_cast %mul3A_47 : i32 to index
      %swap3A_51 = tpu.vector_load %arg9[%swap3A_48, %swap3A_49, %swap3A_50] {strides = array<i32>} : memref<2x128x128xf32, #tpu.memory_space<vmem>>, vector<1x1x16xf32>,
      %swap3A_52 = vector.shape_cast %swap3A_51 : vector<1x1x16xf32> to vector<16xf32>
      %swap3A_53 = vector.shape_cast %broadcast_in_dim3A_19 : vector<16xf32> to vector<1x1x16xf32>
      tpu.vector_store %arg9[%swap3A_48, %swap3A_49, %swap3A_50], %swap3A_53 {strides = array<i32>} : memref<2x128x128xf32, #tpu.memory_space<vmem>>, vector<1x1x16xf32>,
    }
    %scan3A_23 = arith.constant 1024 : i32
    %scan3A_24 = arith.constant 0 : i32
    %scan3A_25 = arith.constant 5 : i32
    %scan3A_26 = arith.addi %scan3A_24, %scan3A_25 : i32
    %scan3A_27 = arith.constant 1 : i32
    scf.for %scan3A_39 = %scan3A_24 to %scan3A_26 step %scan3A_27  : i32 {
      %mul3A_40 = arith.constant 1 : i32
      %mul3A_41 = arith.muli %scan3A_39, %mul3A_40 : i32
      %add3A_42 = arith.constant 0 : i32
      %add3A_43 = arith.addi %add3A_42, %mul3A_41 : i32
      %mul3A_44 = arith.constant 640 : i32
      %mul3A_45 = arith.muli %arg1, %mul3A_44 : i32
      %mul3A_46 = arith.constant 128 : i32
      %mul3A_47 = arith.muli %add3A_43, %mul3A_46 : i32
      %add3A_48 = arith.addi %mul3A_45, %mul3A_47 : i32
      %run_scoped3A = arith.constant 1 : i32
      "tpu.region"() ({
        %run_scoped3A_49 = tpu.sem_alloc : memref<!tpu.dma_semaphore, #tpu.memory_space<semaphore_mem>>
        %dma_start3A_50 = arith.constant 0 : i32
        %dma_start3A_51 = arith.constant 0 : i32
        %dma_start3A_52 = tpu.memref_slice %arg9[%run_scoped3A, %dma_start3A_50, %dma_start3A_51] : memref<2x128x128xf32, #tpu.memory_space<vmem>> -> memref<1x128x128xf32, #tpu.memory_space<vmem>>
        %dma_start3A_53 = tpu.memref_squeeze %dma_start3A_52 : memref<1x128x128xf32, #tpu.memory_space<vmem>> -> memref<128x128xf32, #tpu.memory_space<vmem>>
        %dma_start3A_54 = arith.constant 0 : i32
        %dma_start3A_55 = tpu.memref_slice %arg10[%add3A_48, %dma_start3A_54] : memref<10240x128xf32, #tpu.memory_space<vmem_shared>> -> memref<128x128xf32, #tpu.memory_space<vmem_shared>>
        %dma_start3A_56 = arith.constant 0 : i32
        %dma_start3A_57 = tpu.memref_slice %arg10[%add3A_48, %dma_start3A_56] : memref<10240x128xf32, #tpu.memory_space<vmem_shared>> -> memref<128x128xf32, #tpu.memory_space<vmem_shared>>
        %dma_start3A_58 = arith.constant 0 : i32
        %dma_start3A_59 = arith.constant 0 : i32
        %dma_start3A_60 = tpu.memref_slice %arg9[%run_scoped3A, %dma_start3A_58, %dma_start3A_59] : memref<2x128x128xf32, #tpu.memory_space<vmem>> -> memref<1x128x128xf32, #tpu.memory_space<vmem>>
        %dma_start3A_61 = tpu.memref_squeeze %dma_start3A_60 : memref<1x128x128xf32, #tpu.memory_space<vmem>> -> memref<128x128xf32, #tpu.memory_space<vmem>>
        tpu.enqueue_dma source(%dma_start3A_61 : memref<128x128xf32, #tpu.memory_space<vmem>>) target(%dma_start3A_57 : memref<128x128xf32, #tpu.memory_space<vmem_shared>>) target_semaphore(%run_scoped3A_49 : memref<!tpu.dma_semaphore, #tpu.memory_space<semaphore_mem>>)
        %dma_wait3A = arith.constant 0 : i32
        %dma_wait3A_62 = arith.constant 0 : i32
        %dma_wait3A_63 = tpu.memref_slice %arg9[%run_scoped3A, %dma_wait3A, %dma_wait3A_62] : memref<2x128x128xf32, #tpu.memory_space<vmem>> -> memref<1x128x128xf32, #tpu.memory_space<vmem>>
        %dma_wait3A_64 = tpu.memref_squeeze %dma_wait3A_63 : memref<1x128x128xf32, #tpu.memory_space<vmem>> -> memref<128x128xf32, #tpu.memory_space<vmem>>
        %dma_wait3A_65 = arith.constant 0 : i32
        %dma_wait3A_66 = tpu.memref_slice %arg10[%add3A_48, %dma_wait3A_65] : memref<10240x128xf32, #tpu.memory_space<vmem_shared>> -> memref<128x128xf32, #tpu.memory_space<vmem_shared>>
        %dma_wait3A_67 = arith.constant 0 : i32
        %dma_wait3A_68 = tpu.memref_slice %arg10[%add3A_48, %dma_wait3A_67] : memref<10240x128xf32, #tpu.memory_space<vmem_shared>> -> memref<128x128xf32, #tpu.memory_space<vmem_shared>>
        %dma_wait3A_69 = arith.constant 0 : i32
        %dma_wait3A_70 = arith.constant 0 : i32
        %dma_wait3A_71 = tpu.memref_slice %arg9[%run_scoped3A, %dma_wait3A_69, %dma_wait3A_70] : memref<2x128x128xf32, #tpu.memory_space<vmem>> -> memref<1x128x128xf32, #tpu.memory_space<vmem>>
        %dma_wait3A_72 = tpu.memref_squeeze %dma_wait3A_71 : memref<1x128x128xf32, #tpu.memory_space<vmem>> -> memref<128x128xf32, #tpu.memory_space<vmem>>
        tpu.wait_dma2 semaphore(%run_scoped3A_49 : memref<!tpu.dma_semaphore, #tpu.memory_space<semaphore_mem>>) src(%dma_wait3A_72 : memref<128x128xf32, #tpu.memory_space<vmem>>) dst(%dma_wait3A_68 : memref<128x128xf32, #tpu.memory_space<vmem_shared>>)
        tpu.yield
      }) : () -> ()
    }
    %scan3A_28 = arith.constant 5 : i32
    %barrier3A = arith.constant 0 : index
    tpu.barrier barrier_id(%barrier3A)
    %scan3A_29 = arith.constant 0 : i32
    %scan3A_30 = arith.constant 40 : i32
    %scan3A_31 = arith.addi %scan3A_29, %scan3A_30 : i32
    %scan3A_32 = arith.constant 1 : i32
    scf.for %scan3A_39 = %scan3A_29 to %scan3A_31 step %scan3A_32  : i32 {
      %mul3A_40 = arith.constant 2 : i32
      %mul3A_41 = arith.muli %scan3A_39, %mul3A_40 : i32
      %add3A_42 = arith.constant 0 : i32
      %add3A_43 = arith.addi %add3A_42, %mul3A_41 : i32
      %add3A_44 = arith.constant 1 : i32
      %add3A_45 = arith.addi %add3A_43, %add3A_44 : i32
      %lt3A = arith.constant 79 : i32
      %lt3A_46 = arith.cmpi slt, %add3A_45, %lt3A : i32
      %convert_element_type3A = arith.extui %lt3A_46 : i1 to i32
      %cond3A = arith.constant 0 : i32
      %cond3A_47 = arith.cmpi ne, %convert_element_type3A, %cond3A : i32
      scf.if %cond3A_47 {
        %add3A_78 = arith.constant 1 : i32
        %add3A_79 = arith.addi %add3A_43, %add3A_78 : i32
        %dma_start3A_80 = arith.constant 0 : i32
        %dma_start3A_81 = tpu.memref_slice %arg4[%add3A, %add3A_79, %dma_start3A_80] : memref<32x79x128xi32, #tpu.memory_space<hbm>> -> memref<1x1x128xi32, #tpu.memory_space<hbm>>
        %dma_start3A_82 = tpu.memref_squeeze %dma_start3A_81 : memref<1x1x128xi32, #tpu.memory_space<hbm>> -> memref<128xi32, #tpu.memory_space<hbm>>
        %dma_start3A_83 = arith.constant 0 : i32
        %dma_start3A_84 = tpu.memref_slice %arg4[%add3A, %add3A_79, %dma_start3A_83] : memref<32x79x128xi32, #tpu.memory_space<hbm>> -> memref<1x1x128xi32, #tpu.memory_space<hbm>>
        %dma_start3A_85 = tpu.memref_squeeze %dma_start3A_84 : memref<1x1x128xi32, #tpu.memory_space<hbm>> -> memref<128xi32, #tpu.memory_space<hbm>>
        tpu.enqueue_dma source(%dma_start3A_85 : memref<128xi32, #tpu.memory_space<hbm>>) target(%arg8 : memref<128xi32, #tpu.memory_space<vmem>>) target_semaphore(%arg14 : memref<!tpu.dma_semaphore, #tpu.memory_space<semaphore_mem>>)
        %add3A_86 = arith.constant 1 : i32
        %add3A_87 = arith.addi %add3A_43, %add3A_86 : i32
        %dma_start3A_88 = arith.constant 1 : i32
        %dma_start3A_89 = arith.constant 0 : i32
        %dma_start3A_90 = arith.constant 0 : i32
        %dma_start3A_91 = tpu.memref_slice %arg9[%dma_start3A_88, %dma_start3A_89, %dma_start3A_90] : memref<2x128x128xf32, #tpu.memory_space<vmem>> -> memref<1x128x128xf32, #tpu.memory_space<vmem>>
        %dma_start3A_92 = tpu.memref_squeeze %dma_start3A_91 : memref<1x128x128xf32, #tpu.memory_space<vmem>> -> memref<128x128xf32, #tpu.memory_space<vmem>>
        %dma_start3A_93 = arith.constant 0 : i32
        %dma_start3A_94 = tpu.memref_slice %arg6[%add3A_87, %dma_start3A_93] : memref<79x128xi32, #tpu.memory_space<vmem>> -> memref<1x128xi32, #tpu.memory_space<vmem>>
        %dma_start3A_95 = tpu.memref_squeeze %dma_start3A_94 : memref<1x128xi32, #tpu.memory_space<vmem>> -> memref<128xi32, #tpu.memory_space<vmem>>
        %dma_start3A_96 = arith.constant 0 : i32
        %dma_start3A_97 = arith.constant 0 : i32
        %dma_start3A_98 = tpu.memref_slice %arg2[%dma_start3A_96, %dma_start3A_97] : memref<512x128xf32, #tpu.memory_space<hbm>> -> memref<512x128xf32, #tpu.memory_space<hbm>>
        tpu.enqueue_indirect_dma source(%dma_start3A_98 : memref<512x128xf32, #tpu.memory_space<hbm>>) target(%dma_start3A_92 : memref<128x128xf32, #tpu.memory_space<vmem>>) offsets(%dma_start3A_95 : memref<128xi32, #tpu.memory_space<vmem>>) semaphore(%arg12 : memref<!tpu.dma_semaphore, #tpu.memory_space<semaphore_mem>>)
      } else {
      }
      %dma_wait3A = arith.constant 0 : i32
      %dma_wait3A_48 = arith.constant 0 : i32
      %dma_wait3A_49 = arith.constant 0 : i32
      %dma_wait3A_50 = tpu.memref_slice %arg9[%dma_wait3A, %dma_wait3A_48, %dma_wait3A_49] : memref<2x128x128xf32, #tpu.memory_space<vmem>> -> memref<1x128x128xf32, #tpu.memory_space<vmem>>
      %dma_wait3A_51 = tpu.memref_squeeze %dma_wait3A_50 : memref<1x128x128xf32, #tpu.memory_space<vmem>> -> memref<128x128xf32, #tpu.memory_space<vmem>>
      %dma_wait3A_52 = arith.constant 0 : i32
      %dma_wait3A_53 = tpu.memref_slice %arg6[%add3A_43, %dma_wait3A_52] : memref<79x128xi32, #tpu.memory_space<vmem>> -> memref<1x128xi32, #tpu.memory_space<vmem>>
      %dma_wait3A_54 = tpu.memref_squeeze %dma_wait3A_53 : memref<1x128xi32, #tpu.memory_space<vmem>> -> memref<128xi32, #tpu.memory_space<vmem>>
      %dma_wait3A_55 = arith.constant 0 : i32
      %dma_wait3A_56 = arith.constant 0 : i32
      %dma_wait3A_57 = tpu.memref_slice %arg2[%dma_wait3A_55, %dma_wait3A_56] : memref<512x128xf32, #tpu.memory_space<hbm>> -> memref<512x128xf32, #tpu.memory_space<hbm>>
      tpu.wait_indirect_dma semaphore(%arg11 : memref<!tpu.dma_semaphore, #tpu.memory_space<semaphore_mem>>) src(%dma_wait3A_57 : memref<512x128xf32, #tpu.memory_space<hbm>>) dst(%dma_wait3A_51 : memref<128x128xf32, #tpu.memory_space<vmem>>)
      %dma_wait3A_58 = arith.constant 0 : i32
      %dma_wait3A_59 = tpu.memref_slice %arg4[%add3A, %add3A_43, %dma_wait3A_58] : memref<32x79x128xi32, #tpu.memory_space<hbm>> -> memref<1x1x128xi32, #tpu.memory_space<hbm>>
      %dma_wait3A_60 = tpu.memref_squeeze %dma_wait3A_59 : memref<1x1x128xi32, #tpu.memory_space<hbm>> -> memref<128xi32, #tpu.memory_space<hbm>>
      %dma_wait3A_61 = arith.constant 0 : i32
      %dma_wait3A_62 = tpu.memref_slice %arg4[%add3A, %add3A_43, %dma_wait3A_61] : memref<32x79x128xi32, #tpu.memory_space<hbm>> -> memref<1x1x128xi32, #tpu.memory_space<hbm>>
      %dma_wait3A_63 = tpu.memref_squeeze %dma_wait3A_62 : memref<1x1x128xi32, #tpu.memory_space<hbm>> -> memref<128xi32, #tpu.memory_space<hbm>>
      tpu.wait_dma2 semaphore(%arg13 : memref<!tpu.dma_semaphore, #tpu.memory_space<semaphore_mem>>) src(%dma_wait3A_63 : memref<128xi32, #tpu.memory_space<hbm>>) dst(%arg7 : memref<128xi32, #tpu.memory_space<vmem>>)
      %run_scoped3A = arith.constant 0 : i32
      "tpu.region"() ({
        %run_scoped3A_78 = tpu.sem_alloc : memref<!tpu.dma_semaphore, #tpu.memory_space<semaphore_mem>>
        %dma_start3A_79 = arith.constant 0 : i32
        %dma_start3A_80 = arith.constant 0 : i32
        %dma_start3A_81 = tpu.memref_slice %arg9[%run_scoped3A, %dma_start3A_79, %dma_start3A_80] : memref<2x128x128xf32, #tpu.memory_space<vmem>> -> memref<1x128x128xf32, #tpu.memory_space<vmem>>
        %dma_start3A_82 = tpu.memref_squeeze %dma_start3A_81 : memref<1x128x128xf32, #tpu.memory_space<vmem>> -> memref<128x128xf32, #tpu.memory_space<vmem>>
        %dma_start3A_83 = arith.constant 0 : i32
        %dma_start3A_84 = arith.constant 0 : i32
        %dma_start3A_85 = tpu.memref_slice %arg10[%dma_start3A_83, %dma_start3A_84] : memref<10240x128xf32, #tpu.memory_space<vmem_shared>> -> memref<10240x128xf32, #tpu.memory_space<vmem_shared>>
        tpu.enqueue_indirect_dma source(%dma_start3A_82 : memref<128x128xf32, #tpu.memory_space<vmem>>) target(%dma_start3A_85 : memref<10240x128xf32, #tpu.memory_space<vmem_shared>>) offsets(%arg7 : memref<128xi32, #tpu.memory_space<vmem>>) semaphore(%run_scoped3A_78 : memref<!tpu.dma_semaphore, #tpu.memory_space<semaphore_mem>>) {add = true}
        %dma_wait3A_86 = arith.constant 0 : i32
        %dma_wait3A_87 = arith.constant 0 : i32
        %dma_wait3A_88 = tpu.memref_slice %arg9[%run_scoped3A, %dma_wait3A_86, %dma_wait3A_87] : memref<2x128x128xf32, #tpu.memory_space<vmem>> -> memref<1x128x128xf32, #tpu.memory_space<vmem>>
        %dma_wait3A_89 = tpu.memref_squeeze %dma_wait3A_88 : memref<1x128x128xf32, #tpu.memory_space<vmem>> -> memref<128x128xf32, #tpu.memory_space<vmem>>
        %dma_wait3A_90 = arith.constant 0 : i32
        %dma_wait3A_91 = arith.constant 0 : i32
        %dma_wait3A_92 = tpu.memref_slice %arg10[%dma_wait3A_90, %dma_wait3A_91] : memref<10240x128xf32, #tpu.memory_space<vmem_shared>> -> memref<10240x128xf32, #tpu.memory_space<vmem_shared>>
        tpu.wait_indirect_dma semaphore(%run_scoped3A_78 : memref<!tpu.dma_semaphore, #tpu.memory_space<semaphore_mem>>) src(%dma_wait3A_89 : memref<128x128xf32, #tpu.memory_space<vmem>>) dst(%dma_wait3A_92 : memref<10240x128xf32, #tpu.memory_space<vmem_shared>>)
        tpu.yield
      }) : () -> ()
      %add3A_64 = arith.constant 2 : i32
      %add3A_65 = arith.addi %add3A_43, %add3A_64 : i32
      %lt3A_66 = arith.constant 79 : i32
      %lt3A_67 = arith.cmpi slt, %add3A_65, %lt3A_66 : i32
      %convert_element_type3A_68 = arith.extui %lt3A_67 : i1 to i32
      %cond3A_69 = arith.constant 0 : i32
      %cond3A_70 = arith.cmpi ne, %convert_element_type3A_68, %cond3A_69 : i32
      scf.if %cond3A_70 {
        %add3A_78 = arith.constant 2 : i32
        %add3A_79 = arith.addi %add3A_43, %add3A_78 : i32
        %dma_start3A_80 = arith.constant 0 : i32
        %dma_start3A_81 = tpu.memref_slice %arg4[%add3A, %add3A_79, %dma_start3A_80] : memref<32x79x128xi32, #tpu.memory_space<hbm>> -> memref<1x1x128xi32, #tpu.memory_space<hbm>>
        %dma_start3A_82 = tpu.memref_squeeze %dma_start3A_81 : memref<1x1x128xi32, #tpu.memory_space<hbm>> -> memref<128xi32, #tpu.memory_space<hbm>>
        %dma_start3A_83 = arith.constant 0 : i32
        %dma_start3A_84 = tpu.memref_slice %arg4[%add3A, %add3A_79, %dma_start3A_83] : memref<32x79x128xi32, #tpu.memory_space<hbm>> -> memref<1x1x128xi32, #tpu.memory_space<hbm>>
        %dma_start3A_85 = tpu.memref_squeeze %dma_start3A_84 : memref<1x1x128xi32, #tpu.memory_space<hbm>> -> memref<128xi32, #tpu.memory_space<hbm>>
        tpu.enqueue_dma source(%dma_start3A_85 : memref<128xi32, #tpu.memory_space<hbm>>) target(%arg7 : memref<128xi32, #tpu.memory_space<vmem>>) target_semaphore(%arg13 : memref<!tpu.dma_semaphore, #tpu.memory_space<semaphore_mem>>)
        %add3A_86 = arith.constant 2 : i32
        %add3A_87 = arith.addi %add3A_43, %add3A_86 : i32
        %dma_start3A_88 = arith.constant 0 : i32
        %dma_start3A_89 = arith.constant 0 : i32
        %dma_start3A_90 = arith.constant 0 : i32
        %dma_start3A_91 = tpu.memref_slice %arg9[%dma_start3A_88, %dma_start3A_89, %dma_start3A_90] : memref<2x128x128xf32, #tpu.memory_space<vmem>> -> memref<1x128x128xf32, #tpu.memory_space<vmem>>
        %dma_start3A_92 = tpu.memref_squeeze %dma_start3A_91 : memref<1x128x128xf32, #tpu.memory_space<vmem>> -> memref<128x128xf32, #tpu.memory_space<vmem>>
        %dma_start3A_93 = arith.constant 0 : i32
        %dma_start3A_94 = tpu.memref_slice %arg6[%add3A_87, %dma_start3A_93] : memref<79x128xi32, #tpu.memory_space<vmem>> -> memref<1x128xi32, #tpu.memory_space<vmem>>
        %dma_start3A_95 = tpu.memref_squeeze %dma_start3A_94 : memref<1x128xi32, #tpu.memory_space<vmem>> -> memref<128xi32, #tpu.memory_space<vmem>>
        %dma_start3A_96 = arith.constant 0 : i32
        %dma_start3A_97 = arith.constant 0 : i32
        %dma_start3A_98 = tpu.memref_slice %arg2[%dma_start3A_96, %dma_start3A_97] : memref<512x128xf32, #tpu.memory_space<hbm>> -> memref<512x128xf32, #tpu.memory_space<hbm>>
        tpu.enqueue_indirect_dma source(%dma_start3A_98 : memref<512x128xf32, #tpu.memory_space<hbm>>) target(%dma_start3A_92 : memref<128x128xf32, #tpu.memory_space<vmem>>) offsets(%dma_start3A_95 : memref<128xi32, #tpu.memory_space<vmem>>) semaphore(%arg11 : memref<!tpu.dma_semaphore, #tpu.memory_space<semaphore_mem>>)
      } else {
      }
      %add3A_71 = arith.constant 1 : i32
      %add3A_72 = arith.addi %add3A_43, %add3A_71 : i32
      %lt3A_73 = arith.constant 79 : i32
      %lt3A_74 = arith.cmpi slt, %add3A_72, %lt3A_73 : i32
      %convert_element_type3A_75 = arith.extui %lt3A_74 : i1 to i32
      %cond3A_76 = arith.constant 0 : i32
      %cond3A_77 = arith.cmpi ne, %convert_element_type3A_75, %cond3A_76 : i32
      scf.if %cond3A_77 {
        %add3A_78 = arith.constant 1 : i32
        %add3A_79 = arith.addi %add3A_43, %add3A_78 : i32
        %dma_wait3A_80 = arith.constant 1 : i32
        %dma_wait3A_81 = arith.constant 0 : i32
        %dma_wait3A_82 = arith.constant 0 : i32
        %dma_wait3A_83 = tpu.memref_slice %arg9[%dma_wait3A_80, %dma_wait3A_81, %dma_wait3A_82] : memref<2x128x128xf32, #tpu.memory_space<vmem>> -> memref<1x128x128xf32, #tpu.memory_space<vmem>>
        %dma_wait3A_84 = tpu.memref_squeeze %dma_wait3A_83 : memref<1x128x128xf32, #tpu.memory_space<vmem>> -> memref<128x128xf32, #tpu.memory_space<vmem>>
        %dma_wait3A_85 = arith.constant 0 : i32
        %dma_wait3A_86 = tpu.memref_slice %arg6[%add3A_79, %dma_wait3A_85] : memref<79x128xi32, #tpu.memory_space<vmem>> -> memref<1x128xi32, #tpu.memory_space<vmem>>
        %dma_wait3A_87 = tpu.memref_squeeze %dma_wait3A_86 : memref<1x128xi32, #tpu.memory_space<vmem>> -> memref<128xi32, #tpu.memory_space<vmem>>
        %dma_wait3A_88 = arith.constant 0 : i32
        %dma_wait3A_89 = arith.constant 0 : i32
        %dma_wait3A_90 = tpu.memref_slice %arg2[%dma_wait3A_88, %dma_wait3A_89] : memref<512x128xf32, #tpu.memory_space<hbm>> -> memref<512x128xf32, #tpu.memory_space<hbm>>
        tpu.wait_indirect_dma semaphore(%arg12 : memref<!tpu.dma_semaphore, #tpu.memory_space<semaphore_mem>>) src(%dma_wait3A_90 : memref<512x128xf32, #tpu.memory_space<hbm>>) dst(%dma_wait3A_84 : memref<128x128xf32, #tpu.memory_space<vmem>>)
        %add3A_91 = arith.constant 1 : i32
        %add3A_92 = arith.addi %add3A_43, %add3A_91 : i32
        %dma_wait3A_93 = arith.constant 0 : i32
        %dma_wait3A_94 = tpu.memref_slice %arg4[%add3A, %add3A_92, %dma_wait3A_93] : memref<32x79x128xi32, #tpu.memory_space<hbm>> -> memref<1x1x128xi32, #tpu.memory_space<hbm>>
        %dma_wait3A_95 = tpu.memref_squeeze %dma_wait3A_94 : memref<1x1x128xi32, #tpu.memory_space<hbm>> -> memref<128xi32, #tpu.memory_space<hbm>>
        %dma_wait3A_96 = arith.constant 0 : i32
        %dma_wait3A_97 = tpu.memref_slice %arg4[%add3A, %add3A_92, %dma_wait3A_96] : memref<32x79x128xi32, #tpu.memory_space<hbm>> -> memref<1x1x128xi32, #tpu.memory_space<hbm>>
        %dma_wait3A_98 = tpu.memref_squeeze %dma_wait3A_97 : memref<1x1x128xi32, #tpu.memory_space<hbm>> -> memref<128xi32, #tpu.memory_space<hbm>>
        tpu.wait_dma2 semaphore(%arg14 : memref<!tpu.dma_semaphore, #tpu.memory_space<semaphore_mem>>) src(%dma_wait3A_98 : memref<128xi32, #tpu.memory_space<hbm>>) dst(%arg8 : memref<128xi32, #tpu.memory_space<vmem>>)
        %run_scoped3A_99 = arith.constant 1 : i32
        "tpu.region"() ({
          %run_scoped3A_100 = tpu.sem_alloc : memref<!tpu.dma_semaphore, #tpu.memory_space<semaphore_mem>>
          %dma_start3A_101 = arith.constant 0 : i32
          %dma_start3A_102 = arith.constant 0 : i32
          %dma_start3A_103 = tpu.memref_slice %arg9[%run_scoped3A_99, %dma_start3A_101, %dma_start3A_102] : memref<2x128x128xf32, #tpu.memory_space<vmem>> -> memref<1x128x128xf32, #tpu.memory_space<vmem>>
          %dma_start3A_104 = tpu.memref_squeeze %dma_start3A_103 : memref<1x128x128xf32, #tpu.memory_space<vmem>> -> memref<128x128xf32, #tpu.memory_space<vmem>>
          %dma_start3A_105 = arith.constant 0 : i32
          %dma_start3A_106 = arith.constant 0 : i32
          %dma_start3A_107 = tpu.memref_slice %arg10[%dma_start3A_105, %dma_start3A_106] : memref<10240x128xf32, #tpu.memory_space<vmem_shared>> -> memref<10240x128xf32, #tpu.memory_space<vmem_shared>>
          tpu.enqueue_indirect_dma source(%dma_start3A_104 : memref<128x128xf32, #tpu.memory_space<vmem>>) target(%dma_start3A_107 : memref<10240x128xf32, #tpu.memory_space<vmem_shared>>) offsets(%arg8 : memref<128xi32, #tpu.memory_space<vmem>>) semaphore(%run_scoped3A_100 : memref<!tpu.dma_semaphore, #tpu.memory_space<semaphore_mem>>) {add = true}
          %dma_wait3A_108 = arith.constant 0 : i32
          %dma_wait3A_109 = arith.constant 0 : i32
          %dma_wait3A_110 = tpu.memref_slice %arg9[%run_scoped3A_99, %dma_wait3A_108, %dma_wait3A_109] : memref<2x128x128xf32, #tpu.memory_space<vmem>> -> memref<1x128x128xf32, #tpu.memory_space<vmem>>
          %dma_wait3A_111 = tpu.memref_squeeze %dma_wait3A_110 : memref<1x128x128xf32, #tpu.memory_space<vmem>> -> memref<128x128xf32, #tpu.memory_space<vmem>>
          %dma_wait3A_112 = arith.constant 0 : i32
          %dma_wait3A_113 = arith.constant 0 : i32
          %dma_wait3A_114 = tpu.memref_slice %arg10[%dma_wait3A_112, %dma_wait3A_113] : memref<10240x128xf32, #tpu.memory_space<vmem_shared>> -> memref<10240x128xf32, #tpu.memory_space<vmem_shared>>
          tpu.wait_indirect_dma semaphore(%run_scoped3A_100 : memref<!tpu.dma_semaphore, #tpu.memory_space<semaphore_mem>>) src(%dma_wait3A_111 : memref<128x128xf32, #tpu.memory_space<vmem>>) dst(%dma_wait3A_114 : memref<10240x128xf32, #tpu.memory_space<vmem_shared>>)
          tpu.yield
        }) : () -> ()
      } else {
      }
    }
    %scan3A_33 = arith.constant 40 : i32
    %barrier3A_34 = arith.constant 0 : index
    tpu.barrier barrier_id(%barrier3A_34)
    %mul3A_35 = arith.constant 640 : i32
    %mul3A_36 = arith.muli %arg1, %mul3A_35 : i32
    %mul3A_37 = arith.constant 640 : i32
    %mul3A_38 = arith.muli %arg1, %mul3A_37 : i32
    "tpu.region"() ({
      %run_scoped3A = tpu.sem_alloc : memref<!tpu.dma_semaphore, #tpu.memory_space<semaphore_mem>>
      %dma_start3A_39 = arith.constant 0 : i32
      %dma_start3A_40 = tpu.memref_slice %arg5[%arg0, %mul3A_38, %dma_start3A_39] : memref<2x10240x128xf32, #tpu.memory_space<hbm>> -> memref<1x640x128xf32, #tpu.memory_space<hbm>>
      %dma_start3A_41 = tpu.memref_squeeze %dma_start3A_40 : memref<1x640x128xf32, #tpu.memory_space<hbm>> -> memref<640x128xf32, #tpu.memory_space<hbm>>
      %dma_start3A_42 = arith.constant 0 : i32
      %dma_start3A_43 = tpu.memref_slice %arg10[%mul3A_36, %dma_start3A_42] : memref<10240x128xf32, #tpu.memory_space<vmem_shared>> -> memref<640x128xf32, #tpu.memory_space<vmem_shared>>
      tpu.enqueue_dma source(%dma_start3A_43 : memref<640x128xf32, #tpu.memory_space<vmem_shared>>) target(%dma_start3A_41 : memref<640x128xf32, #tpu.memory_space<hbm>>) target_semaphore(%run_scoped3A : memref<!tpu.dma_semaphore, #tpu.memory_space<semaphore_mem>>)
      %dma_wait3A = arith.constant 0 : i32
      %dma_wait3A_44 = tpu.memref_slice %arg5[%arg0, %mul3A_38, %dma_wait3A] : memref<2x10240x128xf32, #tpu.memory_space<hbm>> -> memref<1x640x128xf32, #tpu.memory_space<hbm>>
      %dma_wait3A_45 = tpu.memref_squeeze %dma_wait3A_44 : memref<1x640x128xf32, #tpu.memory_space<hbm>> -> memref<640x128xf32, #tpu.memory_space<hbm>>
      %dma_wait3A_46 = arith.constant 0 : i32
      %dma_wait3A_47 = tpu.memref_slice %arg10[%mul3A_36, %dma_wait3A_46] : memref<10240x128xf32, #tpu.memory_space<vmem_shared>> -> memref<640x128xf32, #tpu.memory_space<vmem_shared>>
      tpu.wait_dma2 semaphore(%run_scoped3A : memref<!tpu.dma_semaphore, #tpu.memory_space<semaphore_mem>>) src(%dma_wait3A_47 : memref<640x128xf32, #tpu.memory_space<vmem_shared>>) dst(%dma_wait3A_45 : memref<640x128xf32, #tpu.memory_space<hbm>>)
      tpu.yield
    }) : () -> ()
    return
  }
}

#map = affine_map<(d0, d1) -> (0, 0)>
#map1 = affine_map<(d0, d1) -> (0, 0, 0)>
module attributes {stable_mosaic.version = 14 : i64} {
  func.func @k(%arg0: i32, %arg1: i32, %arg2: memref<10000x128xf32, #tpu.memory_space<hbm>>, %arg3: memref<32x79x128xi32, #tpu.memory_space<hbm>>, %arg4: memref<32x79x128xi32, #tpu.memory_space<hbm>>, %arg5: memref<2x10240x128xf32, #tpu.memory_space<hbm>>, %arg6: memref<79x128xi32, #tpu.memory_space<vmem>>, %arg7: memref<128xi32, #tpu.memory_space<vmem>>, %arg8: memref<128xi32, #tpu.memory_space<vmem>>, %arg9: memref<2x128x128xf32, #tpu.memory_space<vmem>>, %arg10: memref<10240x128xf32, #tpu.memory_space<vmem_shared>>, %arg11: memref<!tpu.dma_semaphore, #tpu.memory_space<semaphore_mem>>, %arg12: memref<!tpu.dma_semaphore, #tpu.memory_space<semaphore_mem>>, %arg13: memref<!tpu.dma_semaphore, #tpu.memory_space<semaphore_mem>>, %arg14: memref<!tpu.dma_semaphore, #tpu.memory_space<semaphore_mem>>) attributes {dimension_semantics = [#tpu.dimension_semantics<core_parallel>, #tpu.dimension_semantics<subcore_parallel>], iteration_bounds = array<i64: 2, 16>, scalar_prefetch = 0 : i64, scratch_operands = 9 : i64, tpu.core_type = #tpu.core_type<sc_vector_subcore>, window_params = [{transform_indices = #map}, {transform_indices = #map1}, {transform_indices = #map1}, {transform_indices = #map1}]} {
    %mul3A = arith.constant 16 : i32
    %mul3A_0 = arith.muli %arg0, %mul3A : i32
    %add3A = arith.addi %mul3A_0, %arg1 : i32
    "tpu.region"() ({
      %run_scoped3A = tpu.sem_alloc : memref<!tpu.dma_semaphore, #tpu.memory_space<semaphore_mem>>
      %dma_start3A_39 = arith.constant 0 : i32
      %dma_start3A_40 = arith.constant 0 : i32
      %dma_start3A_41 = tpu.memref_slice %arg3[%add3A, %dma_start3A_39, %dma_start3A_40] : memref<32x79x128xi32, #tpu.memory_space<hbm>> -> memref<1x79x128xi32, #tpu.memory_space<hbm>>
      %dma_start3A_42 = tpu.memref_squeeze %dma_start3A_41 : memref<1x79x128xi32, #tpu.memory_space<hbm>> -> memref<79x128xi32, #tpu.memory_space<hbm>>
      %dma_start3A_43 = arith.constant 0 : i32
      %dma_start3A_44 = arith.constant 0 : i32
      %dma_start3A_45 = tpu.memref_slice %arg3[%add3A, %dma_start3A_43, %dma_start3A_44] : memref<32x79x128xi32, #tpu.memory_space<hbm>> -> memref<1x79x128xi32, #tpu.memory_space<hbm>>
      %dma_start3A_46 = tpu.memref_squeeze %dma_start3A_45 : memref<1x79x128xi32, #tpu.memory_space<hbm>> -> memref<79x128xi32, #tpu.memory_space<hbm>>
      tpu.enqueue_dma source(%dma_start3A_46 : memref<79x128xi32, #tpu.memory_space<hbm>>) target(%arg6 : memref<79x128xi32, #tpu.memory_space<vmem>>) target_semaphore(%run_scoped3A : memref<!tpu.dma_semaphore, #tpu.memory_space<semaphore_mem>>)
      %dma_wait3A = arith.constant 0 : i32
      %dma_wait3A_47 = arith.constant 0 : i32
      %dma_wait3A_48 = tpu.memref_slice %arg3[%add3A, %dma_wait3A, %dma_wait3A_47] : memref<32x79x128xi32, #tpu.memory_space<hbm>> -> memref<1x79x128xi32, #tpu.memory_space<hbm>>
      %dma_wait3A_49 = tpu.memref_squeeze %dma_wait3A_48 : memref<1x79x128xi32, #tpu.memory_space<hbm>> -> memref<79x128xi32, #tpu.memory_space<hbm>>
      %dma_wait3A_50 = arith.constant 0 : i32
      %dma_wait3A_51 = arith.constant 0 : i32
      %dma_wait3A_52 = tpu.memref_slice %arg3[%add3A, %dma_wait3A_50, %dma_wait3A_51] : memref<32x79x128xi32, #tpu.memory_space<hbm>> -> memref<1x79x128xi32, #tpu.memory_space<hbm>>
      %dma_wait3A_53 = tpu.memref_squeeze %dma_wait3A_52 : memref<1x79x128xi32, #tpu.memory_space<hbm>> -> memref<79x128xi32, #tpu.memory_space<hbm>>
      tpu.wait_dma2 semaphore(%run_scoped3A : memref<!tpu.dma_semaphore, #tpu.memory_space<semaphore_mem>>) src(%dma_wait3A_53 : memref<79x128xi32, #tpu.memory_space<hbm>>) dst(%arg6 : memref<79x128xi32, #tpu.memory_space<vmem>>)
      tpu.yield
    }) : () -> ()
    %dma_start3A = arith.constant 0 : i32
    %dma_start3A_1 = arith.constant 0 : i32
    %dma_start3A_2 = tpu.memref_slice %arg4[%add3A, %dma_start3A, %dma_start3A_1] : memref<32x79x128xi32, #tpu.memory_space<hbm>> -> memref<1x1x128xi32, #tpu.memory_space<hbm>>
    %dma_start3A_3 = tpu.memref_squeeze %dma_start3A_2 : memref<1x1x128xi32, #tpu.memory_space<hbm>> -> memref<128xi32, #tpu.memory_space<hbm>>
    %dma_start3A_4 = arith.constant 0 : i32
    %dma_start3A_5 = tpu.memref_slice %arg4[%add3A, %dma_start3A, %dma_start3A_4] : memref<32x79x128xi32, #tpu.memory_space<hbm>> -> memref<1x1x128xi32, #tpu.memory_space<hbm>>
    %dma_start3A_6 = tpu.memref_squeeze %dma_start3A_5 : memref<1x1x128xi32, #tpu.memory_space<hbm>> -> memref<128xi32, #tpu.memory_space<hbm>>
    tpu.enqueue_dma source(%dma_start3A_6 : memref<128xi32, #tpu.memory_space<hbm>>) target(%arg7 : memref<128xi32, #tpu.memory_space<vmem>>) target_semaphore(%arg13 : memref<!tpu.dma_semaphore, #tpu.memory_space<semaphore_mem>>)
    %dma_start3A_7 = arith.constant 0 : i32
    %dma_start3A_8 = arith.constant 0 : i32
    %dma_start3A_9 = arith.constant 0 : i32
    %dma_start3A_10 = arith.constant 0 : i32
    %dma_start3A_11 = tpu.memref_slice %arg9[%dma_start3A_8, %dma_start3A_9, %dma_start3A_10] : memref<2x128x128xf32, #tpu.memory_space<vmem>> -> memref<1x128x128xf32, #tpu.memory_space<vmem>>
    %dma_start3A_12 = tpu.memref_squeeze %dma_start3A_11 : memref<1x128x128xf32, #tpu.memory_space<vmem>> -> memref<128x128xf32, #tpu.memory_space<vmem>>
    %dma_start3A_13 = arith.constant 0 : i32
    %dma_start3A_14 = tpu.memref_slice %arg6[%dma_start3A_7, %dma_start3A_13] : memref<79x128xi32, #tpu.memory_space<vmem>> -> memref<1x128xi32, #tpu.memory_space<vmem>>
    %dma_start3A_15 = tpu.memref_squeeze %dma_start3A_14 : memref<1x128xi32, #tpu.memory_space<vmem>> -> memref<128xi32, #tpu.memory_space<vmem>>
    %dma_start3A_16 = arith.constant 0 : i32
    %dma_start3A_17 = arith.constant 0 : i32
    %dma_start3A_18 = tpu.memref_slice %arg2[%dma_start3A_16, %dma_start3A_17] : memref<10000x128xf32, #tpu.memory_space<hbm>> -> memref<10000x128xf32, #tpu.memory_space<hbm>>
    tpu.enqueue_indirect_dma source(%dma_start3A_18 : memref<10000x128xf32, #tpu.memory_space<hbm>>) target(%dma_start3A_12 : memref<128x128xf32, #tpu.memory_space<vmem>>) offsets(%dma_start3A_15 : memref<128xi32, #tpu.memory_space<vmem>>) semaphore(%arg11 : memref<!tpu.dma_semaphore, #tpu.memory_space<semaphore_mem>>)
    %broadcast_in_dim3A = arith.constant 0.000000e+00 : f32
    %broadcast_in_dim3A_19 = vector.broadcast %broadcast_in_dim3A : f32 to vector<16xf32>
    %scan3A = arith.constant 0 : i32
    %scan3A_20 = arith.constant 1024 : i32
    %scan3A_21 = arith.addi %scan3A, %scan3A_20 : i32
    %scan3A_22 = arith.constant 1 : i32
    scf.for %scan3A_39 = %scan3A to %scan3A_21 step %scan3A_22  : i32 {
      %mul3A_40 = arith.constant 1 : i32
      %mul3A_41 = arith.muli %scan3A_39, %mul3A_40 : i32
      %add3A_42 = arith.constant 0 : i32
      %add3A_43 = arith.addi %add3A_42, %mul3A_41 : i32
      %div3A = arith.constant 8 : i32
      %div3A_44 = arith.divsi %add3A_43, %div3A : i32
      %rem3A = arith.constant 8 : i32
      %rem3A_45 = arith.remsi %add3A_43, %rem3A : i32
      %mul3A_46 = arith.constant 16 : i32
      %mul3A_47 = arith.muli %rem3A_45, %mul3A_46 : i32
      %swap3A = arith.constant 1 : i32
      %swap3A_48 = arith.index_cast %swap3A : i32 to index
      %swap3A_49 = arith.index_cast %div3A_44 : i32 to index
      %swap3A_50 = arith.index_cast %mul3A_47 : i32 to index
      %swap3A_51 = tpu.vector_load %arg9[%swap3A_48, %swap3A_49, %swap3A_50] {strides = array<i32>} : memref<2x128x128xf32, #tpu.memory_space<vmem>>, vector<1x1x16xf32>,
      %swap3A_52 = vector.shape_cast %swap3A_51 : vector<1x1x16xf32> to vector<16xf32>
      %swap3A_53 = vector.shape_cast %broadcast_in_dim3A_19 : vector<16xf32> to vector<1x1x16xf32>
      tpu.vector_store %arg9[%swap3A_48, %swap3A_49, %swap3A_50], %swap3A_53 {strides = array<i32>} : memref<2x128x128xf32, #tpu.memory_space<vmem>>, vector<1x1x16xf32>,
    }
    %scan3A_23 = arith.constant 1024 : i32
    %scan3A_24 = arith.constant 0 : i32
    %scan3A_25 = arith.constant 5 : i32
    %scan3A_26 = arith.addi %scan3A_24, %scan3A_25 : i32
    %scan3A_27 = arith.constant 1 : i32
    scf.for %scan3A_39 = %scan3A_24 to %scan3A_26 step %scan3A_27  : i32 {
      %mul3A_40 = arith.constant 1 : i32
      %mul3A_41 = arith.muli %scan3A_39, %mul3A_40 : i32
      %add3A_42 = arith.constant 0 : i32
      %add3A_43 = arith.addi %add3A_42, %mul3A_41 : i32
      %mul3A_44 = arith.constant 640 : i32
      %mul3A_45 = arith.muli %arg1, %mul3A_44 : i32
      %mul3A_46 = arith.constant 128 : i32
      %mul3A_47 = arith.muli %add3A_43, %mul3A_46 : i32
      %add3A_48 = arith.addi %mul3A_45, %mul3A_47 : i32
      %run_scoped3A = arith.constant 1 : i32
      "tpu.region"() ({
        %run_scoped3A_49 = tpu.sem_alloc : memref<!tpu.dma_semaphore, #tpu.memory_space<semaphore_mem>>
        %dma_start3A_50 = arith.constant 0 : i32
        %dma_start3A_51 = arith.constant 0 : i32
        %dma_start3A_52 = tpu.memref_slice %arg9[%run_scoped3A, %dma_start3A_50, %dma_start3A_51] : memref<2x128x128xf32, #tpu.memory_space<vmem>> -> memref<1x128x128xf32, #tpu.memory_space<vmem>>
        %dma_start3A_53 = tpu.memref_squeeze %dma_start3A_52 : memref<1x128x128xf32, #tpu.memory_space<vmem>> -> memref<128x128xf32, #tpu.memory_space<vmem>>
        %dma_start3A_54 = arith.constant 0 : i32
        %dma_start3A_55 = tpu.memref_slice %arg10[%add3A_48, %dma_start3A_54] : memref<10240x128xf32, #tpu.memory_space<vmem_shared>> -> memref<128x128xf32, #tpu.memory_space<vmem_shared>>
        %dma_start3A_56 = arith.constant 0 : i32
        %dma_start3A_57 = tpu.memref_slice %arg10[%add3A_48, %dma_start3A_56] : memref<10240x128xf32, #tpu.memory_space<vmem_shared>> -> memref<128x128xf32, #tpu.memory_space<vmem_shared>>
        %dma_start3A_58 = arith.constant 0 : i32
        %dma_start3A_59 = arith.constant 0 : i32
        %dma_start3A_60 = tpu.memref_slice %arg9[%run_scoped3A, %dma_start3A_58, %dma_start3A_59] : memref<2x128x128xf32, #tpu.memory_space<vmem>> -> memref<1x128x128xf32, #tpu.memory_space<vmem>>
        %dma_start3A_61 = tpu.memref_squeeze %dma_start3A_60 : memref<1x128x128xf32, #tpu.memory_space<vmem>> -> memref<128x128xf32, #tpu.memory_space<vmem>>
        tpu.enqueue_dma source(%dma_start3A_61 : memref<128x128xf32, #tpu.memory_space<vmem>>) target(%dma_start3A_57 : memref<128x128xf32, #tpu.memory_space<vmem_shared>>) target_semaphore(%run_scoped3A_49 : memref<!tpu.dma_semaphore, #tpu.memory_space<semaphore_mem>>)
        %dma_wait3A = arith.constant 0 : i32
        %dma_wait3A_62 = arith.constant 0 : i32
        %dma_wait3A_63 = tpu.memref_slice %arg9[%run_scoped3A, %dma_wait3A, %dma_wait3A_62] : memref<2x128x128xf32, #tpu.memory_space<vmem>> -> memref<1x128x128xf32, #tpu.memory_space<vmem>>
        %dma_wait3A_64 = tpu.memref_squeeze %dma_wait3A_63 : memref<1x128x128xf32, #tpu.memory_space<vmem>> -> memref<128x128xf32, #tpu.memory_space<vmem>>
        %dma_wait3A_65 = arith.constant 0 : i32
        %dma_wait3A_66 = tpu.memref_slice %arg10[%add3A_48, %dma_wait3A_65] : memref<10240x128xf32, #tpu.memory_space<vmem_shared>> -> memref<128x128xf32, #tpu.memory_space<vmem_shared>>
        %dma_wait3A_67 = arith.constant 0 : i32
        %dma_wait3A_68 = tpu.memref_slice %arg10[%add3A_48, %dma_wait3A_67] : memref<10240x128xf32, #tpu.memory_space<vmem_shared>> -> memref<128x128xf32, #tpu.memory_space<vmem_shared>>
        %dma_wait3A_69 = arith.constant 0 : i32
        %dma_wait3A_70 = arith.constant 0 : i32
        %dma_wait3A_71 = tpu.memref_slice %arg9[%run_scoped3A, %dma_wait3A_69, %dma_wait3A_70] : memref<2x128x128xf32, #tpu.memory_space<vmem>> -> memref<1x128x128xf32, #tpu.memory_space<vmem>>
        %dma_wait3A_72 = tpu.memref_squeeze %dma_wait3A_71 : memref<1x128x128xf32, #tpu.memory_space<vmem>> -> memref<128x128xf32, #tpu.memory_space<vmem>>
        tpu.wait_dma2 semaphore(%run_scoped3A_49 : memref<!tpu.dma_semaphore, #tpu.memory_space<semaphore_mem>>) src(%dma_wait3A_72 : memref<128x128xf32, #tpu.memory_space<vmem>>) dst(%dma_wait3A_68 : memref<128x128xf32, #tpu.memory_space<vmem_shared>>)
        tpu.yield
      }) : () -> ()
    }
    %scan3A_28 = arith.constant 5 : i32
    %barrier3A = arith.constant 0 : index
    tpu.barrier barrier_id(%barrier3A)
    %scan3A_29 = arith.constant 0 : i32
    %scan3A_30 = arith.constant 40 : i32
    %scan3A_31 = arith.addi %scan3A_29, %scan3A_30 : i32
    %scan3A_32 = arith.constant 1 : i32
    scf.for %scan3A_39 = %scan3A_29 to %scan3A_31 step %scan3A_32  : i32 {
      %mul3A_40 = arith.constant 2 : i32
      %mul3A_41 = arith.muli %scan3A_39, %mul3A_40 : i32
      %add3A_42 = arith.constant 0 : i32
      %add3A_43 = arith.addi %add3A_42, %mul3A_41 : i32
      %add3A_44 = arith.constant 1 : i32
      %add3A_45 = arith.addi %add3A_43, %add3A_44 : i32
      %lt3A = arith.constant 79 : i32
      %lt3A_46 = arith.cmpi slt, %add3A_45, %lt3A : i32
      %convert_element_type3A = arith.extui %lt3A_46 : i1 to i32
      %cond3A = arith.constant 0 : i32
      %cond3A_47 = arith.cmpi ne, %convert_element_type3A, %cond3A : i32
      scf.if %cond3A_47 {
        %add3A_78 = arith.constant 1 : i32
        %add3A_79 = arith.addi %add3A_43, %add3A_78 : i32
        %dma_start3A_80 = arith.constant 0 : i32
        %dma_start3A_81 = tpu.memref_slice %arg4[%add3A, %add3A_79, %dma_start3A_80] : memref<32x79x128xi32, #tpu.memory_space<hbm>> -> memref<1x1x128xi32, #tpu.memory_space<hbm>>
        %dma_start3A_82 = tpu.memref_squeeze %dma_start3A_81 : memref<1x1x128xi32, #tpu.memory_space<hbm>> -> memref<128xi32, #tpu.memory_space<hbm>>
        %dma_start3A_83 = arith.constant 0 : i32
        %dma_start3A_84 = tpu.memref_slice %arg4[%add3A, %add3A_79, %dma_start3A_83] : memref<32x79x128xi32, #tpu.memory_space<hbm>> -> memref<1x1x128xi32, #tpu.memory_space<hbm>>
        %dma_start3A_85 = tpu.memref_squeeze %dma_start3A_84 : memref<1x1x128xi32, #tpu.memory_space<hbm>> -> memref<128xi32, #tpu.memory_space<hbm>>
        tpu.enqueue_dma source(%dma_start3A_85 : memref<128xi32, #tpu.memory_space<hbm>>) target(%arg8 : memref<128xi32, #tpu.memory_space<vmem>>) target_semaphore(%arg14 : memref<!tpu.dma_semaphore, #tpu.memory_space<semaphore_mem>>)
        %add3A_86 = arith.constant 1 : i32
        %add3A_87 = arith.addi %add3A_43, %add3A_86 : i32
        %dma_start3A_88 = arith.constant 1 : i32
        %dma_start3A_89 = arith.constant 0 : i32
        %dma_start3A_90 = arith.constant 0 : i32
        %dma_start3A_91 = tpu.memref_slice %arg9[%dma_start3A_88, %dma_start3A_89, %dma_start3A_90] : memref<2x128x128xf32, #tpu.memory_space<vmem>> -> memref<1x128x128xf32, #tpu.memory_space<vmem>>
        %dma_start3A_92 = tpu.memref_squeeze %dma_start3A_91 : memref<1x128x128xf32, #tpu.memory_space<vmem>> -> memref<128x128xf32, #tpu.memory_space<vmem>>
        %dma_start3A_93 = arith.constant 0 : i32
        %dma_start3A_94 = tpu.memref_slice %arg6[%add3A_87, %dma_start3A_93] : memref<79x128xi32, #tpu.memory_space<vmem>> -> memref<1x128xi32, #tpu.memory_space<vmem>>
        %dma_start3A_95 = tpu.memref_squeeze %dma_start3A_94 : memref<1x128xi32, #tpu.memory_space<vmem>> -> memref<128xi32, #tpu.memory_space<vmem>>
        %dma_start3A_96 = arith.constant 0 : i32
        %dma_start3A_97 = arith.constant 0 : i32
        %dma_start3A_98 = tpu.memref_slice %arg2[%dma_start3A_96, %dma_start3A_97] : memref<10000x128xf32, #tpu.memory_space<hbm>> -> memref<10000x128xf32, #tpu.memory_space<hbm>>
        tpu.enqueue_indirect_dma source(%dma_start3A_98 : memref<10000x128xf32, #tpu.memory_space<hbm>>) target(%dma_start3A_92 : memref<128x128xf32, #tpu.memory_space<vmem>>) offsets(%dma_start3A_95 : memref<128xi32, #tpu.memory_space<vmem>>) semaphore(%arg12 : memref<!tpu.dma_semaphore, #tpu.memory_space<semaphore_mem>>)
      } else {
      }
      %dma_wait3A = arith.constant 0 : i32
      %dma_wait3A_48 = arith.constant 0 : i32
      %dma_wait3A_49 = arith.constant 0 : i32
      %dma_wait3A_50 = tpu.memref_slice %arg9[%dma_wait3A, %dma_wait3A_48, %dma_wait3A_49] : memref<2x128x128xf32, #tpu.memory_space<vmem>> -> memref<1x128x128xf32, #tpu.memory_space<vmem>>
      %dma_wait3A_51 = tpu.memref_squeeze %dma_wait3A_50 : memref<1x128x128xf32, #tpu.memory_space<vmem>> -> memref<128x128xf32, #tpu.memory_space<vmem>>
      %dma_wait3A_52 = arith.constant 0 : i32
      %dma_wait3A_53 = tpu.memref_slice %arg6[%add3A_43, %dma_wait3A_52] : memref<79x128xi32, #tpu.memory_space<vmem>> -> memref<1x128xi32, #tpu.memory_space<vmem>>
      %dma_wait3A_54 = tpu.memref_squeeze %dma_wait3A_53 : memref<1x128xi32, #tpu.memory_space<vmem>> -> memref<128xi32, #tpu.memory_space<vmem>>
      %dma_wait3A_55 = arith.constant 0 : i32
      %dma_wait3A_56 = arith.constant 0 : i32
      %dma_wait3A_57 = tpu.memref_slice %arg2[%dma_wait3A_55, %dma_wait3A_56] : memref<10000x128xf32, #tpu.memory_space<hbm>> -> memref<10000x128xf32, #tpu.memory_space<hbm>>
      tpu.wait_indirect_dma semaphore(%arg11 : memref<!tpu.dma_semaphore, #tpu.memory_space<semaphore_mem>>) src(%dma_wait3A_57 : memref<10000x128xf32, #tpu.memory_space<hbm>>) dst(%dma_wait3A_51 : memref<128x128xf32, #tpu.memory_space<vmem>>)
      %dma_wait3A_58 = arith.constant 0 : i32
      %dma_wait3A_59 = tpu.memref_slice %arg4[%add3A, %add3A_43, %dma_wait3A_58] : memref<32x79x128xi32, #tpu.memory_space<hbm>> -> memref<1x1x128xi32, #tpu.memory_space<hbm>>
      %dma_wait3A_60 = tpu.memref_squeeze %dma_wait3A_59 : memref<1x1x128xi32, #tpu.memory_space<hbm>> -> memref<128xi32, #tpu.memory_space<hbm>>
      %dma_wait3A_61 = arith.constant 0 : i32
      %dma_wait3A_62 = tpu.memref_slice %arg4[%add3A, %add3A_43, %dma_wait3A_61] : memref<32x79x128xi32, #tpu.memory_space<hbm>> -> memref<1x1x128xi32, #tpu.memory_space<hbm>>
      %dma_wait3A_63 = tpu.memref_squeeze %dma_wait3A_62 : memref<1x1x128xi32, #tpu.memory_space<hbm>> -> memref<128xi32, #tpu.memory_space<hbm>>
      tpu.wait_dma2 semaphore(%arg13 : memref<!tpu.dma_semaphore, #tpu.memory_space<semaphore_mem>>) src(%dma_wait3A_63 : memref<128xi32, #tpu.memory_space<hbm>>) dst(%arg7 : memref<128xi32, #tpu.memory_space<vmem>>)
      %run_scoped3A = arith.constant 0 : i32
      "tpu.region"() ({
        %run_scoped3A_78 = tpu.sem_alloc : memref<!tpu.dma_semaphore, #tpu.memory_space<semaphore_mem>>
        %dma_start3A_79 = arith.constant 0 : i32
        %dma_start3A_80 = arith.constant 0 : i32
        %dma_start3A_81 = tpu.memref_slice %arg9[%run_scoped3A, %dma_start3A_79, %dma_start3A_80] : memref<2x128x128xf32, #tpu.memory_space<vmem>> -> memref<1x128x128xf32, #tpu.memory_space<vmem>>
        %dma_start3A_82 = tpu.memref_squeeze %dma_start3A_81 : memref<1x128x128xf32, #tpu.memory_space<vmem>> -> memref<128x128xf32, #tpu.memory_space<vmem>>
        %dma_start3A_83 = arith.constant 0 : i32
        %dma_start3A_84 = arith.constant 0 : i32
        %dma_start3A_85 = tpu.memref_slice %arg10[%dma_start3A_83, %dma_start3A_84] : memref<10240x128xf32, #tpu.memory_space<vmem_shared>> -> memref<10240x128xf32, #tpu.memory_space<vmem_shared>>
        tpu.enqueue_indirect_dma source(%dma_start3A_82 : memref<128x128xf32, #tpu.memory_space<vmem>>) target(%dma_start3A_85 : memref<10240x128xf32, #tpu.memory_space<vmem_shared>>) offsets(%arg7 : memref<128xi32, #tpu.memory_space<vmem>>) semaphore(%run_scoped3A_78 : memref<!tpu.dma_semaphore, #tpu.memory_space<semaphore_mem>>) {add = true}
        %dma_wait3A_86 = arith.constant 0 : i32
        %dma_wait3A_87 = arith.constant 0 : i32
        %dma_wait3A_88 = tpu.memref_slice %arg9[%run_scoped3A, %dma_wait3A_86, %dma_wait3A_87] : memref<2x128x128xf32, #tpu.memory_space<vmem>> -> memref<1x128x128xf32, #tpu.memory_space<vmem>>
        %dma_wait3A_89 = tpu.memref_squeeze %dma_wait3A_88 : memref<1x128x128xf32, #tpu.memory_space<vmem>> -> memref<128x128xf32, #tpu.memory_space<vmem>>
        %dma_wait3A_90 = arith.constant 0 : i32
        %dma_wait3A_91 = arith.constant 0 : i32
        %dma_wait3A_92 = tpu.memref_slice %arg10[%dma_wait3A_90, %dma_wait3A_91] : memref<10240x128xf32, #tpu.memory_space<vmem_shared>> -> memref<10240x128xf32, #tpu.memory_space<vmem_shared>>
        tpu.wait_indirect_dma semaphore(%run_scoped3A_78 : memref<!tpu.dma_semaphore, #tpu.memory_space<semaphore_mem>>) src(%dma_wait3A_89 : memref<128x128xf32, #tpu.memory_space<vmem>>) dst(%dma_wait3A_92 : memref<10240x128xf32, #tpu.memory_space<vmem_shared>>)
        tpu.yield
      }) : () -> ()
      %add3A_64 = arith.constant 2 : i32
      %add3A_65 = arith.addi %add3A_43, %add3A_64 : i32
      %lt3A_66 = arith.constant 79 : i32
      %lt3A_67 = arith.cmpi slt, %add3A_65, %lt3A_66 : i32
      %convert_element_type3A_68 = arith.extui %lt3A_67 : i1 to i32
      %cond3A_69 = arith.constant 0 : i32
      %cond3A_70 = arith.cmpi ne, %convert_element_type3A_68, %cond3A_69 : i32
      scf.if %cond3A_70 {
        %add3A_78 = arith.constant 2 : i32
        %add3A_79 = arith.addi %add3A_43, %add3A_78 : i32
        %dma_start3A_80 = arith.constant 0 : i32
        %dma_start3A_81 = tpu.memref_slice %arg4[%add3A, %add3A_79, %dma_start3A_80] : memref<32x79x128xi32, #tpu.memory_space<hbm>> -> memref<1x1x128xi32, #tpu.memory_space<hbm>>
        %dma_start3A_82 = tpu.memref_squeeze %dma_start3A_81 : memref<1x1x128xi32, #tpu.memory_space<hbm>> -> memref<128xi32, #tpu.memory_space<hbm>>
        %dma_start3A_83 = arith.constant 0 : i32
        %dma_start3A_84 = tpu.memref_slice %arg4[%add3A, %add3A_79, %dma_start3A_83] : memref<32x79x128xi32, #tpu.memory_space<hbm>> -> memref<1x1x128xi32, #tpu.memory_space<hbm>>
        %dma_start3A_85 = tpu.memref_squeeze %dma_start3A_84 : memref<1x1x128xi32, #tpu.memory_space<hbm>> -> memref<128xi32, #tpu.memory_space<hbm>>
        tpu.enqueue_dma source(%dma_start3A_85 : memref<128xi32, #tpu.memory_space<hbm>>) target(%arg7 : memref<128xi32, #tpu.memory_space<vmem>>) target_semaphore(%arg13 : memref<!tpu.dma_semaphore, #tpu.memory_space<semaphore_mem>>)
        %add3A_86 = arith.constant 2 : i32
        %add3A_87 = arith.addi %add3A_43, %add3A_86 : i32
        %dma_start3A_88 = arith.constant 0 : i32
        %dma_start3A_89 = arith.constant 0 : i32
        %dma_start3A_90 = arith.constant 0 : i32
        %dma_start3A_91 = tpu.memref_slice %arg9[%dma_start3A_88, %dma_start3A_89, %dma_start3A_90] : memref<2x128x128xf32, #tpu.memory_space<vmem>> -> memref<1x128x128xf32, #tpu.memory_space<vmem>>
        %dma_start3A_92 = tpu.memref_squeeze %dma_start3A_91 : memref<1x128x128xf32, #tpu.memory_space<vmem>> -> memref<128x128xf32, #tpu.memory_space<vmem>>
        %dma_start3A_93 = arith.constant 0 : i32
        %dma_start3A_94 = tpu.memref_slice %arg6[%add3A_87, %dma_start3A_93] : memref<79x128xi32, #tpu.memory_space<vmem>> -> memref<1x128xi32, #tpu.memory_space<vmem>>
        %dma_start3A_95 = tpu.memref_squeeze %dma_start3A_94 : memref<1x128xi32, #tpu.memory_space<vmem>> -> memref<128xi32, #tpu.memory_space<vmem>>
        %dma_start3A_96 = arith.constant 0 : i32
        %dma_start3A_97 = arith.constant 0 : i32
        %dma_start3A_98 = tpu.memref_slice %arg2[%dma_start3A_96, %dma_start3A_97] : memref<10000x128xf32, #tpu.memory_space<hbm>> -> memref<10000x128xf32, #tpu.memory_space<hbm>>
        tpu.enqueue_indirect_dma source(%dma_start3A_98 : memref<10000x128xf32, #tpu.memory_space<hbm>>) target(%dma_start3A_92 : memref<128x128xf32, #tpu.memory_space<vmem>>) offsets(%dma_start3A_95 : memref<128xi32, #tpu.memory_space<vmem>>) semaphore(%arg11 : memref<!tpu.dma_semaphore, #tpu.memory_space<semaphore_mem>>)
      } else {
      }
      %add3A_71 = arith.constant 1 : i32
      %add3A_72 = arith.addi %add3A_43, %add3A_71 : i32
      %lt3A_73 = arith.constant 79 : i32
      %lt3A_74 = arith.cmpi slt, %add3A_72, %lt3A_73 : i32
      %convert_element_type3A_75 = arith.extui %lt3A_74 : i1 to i32
      %cond3A_76 = arith.constant 0 : i32
      %cond3A_77 = arith.cmpi ne, %convert_element_type3A_75, %cond3A_76 : i32
      scf.if %cond3A_77 {
        %add3A_78 = arith.constant 1 : i32
        %add3A_79 = arith.addi %add3A_43, %add3A_78 : i32
        %dma_wait3A_80 = arith.constant 1 : i32
        %dma_wait3A_81 = arith.constant 0 : i32
        %dma_wait3A_82 = arith.constant 0 : i32
        %dma_wait3A_83 = tpu.memref_slice %arg9[%dma_wait3A_80, %dma_wait3A_81, %dma_wait3A_82] : memref<2x128x128xf32, #tpu.memory_space<vmem>> -> memref<1x128x128xf32, #tpu.memory_space<vmem>>
        %dma_wait3A_84 = tpu.memref_squeeze %dma_wait3A_83 : memref<1x128x128xf32, #tpu.memory_space<vmem>> -> memref<128x128xf32, #tpu.memory_space<vmem>>
        %dma_wait3A_85 = arith.constant 0 : i32
        %dma_wait3A_86 = tpu.memref_slice %arg6[%add3A_79, %dma_wait3A_85] : memref<79x128xi32, #tpu.memory_space<vmem>> -> memref<1x128xi32, #tpu.memory_space<vmem>>
        %dma_wait3A_87 = tpu.memref_squeeze %dma_wait3A_86 : memref<1x128xi32, #tpu.memory_space<vmem>> -> memref<128xi32, #tpu.memory_space<vmem>>
        %dma_wait3A_88 = arith.constant 0 : i32
        %dma_wait3A_89 = arith.constant 0 : i32
        %dma_wait3A_90 = tpu.memref_slice %arg2[%dma_wait3A_88, %dma_wait3A_89] : memref<10000x128xf32, #tpu.memory_space<hbm>> -> memref<10000x128xf32, #tpu.memory_space<hbm>>
        tpu.wait_indirect_dma semaphore(%arg12 : memref<!tpu.dma_semaphore, #tpu.memory_space<semaphore_mem>>) src(%dma_wait3A_90 : memref<10000x128xf32, #tpu.memory_space<hbm>>) dst(%dma_wait3A_84 : memref<128x128xf32, #tpu.memory_space<vmem>>)
        %add3A_91 = arith.constant 1 : i32
        %add3A_92 = arith.addi %add3A_43, %add3A_91 : i32
        %dma_wait3A_93 = arith.constant 0 : i32
        %dma_wait3A_94 = tpu.memref_slice %arg4[%add3A, %add3A_92, %dma_wait3A_93] : memref<32x79x128xi32, #tpu.memory_space<hbm>> -> memref<1x1x128xi32, #tpu.memory_space<hbm>>
        %dma_wait3A_95 = tpu.memref_squeeze %dma_wait3A_94 : memref<1x1x128xi32, #tpu.memory_space<hbm>> -> memref<128xi32, #tpu.memory_space<hbm>>
        %dma_wait3A_96 = arith.constant 0 : i32
        %dma_wait3A_97 = tpu.memref_slice %arg4[%add3A, %add3A_92, %dma_wait3A_96] : memref<32x79x128xi32, #tpu.memory_space<hbm>> -> memref<1x1x128xi32, #tpu.memory_space<hbm>>
        %dma_wait3A_98 = tpu.memref_squeeze %dma_wait3A_97 : memref<1x1x128xi32, #tpu.memory_space<hbm>> -> memref<128xi32, #tpu.memory_space<hbm>>
        tpu.wait_dma2 semaphore(%arg14 : memref<!tpu.dma_semaphore, #tpu.memory_space<semaphore_mem>>) src(%dma_wait3A_98 : memref<128xi32, #tpu.memory_space<hbm>>) dst(%arg8 : memref<128xi32, #tpu.memory_space<vmem>>)
        %run_scoped3A_99 = arith.constant 1 : i32
        "tpu.region"() ({
          %run_scoped3A_100 = tpu.sem_alloc : memref<!tpu.dma_semaphore, #tpu.memory_space<semaphore_mem>>
          %dma_start3A_101 = arith.constant 0 : i32
          %dma_start3A_102 = arith.constant 0 : i32
          %dma_start3A_103 = tpu.memref_slice %arg9[%run_scoped3A_99, %dma_start3A_101, %dma_start3A_102] : memref<2x128x128xf32, #tpu.memory_space<vmem>> -> memref<1x128x128xf32, #tpu.memory_space<vmem>>
          %dma_start3A_104 = tpu.memref_squeeze %dma_start3A_103 : memref<1x128x128xf32, #tpu.memory_space<vmem>> -> memref<128x128xf32, #tpu.memory_space<vmem>>
          %dma_start3A_105 = arith.constant 0 : i32
          %dma_start3A_106 = arith.constant 0 : i32
          %dma_start3A_107 = tpu.memref_slice %arg10[%dma_start3A_105, %dma_start3A_106] : memref<10240x128xf32, #tpu.memory_space<vmem_shared>> -> memref<10240x128xf32, #tpu.memory_space<vmem_shared>>
          tpu.enqueue_indirect_dma source(%dma_start3A_104 : memref<128x128xf32, #tpu.memory_space<vmem>>) target(%dma_start3A_107 : memref<10240x128xf32, #tpu.memory_space<vmem_shared>>) offsets(%arg8 : memref<128xi32, #tpu.memory_space<vmem>>) semaphore(%run_scoped3A_100 : memref<!tpu.dma_semaphore, #tpu.memory_space<semaphore_mem>>) {add = true}
          %dma_wait3A_108 = arith.constant 0 : i32
          %dma_wait3A_109 = arith.constant 0 : i32
          %dma_wait3A_110 = tpu.memref_slice %arg9[%run_scoped3A_99, %dma_wait3A_108, %dma_wait3A_109] : memref<2x128x128xf32, #tpu.memory_space<vmem>> -> memref<1x128x128xf32, #tpu.memory_space<vmem>>
          %dma_wait3A_111 = tpu.memref_squeeze %dma_wait3A_110 : memref<1x128x128xf32, #tpu.memory_space<vmem>> -> memref<128x128xf32, #tpu.memory_space<vmem>>
          %dma_wait3A_112 = arith.constant 0 : i32
          %dma_wait3A_113 = arith.constant 0 : i32
          %dma_wait3A_114 = tpu.memref_slice %arg10[%dma_wait3A_112, %dma_wait3A_113] : memref<10240x128xf32, #tpu.memory_space<vmem_shared>> -> memref<10240x128xf32, #tpu.memory_space<vmem_shared>>
          tpu.wait_indirect_dma semaphore(%run_scoped3A_100 : memref<!tpu.dma_semaphore, #tpu.memory_space<semaphore_mem>>) src(%dma_wait3A_111 : memref<128x128xf32, #tpu.memory_space<vmem>>) dst(%dma_wait3A_114 : memref<10240x128xf32, #tpu.memory_space<vmem_shared>>)
          tpu.yield
        }) : () -> ()
      } else {
      }
    }
    %scan3A_33 = arith.constant 40 : i32
    %barrier3A_34 = arith.constant 0 : index
    tpu.barrier barrier_id(%barrier3A_34)
    %mul3A_35 = arith.constant 640 : i32
    %mul3A_36 = arith.muli %arg1, %mul3A_35 : i32
    %mul3A_37 = arith.constant 640 : i32
    %mul3A_38 = arith.muli %arg1, %mul3A_37 : i32
    "tpu.region"() ({
      %run_scoped3A = tpu.sem_alloc : memref<!tpu.dma_semaphore, #tpu.memory_space<semaphore_mem>>
      %dma_start3A_39 = arith.constant 0 : i32
      %dma_start3A_40 = tpu.memref_slice %arg5[%arg0, %mul3A_38, %dma_start3A_39] : memref<2x10240x128xf32, #tpu.memory_space<hbm>> -> memref<1x640x128xf32, #tpu.memory_space<hbm>>
      %dma_start3A_41 = tpu.memref_squeeze %dma_start3A_40 : memref<1x640x128xf32, #tpu.memory_space<hbm>> -> memref<640x128xf32, #tpu.memory_space<hbm>>
      %dma_start3A_42 = arith.constant 0 : i32
      %dma_start3A_43 = tpu.memref_slice %arg10[%mul3A_36, %dma_start3A_42] : memref<10240x128xf32, #tpu.memory_space<vmem_shared>> -> memref<640x128xf32, #tpu.memory_space<vmem_shared>>
      tpu.enqueue_dma source(%dma_start3A_43 : memref<640x128xf32, #tpu.memory_space<vmem_shared>>) target(%dma_start3A_41 : memref<640x128xf32, #tpu.memory_space<hbm>>) target_semaphore(%run_scoped3A : memref<!tpu.dma_semaphore, #tpu.memory_space<semaphore_mem>>)
      %dma_wait3A = arith.constant 0 : i32
      %dma_wait3A_44 = tpu.memref_slice %arg5[%arg0, %mul3A_38, %dma_wait3A] : memref<2x10240x128xf32, #tpu.memory_space<hbm>> -> memref<1x640x128xf32, #tpu.memory_space<hbm>>
      %dma_wait3A_45 = tpu.memref_squeeze %dma_wait3A_44 : memref<1x640x128xf32, #tpu.memory_space<hbm>> -> memref<640x128xf32, #tpu.memory_space<hbm>>
      %dma_wait3A_46 = arith.constant 0 : i32
      %dma_wait3A_47 = tpu.memref_slice %arg10[%mul3A_36, %dma_wait3A_46] : memref<10240x128xf32, #tpu.memory_space<vmem_shared>> -> memref<640x128xf32, #tpu.memory_space<vmem_shared>>
      tpu.wait_dma2 semaphore(%run_scoped3A : memref<!tpu.dma_semaphore, #tpu.memory_space<semaphore_mem>>) src(%dma_wait3A_47 : memref<640x128xf32, #tpu.memory_space<vmem_shared>>) dst(%dma_wait3A_45 : memref<640x128xf32, #tpu.memory_space<hbm>>)
      tpu.yield
    }) : () -> ()
    return
  }
}

#map = affine_map<(d0, d1) -> (0, 0)>
#map1 = affine_map<(d0, d1) -> (0, 0, 0)>
module attributes {stable_mosaic.version = 14 : i64} {
  func.func @k(%arg0: i32, %arg1: i32, %arg2: memref<10000x128xf32, #tpu.memory_space<hbm>>, %arg3: memref<32x79x128xi32, #tpu.memory_space<hbm>>, %arg4: memref<32x79x128xi32, #tpu.memory_space<hbm>>, %arg5: memref<2x10240x128xf32, #tpu.memory_space<hbm>>, %arg6: memref<79x128xi32, #tpu.memory_space<vmem>>, %arg7: memref<128xi32, #tpu.memory_space<vmem>>, %arg8: memref<128xi32, #tpu.memory_space<vmem>>, %arg9: memref<2x128x128xf32, #tpu.memory_space<vmem>>, %arg10: memref<10240x128xf32, #tpu.memory_space<vmem_shared>>, %arg11: memref<!tpu.dma_semaphore, #tpu.memory_space<semaphore_mem>>, %arg12: memref<!tpu.dma_semaphore, #tpu.memory_space<semaphore_mem>>, %arg13: memref<!tpu.dma_semaphore, #tpu.memory_space<semaphore_mem>>, %arg14: memref<!tpu.dma_semaphore, #tpu.memory_space<semaphore_mem>>) attributes {dimension_semantics = [#tpu.dimension_semantics<core_parallel>, #tpu.dimension_semantics<subcore_parallel>], iteration_bounds = array<i64: 2, 16>, scalar_prefetch = 0 : i64, scratch_operands = 9 : i64, tpu.core_type = #tpu.core_type<sc_vector_subcore>, window_params = [{transform_indices = #map}, {transform_indices = #map1}, {transform_indices = #map1}, {transform_indices = #map1}]} {
    %mul3A = arith.constant 16 : i32
    %mul3A_0 = arith.muli %arg0, %mul3A : i32
    %add3A = arith.addi %mul3A_0, %arg1 : i32
    "tpu.region"() ({
      %run_scoped3A = tpu.sem_alloc : memref<!tpu.dma_semaphore, #tpu.memory_space<semaphore_mem>>
      %dma_start3A_39 = arith.constant 0 : i32
      %dma_start3A_40 = arith.constant 0 : i32
      %dma_start3A_41 = tpu.memref_slice %arg3[%add3A, %dma_start3A_39, %dma_start3A_40] : memref<32x79x128xi32, #tpu.memory_space<hbm>> -> memref<1x79x128xi32, #tpu.memory_space<hbm>>
      %dma_start3A_42 = tpu.memref_squeeze %dma_start3A_41 : memref<1x79x128xi32, #tpu.memory_space<hbm>> -> memref<79x128xi32, #tpu.memory_space<hbm>>
      %dma_start3A_43 = arith.constant 0 : i32
      %dma_start3A_44 = arith.constant 0 : i32
      %dma_start3A_45 = tpu.memref_slice %arg3[%add3A, %dma_start3A_43, %dma_start3A_44] : memref<32x79x128xi32, #tpu.memory_space<hbm>> -> memref<1x79x128xi32, #tpu.memory_space<hbm>>
      %dma_start3A_46 = tpu.memref_squeeze %dma_start3A_45 : memref<1x79x128xi32, #tpu.memory_space<hbm>> -> memref<79x128xi32, #tpu.memory_space<hbm>>
      tpu.enqueue_dma source(%dma_start3A_46 : memref<79x128xi32, #tpu.memory_space<hbm>>) target(%arg6 : memref<79x128xi32, #tpu.memory_space<vmem>>) target_semaphore(%run_scoped3A : memref<!tpu.dma_semaphore, #tpu.memory_space<semaphore_mem>>)
      %dma_wait3A = arith.constant 0 : i32
      %dma_wait3A_47 = arith.constant 0 : i32
      %dma_wait3A_48 = tpu.memref_slice %arg3[%add3A, %dma_wait3A, %dma_wait3A_47] : memref<32x79x128xi32, #tpu.memory_space<hbm>> -> memref<1x79x128xi32, #tpu.memory_space<hbm>>
      %dma_wait3A_49 = tpu.memref_squeeze %dma_wait3A_48 : memref<1x79x128xi32, #tpu.memory_space<hbm>> -> memref<79x128xi32, #tpu.memory_space<hbm>>
      %dma_wait3A_50 = arith.constant 0 : i32
      %dma_wait3A_51 = arith.constant 0 : i32
      %dma_wait3A_52 = tpu.memref_slice %arg3[%add3A, %dma_wait3A_50, %dma_wait3A_51] : memref<32x79x128xi32, #tpu.memory_space<hbm>> -> memref<1x79x128xi32, #tpu.memory_space<hbm>>
      %dma_wait3A_53 = tpu.memref_squeeze %dma_wait3A_52 : memref<1x79x128xi32, #tpu.memory_space<hbm>> -> memref<79x128xi32, #tpu.memory_space<hbm>>
      tpu.wait_dma2 semaphore(%run_scoped3A : memref<!tpu.dma_semaphore, #tpu.memory_space<semaphore_mem>>) src(%dma_wait3A_53 : memref<79x128xi32, #tpu.memory_space<hbm>>) dst(%arg6 : memref<79x128xi32, #tpu.memory_space<vmem>>)
      tpu.yield
    }) : () -> ()
    %dma_start3A = arith.constant 0 : i32
    %dma_start3A_1 = arith.constant 0 : i32
    %dma_start3A_2 = tpu.memref_slice %arg4[%add3A, %dma_start3A, %dma_start3A_1] : memref<32x79x128xi32, #tpu.memory_space<hbm>> -> memref<1x1x128xi32, #tpu.memory_space<hbm>>
    %dma_start3A_3 = tpu.memref_squeeze %dma_start3A_2 : memref<1x1x128xi32, #tpu.memory_space<hbm>> -> memref<128xi32, #tpu.memory_space<hbm>>
    %dma_start3A_4 = arith.constant 0 : i32
    %dma_start3A_5 = tpu.memref_slice %arg4[%add3A, %dma_start3A, %dma_start3A_4] : memref<32x79x128xi32, #tpu.memory_space<hbm>> -> memref<1x1x128xi32, #tpu.memory_space<hbm>>
    %dma_start3A_6 = tpu.memref_squeeze %dma_start3A_5 : memref<1x1x128xi32, #tpu.memory_space<hbm>> -> memref<128xi32, #tpu.memory_space<hbm>>
    tpu.enqueue_dma source(%dma_start3A_6 : memref<128xi32, #tpu.memory_space<hbm>>) target(%arg7 : memref<128xi32, #tpu.memory_space<vmem>>) target_semaphore(%arg13 : memref<!tpu.dma_semaphore, #tpu.memory_space<semaphore_mem>>)
    %dma_start3A_7 = arith.constant 0 : i32
    %dma_start3A_8 = arith.constant 0 : i32
    %dma_start3A_9 = arith.constant 0 : i32
    %dma_start3A_10 = arith.constant 0 : i32
    %dma_start3A_11 = tpu.memref_slice %arg9[%dma_start3A_8, %dma_start3A_9, %dma_start3A_10] : memref<2x128x128xf32, #tpu.memory_space<vmem>> -> memref<1x128x128xf32, #tpu.memory_space<vmem>>
    %dma_start3A_12 = tpu.memref_squeeze %dma_start3A_11 : memref<1x128x128xf32, #tpu.memory_space<vmem>> -> memref<128x128xf32, #tpu.memory_space<vmem>>
    %dma_start3A_13 = arith.constant 0 : i32
    %dma_start3A_14 = tpu.memref_slice %arg6[%dma_start3A_7, %dma_start3A_13] : memref<79x128xi32, #tpu.memory_space<vmem>> -> memref<1x128xi32, #tpu.memory_space<vmem>>
    %dma_start3A_15 = tpu.memref_squeeze %dma_start3A_14 : memref<1x128xi32, #tpu.memory_space<vmem>> -> memref<128xi32, #tpu.memory_space<vmem>>
    %dma_start3A_16 = arith.constant 0 : i32
    %dma_start3A_17 = arith.constant 0 : i32
    %dma_start3A_18 = tpu.memref_slice %arg2[%dma_start3A_16, %dma_start3A_17] : memref<10000x128xf32, #tpu.memory_space<hbm>> -> memref<10000x128xf32, #tpu.memory_space<hbm>>
    tpu.enqueue_indirect_dma source(%dma_start3A_18 : memref<10000x128xf32, #tpu.memory_space<hbm>>) target(%dma_start3A_12 : memref<128x128xf32, #tpu.memory_space<vmem>>) offsets(%dma_start3A_15 : memref<128xi32, #tpu.memory_space<vmem>>) semaphore(%arg11 : memref<!tpu.dma_semaphore, #tpu.memory_space<semaphore_mem>>)
    %broadcast_in_dim3A = arith.constant 0.000000e+00 : f32
    %broadcast_in_dim3A_19 = vector.broadcast %broadcast_in_dim3A : f32 to vector<16xf32>
    %scan3A = arith.constant 0 : i32
    %scan3A_20 = arith.constant 1024 : i32
    %scan3A_21 = arith.addi %scan3A, %scan3A_20 : i32
    %scan3A_22 = arith.constant 1 : i32
    scf.for %scan3A_39 = %scan3A to %scan3A_21 step %scan3A_22  : i32 {
      %mul3A_40 = arith.constant 1 : i32
      %mul3A_41 = arith.muli %scan3A_39, %mul3A_40 : i32
      %add3A_42 = arith.constant 0 : i32
      %add3A_43 = arith.addi %add3A_42, %mul3A_41 : i32
      %div3A = arith.constant 8 : i32
      %div3A_44 = arith.divsi %add3A_43, %div3A : i32
      %rem3A = arith.constant 8 : i32
      %rem3A_45 = arith.remsi %add3A_43, %rem3A : i32
      %mul3A_46 = arith.constant 16 : i32
      %mul3A_47 = arith.muli %rem3A_45, %mul3A_46 : i32
      %swap3A = arith.constant 1 : i32
      %swap3A_48 = arith.index_cast %swap3A : i32 to index
      %swap3A_49 = arith.index_cast %div3A_44 : i32 to index
      %swap3A_50 = arith.index_cast %mul3A_47 : i32 to index
      %swap3A_51 = tpu.vector_load %arg9[%swap3A_48, %swap3A_49, %swap3A_50] {strides = array<i32>} : memref<2x128x128xf32, #tpu.memory_space<vmem>>, vector<1x1x16xf32>,
      %swap3A_52 = vector.shape_cast %swap3A_51 : vector<1x1x16xf32> to vector<16xf32>
      %swap3A_53 = vector.shape_cast %broadcast_in_dim3A_19 : vector<16xf32> to vector<1x1x16xf32>
      tpu.vector_store %arg9[%swap3A_48, %swap3A_49, %swap3A_50], %swap3A_53 {strides = array<i32>} : memref<2x128x128xf32, #tpu.memory_space<vmem>>, vector<1x1x16xf32>,
    }
    %scan3A_23 = arith.constant 1024 : i32
    %scan3A_24 = arith.constant 0 : i32
    %scan3A_25 = arith.constant 5 : i32
    %scan3A_26 = arith.addi %scan3A_24, %scan3A_25 : i32
    %scan3A_27 = arith.constant 1 : i32
    scf.for %scan3A_39 = %scan3A_24 to %scan3A_26 step %scan3A_27  : i32 {
      %mul3A_40 = arith.constant 1 : i32
      %mul3A_41 = arith.muli %scan3A_39, %mul3A_40 : i32
      %add3A_42 = arith.constant 0 : i32
      %add3A_43 = arith.addi %add3A_42, %mul3A_41 : i32
      %mul3A_44 = arith.constant 640 : i32
      %mul3A_45 = arith.muli %arg1, %mul3A_44 : i32
      %mul3A_46 = arith.constant 128 : i32
      %mul3A_47 = arith.muli %add3A_43, %mul3A_46 : i32
      %add3A_48 = arith.addi %mul3A_45, %mul3A_47 : i32
      %run_scoped3A = arith.constant 1 : i32
      "tpu.region"() ({
        %run_scoped3A_49 = tpu.sem_alloc : memref<!tpu.dma_semaphore, #tpu.memory_space<semaphore_mem>>
        %dma_start3A_50 = arith.constant 0 : i32
        %dma_start3A_51 = arith.constant 0 : i32
        %dma_start3A_52 = tpu.memref_slice %arg9[%run_scoped3A, %dma_start3A_50, %dma_start3A_51] : memref<2x128x128xf32, #tpu.memory_space<vmem>> -> memref<1x128x128xf32, #tpu.memory_space<vmem>>
        %dma_start3A_53 = tpu.memref_squeeze %dma_start3A_52 : memref<1x128x128xf32, #tpu.memory_space<vmem>> -> memref<128x128xf32, #tpu.memory_space<vmem>>
        %dma_start3A_54 = arith.constant 0 : i32
        %dma_start3A_55 = tpu.memref_slice %arg10[%add3A_48, %dma_start3A_54] : memref<10240x128xf32, #tpu.memory_space<vmem_shared>> -> memref<128x128xf32, #tpu.memory_space<vmem_shared>>
        %dma_start3A_56 = arith.constant 0 : i32
        %dma_start3A_57 = tpu.memref_slice %arg10[%add3A_48, %dma_start3A_56] : memref<10240x128xf32, #tpu.memory_space<vmem_shared>> -> memref<128x128xf32, #tpu.memory_space<vmem_shared>>
        %dma_start3A_58 = arith.constant 0 : i32
        %dma_start3A_59 = arith.constant 0 : i32
        %dma_start3A_60 = tpu.memref_slice %arg9[%run_scoped3A, %dma_start3A_58, %dma_start3A_59] : memref<2x128x128xf32, #tpu.memory_space<vmem>> -> memref<1x128x128xf32, #tpu.memory_space<vmem>>
        %dma_start3A_61 = tpu.memref_squeeze %dma_start3A_60 : memref<1x128x128xf32, #tpu.memory_space<vmem>> -> memref<128x128xf32, #tpu.memory_space<vmem>>
        tpu.enqueue_dma source(%dma_start3A_61 : memref<128x128xf32, #tpu.memory_space<vmem>>) target(%dma_start3A_57 : memref<128x128xf32, #tpu.memory_space<vmem_shared>>) target_semaphore(%run_scoped3A_49 : memref<!tpu.dma_semaphore, #tpu.memory_space<semaphore_mem>>)
        %dma_wait3A = arith.constant 0 : i32
        %dma_wait3A_62 = arith.constant 0 : i32
        %dma_wait3A_63 = tpu.memref_slice %arg9[%run_scoped3A, %dma_wait3A, %dma_wait3A_62] : memref<2x128x128xf32, #tpu.memory_space<vmem>> -> memref<1x128x128xf32, #tpu.memory_space<vmem>>
        %dma_wait3A_64 = tpu.memref_squeeze %dma_wait3A_63 : memref<1x128x128xf32, #tpu.memory_space<vmem>> -> memref<128x128xf32, #tpu.memory_space<vmem>>
        %dma_wait3A_65 = arith.constant 0 : i32
        %dma_wait3A_66 = tpu.memref_slice %arg10[%add3A_48, %dma_wait3A_65] : memref<10240x128xf32, #tpu.memory_space<vmem_shared>> -> memref<128x128xf32, #tpu.memory_space<vmem_shared>>
        %dma_wait3A_67 = arith.constant 0 : i32
        %dma_wait3A_68 = tpu.memref_slice %arg10[%add3A_48, %dma_wait3A_67] : memref<10240x128xf32, #tpu.memory_space<vmem_shared>> -> memref<128x128xf32, #tpu.memory_space<vmem_shared>>
        %dma_wait3A_69 = arith.constant 0 : i32
        %dma_wait3A_70 = arith.constant 0 : i32
        %dma_wait3A_71 = tpu.memref_slice %arg9[%run_scoped3A, %dma_wait3A_69, %dma_wait3A_70] : memref<2x128x128xf32, #tpu.memory_space<vmem>> -> memref<1x128x128xf32, #tpu.memory_space<vmem>>
        %dma_wait3A_72 = tpu.memref_squeeze %dma_wait3A_71 : memref<1x128x128xf32, #tpu.memory_space<vmem>> -> memref<128x128xf32, #tpu.memory_space<vmem>>
        tpu.wait_dma2 semaphore(%run_scoped3A_49 : memref<!tpu.dma_semaphore, #tpu.memory_space<semaphore_mem>>) src(%dma_wait3A_72 : memref<128x128xf32, #tpu.memory_space<vmem>>) dst(%dma_wait3A_68 : memref<128x128xf32, #tpu.memory_space<vmem_shared>>)
        tpu.yield
      }) : () -> ()
    }
    %scan3A_28 = arith.constant 5 : i32
    %barrier3A = arith.constant 0 : index
    tpu.barrier barrier_id(%barrier3A)
    %scan3A_29 = arith.constant 0 : i32
    %scan3A_30 = arith.constant 40 : i32
    %scan3A_31 = arith.addi %scan3A_29, %scan3A_30 : i32
    %scan3A_32 = arith.constant 1 : i32
    scf.for %scan3A_39 = %scan3A_29 to %scan3A_31 step %scan3A_32  : i32 {
      %mul3A_40 = arith.constant 2 : i32
      %mul3A_41 = arith.muli %scan3A_39, %mul3A_40 : i32
      %add3A_42 = arith.constant 0 : i32
      %add3A_43 = arith.addi %add3A_42, %mul3A_41 : i32
      %add3A_44 = arith.constant 1 : i32
      %add3A_45 = arith.addi %add3A_43, %add3A_44 : i32
      %lt3A = arith.constant 79 : i32
      %lt3A_46 = arith.cmpi slt, %add3A_45, %lt3A : i32
      %convert_element_type3A = arith.extui %lt3A_46 : i1 to i32
      %cond3A = arith.constant 0 : i32
      %cond3A_47 = arith.cmpi ne, %convert_element_type3A, %cond3A : i32
      scf.if %cond3A_47 {
        %add3A_78 = arith.constant 1 : i32
        %add3A_79 = arith.addi %add3A_43, %add3A_78 : i32
        %dma_start3A_80 = arith.constant 0 : i32
        %dma_start3A_81 = tpu.memref_slice %arg4[%add3A, %add3A_79, %dma_start3A_80] : memref<32x79x128xi32, #tpu.memory_space<hbm>> -> memref<1x1x128xi32, #tpu.memory_space<hbm>>
        %dma_start3A_82 = tpu.memref_squeeze %dma_start3A_81 : memref<1x1x128xi32, #tpu.memory_space<hbm>> -> memref<128xi32, #tpu.memory_space<hbm>>
        %dma_start3A_83 = arith.constant 0 : i32
        %dma_start3A_84 = tpu.memref_slice %arg4[%add3A, %add3A_79, %dma_start3A_83] : memref<32x79x128xi32, #tpu.memory_space<hbm>> -> memref<1x1x128xi32, #tpu.memory_space<hbm>>
        %dma_start3A_85 = tpu.memref_squeeze %dma_start3A_84 : memref<1x1x128xi32, #tpu.memory_space<hbm>> -> memref<128xi32, #tpu.memory_space<hbm>>
        tpu.enqueue_dma source(%dma_start3A_85 : memref<128xi32, #tpu.memory_space<hbm>>) target(%arg8 : memref<128xi32, #tpu.memory_space<vmem>>) target_semaphore(%arg14 : memref<!tpu.dma_semaphore, #tpu.memory_space<semaphore_mem>>)
        %add3A_86 = arith.constant 1 : i32
        %add3A_87 = arith.addi %add3A_43, %add3A_86 : i32
        %dma_start3A_88 = arith.constant 1 : i32
        %dma_start3A_89 = arith.constant 0 : i32
        %dma_start3A_90 = arith.constant 0 : i32
        %dma_start3A_91 = tpu.memref_slice %arg9[%dma_start3A_88, %dma_start3A_89, %dma_start3A_90] : memref<2x128x128xf32, #tpu.memory_space<vmem>> -> memref<1x128x128xf32, #tpu.memory_space<vmem>>
        %dma_start3A_92 = tpu.memref_squeeze %dma_start3A_91 : memref<1x128x128xf32, #tpu.memory_space<vmem>> -> memref<128x128xf32, #tpu.memory_space<vmem>>
        %dma_start3A_93 = arith.constant 0 : i32
        %dma_start3A_94 = tpu.memref_slice %arg6[%add3A_87, %dma_start3A_93] : memref<79x128xi32, #tpu.memory_space<vmem>> -> memref<1x128xi32, #tpu.memory_space<vmem>>
        %dma_start3A_95 = tpu.memref_squeeze %dma_start3A_94 : memref<1x128xi32, #tpu.memory_space<vmem>> -> memref<128xi32, #tpu.memory_space<vmem>>
        %dma_start3A_96 = arith.constant 0 : i32
        %dma_start3A_97 = arith.constant 0 : i32
        %dma_start3A_98 = tpu.memref_slice %arg2[%dma_start3A_96, %dma_start3A_97] : memref<10000x128xf32, #tpu.memory_space<hbm>> -> memref<10000x128xf32, #tpu.memory_space<hbm>>
        tpu.enqueue_indirect_dma source(%dma_start3A_98 : memref<10000x128xf32, #tpu.memory_space<hbm>>) target(%dma_start3A_92 : memref<128x128xf32, #tpu.memory_space<vmem>>) offsets(%dma_start3A_95 : memref<128xi32, #tpu.memory_space<vmem>>) semaphore(%arg12 : memref<!tpu.dma_semaphore, #tpu.memory_space<semaphore_mem>>)
      } else {
      }
      %dma_wait3A = arith.constant 0 : i32
      %dma_wait3A_48 = arith.constant 0 : i32
      %dma_wait3A_49 = arith.constant 0 : i32
      %dma_wait3A_50 = tpu.memref_slice %arg9[%dma_wait3A, %dma_wait3A_48, %dma_wait3A_49] : memref<2x128x128xf32, #tpu.memory_space<vmem>> -> memref<1x128x128xf32, #tpu.memory_space<vmem>>
      %dma_wait3A_51 = tpu.memref_squeeze %dma_wait3A_50 : memref<1x128x128xf32, #tpu.memory_space<vmem>> -> memref<128x128xf32, #tpu.memory_space<vmem>>
      %dma_wait3A_52 = arith.constant 0 : i32
      %dma_wait3A_53 = tpu.memref_slice %arg6[%add3A_43, %dma_wait3A_52] : memref<79x128xi32, #tpu.memory_space<vmem>> -> memref<1x128xi32, #tpu.memory_space<vmem>>
      %dma_wait3A_54 = tpu.memref_squeeze %dma_wait3A_53 : memref<1x128xi32, #tpu.memory_space<vmem>> -> memref<128xi32, #tpu.memory_space<vmem>>
      %dma_wait3A_55 = arith.constant 0 : i32
      %dma_wait3A_56 = arith.constant 0 : i32
      %dma_wait3A_57 = tpu.memref_slice %arg2[%dma_wait3A_55, %dma_wait3A_56] : memref<10000x128xf32, #tpu.memory_space<hbm>> -> memref<10000x128xf32, #tpu.memory_space<hbm>>
      tpu.wait_indirect_dma semaphore(%arg11 : memref<!tpu.dma_semaphore, #tpu.memory_space<semaphore_mem>>) src(%dma_wait3A_57 : memref<10000x128xf32, #tpu.memory_space<hbm>>) dst(%dma_wait3A_51 : memref<128x128xf32, #tpu.memory_space<vmem>>)
      %dma_wait3A_58 = arith.constant 0 : i32
      %dma_wait3A_59 = tpu.memref_slice %arg4[%add3A, %add3A_43, %dma_wait3A_58] : memref<32x79x128xi32, #tpu.memory_space<hbm>> -> memref<1x1x128xi32, #tpu.memory_space<hbm>>
      %dma_wait3A_60 = tpu.memref_squeeze %dma_wait3A_59 : memref<1x1x128xi32, #tpu.memory_space<hbm>> -> memref<128xi32, #tpu.memory_space<hbm>>
      %dma_wait3A_61 = arith.constant 0 : i32
      %dma_wait3A_62 = tpu.memref_slice %arg4[%add3A, %add3A_43, %dma_wait3A_61] : memref<32x79x128xi32, #tpu.memory_space<hbm>> -> memref<1x1x128xi32, #tpu.memory_space<hbm>>
      %dma_wait3A_63 = tpu.memref_squeeze %dma_wait3A_62 : memref<1x1x128xi32, #tpu.memory_space<hbm>> -> memref<128xi32, #tpu.memory_space<hbm>>
      tpu.wait_dma2 semaphore(%arg13 : memref<!tpu.dma_semaphore, #tpu.memory_space<semaphore_mem>>) src(%dma_wait3A_63 : memref<128xi32, #tpu.memory_space<hbm>>) dst(%arg7 : memref<128xi32, #tpu.memory_space<vmem>>)
      %run_scoped3A = arith.constant 0 : i32
      "tpu.region"() ({
        %run_scoped3A_78 = tpu.sem_alloc : memref<!tpu.dma_semaphore, #tpu.memory_space<semaphore_mem>>
        %dma_start3A_79 = arith.constant 0 : i32
        %dma_start3A_80 = arith.constant 0 : i32
        %dma_start3A_81 = tpu.memref_slice %arg9[%run_scoped3A, %dma_start3A_79, %dma_start3A_80] : memref<2x128x128xf32, #tpu.memory_space<vmem>> -> memref<1x128x128xf32, #tpu.memory_space<vmem>>
        %dma_start3A_82 = tpu.memref_squeeze %dma_start3A_81 : memref<1x128x128xf32, #tpu.memory_space<vmem>> -> memref<128x128xf32, #tpu.memory_space<vmem>>
        %dma_start3A_83 = arith.constant 0 : i32
        %dma_start3A_84 = arith.constant 0 : i32
        %dma_start3A_85 = tpu.memref_slice %arg10[%dma_start3A_83, %dma_start3A_84] : memref<10240x128xf32, #tpu.memory_space<vmem_shared>> -> memref<10240x128xf32, #tpu.memory_space<vmem_shared>>
        tpu.enqueue_indirect_dma source(%dma_start3A_82 : memref<128x128xf32, #tpu.memory_space<vmem>>) target(%dma_start3A_85 : memref<10240x128xf32, #tpu.memory_space<vmem_shared>>) offsets(%arg7 : memref<128xi32, #tpu.memory_space<vmem>>) semaphore(%run_scoped3A_78 : memref<!tpu.dma_semaphore, #tpu.memory_space<semaphore_mem>>) {add = true}
        %dma_wait3A_86 = arith.constant 0 : i32
        %dma_wait3A_87 = arith.constant 0 : i32
        %dma_wait3A_88 = tpu.memref_slice %arg9[%run_scoped3A, %dma_wait3A_86, %dma_wait3A_87] : memref<2x128x128xf32, #tpu.memory_space<vmem>> -> memref<1x128x128xf32, #tpu.memory_space<vmem>>
        %dma_wait3A_89 = tpu.memref_squeeze %dma_wait3A_88 : memref<1x128x128xf32, #tpu.memory_space<vmem>> -> memref<128x128xf32, #tpu.memory_space<vmem>>
        %dma_wait3A_90 = arith.constant 0 : i32
        %dma_wait3A_91 = arith.constant 0 : i32
        %dma_wait3A_92 = tpu.memref_slice %arg10[%dma_wait3A_90, %dma_wait3A_91] : memref<10240x128xf32, #tpu.memory_space<vmem_shared>> -> memref<10240x128xf32, #tpu.memory_space<vmem_shared>>
        tpu.wait_indirect_dma semaphore(%run_scoped3A_78 : memref<!tpu.dma_semaphore, #tpu.memory_space<semaphore_mem>>) src(%dma_wait3A_89 : memref<128x128xf32, #tpu.memory_space<vmem>>) dst(%dma_wait3A_92 : memref<10240x128xf32, #tpu.memory_space<vmem_shared>>)
        tpu.yield
      }) : () -> ()
      %add3A_64 = arith.constant 2 : i32
      %add3A_65 = arith.addi %add3A_43, %add3A_64 : i32
      %lt3A_66 = arith.constant 79 : i32
      %lt3A_67 = arith.cmpi slt, %add3A_65, %lt3A_66 : i32
      %convert_element_type3A_68 = arith.extui %lt3A_67 : i1 to i32
      %cond3A_69 = arith.constant 0 : i32
      %cond3A_70 = arith.cmpi ne, %convert_element_type3A_68, %cond3A_69 : i32
      scf.if %cond3A_70 {
        %add3A_78 = arith.constant 2 : i32
        %add3A_79 = arith.addi %add3A_43, %add3A_78 : i32
        %dma_start3A_80 = arith.constant 0 : i32
        %dma_start3A_81 = tpu.memref_slice %arg4[%add3A, %add3A_79, %dma_start3A_80] : memref<32x79x128xi32, #tpu.memory_space<hbm>> -> memref<1x1x128xi32, #tpu.memory_space<hbm>>
        %dma_start3A_82 = tpu.memref_squeeze %dma_start3A_81 : memref<1x1x128xi32, #tpu.memory_space<hbm>> -> memref<128xi32, #tpu.memory_space<hbm>>
        %dma_start3A_83 = arith.constant 0 : i32
        %dma_start3A_84 = tpu.memref_slice %arg4[%add3A, %add3A_79, %dma_start3A_83] : memref<32x79x128xi32, #tpu.memory_space<hbm>> -> memref<1x1x128xi32, #tpu.memory_space<hbm>>
        %dma_start3A_85 = tpu.memref_squeeze %dma_start3A_84 : memref<1x1x128xi32, #tpu.memory_space<hbm>> -> memref<128xi32, #tpu.memory_space<hbm>>
        tpu.enqueue_dma source(%dma_start3A_85 : memref<128xi32, #tpu.memory_space<hbm>>) target(%arg7 : memref<128xi32, #tpu.memory_space<vmem>>) target_semaphore(%arg13 : memref<!tpu.dma_semaphore, #tpu.memory_space<semaphore_mem>>)
        %add3A_86 = arith.constant 2 : i32
        %add3A_87 = arith.addi %add3A_43, %add3A_86 : i32
        %dma_start3A_88 = arith.constant 0 : i32
        %dma_start3A_89 = arith.constant 0 : i32
        %dma_start3A_90 = arith.constant 0 : i32
        %dma_start3A_91 = tpu.memref_slice %arg9[%dma_start3A_88, %dma_start3A_89, %dma_start3A_90] : memref<2x128x128xf32, #tpu.memory_space<vmem>> -> memref<1x128x128xf32, #tpu.memory_space<vmem>>
        %dma_start3A_92 = tpu.memref_squeeze %dma_start3A_91 : memref<1x128x128xf32, #tpu.memory_space<vmem>> -> memref<128x128xf32, #tpu.memory_space<vmem>>
        %dma_start3A_93 = arith.constant 0 : i32
        %dma_start3A_94 = tpu.memref_slice %arg6[%add3A_87, %dma_start3A_93] : memref<79x128xi32, #tpu.memory_space<vmem>> -> memref<1x128xi32, #tpu.memory_space<vmem>>
        %dma_start3A_95 = tpu.memref_squeeze %dma_start3A_94 : memref<1x128xi32, #tpu.memory_space<vmem>> -> memref<128xi32, #tpu.memory_space<vmem>>
        %dma_start3A_96 = arith.constant 0 : i32
        %dma_start3A_97 = arith.constant 0 : i32
        %dma_start3A_98 = tpu.memref_slice %arg2[%dma_start3A_96, %dma_start3A_97] : memref<10000x128xf32, #tpu.memory_space<hbm>> -> memref<10000x128xf32, #tpu.memory_space<hbm>>
        tpu.enqueue_indirect_dma source(%dma_start3A_98 : memref<10000x128xf32, #tpu.memory_space<hbm>>) target(%dma_start3A_92 : memref<128x128xf32, #tpu.memory_space<vmem>>) offsets(%dma_start3A_95 : memref<128xi32, #tpu.memory_space<vmem>>) semaphore(%arg11 : memref<!tpu.dma_semaphore, #tpu.memory_space<semaphore_mem>>)
      } else {
      }
      %add3A_71 = arith.constant 1 : i32
      %add3A_72 = arith.addi %add3A_43, %add3A_71 : i32
      %lt3A_73 = arith.constant 79 : i32
      %lt3A_74 = arith.cmpi slt, %add3A_72, %lt3A_73 : i32
      %convert_element_type3A_75 = arith.extui %lt3A_74 : i1 to i32
      %cond3A_76 = arith.constant 0 : i32
      %cond3A_77 = arith.cmpi ne, %convert_element_type3A_75, %cond3A_76 : i32
      scf.if %cond3A_77 {
        %add3A_78 = arith.constant 1 : i32
        %add3A_79 = arith.addi %add3A_43, %add3A_78 : i32
        %dma_wait3A_80 = arith.constant 1 : i32
        %dma_wait3A_81 = arith.constant 0 : i32
        %dma_wait3A_82 = arith.constant 0 : i32
        %dma_wait3A_83 = tpu.memref_slice %arg9[%dma_wait3A_80, %dma_wait3A_81, %dma_wait3A_82] : memref<2x128x128xf32, #tpu.memory_space<vmem>> -> memref<1x128x128xf32, #tpu.memory_space<vmem>>
        %dma_wait3A_84 = tpu.memref_squeeze %dma_wait3A_83 : memref<1x128x128xf32, #tpu.memory_space<vmem>> -> memref<128x128xf32, #tpu.memory_space<vmem>>
        %dma_wait3A_85 = arith.constant 0 : i32
        %dma_wait3A_86 = tpu.memref_slice %arg6[%add3A_79, %dma_wait3A_85] : memref<79x128xi32, #tpu.memory_space<vmem>> -> memref<1x128xi32, #tpu.memory_space<vmem>>
        %dma_wait3A_87 = tpu.memref_squeeze %dma_wait3A_86 : memref<1x128xi32, #tpu.memory_space<vmem>> -> memref<128xi32, #tpu.memory_space<vmem>>
        %dma_wait3A_88 = arith.constant 0 : i32
        %dma_wait3A_89 = arith.constant 0 : i32
        %dma_wait3A_90 = tpu.memref_slice %arg2[%dma_wait3A_88, %dma_wait3A_89] : memref<10000x128xf32, #tpu.memory_space<hbm>> -> memref<10000x128xf32, #tpu.memory_space<hbm>>
        tpu.wait_indirect_dma semaphore(%arg12 : memref<!tpu.dma_semaphore, #tpu.memory_space<semaphore_mem>>) src(%dma_wait3A_90 : memref<10000x128xf32, #tpu.memory_space<hbm>>) dst(%dma_wait3A_84 : memref<128x128xf32, #tpu.memory_space<vmem>>)
        %add3A_91 = arith.constant 1 : i32
        %add3A_92 = arith.addi %add3A_43, %add3A_91 : i32
        %dma_wait3A_93 = arith.constant 0 : i32
        %dma_wait3A_94 = tpu.memref_slice %arg4[%add3A, %add3A_92, %dma_wait3A_93] : memref<32x79x128xi32, #tpu.memory_space<hbm>> -> memref<1x1x128xi32, #tpu.memory_space<hbm>>
        %dma_wait3A_95 = tpu.memref_squeeze %dma_wait3A_94 : memref<1x1x128xi32, #tpu.memory_space<hbm>> -> memref<128xi32, #tpu.memory_space<hbm>>
        %dma_wait3A_96 = arith.constant 0 : i32
        %dma_wait3A_97 = tpu.memref_slice %arg4[%add3A, %add3A_92, %dma_wait3A_96] : memref<32x79x128xi32, #tpu.memory_space<hbm>> -> memref<1x1x128xi32, #tpu.memory_space<hbm>>
        %dma_wait3A_98 = tpu.memref_squeeze %dma_wait3A_97 : memref<1x1x128xi32, #tpu.memory_space<hbm>> -> memref<128xi32, #tpu.memory_space<hbm>>
        tpu.wait_dma2 semaphore(%arg14 : memref<!tpu.dma_semaphore, #tpu.memory_space<semaphore_mem>>) src(%dma_wait3A_98 : memref<128xi32, #tpu.memory_space<hbm>>) dst(%arg8 : memref<128xi32, #tpu.memory_space<vmem>>)
        %run_scoped3A_99 = arith.constant 1 : i32
        "tpu.region"() ({
          %run_scoped3A_100 = tpu.sem_alloc : memref<!tpu.dma_semaphore, #tpu.memory_space<semaphore_mem>>
          %dma_start3A_101 = arith.constant 0 : i32
          %dma_start3A_102 = arith.constant 0 : i32
          %dma_start3A_103 = tpu.memref_slice %arg9[%run_scoped3A_99, %dma_start3A_101, %dma_start3A_102] : memref<2x128x128xf32, #tpu.memory_space<vmem>> -> memref<1x128x128xf32, #tpu.memory_space<vmem>>
          %dma_start3A_104 = tpu.memref_squeeze %dma_start3A_103 : memref<1x128x128xf32, #tpu.memory_space<vmem>> -> memref<128x128xf32, #tpu.memory_space<vmem>>
          %dma_start3A_105 = arith.constant 0 : i32
          %dma_start3A_106 = arith.constant 0 : i32
          %dma_start3A_107 = tpu.memref_slice %arg10[%dma_start3A_105, %dma_start3A_106] : memref<10240x128xf32, #tpu.memory_space<vmem_shared>> -> memref<10240x128xf32, #tpu.memory_space<vmem_shared>>
          tpu.enqueue_indirect_dma source(%dma_start3A_104 : memref<128x128xf32, #tpu.memory_space<vmem>>) target(%dma_start3A_107 : memref<10240x128xf32, #tpu.memory_space<vmem_shared>>) offsets(%arg8 : memref<128xi32, #tpu.memory_space<vmem>>) semaphore(%run_scoped3A_100 : memref<!tpu.dma_semaphore, #tpu.memory_space<semaphore_mem>>) {add = true}
          %dma_wait3A_108 = arith.constant 0 : i32
          %dma_wait3A_109 = arith.constant 0 : i32
          %dma_wait3A_110 = tpu.memref_slice %arg9[%run_scoped3A_99, %dma_wait3A_108, %dma_wait3A_109] : memref<2x128x128xf32, #tpu.memory_space<vmem>> -> memref<1x128x128xf32, #tpu.memory_space<vmem>>
          %dma_wait3A_111 = tpu.memref_squeeze %dma_wait3A_110 : memref<1x128x128xf32, #tpu.memory_space<vmem>> -> memref<128x128xf32, #tpu.memory_space<vmem>>
          %dma_wait3A_112 = arith.constant 0 : i32
          %dma_wait3A_113 = arith.constant 0 : i32
          %dma_wait3A_114 = tpu.memref_slice %arg10[%dma_wait3A_112, %dma_wait3A_113] : memref<10240x128xf32, #tpu.memory_space<vmem_shared>> -> memref<10240x128xf32, #tpu.memory_space<vmem_shared>>
          tpu.wait_indirect_dma semaphore(%run_scoped3A_100 : memref<!tpu.dma_semaphore, #tpu.memory_space<semaphore_mem>>) src(%dma_wait3A_111 : memref<128x128xf32, #tpu.memory_space<vmem>>) dst(%dma_wait3A_114 : memref<10240x128xf32, #tpu.memory_space<vmem_shared>>)
          tpu.yield
        }) : () -> ()
      } else {
      }
    }
    %scan3A_33 = arith.constant 40 : i32
    %barrier3A_34 = arith.constant 0 : index
    tpu.barrier barrier_id(%barrier3A_34)
    %mul3A_35 = arith.constant 640 : i32
    %mul3A_36 = arith.muli %arg1, %mul3A_35 : i32
    %mul3A_37 = arith.constant 640 : i32
    %mul3A_38 = arith.muli %arg1, %mul3A_37 : i32
    "tpu.region"() ({
      %run_scoped3A = tpu.sem_alloc : memref<!tpu.dma_semaphore, #tpu.memory_space<semaphore_mem>>
      %dma_start3A_39 = arith.constant 0 : i32
      %dma_start3A_40 = tpu.memref_slice %arg5[%arg0, %mul3A_38, %dma_start3A_39] : memref<2x10240x128xf32, #tpu.memory_space<hbm>> -> memref<1x640x128xf32, #tpu.memory_space<hbm>>
      %dma_start3A_41 = tpu.memref_squeeze %dma_start3A_40 : memref<1x640x128xf32, #tpu.memory_space<hbm>> -> memref<640x128xf32, #tpu.memory_space<hbm>>
      %dma_start3A_42 = arith.constant 0 : i32
      %dma_start3A_43 = tpu.memref_slice %arg10[%mul3A_36, %dma_start3A_42] : memref<10240x128xf32, #tpu.memory_space<vmem_shared>> -> memref<640x128xf32, #tpu.memory_space<vmem_shared>>
      tpu.enqueue_dma source(%dma_start3A_43 : memref<640x128xf32, #tpu.memory_space<vmem_shared>>) target(%dma_start3A_41 : memref<640x128xf32, #tpu.memory_space<hbm>>) target_semaphore(%run_scoped3A : memref<!tpu.dma_semaphore, #tpu.memory_space<semaphore_mem>>)
      %dma_wait3A = arith.constant 0 : i32
      %dma_wait3A_44 = tpu.memref_slice %arg5[%arg0, %mul3A_38, %dma_wait3A] : memref<2x10240x128xf32, #tpu.memory_space<hbm>> -> memref<1x640x128xf32, #tpu.memory_space<hbm>>
      %dma_wait3A_45 = tpu.memref_squeeze %dma_wait3A_44 : memref<1x640x128xf32, #tpu.memory_space<hbm>> -> memref<640x128xf32, #tpu.memory_space<hbm>>
      %dma_wait3A_46 = arith.constant 0 : i32
      %dma_wait3A_47 = tpu.memref_slice %arg10[%mul3A_36, %dma_wait3A_46] : memref<10240x128xf32, #tpu.memory_space<vmem_shared>> -> memref<640x128xf32, #tpu.memory_space<vmem_shared>>
      tpu.wait_dma2 semaphore(%run_scoped3A : memref<!tpu.dma_semaphore, #tpu.memory_space<semaphore_mem>>) src(%dma_wait3A_47 : memref<640x128xf32, #tpu.memory_space<vmem_shared>>) dst(%dma_wait3A_45 : memref<640x128xf32, #tpu.memory_space<hbm>>)
      tpu.yield
    }) : () -> ()
    return
  }
}

#map = affine_map<(d0, d1) -> (0, 0)>
#map1 = affine_map<(d0, d1) -> (0, 0, 0)>
module attributes {stable_mosaic.version = 14 : i64} {
  func.func @k(%arg0: i32, %arg1: i32, %arg2: memref<10000x128xf32, #tpu.memory_space<hbm>>, %arg3: memref<32x79x128xi32, #tpu.memory_space<hbm>>, %arg4: memref<32x79x128xi32, #tpu.memory_space<hbm>>, %arg5: memref<2x10240x128xf32, #tpu.memory_space<hbm>>, %arg6: memref<79x128xi32, #tpu.memory_space<vmem>>, %arg7: memref<128xi32, #tpu.memory_space<vmem>>, %arg8: memref<128xi32, #tpu.memory_space<vmem>>, %arg9: memref<2x128x128xf32, #tpu.memory_space<vmem>>, %arg10: memref<10240x128xf32, #tpu.memory_space<vmem_shared>>, %arg11: memref<!tpu.dma_semaphore, #tpu.memory_space<semaphore_mem>>, %arg12: memref<!tpu.dma_semaphore, #tpu.memory_space<semaphore_mem>>, %arg13: memref<!tpu.dma_semaphore, #tpu.memory_space<semaphore_mem>>, %arg14: memref<!tpu.dma_semaphore, #tpu.memory_space<semaphore_mem>>) attributes {dimension_semantics = [#tpu.dimension_semantics<core_parallel>, #tpu.dimension_semantics<subcore_parallel>], iteration_bounds = array<i64: 2, 16>, scalar_prefetch = 0 : i64, scratch_operands = 9 : i64, tpu.core_type = #tpu.core_type<sc_vector_subcore>, window_params = [{transform_indices = #map}, {transform_indices = #map1}, {transform_indices = #map1}, {transform_indices = #map1}]} {
    %mul3A = arith.constant 16 : i32
    %mul3A_0 = arith.muli %arg0, %mul3A : i32
    %add3A = arith.addi %mul3A_0, %arg1 : i32
    "tpu.region"() ({
      %run_scoped3A = tpu.sem_alloc : memref<!tpu.dma_semaphore, #tpu.memory_space<semaphore_mem>>
      %dma_start3A_39 = arith.constant 0 : i32
      %dma_start3A_40 = arith.constant 0 : i32
      %dma_start3A_41 = tpu.memref_slice %arg3[%add3A, %dma_start3A_39, %dma_start3A_40] : memref<32x79x128xi32, #tpu.memory_space<hbm>> -> memref<1x79x128xi32, #tpu.memory_space<hbm>>
      %dma_start3A_42 = tpu.memref_squeeze %dma_start3A_41 : memref<1x79x128xi32, #tpu.memory_space<hbm>> -> memref<79x128xi32, #tpu.memory_space<hbm>>
      %dma_start3A_43 = arith.constant 0 : i32
      %dma_start3A_44 = arith.constant 0 : i32
      %dma_start3A_45 = tpu.memref_slice %arg3[%add3A, %dma_start3A_43, %dma_start3A_44] : memref<32x79x128xi32, #tpu.memory_space<hbm>> -> memref<1x79x128xi32, #tpu.memory_space<hbm>>
      %dma_start3A_46 = tpu.memref_squeeze %dma_start3A_45 : memref<1x79x128xi32, #tpu.memory_space<hbm>> -> memref<79x128xi32, #tpu.memory_space<hbm>>
      tpu.enqueue_dma source(%dma_start3A_46 : memref<79x128xi32, #tpu.memory_space<hbm>>) target(%arg6 : memref<79x128xi32, #tpu.memory_space<vmem>>) target_semaphore(%run_scoped3A : memref<!tpu.dma_semaphore, #tpu.memory_space<semaphore_mem>>)
      %dma_wait3A = arith.constant 0 : i32
      %dma_wait3A_47 = arith.constant 0 : i32
      %dma_wait3A_48 = tpu.memref_slice %arg3[%add3A, %dma_wait3A, %dma_wait3A_47] : memref<32x79x128xi32, #tpu.memory_space<hbm>> -> memref<1x79x128xi32, #tpu.memory_space<hbm>>
      %dma_wait3A_49 = tpu.memref_squeeze %dma_wait3A_48 : memref<1x79x128xi32, #tpu.memory_space<hbm>> -> memref<79x128xi32, #tpu.memory_space<hbm>>
      %dma_wait3A_50 = arith.constant 0 : i32
      %dma_wait3A_51 = arith.constant 0 : i32
      %dma_wait3A_52 = tpu.memref_slice %arg3[%add3A, %dma_wait3A_50, %dma_wait3A_51] : memref<32x79x128xi32, #tpu.memory_space<hbm>> -> memref<1x79x128xi32, #tpu.memory_space<hbm>>
      %dma_wait3A_53 = tpu.memref_squeeze %dma_wait3A_52 : memref<1x79x128xi32, #tpu.memory_space<hbm>> -> memref<79x128xi32, #tpu.memory_space<hbm>>
      tpu.wait_dma2 semaphore(%run_scoped3A : memref<!tpu.dma_semaphore, #tpu.memory_space<semaphore_mem>>) src(%dma_wait3A_53 : memref<79x128xi32, #tpu.memory_space<hbm>>) dst(%arg6 : memref<79x128xi32, #tpu.memory_space<vmem>>)
      tpu.yield
    }) : () -> ()
    %dma_start3A = arith.constant 0 : i32
    %dma_start3A_1 = arith.constant 0 : i32
    %dma_start3A_2 = tpu.memref_slice %arg4[%add3A, %dma_start3A, %dma_start3A_1] : memref<32x79x128xi32, #tpu.memory_space<hbm>> -> memref<1x1x128xi32, #tpu.memory_space<hbm>>
    %dma_start3A_3 = tpu.memref_squeeze %dma_start3A_2 : memref<1x1x128xi32, #tpu.memory_space<hbm>> -> memref<128xi32, #tpu.memory_space<hbm>>
    %dma_start3A_4 = arith.constant 0 : i32
    %dma_start3A_5 = tpu.memref_slice %arg4[%add3A, %dma_start3A, %dma_start3A_4] : memref<32x79x128xi32, #tpu.memory_space<hbm>> -> memref<1x1x128xi32, #tpu.memory_space<hbm>>
    %dma_start3A_6 = tpu.memref_squeeze %dma_start3A_5 : memref<1x1x128xi32, #tpu.memory_space<hbm>> -> memref<128xi32, #tpu.memory_space<hbm>>
    tpu.enqueue_dma source(%dma_start3A_6 : memref<128xi32, #tpu.memory_space<hbm>>) target(%arg7 : memref<128xi32, #tpu.memory_space<vmem>>) target_semaphore(%arg13 : memref<!tpu.dma_semaphore, #tpu.memory_space<semaphore_mem>>)
    %dma_start3A_7 = arith.constant 0 : i32
    %dma_start3A_8 = arith.constant 0 : i32
    %dma_start3A_9 = arith.constant 0 : i32
    %dma_start3A_10 = arith.constant 0 : i32
    %dma_start3A_11 = tpu.memref_slice %arg9[%dma_start3A_8, %dma_start3A_9, %dma_start3A_10] : memref<2x128x128xf32, #tpu.memory_space<vmem>> -> memref<1x128x128xf32, #tpu.memory_space<vmem>>
    %dma_start3A_12 = tpu.memref_squeeze %dma_start3A_11 : memref<1x128x128xf32, #tpu.memory_space<vmem>> -> memref<128x128xf32, #tpu.memory_space<vmem>>
    %dma_start3A_13 = arith.constant 0 : i32
    %dma_start3A_14 = tpu.memref_slice %arg6[%dma_start3A_7, %dma_start3A_13] : memref<79x128xi32, #tpu.memory_space<vmem>> -> memref<1x128xi32, #tpu.memory_space<vmem>>
    %dma_start3A_15 = tpu.memref_squeeze %dma_start3A_14 : memref<1x128xi32, #tpu.memory_space<vmem>> -> memref<128xi32, #tpu.memory_space<vmem>>
    %dma_start3A_16 = arith.constant 0 : i32
    %dma_start3A_17 = arith.constant 0 : i32
    %dma_start3A_18 = tpu.memref_slice %arg2[%dma_start3A_16, %dma_start3A_17] : memref<10000x128xf32, #tpu.memory_space<hbm>> -> memref<10000x128xf32, #tpu.memory_space<hbm>>
    tpu.enqueue_indirect_dma source(%dma_start3A_18 : memref<10000x128xf32, #tpu.memory_space<hbm>>) target(%dma_start3A_12 : memref<128x128xf32, #tpu.memory_space<vmem>>) offsets(%dma_start3A_15 : memref<128xi32, #tpu.memory_space<vmem>>) semaphore(%arg11 : memref<!tpu.dma_semaphore, #tpu.memory_space<semaphore_mem>>)
    %broadcast_in_dim3A = arith.constant 0.000000e+00 : f32
    %broadcast_in_dim3A_19 = vector.broadcast %broadcast_in_dim3A : f32 to vector<16xf32>
    %scan3A = arith.constant 0 : i32
    %scan3A_20 = arith.constant 1024 : i32
    %scan3A_21 = arith.addi %scan3A, %scan3A_20 : i32
    %scan3A_22 = arith.constant 1 : i32
    scf.for %scan3A_39 = %scan3A to %scan3A_21 step %scan3A_22  : i32 {
      %mul3A_40 = arith.constant 1 : i32
      %mul3A_41 = arith.muli %scan3A_39, %mul3A_40 : i32
      %add3A_42 = arith.constant 0 : i32
      %add3A_43 = arith.addi %add3A_42, %mul3A_41 : i32
      %div3A = arith.constant 8 : i32
      %div3A_44 = arith.divsi %add3A_43, %div3A : i32
      %rem3A = arith.constant 8 : i32
      %rem3A_45 = arith.remsi %add3A_43, %rem3A : i32
      %mul3A_46 = arith.constant 16 : i32
      %mul3A_47 = arith.muli %rem3A_45, %mul3A_46 : i32
      %swap3A = arith.constant 1 : i32
      %swap3A_48 = arith.index_cast %swap3A : i32 to index
      %swap3A_49 = arith.index_cast %div3A_44 : i32 to index
      %swap3A_50 = arith.index_cast %mul3A_47 : i32 to index
      %swap3A_51 = tpu.vector_load %arg9[%swap3A_48, %swap3A_49, %swap3A_50] {strides = array<i32>} : memref<2x128x128xf32, #tpu.memory_space<vmem>>, vector<1x1x16xf32>,
      %swap3A_52 = vector.shape_cast %swap3A_51 : vector<1x1x16xf32> to vector<16xf32>
      %swap3A_53 = vector.shape_cast %broadcast_in_dim3A_19 : vector<16xf32> to vector<1x1x16xf32>
      tpu.vector_store %arg9[%swap3A_48, %swap3A_49, %swap3A_50], %swap3A_53 {strides = array<i32>} : memref<2x128x128xf32, #tpu.memory_space<vmem>>, vector<1x1x16xf32>,
    }
    %scan3A_23 = arith.constant 1024 : i32
    %scan3A_24 = arith.constant 0 : i32
    %scan3A_25 = arith.constant 5 : i32
    %scan3A_26 = arith.addi %scan3A_24, %scan3A_25 : i32
    %scan3A_27 = arith.constant 1 : i32
    scf.for %scan3A_39 = %scan3A_24 to %scan3A_26 step %scan3A_27  : i32 {
      %mul3A_40 = arith.constant 1 : i32
      %mul3A_41 = arith.muli %scan3A_39, %mul3A_40 : i32
      %add3A_42 = arith.constant 0 : i32
      %add3A_43 = arith.addi %add3A_42, %mul3A_41 : i32
      %mul3A_44 = arith.constant 640 : i32
      %mul3A_45 = arith.muli %arg1, %mul3A_44 : i32
      %mul3A_46 = arith.constant 128 : i32
      %mul3A_47 = arith.muli %add3A_43, %mul3A_46 : i32
      %add3A_48 = arith.addi %mul3A_45, %mul3A_47 : i32
      %run_scoped3A = arith.constant 1 : i32
      "tpu.region"() ({
        %run_scoped3A_49 = tpu.sem_alloc : memref<!tpu.dma_semaphore, #tpu.memory_space<semaphore_mem>>
        %dma_start3A_50 = arith.constant 0 : i32
        %dma_start3A_51 = arith.constant 0 : i32
        %dma_start3A_52 = tpu.memref_slice %arg9[%run_scoped3A, %dma_start3A_50, %dma_start3A_51] : memref<2x128x128xf32, #tpu.memory_space<vmem>> -> memref<1x128x128xf32, #tpu.memory_space<vmem>>
        %dma_start3A_53 = tpu.memref_squeeze %dma_start3A_52 : memref<1x128x128xf32, #tpu.memory_space<vmem>> -> memref<128x128xf32, #tpu.memory_space<vmem>>
        %dma_start3A_54 = arith.constant 0 : i32
        %dma_start3A_55 = tpu.memref_slice %arg10[%add3A_48, %dma_start3A_54] : memref<10240x128xf32, #tpu.memory_space<vmem_shared>> -> memref<128x128xf32, #tpu.memory_space<vmem_shared>>
        %dma_start3A_56 = arith.constant 0 : i32
        %dma_start3A_57 = tpu.memref_slice %arg10[%add3A_48, %dma_start3A_56] : memref<10240x128xf32, #tpu.memory_space<vmem_shared>> -> memref<128x128xf32, #tpu.memory_space<vmem_shared>>
        %dma_start3A_58 = arith.constant 0 : i32
        %dma_start3A_59 = arith.constant 0 : i32
        %dma_start3A_60 = tpu.memref_slice %arg9[%run_scoped3A, %dma_start3A_58, %dma_start3A_59] : memref<2x128x128xf32, #tpu.memory_space<vmem>> -> memref<1x128x128xf32, #tpu.memory_space<vmem>>
        %dma_start3A_61 = tpu.memref_squeeze %dma_start3A_60 : memref<1x128x128xf32, #tpu.memory_space<vmem>> -> memref<128x128xf32, #tpu.memory_space<vmem>>
        tpu.enqueue_dma source(%dma_start3A_61 : memref<128x128xf32, #tpu.memory_space<vmem>>) target(%dma_start3A_57 : memref<128x128xf32, #tpu.memory_space<vmem_shared>>) target_semaphore(%run_scoped3A_49 : memref<!tpu.dma_semaphore, #tpu.memory_space<semaphore_mem>>)
        %dma_wait3A = arith.constant 0 : i32
        %dma_wait3A_62 = arith.constant 0 : i32
        %dma_wait3A_63 = tpu.memref_slice %arg9[%run_scoped3A, %dma_wait3A, %dma_wait3A_62] : memref<2x128x128xf32, #tpu.memory_space<vmem>> -> memref<1x128x128xf32, #tpu.memory_space<vmem>>
        %dma_wait3A_64 = tpu.memref_squeeze %dma_wait3A_63 : memref<1x128x128xf32, #tpu.memory_space<vmem>> -> memref<128x128xf32, #tpu.memory_space<vmem>>
        %dma_wait3A_65 = arith.constant 0 : i32
        %dma_wait3A_66 = tpu.memref_slice %arg10[%add3A_48, %dma_wait3A_65] : memref<10240x128xf32, #tpu.memory_space<vmem_shared>> -> memref<128x128xf32, #tpu.memory_space<vmem_shared>>
        %dma_wait3A_67 = arith.constant 0 : i32
        %dma_wait3A_68 = tpu.memref_slice %arg10[%add3A_48, %dma_wait3A_67] : memref<10240x128xf32, #tpu.memory_space<vmem_shared>> -> memref<128x128xf32, #tpu.memory_space<vmem_shared>>
        %dma_wait3A_69 = arith.constant 0 : i32
        %dma_wait3A_70 = arith.constant 0 : i32
        %dma_wait3A_71 = tpu.memref_slice %arg9[%run_scoped3A, %dma_wait3A_69, %dma_wait3A_70] : memref<2x128x128xf32, #tpu.memory_space<vmem>> -> memref<1x128x128xf32, #tpu.memory_space<vmem>>
        %dma_wait3A_72 = tpu.memref_squeeze %dma_wait3A_71 : memref<1x128x128xf32, #tpu.memory_space<vmem>> -> memref<128x128xf32, #tpu.memory_space<vmem>>
        tpu.wait_dma2 semaphore(%run_scoped3A_49 : memref<!tpu.dma_semaphore, #tpu.memory_space<semaphore_mem>>) src(%dma_wait3A_72 : memref<128x128xf32, #tpu.memory_space<vmem>>) dst(%dma_wait3A_68 : memref<128x128xf32, #tpu.memory_space<vmem_shared>>)
        tpu.yield
      }) : () -> ()
    }
    %scan3A_28 = arith.constant 5 : i32
    %barrier3A = arith.constant 0 : index
    tpu.barrier barrier_id(%barrier3A)
    %scan3A_29 = arith.constant 0 : i32
    %scan3A_30 = arith.constant 40 : i32
    %scan3A_31 = arith.addi %scan3A_29, %scan3A_30 : i32
    %scan3A_32 = arith.constant 1 : i32
    scf.for %scan3A_39 = %scan3A_29 to %scan3A_31 step %scan3A_32  : i32 {
      %mul3A_40 = arith.constant 2 : i32
      %mul3A_41 = arith.muli %scan3A_39, %mul3A_40 : i32
      %add3A_42 = arith.constant 0 : i32
      %add3A_43 = arith.addi %add3A_42, %mul3A_41 : i32
      %add3A_44 = arith.constant 1 : i32
      %add3A_45 = arith.addi %add3A_43, %add3A_44 : i32
      %lt3A = arith.constant 79 : i32
      %lt3A_46 = arith.cmpi slt, %add3A_45, %lt3A : i32
      %convert_element_type3A = arith.extui %lt3A_46 : i1 to i32
      %cond3A = arith.constant 0 : i32
      %cond3A_47 = arith.cmpi ne, %convert_element_type3A, %cond3A : i32
      scf.if %cond3A_47 {
        %add3A_78 = arith.constant 1 : i32
        %add3A_79 = arith.addi %add3A_43, %add3A_78 : i32
        %dma_start3A_80 = arith.constant 0 : i32
        %dma_start3A_81 = tpu.memref_slice %arg4[%add3A, %add3A_79, %dma_start3A_80] : memref<32x79x128xi32, #tpu.memory_space<hbm>> -> memref<1x1x128xi32, #tpu.memory_space<hbm>>
        %dma_start3A_82 = tpu.memref_squeeze %dma_start3A_81 : memref<1x1x128xi32, #tpu.memory_space<hbm>> -> memref<128xi32, #tpu.memory_space<hbm>>
        %dma_start3A_83 = arith.constant 0 : i32
        %dma_start3A_84 = tpu.memref_slice %arg4[%add3A, %add3A_79, %dma_start3A_83] : memref<32x79x128xi32, #tpu.memory_space<hbm>> -> memref<1x1x128xi32, #tpu.memory_space<hbm>>
        %dma_start3A_85 = tpu.memref_squeeze %dma_start3A_84 : memref<1x1x128xi32, #tpu.memory_space<hbm>> -> memref<128xi32, #tpu.memory_space<hbm>>
        tpu.enqueue_dma source(%dma_start3A_85 : memref<128xi32, #tpu.memory_space<hbm>>) target(%arg8 : memref<128xi32, #tpu.memory_space<vmem>>) target_semaphore(%arg14 : memref<!tpu.dma_semaphore, #tpu.memory_space<semaphore_mem>>)
        %add3A_86 = arith.constant 1 : i32
        %add3A_87 = arith.addi %add3A_43, %add3A_86 : i32
        %dma_start3A_88 = arith.constant 1 : i32
        %dma_start3A_89 = arith.constant 0 : i32
        %dma_start3A_90 = arith.constant 0 : i32
        %dma_start3A_91 = tpu.memref_slice %arg9[%dma_start3A_88, %dma_start3A_89, %dma_start3A_90] : memref<2x128x128xf32, #tpu.memory_space<vmem>> -> memref<1x128x128xf32, #tpu.memory_space<vmem>>
        %dma_start3A_92 = tpu.memref_squeeze %dma_start3A_91 : memref<1x128x128xf32, #tpu.memory_space<vmem>> -> memref<128x128xf32, #tpu.memory_space<vmem>>
        %dma_start3A_93 = arith.constant 0 : i32
        %dma_start3A_94 = tpu.memref_slice %arg6[%add3A_87, %dma_start3A_93] : memref<79x128xi32, #tpu.memory_space<vmem>> -> memref<1x128xi32, #tpu.memory_space<vmem>>
        %dma_start3A_95 = tpu.memref_squeeze %dma_start3A_94 : memref<1x128xi32, #tpu.memory_space<vmem>> -> memref<128xi32, #tpu.memory_space<vmem>>
        %dma_start3A_96 = arith.constant 0 : i32
        %dma_start3A_97 = arith.constant 0 : i32
        %dma_start3A_98 = tpu.memref_slice %arg2[%dma_start3A_96, %dma_start3A_97] : memref<10000x128xf32, #tpu.memory_space<hbm>> -> memref<10000x128xf32, #tpu.memory_space<hbm>>
        tpu.enqueue_indirect_dma source(%dma_start3A_98 : memref<10000x128xf32, #tpu.memory_space<hbm>>) target(%dma_start3A_92 : memref<128x128xf32, #tpu.memory_space<vmem>>) offsets(%dma_start3A_95 : memref<128xi32, #tpu.memory_space<vmem>>) semaphore(%arg12 : memref<!tpu.dma_semaphore, #tpu.memory_space<semaphore_mem>>)
      } else {
      }
      %dma_wait3A = arith.constant 0 : i32
      %dma_wait3A_48 = arith.constant 0 : i32
      %dma_wait3A_49 = arith.constant 0 : i32
      %dma_wait3A_50 = tpu.memref_slice %arg9[%dma_wait3A, %dma_wait3A_48, %dma_wait3A_49] : memref<2x128x128xf32, #tpu.memory_space<vmem>> -> memref<1x128x128xf32, #tpu.memory_space<vmem>>
      %dma_wait3A_51 = tpu.memref_squeeze %dma_wait3A_50 : memref<1x128x128xf32, #tpu.memory_space<vmem>> -> memref<128x128xf32, #tpu.memory_space<vmem>>
      %dma_wait3A_52 = arith.constant 0 : i32
      %dma_wait3A_53 = tpu.memref_slice %arg6[%add3A_43, %dma_wait3A_52] : memref<79x128xi32, #tpu.memory_space<vmem>> -> memref<1x128xi32, #tpu.memory_space<vmem>>
      %dma_wait3A_54 = tpu.memref_squeeze %dma_wait3A_53 : memref<1x128xi32, #tpu.memory_space<vmem>> -> memref<128xi32, #tpu.memory_space<vmem>>
      %dma_wait3A_55 = arith.constant 0 : i32
      %dma_wait3A_56 = arith.constant 0 : i32
      %dma_wait3A_57 = tpu.memref_slice %arg2[%dma_wait3A_55, %dma_wait3A_56] : memref<10000x128xf32, #tpu.memory_space<hbm>> -> memref<10000x128xf32, #tpu.memory_space<hbm>>
      tpu.wait_indirect_dma semaphore(%arg11 : memref<!tpu.dma_semaphore, #tpu.memory_space<semaphore_mem>>) src(%dma_wait3A_57 : memref<10000x128xf32, #tpu.memory_space<hbm>>) dst(%dma_wait3A_51 : memref<128x128xf32, #tpu.memory_space<vmem>>)
      %dma_wait3A_58 = arith.constant 0 : i32
      %dma_wait3A_59 = tpu.memref_slice %arg4[%add3A, %add3A_43, %dma_wait3A_58] : memref<32x79x128xi32, #tpu.memory_space<hbm>> -> memref<1x1x128xi32, #tpu.memory_space<hbm>>
      %dma_wait3A_60 = tpu.memref_squeeze %dma_wait3A_59 : memref<1x1x128xi32, #tpu.memory_space<hbm>> -> memref<128xi32, #tpu.memory_space<hbm>>
      %dma_wait3A_61 = arith.constant 0 : i32
      %dma_wait3A_62 = tpu.memref_slice %arg4[%add3A, %add3A_43, %dma_wait3A_61] : memref<32x79x128xi32, #tpu.memory_space<hbm>> -> memref<1x1x128xi32, #tpu.memory_space<hbm>>
      %dma_wait3A_63 = tpu.memref_squeeze %dma_wait3A_62 : memref<1x1x128xi32, #tpu.memory_space<hbm>> -> memref<128xi32, #tpu.memory_space<hbm>>
      tpu.wait_dma2 semaphore(%arg13 : memref<!tpu.dma_semaphore, #tpu.memory_space<semaphore_mem>>) src(%dma_wait3A_63 : memref<128xi32, #tpu.memory_space<hbm>>) dst(%arg7 : memref<128xi32, #tpu.memory_space<vmem>>)
      %run_scoped3A = arith.constant 0 : i32
      "tpu.region"() ({
        %run_scoped3A_78 = tpu.sem_alloc : memref<!tpu.dma_semaphore, #tpu.memory_space<semaphore_mem>>
        %dma_start3A_79 = arith.constant 0 : i32
        %dma_start3A_80 = arith.constant 0 : i32
        %dma_start3A_81 = tpu.memref_slice %arg9[%run_scoped3A, %dma_start3A_79, %dma_start3A_80] : memref<2x128x128xf32, #tpu.memory_space<vmem>> -> memref<1x128x128xf32, #tpu.memory_space<vmem>>
        %dma_start3A_82 = tpu.memref_squeeze %dma_start3A_81 : memref<1x128x128xf32, #tpu.memory_space<vmem>> -> memref<128x128xf32, #tpu.memory_space<vmem>>
        %dma_start3A_83 = arith.constant 0 : i32
        %dma_start3A_84 = arith.constant 0 : i32
        %dma_start3A_85 = tpu.memref_slice %arg10[%dma_start3A_83, %dma_start3A_84] : memref<10240x128xf32, #tpu.memory_space<vmem_shared>> -> memref<10240x128xf32, #tpu.memory_space<vmem_shared>>
        tpu.enqueue_indirect_dma source(%dma_start3A_82 : memref<128x128xf32, #tpu.memory_space<vmem>>) target(%dma_start3A_85 : memref<10240x128xf32, #tpu.memory_space<vmem_shared>>) offsets(%arg7 : memref<128xi32, #tpu.memory_space<vmem>>) semaphore(%run_scoped3A_78 : memref<!tpu.dma_semaphore, #tpu.memory_space<semaphore_mem>>) {add = true}
        %dma_wait3A_86 = arith.constant 0 : i32
        %dma_wait3A_87 = arith.constant 0 : i32
        %dma_wait3A_88 = tpu.memref_slice %arg9[%run_scoped3A, %dma_wait3A_86, %dma_wait3A_87] : memref<2x128x128xf32, #tpu.memory_space<vmem>> -> memref<1x128x128xf32, #tpu.memory_space<vmem>>
        %dma_wait3A_89 = tpu.memref_squeeze %dma_wait3A_88 : memref<1x128x128xf32, #tpu.memory_space<vmem>> -> memref<128x128xf32, #tpu.memory_space<vmem>>
        %dma_wait3A_90 = arith.constant 0 : i32
        %dma_wait3A_91 = arith.constant 0 : i32
        %dma_wait3A_92 = tpu.memref_slice %arg10[%dma_wait3A_90, %dma_wait3A_91] : memref<10240x128xf32, #tpu.memory_space<vmem_shared>> -> memref<10240x128xf32, #tpu.memory_space<vmem_shared>>
        tpu.wait_indirect_dma semaphore(%run_scoped3A_78 : memref<!tpu.dma_semaphore, #tpu.memory_space<semaphore_mem>>) src(%dma_wait3A_89 : memref<128x128xf32, #tpu.memory_space<vmem>>) dst(%dma_wait3A_92 : memref<10240x128xf32, #tpu.memory_space<vmem_shared>>)
        tpu.yield
      }) : () -> ()
      %add3A_64 = arith.constant 2 : i32
      %add3A_65 = arith.addi %add3A_43, %add3A_64 : i32
      %lt3A_66 = arith.constant 79 : i32
      %lt3A_67 = arith.cmpi slt, %add3A_65, %lt3A_66 : i32
      %convert_element_type3A_68 = arith.extui %lt3A_67 : i1 to i32
      %cond3A_69 = arith.constant 0 : i32
      %cond3A_70 = arith.cmpi ne, %convert_element_type3A_68, %cond3A_69 : i32
      scf.if %cond3A_70 {
        %add3A_78 = arith.constant 2 : i32
        %add3A_79 = arith.addi %add3A_43, %add3A_78 : i32
        %dma_start3A_80 = arith.constant 0 : i32
        %dma_start3A_81 = tpu.memref_slice %arg4[%add3A, %add3A_79, %dma_start3A_80] : memref<32x79x128xi32, #tpu.memory_space<hbm>> -> memref<1x1x128xi32, #tpu.memory_space<hbm>>
        %dma_start3A_82 = tpu.memref_squeeze %dma_start3A_81 : memref<1x1x128xi32, #tpu.memory_space<hbm>> -> memref<128xi32, #tpu.memory_space<hbm>>
        %dma_start3A_83 = arith.constant 0 : i32
        %dma_start3A_84 = tpu.memref_slice %arg4[%add3A, %add3A_79, %dma_start3A_83] : memref<32x79x128xi32, #tpu.memory_space<hbm>> -> memref<1x1x128xi32, #tpu.memory_space<hbm>>
        %dma_start3A_85 = tpu.memref_squeeze %dma_start3A_84 : memref<1x1x128xi32, #tpu.memory_space<hbm>> -> memref<128xi32, #tpu.memory_space<hbm>>
        tpu.enqueue_dma source(%dma_start3A_85 : memref<128xi32, #tpu.memory_space<hbm>>) target(%arg7 : memref<128xi32, #tpu.memory_space<vmem>>) target_semaphore(%arg13 : memref<!tpu.dma_semaphore, #tpu.memory_space<semaphore_mem>>)
        %add3A_86 = arith.constant 2 : i32
        %add3A_87 = arith.addi %add3A_43, %add3A_86 : i32
        %dma_start3A_88 = arith.constant 0 : i32
        %dma_start3A_89 = arith.constant 0 : i32
        %dma_start3A_90 = arith.constant 0 : i32
        %dma_start3A_91 = tpu.memref_slice %arg9[%dma_start3A_88, %dma_start3A_89, %dma_start3A_90] : memref<2x128x128xf32, #tpu.memory_space<vmem>> -> memref<1x128x128xf32, #tpu.memory_space<vmem>>
        %dma_start3A_92 = tpu.memref_squeeze %dma_start3A_91 : memref<1x128x128xf32, #tpu.memory_space<vmem>> -> memref<128x128xf32, #tpu.memory_space<vmem>>
        %dma_start3A_93 = arith.constant 0 : i32
        %dma_start3A_94 = tpu.memref_slice %arg6[%add3A_87, %dma_start3A_93] : memref<79x128xi32, #tpu.memory_space<vmem>> -> memref<1x128xi32, #tpu.memory_space<vmem>>
        %dma_start3A_95 = tpu.memref_squeeze %dma_start3A_94 : memref<1x128xi32, #tpu.memory_space<vmem>> -> memref<128xi32, #tpu.memory_space<vmem>>
        %dma_start3A_96 = arith.constant 0 : i32
        %dma_start3A_97 = arith.constant 0 : i32
        %dma_start3A_98 = tpu.memref_slice %arg2[%dma_start3A_96, %dma_start3A_97] : memref<10000x128xf32, #tpu.memory_space<hbm>> -> memref<10000x128xf32, #tpu.memory_space<hbm>>
        tpu.enqueue_indirect_dma source(%dma_start3A_98 : memref<10000x128xf32, #tpu.memory_space<hbm>>) target(%dma_start3A_92 : memref<128x128xf32, #tpu.memory_space<vmem>>) offsets(%dma_start3A_95 : memref<128xi32, #tpu.memory_space<vmem>>) semaphore(%arg11 : memref<!tpu.dma_semaphore, #tpu.memory_space<semaphore_mem>>)
      } else {
      }
      %add3A_71 = arith.constant 1 : i32
      %add3A_72 = arith.addi %add3A_43, %add3A_71 : i32
      %lt3A_73 = arith.constant 79 : i32
      %lt3A_74 = arith.cmpi slt, %add3A_72, %lt3A_73 : i32
      %convert_element_type3A_75 = arith.extui %lt3A_74 : i1 to i32
      %cond3A_76 = arith.constant 0 : i32
      %cond3A_77 = arith.cmpi ne, %convert_element_type3A_75, %cond3A_76 : i32
      scf.if %cond3A_77 {
        %add3A_78 = arith.constant 1 : i32
        %add3A_79 = arith.addi %add3A_43, %add3A_78 : i32
        %dma_wait3A_80 = arith.constant 1 : i32
        %dma_wait3A_81 = arith.constant 0 : i32
        %dma_wait3A_82 = arith.constant 0 : i32
        %dma_wait3A_83 = tpu.memref_slice %arg9[%dma_wait3A_80, %dma_wait3A_81, %dma_wait3A_82] : memref<2x128x128xf32, #tpu.memory_space<vmem>> -> memref<1x128x128xf32, #tpu.memory_space<vmem>>
        %dma_wait3A_84 = tpu.memref_squeeze %dma_wait3A_83 : memref<1x128x128xf32, #tpu.memory_space<vmem>> -> memref<128x128xf32, #tpu.memory_space<vmem>>
        %dma_wait3A_85 = arith.constant 0 : i32
        %dma_wait3A_86 = tpu.memref_slice %arg6[%add3A_79, %dma_wait3A_85] : memref<79x128xi32, #tpu.memory_space<vmem>> -> memref<1x128xi32, #tpu.memory_space<vmem>>
        %dma_wait3A_87 = tpu.memref_squeeze %dma_wait3A_86 : memref<1x128xi32, #tpu.memory_space<vmem>> -> memref<128xi32, #tpu.memory_space<vmem>>
        %dma_wait3A_88 = arith.constant 0 : i32
        %dma_wait3A_89 = arith.constant 0 : i32
        %dma_wait3A_90 = tpu.memref_slice %arg2[%dma_wait3A_88, %dma_wait3A_89] : memref<10000x128xf32, #tpu.memory_space<hbm>> -> memref<10000x128xf32, #tpu.memory_space<hbm>>
        tpu.wait_indirect_dma semaphore(%arg12 : memref<!tpu.dma_semaphore, #tpu.memory_space<semaphore_mem>>) src(%dma_wait3A_90 : memref<10000x128xf32, #tpu.memory_space<hbm>>) dst(%dma_wait3A_84 : memref<128x128xf32, #tpu.memory_space<vmem>>)
        %add3A_91 = arith.constant 1 : i32
        %add3A_92 = arith.addi %add3A_43, %add3A_91 : i32
        %dma_wait3A_93 = arith.constant 0 : i32
        %dma_wait3A_94 = tpu.memref_slice %arg4[%add3A, %add3A_92, %dma_wait3A_93] : memref<32x79x128xi32, #tpu.memory_space<hbm>> -> memref<1x1x128xi32, #tpu.memory_space<hbm>>
        %dma_wait3A_95 = tpu.memref_squeeze %dma_wait3A_94 : memref<1x1x128xi32, #tpu.memory_space<hbm>> -> memref<128xi32, #tpu.memory_space<hbm>>
        %dma_wait3A_96 = arith.constant 0 : i32
        %dma_wait3A_97 = tpu.memref_slice %arg4[%add3A, %add3A_92, %dma_wait3A_96] : memref<32x79x128xi32, #tpu.memory_space<hbm>> -> memref<1x1x128xi32, #tpu.memory_space<hbm>>
        %dma_wait3A_98 = tpu.memref_squeeze %dma_wait3A_97 : memref<1x1x128xi32, #tpu.memory_space<hbm>> -> memref<128xi32, #tpu.memory_space<hbm>>
        tpu.wait_dma2 semaphore(%arg14 : memref<!tpu.dma_semaphore, #tpu.memory_space<semaphore_mem>>) src(%dma_wait3A_98 : memref<128xi32, #tpu.memory_space<hbm>>) dst(%arg8 : memref<128xi32, #tpu.memory_space<vmem>>)
        %run_scoped3A_99 = arith.constant 1 : i32
        "tpu.region"() ({
          %run_scoped3A_100 = tpu.sem_alloc : memref<!tpu.dma_semaphore, #tpu.memory_space<semaphore_mem>>
          %dma_start3A_101 = arith.constant 0 : i32
          %dma_start3A_102 = arith.constant 0 : i32
          %dma_start3A_103 = tpu.memref_slice %arg9[%run_scoped3A_99, %dma_start3A_101, %dma_start3A_102] : memref<2x128x128xf32, #tpu.memory_space<vmem>> -> memref<1x128x128xf32, #tpu.memory_space<vmem>>
          %dma_start3A_104 = tpu.memref_squeeze %dma_start3A_103 : memref<1x128x128xf32, #tpu.memory_space<vmem>> -> memref<128x128xf32, #tpu.memory_space<vmem>>
          %dma_start3A_105 = arith.constant 0 : i32
          %dma_start3A_106 = arith.constant 0 : i32
          %dma_start3A_107 = tpu.memref_slice %arg10[%dma_start3A_105, %dma_start3A_106] : memref<10240x128xf32, #tpu.memory_space<vmem_shared>> -> memref<10240x128xf32, #tpu.memory_space<vmem_shared>>
          tpu.enqueue_indirect_dma source(%dma_start3A_104 : memref<128x128xf32, #tpu.memory_space<vmem>>) target(%dma_start3A_107 : memref<10240x128xf32, #tpu.memory_space<vmem_shared>>) offsets(%arg8 : memref<128xi32, #tpu.memory_space<vmem>>) semaphore(%run_scoped3A_100 : memref<!tpu.dma_semaphore, #tpu.memory_space<semaphore_mem>>) {add = true}
          %dma_wait3A_108 = arith.constant 0 : i32
          %dma_wait3A_109 = arith.constant 0 : i32
          %dma_wait3A_110 = tpu.memref_slice %arg9[%run_scoped3A_99, %dma_wait3A_108, %dma_wait3A_109] : memref<2x128x128xf32, #tpu.memory_space<vmem>> -> memref<1x128x128xf32, #tpu.memory_space<vmem>>
          %dma_wait3A_111 = tpu.memref_squeeze %dma_wait3A_110 : memref<1x128x128xf32, #tpu.memory_space<vmem>> -> memref<128x128xf32, #tpu.memory_space<vmem>>
          %dma_wait3A_112 = arith.constant 0 : i32
          %dma_wait3A_113 = arith.constant 0 : i32
          %dma_wait3A_114 = tpu.memref_slice %arg10[%dma_wait3A_112, %dma_wait3A_113] : memref<10240x128xf32, #tpu.memory_space<vmem_shared>> -> memref<10240x128xf32, #tpu.memory_space<vmem_shared>>
          tpu.wait_indirect_dma semaphore(%run_scoped3A_100 : memref<!tpu.dma_semaphore, #tpu.memory_space<semaphore_mem>>) src(%dma_wait3A_111 : memref<128x128xf32, #tpu.memory_space<vmem>>) dst(%dma_wait3A_114 : memref<10240x128xf32, #tpu.memory_space<vmem_shared>>)
          tpu.yield
        }) : () -> ()
      } else {
      }
    }
    %scan3A_33 = arith.constant 40 : i32
    %barrier3A_34 = arith.constant 0 : index
    tpu.barrier barrier_id(%barrier3A_34)
    %mul3A_35 = arith.constant 640 : i32
    %mul3A_36 = arith.muli %arg1, %mul3A_35 : i32
    %mul3A_37 = arith.constant 640 : i32
    %mul3A_38 = arith.muli %arg1, %mul3A_37 : i32
    "tpu.region"() ({
      %run_scoped3A = tpu.sem_alloc : memref<!tpu.dma_semaphore, #tpu.memory_space<semaphore_mem>>
      %dma_start3A_39 = arith.constant 0 : i32
      %dma_start3A_40 = tpu.memref_slice %arg5[%arg0, %mul3A_38, %dma_start3A_39] : memref<2x10240x128xf32, #tpu.memory_space<hbm>> -> memref<1x640x128xf32, #tpu.memory_space<hbm>>
      %dma_start3A_41 = tpu.memref_squeeze %dma_start3A_40 : memref<1x640x128xf32, #tpu.memory_space<hbm>> -> memref<640x128xf32, #tpu.memory_space<hbm>>
      %dma_start3A_42 = arith.constant 0 : i32
      %dma_start3A_43 = tpu.memref_slice %arg10[%mul3A_36, %dma_start3A_42] : memref<10240x128xf32, #tpu.memory_space<vmem_shared>> -> memref<640x128xf32, #tpu.memory_space<vmem_shared>>
      tpu.enqueue_dma source(%dma_start3A_43 : memref<640x128xf32, #tpu.memory_space<vmem_shared>>) target(%dma_start3A_41 : memref<640x128xf32, #tpu.memory_space<hbm>>) target_semaphore(%run_scoped3A : memref<!tpu.dma_semaphore, #tpu.memory_space<semaphore_mem>>)
      %dma_wait3A = arith.constant 0 : i32
      %dma_wait3A_44 = tpu.memref_slice %arg5[%arg0, %mul3A_38, %dma_wait3A] : memref<2x10240x128xf32, #tpu.memory_space<hbm>> -> memref<1x640x128xf32, #tpu.memory_space<hbm>>
      %dma_wait3A_45 = tpu.memref_squeeze %dma_wait3A_44 : memref<1x640x128xf32, #tpu.memory_space<hbm>> -> memref<640x128xf32, #tpu.memory_space<hbm>>
      %dma_wait3A_46 = arith.constant 0 : i32
      %dma_wait3A_47 = tpu.memref_slice %arg10[%mul3A_36, %dma_wait3A_46] : memref<10240x128xf32, #tpu.memory_space<vmem_shared>> -> memref<640x128xf32, #tpu.memory_space<vmem_shared>>
      tpu.wait_dma2 semaphore(%run_scoped3A : memref<!tpu.dma_semaphore, #tpu.memory_space<semaphore_mem>>) src(%dma_wait3A_47 : memref<640x128xf32, #tpu.memory_space<vmem_shared>>) dst(%dma_wait3A_45 : memref<640x128xf32, #tpu.memory_space<hbm>>)
      tpu.yield
    }) : () -> ()
    return
  }
}

module attributes {stable_mosaic.version = 14 : i64} {
  func.func @body(%arg0: i32, %arg1: memref<2000x2xi32, #tpu.memory_space<vmem>>, %arg2: memref<3x128xf32, #tpu.memory_space<vmem>>, %arg3: memref<3x128xf32, #tpu.memory_space<vmem>>, %arg4: memref<2x2000x128xf32, #tpu.memory_space<vmem>>, %arg5: memref<2000x128xf32, #tpu.memory_space<vmem>>, %arg6: memref<2000x16xf32, #tpu.memory_space<vmem>>) attributes {dimension_semantics = [#tpu.dimension_semantics<arbitrary>], iteration_bounds = array<i64: 5>, scalar_prefetch = 0 : i64, scratch_operands = 0 : i64, tpu.core_type = #tpu.core_type<tc>, window_params = [{transform_indices = @transform_0, window_bounds = array<i64: 2000, 2>}, {pipeline_mode = #tpu.pipeline_mode<synchronous>, transform_indices = @transform_1, window_bounds = array<i64: 3, 128>}, {pipeline_mode = #tpu.pipeline_mode<synchronous>, transform_indices = @transform_2, window_bounds = array<i64: 3, 128>}, {transform_indices = @transform_3, window_bounds = array<i64: 2, 2000, 128>}, {transform_indices = @transform_4, window_bounds = array<i64: 2000, 128>}, {transform_indices = @transform_5, window_bounds = array<i64: 2000, 16>}]} {
    %iota3A = tpu.iota {dimensions = array<i32: 1>} : vector<2000x3xi32>
    %get3A = arith.constant 0 : index
    %get3A_0 = arith.constant 0 : index
    %get3A_1 = vector.load %arg1[%get3A, %get3A_0] : memref<2000x2xi32, #tpu.memory_space<vmem>>, vector<2000x1xi32>
    %eq3A = vector.broadcast %get3A_1 : vector<2000x1xi32> to vector<2000x3xi32>
    %eq3A_2 = arith.cmpi eq, %eq3A, %iota3A : vector<2000x3xi32>
    %convert_element_type3A = arith.extui %eq3A_2 : vector<2000x3xi1> to vector<2000x3xi32>
    %convert_element_type3A_3 = arith.sitofp %convert_element_type3A : vector<2000x3xi32> to vector<2000x3xf32>
    %get3A_4 = arith.constant 0 : index
    %get3A_5 = arith.constant 1 : index
    %get3A_6 = vector.load %arg1[%get3A_4, %get3A_5] : memref<2000x2xi32, #tpu.memory_space<vmem>>, vector<2000x1xi32>
    %eq3A_7 = vector.broadcast %get3A_6 : vector<2000x1xi32> to vector<2000x3xi32>
    %eq3A_8 = arith.cmpi eq, %eq3A_7, %iota3A : vector<2000x3xi32>
    %convert_element_type3A_9 = arith.extui %eq3A_8 : vector<2000x3xi1> to vector<2000x3xi32>
    %convert_element_type3A_10 = arith.sitofp %convert_element_type3A_9 : vector<2000x3xi32> to vector<2000x3xf32>
    %get3A_11 = arith.constant 0 : index
    %get3A_12 = arith.constant 0 : index
    %get3A_13 = vector.load %arg2[%get3A_11, %get3A_12] : memref<3x128xf32, #tpu.memory_space<vmem>>, vector<3x128xf32>
    %dot_general3A = arith.constant dense<0.000000e+00> : vector<2000x128xf32>
    %dot_general3A_14 = tpu.matmul %convert_element_type3A_3, %get3A_13, %dot_general3A {dimension_numbers = #tpu.dot_dimension_numbers<[1], [0], [0], [1], [0, 0, 1, 1], [], []>, precision = #tpu.contract_precision<fp32>, transpose_lhs_hint = false} : vector<2000x3xf32>, vector<3x128xf32>, vector<2000x128xf32> -> vector<2000x128xf32>
    %get3A_15 = arith.constant 0 : index
    %get3A_16 = arith.constant 0 : index
    %get3A_17 = vector.load %arg3[%get3A_15, %get3A_16] : memref<3x128xf32, #tpu.memory_space<vmem>>, vector<3x128xf32>
    %dot_general3A_18 = arith.constant dense<0.000000e+00> : vector<2000x128xf32>
    %dot_general3A_19 = tpu.matmul %convert_element_type3A_10, %get3A_17, %dot_general3A_18 {dimension_numbers = #tpu.dot_dimension_numbers<[1], [0], [0], [1], [0, 0, 1, 1], [], []>, precision = #tpu.contract_precision<fp32>, transpose_lhs_hint = false} : vector<2000x3xf32>, vector<3x128xf32>, vector<2000x128xf32> -> vector<2000x128xf32>
    %add3A = arith.addf %dot_general3A_14, %dot_general3A_19 : vector<2000x128xf32>
    %swap3A = arith.constant 0 : index
    %swap3A_20 = arith.constant 0 : index
    %swap3A_21 = vector.load %arg5[%swap3A, %swap3A_20] : memref<2000x128xf32, #tpu.memory_space<vmem>>, vector<2000x128xf32>
    tpu.vector_store %arg5[%swap3A, %swap3A_20], %add3A {strides = array<i32>} : memref<2000x128xf32, #tpu.memory_space<vmem>>, vector<2000x128xf32>,
    %get3A_22 = arith.constant 0 : index
    %get3A_23 = arith.constant 0 : index
    %get3A_24 = arith.constant 0 : index
    %get3A_25 = vector.load %arg4[%get3A_22, %get3A_23, %get3A_24] : memref<2x2000x128xf32, #tpu.memory_space<vmem>>, vector<1x2000x16xf32>
    %get3A_26 = vector.shape_cast %get3A_25 : vector<1x2000x16xf32> to vector<2000x16xf32>
    %get3A_27 = arith.constant 1 : index
    %get3A_28 = arith.constant 0 : index
    %get3A_29 = arith.constant 0 : index
    %get3A_30 = vector.load %arg4[%get3A_27, %get3A_28, %get3A_29] : memref<2x2000x128xf32, #tpu.memory_space<vmem>>, vector<1x2000x16xf32>
    %get3A_31 = vector.shape_cast %get3A_30 : vector<1x2000x16xf32> to vector<2000x16xf32>
    %add3A_32 = arith.addf %get3A_26, %get3A_31 : vector<2000x16xf32>
    %swap3A_33 = arith.constant 0 : index
    %swap3A_34 = arith.constant 0 : index
    %swap3A_35 = vector.load %arg6[%swap3A_33, %swap3A_34] : memref<2000x16xf32, #tpu.memory_space<vmem>>, vector<2000x16xf32>
    tpu.vector_store %arg6[%swap3A_33, %swap3A_34], %add3A_32 {strides = array<i32>} : memref<2000x16xf32, #tpu.memory_space<vmem>>, vector<2000x16xf32>,
    return
  }
  func.func @transform_0(%arg0: i32) -> (i32, i32) {
    %c0_i32 = arith.constant 0 : i32
    %c0_i32_0 = arith.constant 0 : i32
    return %arg0, %c0_i32 : i32, i32
  }
  func.func @transform_1(%arg0: i32) -> (i32, i32) {
    %c0_i32 = arith.constant 0 : i32
    %c0_i32_0 = arith.constant 0 : i32
    %c0_i32_1 = arith.constant 0 : i32
    return %c0_i32, %c0_i32_0 : i32, i32
  }
  func.func @transform_2(%arg0: i32) -> (i32, i32) {
    %c0_i32 = arith.constant 0 : i32
    %c0_i32_0 = arith.constant 0 : i32
    %c0_i32_1 = arith.constant 0 : i32
    return %c0_i32, %c0_i32_0 : i32, i32
  }
  func.func @transform_3(%arg0: i32) -> (i32, i32, i32) {
    %c0_i32 = arith.constant 0 : i32
    %c0_i32_0 = arith.constant 0 : i32
    %c0_i32_1 = arith.constant 0 : i32
    return %c0_i32, %arg0, %c0_i32_0 : i32, i32, i32
  }
  func.func @transform_4(%arg0: i32) -> (i32, i32) {
    %c0_i32 = arith.constant 0 : i32
    %c0_i32_0 = arith.constant 0 : i32
    return %arg0, %c0_i32 : i32, i32
  }
  func.func @transform_5(%arg0: i32) -> (i32, i32) {
    %c0_i32 = arith.constant 0 : i32
    %c0_i32_0 = arith.constant 0 : i32
    return %arg0, %c0_i32 : i32, i32
  }
}

module attributes {stable_mosaic.version = 14 : i64} {
  func.func @body(%arg0: i32, %arg1: memref<2x2000x128xf32, #tpu.memory_space<vmem>>, %arg2: memref<2000x128xf32, #tpu.memory_space<vmem>>, %arg3: memref<2000x16xf32, #tpu.memory_space<vmem>>, %arg4: memref<16x128xf32, #tpu.memory_space<vmem>>, %arg5: memref<1x128xf32, #tpu.memory_space<vmem>>, %arg6: memref<128x256xf32, #tpu.memory_space<vmem>>, %arg7: memref<1x256xf32, #tpu.memory_space<vmem>>, %arg8: memref<256x128xf32, #tpu.memory_space<vmem>>, %arg9: memref<1x128xf32, #tpu.memory_space<vmem>>, %arg10: memref<2000x128xf32, #tpu.memory_space<vmem>>, %arg11: memref<8x128xf32, #tpu.memory_space<vmem>>, %arg12: memref<8x128xf32, #tpu.memory_space<vmem>>) attributes {dimension_semantics = [#tpu.dimension_semantics<arbitrary>], iteration_bounds = array<i64: 5>, scalar_prefetch = 0 : i64, scratch_operands = 0 : i64, tpu.core_type = #tpu.core_type<tc>, window_params = [{transform_indices = @transform_0, window_bounds = array<i64: 2, 2000, 128>}, {transform_indices = @transform_1, window_bounds = array<i64: 2000, 128>}, {transform_indices = @transform_2, window_bounds = array<i64: 2000, 16>}, {pipeline_mode = #tpu.pipeline_mode<synchronous>, transform_indices = @transform_3, window_bounds = array<i64: 16, 128>}, {pipeline_mode = #tpu.pipeline_mode<synchronous>, transform_indices = @transform_4, window_bounds = array<i64: 1, 128>}, {pipeline_mode = #tpu.pipeline_mode<synchronous>, transform_indices = @transform_5, window_bounds = array<i64: 128, 256>}, {pipeline_mode = #tpu.pipeline_mode<synchronous>, transform_indices = @transform_6, window_bounds = array<i64: 1, 256>}, {pipeline_mode = #tpu.pipeline_mode<synchronous>, transform_indices = @transform_7, window_bounds = array<i64: 256, 128>}, {pipeline_mode = #tpu.pipeline_mode<synchronous>, transform_indices = @transform_8, window_bounds = array<i64: 1, 128>}, {transform_indices = @transform_9, window_bounds = array<i64: 2000, 128>}, {pipeline_mode = #tpu.pipeline_mode<synchronous>, transform_indices = @transform_10, window_bounds = array<i64: 8, 128>}, {pipeline_mode = #tpu.pipeline_mode<synchronous>, transform_indices = @transform_11, window_bounds = array<i64: 8, 128>}]} {
    %get3A = arith.constant 0 : index
    %get3A_0 = arith.constant 0 : index
    %get3A_1 = arith.constant 0 : index
    %get3A_2 = vector.load %arg1[%get3A, %get3A_0, %get3A_1] : memref<2x2000x128xf32, #tpu.memory_space<vmem>>, vector<1x2000x128xf32>
    %get3A_3 = vector.shape_cast %get3A_2 : vector<1x2000x128xf32> to vector<2000x128xf32>
    %get3A_4 = arith.constant 1 : index
    %get3A_5 = arith.constant 0 : index
    %get3A_6 = arith.constant 0 : index
    %get3A_7 = vector.load %arg1[%get3A_4, %get3A_5, %get3A_6] : memref<2x2000x128xf32, #tpu.memory_space<vmem>>, vector<1x2000x128xf32>
    %get3A_8 = vector.shape_cast %get3A_7 : vector<1x2000x128xf32> to vector<2000x128xf32>
    %add3A = arith.addf %get3A_3, %get3A_8 : vector<2000x128xf32>
    %get3A_9 = arith.constant 0 : index
    %get3A_10 = arith.constant 0 : index
    %get3A_11 = vector.load %arg2[%get3A_9, %get3A_10] : memref<2000x128xf32, #tpu.memory_space<vmem>>, vector<2000x128xf32>
    %add3A_12 = arith.addf %add3A, %get3A_11 : vector<2000x128xf32>
    %get3A_13 = arith.constant 0 : index
    %get3A_14 = arith.constant 0 : index
    %get3A_15 = vector.load %arg3[%get3A_13, %get3A_14] : memref<2000x16xf32, #tpu.memory_space<vmem>>, vector<2000x16xf32>
    %get3A_16 = arith.constant 0 : index
    %get3A_17 = arith.constant 0 : index
    %get3A_18 = vector.load %arg4[%get3A_16, %get3A_17] : memref<16x128xf32, #tpu.memory_space<vmem>>, vector<16x128xf32>
    %dot_general3A = arith.constant dense<0.000000e+00> : vector<2000x128xf32>
    %dot_general3A_19 = tpu.matmul %get3A_15, %get3A_18, %dot_general3A {dimension_numbers = #tpu.dot_dimension_numbers<[1], [0], [0], [1], [0, 0, 1, 1], [], []>, precision = #tpu.contract_precision<fp32>, transpose_lhs_hint = false} : vector<2000x16xf32>, vector<16x128xf32>, vector<2000x128xf32> -> vector<2000x128xf32>
    %add3A_20 = arith.addf %add3A_12, %dot_general3A_19 : vector<2000x128xf32>
    %get3A_21 = arith.constant 0 : index
    %get3A_22 = arith.constant 0 : index
    %get3A_23 = vector.load %arg5[%get3A_21, %get3A_22] : memref<1x128xf32, #tpu.memory_space<vmem>>, vector<1x128xf32>
    %add3A_24 = vector.broadcast %get3A_23 : vector<1x128xf32> to vector<2000x128xf32>
    %add3A_25 = arith.addf %add3A_20, %add3A_24 : vector<2000x128xf32>
    %get3A_26 = arith.constant 0 : index
    %get3A_27 = arith.constant 0 : index
    %get3A_28 = vector.load %arg6[%get3A_26, %get3A_27] : memref<128x256xf32, #tpu.memory_space<vmem>>, vector<128x256xf32>
    %dot_general3A_29 = arith.constant dense<0.000000e+00> : vector<2000x256xf32>
    %dot_general3A_30 = tpu.matmul %add3A_25, %get3A_28, %dot_general3A_29 {dimension_numbers = #tpu.dot_dimension_numbers<[1], [0], [0], [1], [0, 0, 1, 1], [], []>, transpose_lhs_hint = false} : vector<2000x128xf32>, vector<128x256xf32>, vector<2000x256xf32> -> vector<2000x256xf32>
    %get3A_31 = arith.constant 0 : index
    %get3A_32 = arith.constant 0 : index
    %get3A_33 = vector.load %arg7[%get3A_31, %get3A_32] : memref<1x256xf32, #tpu.memory_space<vmem>>, vector<1x256xf32>
    %add3A_34 = vector.broadcast %get3A_33 : vector<1x256xf32> to vector<2000x256xf32>
    %add3A_35 = arith.addf %dot_general3A_30, %add3A_34 : vector<2000x256xf32>
    %max3A = arith.constant 0.000000e+00 : f32
    %max3A_36 = vector.broadcast %max3A : f32 to vector<2000x256xf32>
    %max3A_37 = arith.maximumf %add3A_35, %max3A_36 : vector<2000x256xf32>
    %get3A_38 = arith.constant 0 : index
    %get3A_39 = arith.constant 0 : index
    %get3A_40 = vector.load %arg8[%get3A_38, %get3A_39] : memref<256x128xf32, #tpu.memory_space<vmem>>, vector<256x128xf32>
    %dot_general3A_41 = arith.constant dense<0.000000e+00> : vector<2000x128xf32>
    %dot_general3A_42 = tpu.matmul %max3A_37, %get3A_40, %dot_general3A_41 {dimension_numbers = #tpu.dot_dimension_numbers<[1], [0], [0], [1], [0, 0, 1, 1], [], []>, transpose_lhs_hint = false} : vector<2000x256xf32>, vector<256x128xf32>, vector<2000x128xf32> -> vector<2000x128xf32>
    %get3A_43 = arith.constant 0 : index
    %get3A_44 = arith.constant 0 : index
    %get3A_45 = vector.load %arg9[%get3A_43, %get3A_44] : memref<1x128xf32, #tpu.memory_space<vmem>>, vector<1x128xf32>
    %add3A_46 = vector.broadcast %get3A_45 : vector<1x128xf32> to vector<2000x128xf32>
    %add3A_47 = arith.addf %dot_general3A_42, %add3A_46 : vector<2000x128xf32>
    %swap3A = arith.constant 0 : index
    %swap3A_48 = arith.constant 0 : index
    %swap3A_49 = vector.load %arg10[%swap3A, %swap3A_48] : memref<2000x128xf32, #tpu.memory_space<vmem>>, vector<2000x128xf32>
    tpu.vector_store %arg10[%swap3A, %swap3A_48], %add3A_47 {strides = array<i32>} : memref<2000x128xf32, #tpu.memory_space<vmem>>, vector<2000x128xf32>,
    %reduce_sum3A = arith.constant dense<0.000000e+00> : vector<128xf32>
    %reduce_sum3A_50 = vector.multi_reduction <add>, %add3A_47, %reduce_sum3A [0] : vector<2000x128xf32> to vector<128xf32>
    %broadcast_in_dim3A = vector.shape_cast %reduce_sum3A_50 : vector<128xf32> to vector<1x128xf32>
    %broadcast_in_dim3A_51 = vector.shape_cast %broadcast_in_dim3A : vector<1x128xf32> to vector<1x128xf32>
    %broadcast_in_dim3A_52 = vector.broadcast %broadcast_in_dim3A_51 : vector<1x128xf32> to vector<8x128xf32>
    %mul3A = arith.mulf %add3A_47, %add3A_47 : vector<2000x128xf32>
    %reduce_sum3A_53 = arith.constant dense<0.000000e+00> : vector<128xf32>
    %reduce_sum3A_54 = vector.multi_reduction <add>, %mul3A, %reduce_sum3A_53 [0] : vector<2000x128xf32> to vector<128xf32>
    %broadcast_in_dim3A_55 = vector.shape_cast %reduce_sum3A_54 : vector<128xf32> to vector<1x128xf32>
    %broadcast_in_dim3A_56 = vector.shape_cast %broadcast_in_dim3A_55 : vector<1x128xf32> to vector<1x128xf32>
    %broadcast_in_dim3A_57 = vector.broadcast %broadcast_in_dim3A_56 : vector<1x128xf32> to vector<8x128xf32>
    %eq3A = arith.constant 0 : i32
    %eq3A_58 = arith.cmpi eq, %arg0, %eq3A : i32
    %convert_element_type3A = arith.extui %eq3A_58 : i1 to i32
    %cond3A = arith.constant 0 : i32
    %cond3A_59 = arith.cmpi ne, %convert_element_type3A, %cond3A : i32
    scf.if %cond3A_59 {
      %swap3A_64 = arith.constant 0 : index
      %swap3A_65 = arith.constant 0 : index
      %swap3A_66 = vector.load %arg11[%swap3A_64, %swap3A_65] : memref<8x128xf32, #tpu.memory_space<vmem>>, vector<8x128xf32>
      tpu.vector_store %arg11[%swap3A_64, %swap3A_65], %broadcast_in_dim3A_52 {strides = array<i32>} : memref<8x128xf32, #tpu.memory_space<vmem>>, vector<8x128xf32>,
      %swap3A_67 = arith.constant 0 : index
      %swap3A_68 = arith.constant 0 : index
      %swap3A_69 = vector.load %arg12[%swap3A_67, %swap3A_68] : memref<8x128xf32, #tpu.memory_space<vmem>>, vector<8x128xf32>
      tpu.vector_store %arg12[%swap3A_67, %swap3A_68], %broadcast_in_dim3A_57 {strides = array<i32>} : memref<8x128xf32, #tpu.memory_space<vmem>>, vector<8x128xf32>,
    } else {
    }
    %gt3A = arith.constant 0 : i32
    %gt3A_60 = arith.cmpi sgt, %arg0, %gt3A : i32
    %convert_element_type3A_61 = arith.extui %gt3A_60 : i1 to i32
    %cond3A_62 = arith.constant 0 : i32
    %cond3A_63 = arith.cmpi ne, %convert_element_type3A_61, %cond3A_62 : i32
    scf.if %cond3A_63 {
      %get3A_64 = arith.constant 0 : index
      %get3A_65 = arith.constant 0 : index
      %get3A_66 = vector.load %arg11[%get3A_64, %get3A_65] : memref<8x128xf32, #tpu.memory_space<vmem>>, vector<8x128xf32>
      %add3A_67 = arith.addf %get3A_66, %broadcast_in_dim3A_52 : vector<8x128xf32>
      %swap3A_68 = arith.constant 0 : index
      %swap3A_69 = arith.constant 0 : index
      %swap3A_70 = vector.load %arg11[%swap3A_68, %swap3A_69] : memref<8x128xf32, #tpu.memory_space<vmem>>, vector<8x128xf32>
      tpu.vector_store %arg11[%swap3A_68, %swap3A_69], %add3A_67 {strides = array<i32>} : memref<8x128xf32, #tpu.memory_space<vmem>>, vector<8x128xf32>,
      %get3A_71 = arith.constant 0 : index
      %get3A_72 = arith.constant 0 : index
      %get3A_73 = vector.load %arg12[%get3A_71, %get3A_72] : memref<8x128xf32, #tpu.memory_space<vmem>>, vector<8x128xf32>
      %add3A_74 = arith.addf %get3A_73, %broadcast_in_dim3A_57 : vector<8x128xf32>
      %swap3A_75 = arith.constant 0 : index
      %swap3A_76 = arith.constant 0 : index
      %swap3A_77 = vector.load %arg12[%swap3A_75, %swap3A_76] : memref<8x128xf32, #tpu.memory_space<vmem>>, vector<8x128xf32>
      tpu.vector_store %arg12[%swap3A_75, %swap3A_76], %add3A_74 {strides = array<i32>} : memref<8x128xf32, #tpu.memory_space<vmem>>, vector<8x128xf32>,
    } else {
    }
    return
  }
  func.func @transform_0(%arg0: i32) -> (i32, i32, i32) {
    %c0_i32 = arith.constant 0 : i32
    %c0_i32_0 = arith.constant 0 : i32
    %c0_i32_1 = arith.constant 0 : i32
    return %c0_i32, %arg0, %c0_i32_0 : i32, i32, i32
  }
  func.func @transform_1(%arg0: i32) -> (i32, i32) {
    %c0_i32 = arith.constant 0 : i32
    %c0_i32_0 = arith.constant 0 : i32
    return %arg0, %c0_i32 : i32, i32
  }
  func.func @transform_2(%arg0: i32) -> (i32, i32) {
    %c0_i32 = arith.constant 0 : i32
    %c0_i32_0 = arith.constant 0 : i32
    return %arg0, %c0_i32 : i32, i32
  }
  func.func @transform_3(%arg0: i32) -> (i32, i32) {
    %c0_i32 = arith.constant 0 : i32
    %c0_i32_0 = arith.constant 0 : i32
    %c0_i32_1 = arith.constant 0 : i32
    return %c0_i32, %c0_i32_0 : i32, i32
  }
  func.func @transform_4(%arg0: i32) -> (i32, i32) {
    %c0_i32 = arith.constant 0 : i32
    %c0_i32_0 = arith.constant 0 : i32
    %c0_i32_1 = arith.constant 0 : i32
    return %c0_i32, %c0_i32_0 : i32, i32
  }
  func.func @transform_5(%arg0: i32) -> (i32, i32) {
    %c0_i32 = arith.constant 0 : i32
    %c0_i32_0 = arith.constant 0 : i32
    %c0_i32_1 = arith.constant 0 : i32
    return %c0_i32, %c0_i32_0 : i32, i32
  }
  func.func @transform_6(%arg0: i32) -> (i32, i32) {
    %c0_i32 = arith.constant 0 : i32
    %c0_i32_0 = arith.constant 0 : i32
    %c0_i32_1 = arith.constant 0 : i32
    return %c0_i32, %c0_i32_0 : i32, i32
  }
  func.func @transform_7(%arg0: i32) -> (i32, i32) {
    %c0_i32 = arith.constant 0 : i32
    %c0_i32_0 = arith.constant 0 : i32
    %c0_i32_1 = arith.constant 0 : i32
    return %c0_i32, %c0_i32_0 : i32, i32
  }
  func.func @transform_8(%arg0: i32) -> (i32, i32) {
    %c0_i32 = arith.constant 0 : i32
    %c0_i32_0 = arith.constant 0 : i32
    %c0_i32_1 = arith.constant 0 : i32
    return %c0_i32, %c0_i32_0 : i32, i32
  }
  func.func @transform_9(%arg0: i32) -> (i32, i32) {
    %c0_i32 = arith.constant 0 : i32
    %c0_i32_0 = arith.constant 0 : i32
    return %arg0, %c0_i32 : i32, i32
  }
  func.func @transform_10(%arg0: i32) -> (i32, i32) {
    %c0_i32 = arith.constant 0 : i32
    %c0_i32_0 = arith.constant 0 : i32
    %c0_i32_1 = arith.constant 0 : i32
    return %c0_i32, %c0_i32_0 : i32, i32
  }
  func.func @transform_11(%arg0: i32) -> (i32, i32) {
    %c0_i32 = arith.constant 0 : i32
    %c0_i32_0 = arith.constant 0 : i32
    %c0_i32_1 = arith.constant 0 : i32
    return %c0_i32, %c0_i32_0 : i32, i32
  }
}

module attributes {stable_mosaic.version = 14 : i64} {
  func.func @body(%arg0: i32, %arg1: memref<2000x128xf32, #tpu.memory_space<vmem>>, %arg2: memref<8x128xf32, #tpu.memory_space<vmem>>, %arg3: memref<8x128xf32, #tpu.memory_space<vmem>>, %arg4: memref<1x128xf32, #tpu.memory_space<vmem>>, %arg5: memref<1x128xf32, #tpu.memory_space<vmem>>, %arg6: memref<2000x128xf32, #tpu.memory_space<vmem>>) attributes {dimension_semantics = [#tpu.dimension_semantics<arbitrary>], iteration_bounds = array<i64: 5>, scalar_prefetch = 0 : i64, scratch_operands = 0 : i64, tpu.core_type = #tpu.core_type<tc>, window_params = [{transform_indices = @transform_0, window_bounds = array<i64: 2000, 128>}, {pipeline_mode = #tpu.pipeline_mode<synchronous>, transform_indices = @transform_1, window_bounds = array<i64: 8, 128>}, {pipeline_mode = #tpu.pipeline_mode<synchronous>, transform_indices = @transform_2, window_bounds = array<i64: 8, 128>}, {pipeline_mode = #tpu.pipeline_mode<synchronous>, transform_indices = @transform_3, window_bounds = array<i64: 1, 128>}, {pipeline_mode = #tpu.pipeline_mode<synchronous>, transform_indices = @transform_4, window_bounds = array<i64: 1, 128>}, {transform_indices = @transform_5, window_bounds = array<i64: 2000, 128>}]} {
    %get3A = arith.constant 0 : index
    %get3A_0 = arith.constant 0 : index
    %get3A_1 = vector.load %arg2[%get3A, %get3A_0] : memref<8x128xf32, #tpu.memory_space<vmem>>, vector<1x128xf32>
    %mul3A = arith.constant 9.99999974E-5 : f32
    %mul3A_2 = vector.broadcast %mul3A : f32 to vector<1x128xf32>
    %mul3A_3 = arith.mulf %get3A_1, %mul3A_2 : vector<1x128xf32>
    %get3A_4 = arith.constant 0 : index
    %get3A_5 = arith.constant 0 : index
    %get3A_6 = vector.load %arg3[%get3A_4, %get3A_5] : memref<8x128xf32, #tpu.memory_space<vmem>>, vector<1x128xf32>
    %mul3A_7 = arith.constant 9.99999974E-5 : f32
    %mul3A_8 = vector.broadcast %mul3A_7 : f32 to vector<1x128xf32>
    %mul3A_9 = arith.mulf %get3A_6, %mul3A_8 : vector<1x128xf32>
    %mul3A_10 = arith.mulf %mul3A_3, %mul3A_3 : vector<1x128xf32>
    %sub3A = arith.subf %mul3A_9, %mul3A_10 : vector<1x128xf32>
    %get3A_11 = arith.constant 0 : index
    %get3A_12 = arith.constant 0 : index
    %get3A_13 = vector.load %arg4[%get3A_11, %get3A_12] : memref<1x128xf32, #tpu.memory_space<vmem>>, vector<1x128xf32>
    %get3A_14 = arith.constant 0 : index
    %get3A_15 = arith.constant 0 : index
    %get3A_16 = vector.load %arg1[%get3A_14, %get3A_15] : memref<2000x128xf32, #tpu.memory_space<vmem>>, vector<2000x128xf32>
    %sub3A_17 = vector.broadcast %mul3A_3 : vector<1x128xf32> to vector<2000x128xf32>
    %sub3A_18 = arith.subf %get3A_16, %sub3A_17 : vector<2000x128xf32>
    %mul3A_19 = vector.broadcast %get3A_13 : vector<1x128xf32> to vector<2000x128xf32>
    %mul3A_20 = arith.mulf %mul3A_19, %sub3A_18 : vector<2000x128xf32>
    %add3A = arith.constant 9.99999974E-6 : f32
    %add3A_21 = vector.broadcast %add3A : f32 to vector<1x128xf32>
    %add3A_22 = arith.addf %sub3A, %add3A_21 : vector<1x128xf32>
    %rsqrt3A = math.rsqrt %add3A_22 : vector<1x128xf32>
    %mul3A_23 = vector.broadcast %rsqrt3A : vector<1x128xf32> to vector<2000x128xf32>
    %mul3A_24 = arith.mulf %mul3A_20, %mul3A_23 : vector<2000x128xf32>
    %get3A_25 = arith.constant 0 : index
    %get3A_26 = arith.constant 0 : index
    %get3A_27 = vector.load %arg5[%get3A_25, %get3A_26] : memref<1x128xf32, #tpu.memory_space<vmem>>, vector<1x128xf32>
    %add3A_28 = vector.broadcast %get3A_27 : vector<1x128xf32> to vector<2000x128xf32>
    %add3A_29 = arith.addf %mul3A_24, %add3A_28 : vector<2000x128xf32>
    %max3A = arith.constant 0.000000e+00 : f32
    %max3A_30 = vector.broadcast %max3A : f32 to vector<2000x128xf32>
    %max3A_31 = arith.maximumf %add3A_29, %max3A_30 : vector<2000x128xf32>
    %swap3A = arith.constant 0 : index
    %swap3A_32 = arith.constant 0 : index
    %swap3A_33 = vector.load %arg6[%swap3A, %swap3A_32] : memref<2000x128xf32, #tpu.memory_space<vmem>>, vector<2000x128xf32>
    tpu.vector_store %arg6[%swap3A, %swap3A_32], %max3A_31 {strides = array<i32>} : memref<2000x128xf32, #tpu.memory_space<vmem>>, vector<2000x128xf32>,
    return
  }
  func.func @transform_0(%arg0: i32) -> (i32, i32) {
    %c0_i32 = arith.constant 0 : i32
    %c0_i32_0 = arith.constant 0 : i32
    return %arg0, %c0_i32 : i32, i32
  }
  func.func @transform_1(%arg0: i32) -> (i32, i32) {
    %c0_i32 = arith.constant 0 : i32
    %c0_i32_0 = arith.constant 0 : i32
    %c0_i32_1 = arith.constant 0 : i32
    return %c0_i32, %c0_i32_0 : i32, i32
  }
  func.func @transform_2(%arg0: i32) -> (i32, i32) {
    %c0_i32 = arith.constant 0 : i32
    %c0_i32_0 = arith.constant 0 : i32
    %c0_i32_1 = arith.constant 0 : i32
    return %c0_i32, %c0_i32_0 : i32, i32
  }
  func.func @transform_3(%arg0: i32) -> (i32, i32) {
    %c0_i32 = arith.constant 0 : i32
    %c0_i32_0 = arith.constant 0 : i32
    %c0_i32_1 = arith.constant 0 : i32
    return %c0_i32, %c0_i32_0 : i32, i32
  }
  func.func @transform_4(%arg0: i32) -> (i32, i32) {
    %c0_i32 = arith.constant 0 : i32
    %c0_i32_0 = arith.constant 0 : i32
    %c0_i32_1 = arith.constant 0 : i32
    return %c0_i32, %c0_i32_0 : i32, i32
  }
  func.func @transform_5(%arg0: i32) -> (i32, i32) {
    %c0_i32 = arith.constant 0 : i32
    %c0_i32_0 = arith.constant 0 : i32
    return %arg0, %c0_i32 : i32, i32
  }
}

module attributes {stable_mosaic.version = 14 : i64} {
  func.func @body(%arg0: i32, %arg1: memref<2000x128xf32, #tpu.memory_space<vmem>>, %arg2: memref<8x128xf32, #tpu.memory_space<vmem>>, %arg3: memref<8x128xf32, #tpu.memory_space<vmem>>, %arg4: memref<1x128xf32, #tpu.memory_space<vmem>>, %arg5: memref<1x128xf32, #tpu.memory_space<vmem>>, %arg6: memref<2000x128xf32, #tpu.memory_space<vmem>>) attributes {dimension_semantics = [#tpu.dimension_semantics<arbitrary>], iteration_bounds = array<i64: 5>, scalar_prefetch = 0 : i64, scratch_operands = 0 : i64, tpu.core_type = #tpu.core_type<tc>, window_params = [{transform_indices = @transform_0, window_bounds = array<i64: 2000, 128>}, {pipeline_mode = #tpu.pipeline_mode<synchronous>, transform_indices = @transform_1, window_bounds = array<i64: 8, 128>}, {pipeline_mode = #tpu.pipeline_mode<synchronous>, transform_indices = @transform_2, window_bounds = array<i64: 8, 128>}, {pipeline_mode = #tpu.pipeline_mode<synchronous>, transform_indices = @transform_3, window_bounds = array<i64: 1, 128>}, {pipeline_mode = #tpu.pipeline_mode<synchronous>, transform_indices = @transform_4, window_bounds = array<i64: 1, 128>}, {transform_indices = @transform_5, window_bounds = array<i64: 2000, 128>}]} {
    %get3A = arith.constant 0 : index
    %get3A_0 = arith.constant 0 : index
    %get3A_1 = vector.load %arg2[%get3A, %get3A_0] : memref<8x128xf32, #tpu.memory_space<vmem>>, vector<1x128xf32>
    %mul3A = arith.constant 9.99999974E-5 : f32
    %mul3A_2 = vector.broadcast %mul3A : f32 to vector<1x128xf32>
    %mul3A_3 = arith.mulf %get3A_1, %mul3A_2 : vector<1x128xf32>
    %get3A_4 = arith.constant 0 : index
    %get3A_5 = arith.constant 0 : index
    %get3A_6 = vector.load %arg3[%get3A_4, %get3A_5] : memref<8x128xf32, #tpu.memory_space<vmem>>, vector<1x128xf32>
    %mul3A_7 = arith.constant 9.99999974E-5 : f32
    %mul3A_8 = vector.broadcast %mul3A_7 : f32 to vector<1x128xf32>
    %mul3A_9 = arith.mulf %get3A_6, %mul3A_8 : vector<1x128xf32>
    %mul3A_10 = arith.mulf %mul3A_3, %mul3A_3 : vector<1x128xf32>
    %sub3A = arith.subf %mul3A_9, %mul3A_10 : vector<1x128xf32>
    %get3A_11 = arith.constant 0 : index
    %get3A_12 = arith.constant 0 : index
    %get3A_13 = vector.load %arg4[%get3A_11, %get3A_12] : memref<1x128xf32, #tpu.memory_space<vmem>>, vector<1x128xf32>
    %get3A_14 = arith.constant 0 : index
    %get3A_15 = arith.constant 0 : index
    %get3A_16 = vector.load %arg1[%get3A_14, %get3A_15] : memref<2000x128xf32, #tpu.memory_space<vmem>>, vector<2000x128xf32>
    %sub3A_17 = vector.broadcast %mul3A_3 : vector<1x128xf32> to vector<2000x128xf32>
    %sub3A_18 = arith.subf %get3A_16, %sub3A_17 : vector<2000x128xf32>
    %mul3A_19 = vector.broadcast %get3A_13 : vector<1x128xf32> to vector<2000x128xf32>
    %mul3A_20 = arith.mulf %mul3A_19, %sub3A_18 : vector<2000x128xf32>
    %add3A = arith.constant 9.99999974E-6 : f32
    %add3A_21 = vector.broadcast %add3A : f32 to vector<1x128xf32>
    %add3A_22 = arith.addf %sub3A, %add3A_21 : vector<1x128xf32>
    %rsqrt3A = math.rsqrt %add3A_22 : vector<1x128xf32>
    %mul3A_23 = vector.broadcast %rsqrt3A : vector<1x128xf32> to vector<2000x128xf32>
    %mul3A_24 = arith.mulf %mul3A_20, %mul3A_23 : vector<2000x128xf32>
    %get3A_25 = arith.constant 0 : index
    %get3A_26 = arith.constant 0 : index
    %get3A_27 = vector.load %arg5[%get3A_25, %get3A_26] : memref<1x128xf32, #tpu.memory_space<vmem>>, vector<1x128xf32>
    %add3A_28 = vector.broadcast %get3A_27 : vector<1x128xf32> to vector<2000x128xf32>
    %add3A_29 = arith.addf %mul3A_24, %add3A_28 : vector<2000x128xf32>
    %swap3A = arith.constant 0 : index
    %swap3A_30 = arith.constant 0 : index
    %swap3A_31 = vector.load %arg6[%swap3A, %swap3A_30] : memref<2000x128xf32, #tpu.memory_space<vmem>>, vector<2000x128xf32>
    tpu.vector_store %arg6[%swap3A, %swap3A_30], %add3A_29 {strides = array<i32>} : memref<2000x128xf32, #tpu.memory_space<vmem>>, vector<2000x128xf32>,
    return
  }
  func.func @transform_0(%arg0: i32) -> (i32, i32) {
    %c0_i32 = arith.constant 0 : i32
    %c0_i32_0 = arith.constant 0 : i32
    return %arg0, %c0_i32 : i32, i32
  }
  func.func @transform_1(%arg0: i32) -> (i32, i32) {
    %c0_i32 = arith.constant 0 : i32
    %c0_i32_0 = arith.constant 0 : i32
    %c0_i32_1 = arith.constant 0 : i32
    return %c0_i32, %c0_i32_0 : i32, i32
  }
  func.func @transform_2(%arg0: i32) -> (i32, i32) {
    %c0_i32 = arith.constant 0 : i32
    %c0_i32_0 = arith.constant 0 : i32
    %c0_i32_1 = arith.constant 0 : i32
    return %c0_i32, %c0_i32_0 : i32, i32
  }
  func.func @transform_3(%arg0: i32) -> (i32, i32) {
    %c0_i32 = arith.constant 0 : i32
    %c0_i32_0 = arith.constant 0 : i32
    %c0_i32_1 = arith.constant 0 : i32
    return %c0_i32, %c0_i32_0 : i32, i32
  }
  func.func @transform_4(%arg0: i32) -> (i32, i32) {
    %c0_i32 = arith.constant 0 : i32
    %c0_i32_0 = arith.constant 0 : i32
    %c0_i32_1 = arith.constant 0 : i32
    return %c0_i32, %c0_i32_0 : i32, i32
  }
  func.func @transform_5(%arg0: i32) -> (i32, i32) {
    %c0_i32 = arith.constant 0 : i32
    %c0_i32_0 = arith.constant 0 : i32
    return %arg0, %c0_i32 : i32, i32
  }
}

</mosaic_0001>

<sc_bundles>
// kernel: kernel.19.cloned.1.call-start
scs
__scs_entry_jumppad:
0x0: {  	(pc) =	sbr.rel $0x88, $3  }
0x1: {  	(tag) =	ssettag $0x0;
	lr =	simm.s32 $0x1  }
0x2: {  	[smem:$0x3F94] =	sst lr;
	_ =	strace $0xD0000000  }
0x3: {  	_ = 	snop  }
0x4: {  	_ = 	snop  }
0x5: {  	_ = 	snop  }
0x6: {  	_ = 	snop  }
0x7: {  	_ = 	snop  }
__scs_overlays_trampoline_lowered:
0x8: {  	[smem:$0x3FA3] =	sst s0  }
0x9: {  	[smem:$0x3FA4] =	sst s1  }
0xa: {  	[smem:$0x3FA5] =	sst s2  }
0xb: {  	[smem:$0x3FA6] =	sst s3  }
0xc: {  	[smem:$0x3FA7] =	sst s4  }
0xd: {  	[smem:$0x3FA8] =	sst s5  }
0xe: {  	[smem:$0x3FA9] =	sst s6  }
0xf: {  	[smem:$0x3FAA] =	sst s7  }
0x10: {  	[smem:$0x3FAB] =	sst s8  }
0x11: {  	[smem:$0x3FAC] =	sst s9;
	s0 =	simm.s32 @!p0 $0x0  }
0x12: {  	s1 =	sld [smem:$0x3F92];
	s0 =	simm.s32 @p0 $0x1  }
0x13: {  	[smem:$0x3FAD] =	sst s0;
	s0 =	simm.s32 @!p1 $0x0  }
0x14: {  	s2 =	sld [smem:$0x3F91];
	s0 =	simm.s32 @p1 $0x1  }
0x15: {  	[smem:$0x3FAE] =	sst s0;
	s0 =	simm.s32 @!p2 $0x0  }
0x16: {  	s3 =	sld [smem:$0x3FDB];
	s0 =	simm.s32 @p2 $0x1  }
0x17: {  	s4 =	simm.s32 $0x1BF5;
	[smem:$0x3FB0] =	sst s0  }
0x18: {  	s0 =	sld [smem:$0x3F93];
	_ =	swait.ge [sflag:s4], $0x0  }
0x19: {  	s7 =	sld [smem:$0x3F94]  }
0x1a: {  	s8 =	sadd.s32 $0xFFFFE003, lr  }
0x1b: {  	s9 =	sadd.s32 $0xFFFFFEF7, lr;
	s5 =	simm.s32 $0xFFFFFFFF;
	p2 =	slt.u32 s8, $0xFFFFF086  }
0x1c: {  	p1 =	slt.u32 s9, $0xF7A;
	s5 =	simm.s32 @!p2 $0x0  }
0x1d: {  	s5 =	simm.s32 @p1 $0x1;
	p0 =	seq.s32 s7, s2  }
0x1e: {  	s7 =	smul.u32 @!p0 $0xF7A, s2;
	p2 =	seq.s32 @!p0 s5, $0x0  }
0x1f: {  	s9 =	smul.u32 $0xF7A, s1;
	s8 =	simm.s32 @!p0 $0x1BF5;
	p2 =	por !p2, p0  }
0x20: {  	[sflag:s8] =	ssyncset.s32 @!p0 $0xFFFFF086;
	s6 =	sadd.s32 @!p0 s3, s7;
	s7 =	simm.s32 @!p0 $0x108  }
0x21: {  	s3 =	sadd.s32 s3, s9;
	s6 =	sadd.s32 @!p0 $0x88, s6;
	s7 =	simm.s32 @p2 $0x1082  }
0x22: {  	[simem:s7], [sflag:s8] =	dma.local @!p0 [hbm:s6], $0xF7A  }
0x23: {  	s9 =	sor.u32 $0xD0000000, s2;
	s6 =	simm.s32 $0x108;
	_ =	swait.ge @!p0 [sflag:s8], $0x0  }
0x24: {  	s3 =	sadd.s32 $0x88, s3;
	s6 =	simm.s32 @!p1 $0x1082;
	[sflag:s4] =	ssyncset.s32 $0xFFFFF086  }
0x25: {  	[simem:s6], [sflag:s4] =	dma.local [hbm:s3], $0xF7A  }
0x26: {  	[smem:$0x3F94] =	sst s1;
	(tag) =	ssettag s2;
	_ =	strace s9  }
0x27: {  	s1 =	sld [smem:$0x3FA4]  }
0x28: {  	s2 =	sld [smem:$0x3FA5]  }
0x29: {  	s4 =	sld [smem:$0x3FA7]  }
0x2a: {  	p0 =	seq.s32 s5, $0x0;
	s5 =	sld [smem:$0x3FA8]  }
0x2b: {  	s6 =	sld [smem:$0x3FA9]  }
0x2c: {  	s7 =	sld [smem:$0x3FAA]  }
0x2d: {  	s3 =	simm.s32 $0x108;
	s8 =	sld [smem:$0x3FAB]  }
0x2e: {  	s3 =	simm.s32 @!p0 $0x1082;
	s9 =	sld [smem:$0x3FAC]  }
0x2f: {  	lr =	sadd.s32 s0, s3;
	s0 =	sld [smem:$0x3FA3]  }
0x30: {  	s3 =	sld [smem:$0x3FA6]  }
0x31: {  	[smem:$0x3FAF] =	sst s10  }
0x32: {  	s10 =	sld [smem:$0x3FAD];
	_ =	sdelay $0x3  }
0x33: {  	p0 =	seq.s32 s10, $0x1;
	s10 =	sld [smem:$0x3FAF];
	_ =	sdelay $0x3  }
0x34: {  	[smem:$0x3FAF] =	sst s10  }
0x35: {  	s10 =	sld [smem:$0x3FAE];
	_ =	sdelay $0x3  }
0x36: {  	p1 =	seq.s32 s10, $0x1;
	s10 =	sld [smem:$0x3FAF];
	_ =	sdelay $0x3  }
0x37: {  	[smem:$0x3FAF] =	sst s10  }
0x38: {  	s10 =	sld [smem:$0x3FB0]  }
0x39: {  	_ = 	snop;
	(pc) =	sbr.ind lr, $3  }
0x3a: {  	_ = 	snop  }
0x3b: {  	_ = 	snop  }
0x3c: {  	p2 =	seq.s32 s10, $0x1;
	s10 =	sld [smem:$0x3FAF]  }
0x3d: {  	_ =	shalt  }
0x3e: {  	_ =	shalt  }
0x3f: {  	_ =	shalt  }
0x40: {  	_ =	shalt  }
0x41: {  	_ =	shalt  }
0x42: {  	_ =	shalt  }
0x43: {  	_ =	shalt  }
0x44: {  	_ =	shalt  }
0x45: {  	_ =	shalt  }
0x46: {  	_ =	shalt  }
0x47: {  	_ =	shalt  }
0x48: {  	_ =	shalt  }
0x49: {  	_ =	shalt  }
0x4a: {  	_ =	shalt  }
0x4b: {  	_ =	shalt  }
0x4c: {  	_ =	shalt  }
0x4d: {  	_ =	shalt  }
0x4e: {  	_ =	shalt  }
0x4f: {  	_ =	shalt  }
0x50: {  	_ =	shalt  }
0x51: {  	_ =	shalt  }
0x52: {  	_ =	shalt  }
0x53: {  	_ =	shalt  }
0x54: {  	_ =	shalt  }
0x55: {  	_ =	shalt  }
0x56: {  	_ =	shalt  }
0x57: {  	_ =	shalt  }
0x58: {  	_ =	shalt  }
0x59: {  	_ =	shalt  }
0x5a: {  	_ =	shalt  }
0x5b: {  	_ =	shalt  }
0x5c: {  	_ =	shalt  }
0x5d: {  	_ =	shalt  }
0x5e: {  	_ =	shalt  }
0x5f: {  	_ =	shalt  }
0x60: {  	_ =	shalt  }
0x61: {  	_ =	shalt  }
0x62: {  	_ =	shalt  }
0x63: {  	_ =	shalt  }
0x64: {  	_ =	shalt  }
0x65: {  	_ =	shalt  }
0x66: {  	_ =	shalt  }
0x67: {  	_ =	shalt  }
0x68: {  	_ =	shalt  }
0x69: {  	_ =	shalt  }
0x6a: {  	_ =	shalt  }
0x6b: {  	_ =	shalt  }
0x6c: {  	_ =	shalt  }
0x6d: {  	_ =	shalt  }
0x6e: {  	_ =	shalt  }
0x6f: {  	_ =	shalt  }
0x70: {  	_ =	shalt  }
0x71: {  	_ =	shalt  }
0x72: {  	_ =	shalt  }
0x73: {  	_ =	shalt  }
0x74: {  	_ =	shalt  }
0x75: {  	_ =	shalt  }
0x76: {  	_ =	shalt  }
0x77: {  	_ =	shalt  }
0x78: {  	_ =	shalt  }
0x79: {  	_ =	shalt  }
0x7a: {  	_ =	shalt  }
0x7b: {  	_ =	shalt  }
0x7c: {  	_ =	shalt  }
0x7d: {  	_ =	shalt  }
0x7e: {  	_ =	shalt  }
0x7f: {  	_ =	shalt  }
0x80: {  	_ =	shalt  }
0x81: {  	_ =	shalt  }
0x82: {  	_ =	shalt  }
0x83: {  	_ =	shalt  }
0x84: {  	_ =	shalt  }
0x85: {  	_ =	shalt  }
0x86: {  	_ =	shalt  }
0x87: {  	_ =	shalt  }
.Lfunc_end0:
.L_simem_size_0:
called_computation_lowered:
.L_overlay_start_0:
0x88: {  	s2 =	sld [smem:$0x3FD9]  }
0x89: {  	s3 =	sld [smem:$0x3FFE];
	_ =	sdelay $0x1  }
0x8a: {  	s1 =	srdreg.scid  }
0x8b: {  	s0 =	sand.u32 $0x1, s1  }
0x8c: {  	s17 =	sshll.u32 s0, $0xA;
	s2 =	sadd.s32 s3, s2  }
0x8d: {  	s2 =	sadd.s32 s2, s17  }
0x8e: {  	[smem:$0x3FBB] =	sst s2  }
0x8f: {  	_ = 	snop  }
0x90: {  	s2 =	sld [smem:$0x3FD0];
	(tm) =	ssettm $0x1  }
0x91: {  	s18 =	sld [smem:$0x3FFB];
	_ =	sdelay $0x3  }
0x92: {  	_ =	strace s18  }
0x93: {  	s3 =	sld [smem:$0x3FFC];
	_ =	sdelay $0x3  }
0x94: {  	_ =	strace s3  }
0x95: {  	s3 =	sld [smem:$0x3FFD];
	_ =	sdelay $0x3  }
0x96: {  	_ =	strace s3  }
0x97: {  	_ =	strace $0x8FFFFFFF  }
0x98: {  	s19 =	sld [smem:$0x3FDB];
	_ =	sdelay $0x1  }
0x99: {  	s4 =	simm.s32 $_scs_section_size  }
0x9a: {  	s5 =	simm.s32 $_size__tile_overlayer_lowered;
	s6 =	simm.s32 $_tile_overlayer_lowered  }
0x9b: {  	s22 =	simm.s32 $0x1BFF;
	s21 =	sshll.u32 s6, $0x1;
	s3 =	sadd.s32 s4, s19  }
0x9c: {  	s7 =	simm.s32 $0x0;
	s20 =	sshll.u32 s5, $0x1;
	s5 =	sadd.s32 s21, s3  }
0x9d: {  	[timem:s7], [sflag:s22] =	dma.local [hbm:s5], s20  }
0x9e: {  	_ =	swait.ge [sflag:s22], s20  }
0x9f: {  	s4 =	ssub.s32 $0x0, s20;
	[sflag:s22] =	ssyncset.done $0x0  }
0xa0: {  	[sflag:s22] =	ssyncadd.s32 s4;
	_ =	sdelay $0x1  }
0xa1: {  	s23 =	simm.s32 $0x1B8B  }
0xa2: {  	_ =	swait.ge [sflag:s23], $0x1  }
0xa3: {  	[sflag:s23] =	ssyncset.done $0x0  }
0xa4: {  	s25 =	simm.s32 $0x1B8E;
	s24 =	sld [smem:$0x3FFE];
	[sflag:s23] =	ssyncadd.s32 $0xFFFFFFFF  }
0xa5: {  	s26 =	simm.s32 $execute0_lowered;
	[smem:$0x3FD2] =	sst s25  }
0xa6: {  	s5 =	sshll.u32 s26, $0x1;
	_ =	strace $0x80000046;
	[dreg:$0x1] =	wrdreg $0xFFFFFFFF  }
0xa7: {  	s28 =	simm.s32 $_size_execute0_lowered;
	s3 =	sadd.s32 s3, s5;
	[dreg:$0x0] =	wrdreg $0x0  }
0xa8: {  	s5 =	sshll.u32 s28, $0x1;
	[dreg:$0x2] =	wrdreg s3  }
0xa9: {  	[dreg:$0x3] =	wrdreg s5  }
0xaa: {  	[dreg:$0x4] =	wrdreg $0xC0  }
0xab: {  	_ =	task [dreg:s7], $0x5FFFF  }
0xac: {  	[dreg:$0x1] =	wrdreg $0xFFFFFFFF  }
0xad: {  	[dreg:$0x0] =	wrdreg $0x60  }
0xae: {  	[dreg:$0x2] =	wrdreg s24  }
0xaf: {  	[dreg:$0x3] =	wrdreg s2  }
0xb0: {  	[dreg:$0x4] =	wrdreg $0xA9000  }
0xb1: {  	[dreg:$0x5] =	wrdreg $0x9  }
0xb2: {  	_ =	task.clear_ibuf [dreg:s7], $0x6FFFF;
	_ =	strace $0x90000046  }
0xb3: {  	s29 =	simm.s32 $0x9;
	_ =	strace $0x80000048  }
0xb4: {  	_ =	swait.ge [sflag:s29], $0x1  }
0xb5: {  	[sflag:s29] =	ssyncadd.s32 $0xFFFFFFFF  }
0xb6: {  	_ =	strace $0x90000048  }
0xb7: {  	_ =	sfence  }
0xb8: {  	s30 =	sld [smem:$0x0];
	_ =	sdelay $0x2  }
0xb9: {  	s31 =	sshll.u32 s1, $0xD;
	s1 =	sshrl.u32 s1, $0x2  }
0xba: {  	s3 =	sand.u32 $0x4000, s31;
	s1 =	sadd.s32 s1, s30  }
0xbb: {  	s0 =	sor.u32 s3, s0;
	s1 =	sshll.u32 s1, $0x11  }
0xbc: {  	s0 =	sor.u32 s1, s0  }
0xbd: {  	s0 =	sadd.s32 $0x8F2B, s0  }
0xbe: {  	[sflag:s0] =	ssyncadd.remote.s32 $0x1  }
0xbf: {  	_ =	sfence.sel $0xFFFF  }
0xc0: {  	[dreg:$0x0] =	wrdreg $0xFFFFFFFF;
	(pc) =	sbr.abs _section_cstart, $3  }
0xc1: {  	[dreg:$0x1] =	wrdreg $0xFFFFFFFF  }
0xc2: {  	_ =	task.clear_ibuf [dreg:s7], $0x2FFFF;
	_ =	strace $0x9FFFFFFF  }
0xc3: {  	(tm) =	ssettm $0x7FFFFFFF  }
tec
execute0_lowered:
.L_overlay_start_1:
0x0: {  	(tag) =	ssettag $0x1  }
0x1: {  	s0 =	rddreg [dreg:$0x0]  }
0x2: {  	s2 =	rddreg [dreg:$0x1]  }
0x3: {  	s1 =	rddreg [dreg:$0x2]  }
0x4: {  	s3 =	srdreg.scid;
	s9 =	stileid.u32  }
0x5: {  	s16 =	simm.s32 $0x5;
	s17 =	simm.s32 $0x2800;
	s18 =	simm.s32 $0x80  }
0x6: {  	s19 =	simm.s32 $0x2900;
	s20 =	simm.s32 $0x6900;
	s21 =	simm.s32 $0x2880  }
0x7: {  	s22 =	simm.s32 $0x1;
	s23 =	simm.s32 $0x3;
	s24 =	simm.s32 $0x6  }
0x8: {  	s25 =	simm.s32 $0x2;
	s26 =	simm.s32 $0x4;
	s28 =	simm.s32 $0x0  }
0x9: {  	s6 =	sand.u32 $0x1, s3;
	s3 =	simm.s32 $0x0;
	s7 =	smul.u32 $0x14000, s9  }
0xa: {  	s5 =	smul.u32 $0x140000, s6;
	[smem:$0x7FF] =	sst s3;
	s4 =	sshll.u32 s6, $0x4  }
0xb: {  	s29 =	ssub.s32 $0x2, s6;
	s6 =	sadd.s32 $0x5600, s0;
	_ =	strace $0x80000047  }
0xc: {  	s8 =	sor.u32 s9, s4;
	s4 =	sadd.s32 $0xF600, s0;
	s9 =	smul.u32 $0x50000, s9  }
0xd: {  	s30 =	sshrl.u32 s29, $0x1;
	s7 =	sadd.s32 s7, s5;
	s5 =	smul.u32 $0x2800, s8  }
0xe: {  	s11 =	ssub.s32 s29, s30;
	s7 =	sshrl.u32 s7, $0x3;
	s9 =	sshrl.u32 s9, $0x2  }
0xf: {  	s11 =	smax.u32 s11, $0x1;
	s0 =	sadd.s32 s7, s0;
	s31 =	sshrl.u32 s5, $0x3  }
0x10: {  	s9 =	sadd.s32 s9, s1;
	s2 =	sadd.s32 s2, s31;
	s8 =	sadd.s32 s6, s31  }
0x11: {  	s10 =	sadd.s32 $0x11600, s0;
	s12 =	sadd.s32 $0x4000, s9;
	s13 =	sadd.s32 $0x8000, s9  }
0x12: {  	v0 =	vimm.f32 $0.0e+00;
	s14 =	sadd.s32 $0xC000, s9;
	s15 =	sadd.s32 $0x10000, s9;
	[dreg:$0x4] =	wrdreg s2  }
.LBB2_1:
0x13: {  	s0 =	rddreg [dreg:$0x4]  }
0x14: {  	[tilespmem:s3], [sflag:$0x5] =	stream.linear.gather [hbm4b:s0+s3], $0x2780, $0x38;
	[tilespmem:$0x1E900] =	vst v63  }
0x15: {  	_ =	swait.ge [sflag:s16], $0x2780  }
0x16: {  	s31 =	sand.u32 $0xFE00, s3;
	[sflag:s16] =	ssyncset.done $0x0  }
0x17: {  	s2 =	sand.u32 $0x70, s3;
	s29 =	sshrl.u32 s31, $0x2;
	[sflag:s16] =	ssyncadd.s32 $0xFFFFD880  }
0x18: {  	[tilespmem:s17], [sflag:$0x3] =	stream.linear.gather [hbm4b:s8+s3], $0x80, $0x38;
	[tilespmem:$0x1E900] =	vst v63  }
0x19: {  	s0 =	simm.s32 $0x40;
	s2 =	sor.u32 s2, s29;
	s29 =	simm.s32 $0x0  }
0x1a: {  	[tilespmem:s19], [sflag:$0x1] =	stream.indirect.gather [hbm4b:s4+s18], $0x80, s3, s18, $0xb8;
	[tilespmem:$0x1E900] =	vst v63  }
.LBB2_2:
0x1b: {  	p0 =	sne.s32 s0, $0xFFC0  }
0x1c: {  	[tilespmem:s2+$0x6900] =	vst v0;
	s29 =	sadd.s32 $0x10, s29;
	s2 =	smov.u32 s0;
	s0 =	sadd.s32 $0x40, s0  }
.Ltmp0:
0x1d: {  	(pc) =	sbr.rel @p0 .LBB2_2-.Ltmp0, $4  }
0x1e: {  	_ = 	snop  }
0x1f: {  	s2 =	sand.u32 $0xFE00, s2  }
0x20: {  	s30 =	sand.u32 $0x70, s29;
	s2 =	sshrl.u32 s2, $0x2  }
0x21: {  	s2 =	sor.u32 s30, s2  }
0x22: {  	[tilespmem:s2+$0x6900] =	vst v0  }
0x23: {  	[spmem:s9] =	stream.linear.scatter [tilespmem:s20], [sflag:$0x5], $0x4000, $0x38;
	[tilespmem:$0x1E900] =	vst v63  }
0x24: {  	_ =	swait.ge [sflag:s16], $0x4000  }
0x25: {  	[sflag:s16] =	ssyncset.done $0x0  }
0x26: {  	[sflag:s16] =	ssyncadd.s32 $0xFFFFC000  }
0x27: {  	[spmem:s12] =	stream.linear.scatter [tilespmem:s20], [sflag:$0x5], $0x4000, $0x38;
	[tilespmem:$0x1E900] =	vst v63  }
0x28: {  	_ =	swait.ge [sflag:s16], $0x4000  }
0x29: {  	[sflag:s16] =	ssyncset.done $0x0  }
0x2a: {  	[sflag:s16] =	ssyncadd.s32 $0xFFFFC000  }
0x2b: {  	[spmem:s13] =	stream.linear.scatter [tilespmem:s20], [sflag:$0x5], $0x4000, $0x38;
	[tilespmem:$0x1E900] =	vst v63  }
0x2c: {  	_ =	swait.ge [sflag:s16], $0x4000  }
0x2d: {  	[sflag:s16] =	ssyncset.done $0x0  }
0x2e: {  	[sflag:s16] =	ssyncadd.s32 $0xFFFFC000  }
0x2f: {  	[spmem:s14] =	stream.linear.scatter [tilespmem:s20], [sflag:$0x5], $0x4000, $0x38;
	[tilespmem:$0x1E900] =	vst v63  }
0x30: {  	_ =	swait.ge [sflag:s16], $0x4000  }
0x31: {  	s0 =	simm.s32 $0x0;
	[sflag:s16] =	ssyncset.done $0x0  }
0x32: {  	s7 =	simm.s32 $0x80;
	s0 =	sand.u32 $0x3C00, s0;
	[sflag:s16] =	ssyncadd.s32 $0xFFFFC000  }
0x33: {  	[spmem:s15] =	stream.linear.scatter [tilespmem:s20], [sflag:$0x5], $0x4000, $0x38;
	[tilespmem:$0x1E900] =	vst v63  }
0x34: {  	s2 =	sand.u32 $0x380, s7;
	s0 =	sadd.s32 s5, s0;
	_ =	swait.ge [sflag:s16], $0x4000  }
0x35: {  	s0 =	sor.u32 s0, s2;
	[sflag:s16] =	ssyncset.done $0x0  }
0x36: {  	s0 =	sshrl.u32 s0, $0x3;
	[sflag:s16] =	ssyncadd.s32 $0xFFFFC000  }
0x37: {  	s0 =	sadd.s32 s6, s0;
	[bflag:$0x0] =	sbarrier.arrive $0xFFFF  }
0x38: {  	[tilespmem:s21], [sflag:$0x4] =	stream.linear.gather [hbm4b:s0+s3], $0x80, $0x38;
	[tilespmem:$0x1E900] =	vst v63  }
0x39: {  	s29 =	simm.s32 $0x80  }
0x3a: {  	[tilespmem:s20], [sflag:$0x2] =	stream.indirect.gather [hbm4b:s4+s18], $0x80, s29, s18, $0xb8;
	[tilespmem:$0x1E900] =	vst v63  }
0x3b: {  	_ =	swait.ge [sflag:s22], $0x4000  }
0x3c: {  	[sflag:s22] =	ssyncset.done $0x0  }
0x3d: {  	[sflag:s22] =	ssyncadd.s32 $0xFFFFC000  }
0x3e: {  	s0 =	simm.s32 $0x100;
	_ =	swait.ge [sflag:s23], $0x80  }
0x3f: {  	s7 =	sand.u32 $0x7C00, s0;
	[sflag:s23] =	ssyncset.done $0x0  }
0x40: {  	s0 =	sand.u32 $0x300, s0;
	s2 =	sadd.s32 s5, s7;
	[sflag:s23] =	ssyncadd.s32 $0xFFFFFF80  }
0x41: {  	[spmem:s1] =	stream.indirect.scatter.add.f32 [tilespmem:s19], [sflag:$0x6], $0x80, s17, s18, $0xb8;
	[tilespmem:$0x1E900] =	vst v63  }
0x42: {  	s0 =	sor.u32 s0, s2;
	_ =	swait.ge [sflag:s24], $0x4000  }
0x43: {  	s0 =	sshrl.u32 s0, $0x3;
	[sflag:s24] =	ssyncset.done $0x0  }
0x44: {  	s0 =	sadd.s32 s6, s0;
	[sflag:s24] =	ssyncadd.s32 $0xFFFFC000  }
0x45: {  	[tilespmem:s17], [sflag:$0x3] =	stream.linear.gather [hbm4b:s0+s3], $0x80, $0x38;
	[tilespmem:$0x1E900] =	vst v63  }
0x46: {  	s7 =	simm.s32 $0x100  }
0x47: {  	[tilespmem:s19], [sflag:$0x1] =	stream.indirect.gather [hbm4b:s4+s18], $0x80, s7, s18, $0xb8;
	[tilespmem:$0x1E900] =	vst v63  }
0x48: {  	s2 =	simm.s32 $0x100;
	_ =	swait.ge [sflag:s25], $0x4000  }
0x49: {  	s0 =	sand.u32 $0x3C00, s2;
	s7 =	simm.s32 $0x180;
	[sflag:s25] =	ssyncset.done $0x0  }
0x4a: {  	s0 =	sadd.s32 s5, s0;
	s2 =	sand.u32 $0x380, s7;
	[sflag:s25] =	ssyncadd.s32 $0xFFFFC000  }
0x4b: {  	s30 =	simm.s32 $0x200;
	s0 =	sor.u32 s0, s2;
	_ =	swait.ge [sflag:s26], $0x80  }
0x4c: {  	s31 =	simm.s32 $0x300;
	s0 =	sshrl.u32 s0, $0x3;
	[sflag:s26] =	ssyncset.done $0x0  }
.LBB2_4:
0x4d: {  	[sflag:s26] =	ssyncadd.s32 $0xFFFFFF80  }
0x4e: {  	s29 =	sadd.s32 $0x100, s29;
	s7 =	smov.u32 s31;
	s2 =	sadd.s32 $0x100, s31  }
0x4f: {  	[spmem:s1] =	stream.indirect.scatter.add.f32 [tilespmem:s20], [sflag:$0x5], $0x80, s21, s18, $0xb8;
	[tilespmem:$0x1E900] =	vst v63  }
0x50: {  	p0 =	sne.s32 s31, $0x2700;
	_ =	swait.ge [sflag:s16], $0x4000  }
0x51: {  	s0 =	sadd.s32 s6, s0;
	[sflag:s16] =	ssyncset.done $0x0  }
0x52: {  	[sflag:s16] =	ssyncadd.s32 $0xFFFFC000  }
0x53: {  	[tilespmem:s21], [sflag:$0x4] =	stream.linear.gather [hbm4b:s0+s3], $0x80, $0x38;
	[tilespmem:$0x1E900] =	vst v63  }
0x54: {  	_ = 	snop  }
0x55: {  	[tilespmem:s20], [sflag:$0x2] =	stream.indirect.gather [hbm4b:s4+s18], $0x80, s29, s18, $0xb8;
	[tilespmem:$0x1E900] =	vst v63  }
0x56: {  	_ =	swait.ge [sflag:s22], $0x4000  }
0x57: {  	[sflag:s22] =	ssyncset.done $0x0  }
0x58: {  	[sflag:s22] =	ssyncadd.s32 $0xFFFFC000  }
0x59: {  	_ =	swait.ge [sflag:s23], $0x80  }
0x5a: {  	s0 =	sand.u32 $0x7C00, s30;
	[sflag:s23] =	ssyncset.done $0x0  }
0x5b: {  	s30 =	sand.u32 $0x300, s30;
	s0 =	sadd.s32 s5, s0;
	[sflag:s23] =	ssyncadd.s32 $0xFFFFFF80  }
0x5c: {  	[spmem:s1] =	stream.indirect.scatter.add.f32 [tilespmem:s19], [sflag:$0x6], $0x80, s17, s18, $0xb8;
	[tilespmem:$0x1E900] =	vst v63  }
0x5d: {  	s0 =	sor.u32 s30, s0;
	s30 =	smov.u32 s7;
	_ =	swait.ge [sflag:s24], $0x4000  }
0x5e: {  	s0 =	sshrl.u32 s0, $0x3;
	[sflag:s24] =	ssyncset.done $0x0  }
0x5f: {  	s7 =	sadd.s32 $0x80, s29;
	s0 =	sadd.s32 s6, s0;
	[sflag:s24] =	ssyncadd.s32 $0xFFFFC000  }
0x60: {  	[tilespmem:s17], [sflag:$0x3] =	stream.linear.gather [hbm4b:s0+s3], $0x80, $0x38;
	[tilespmem:$0x1E900] =	vst v63  }
0x61: {  	_ = 	snop  }
0x62: {  	[tilespmem:s19], [sflag:$0x1] =	stream.indirect.gather [hbm4b:s4+s18], $0x80, s7, s18, $0xb8;
	[tilespmem:$0x1E900] =	vst v63  }
.Ltmp1:
0x63: {  	s0 =	sadd.s32 $0xFFFFFF00, s30;
	_ =	swait.ge [sflag:s25], $0x4000;
	(pc) =	sbr.rel @p0 .LBB2_4-.Ltmp1, $4  }
0x64: {  	s0 =	sand.u32 $0x3C00, s0;
	s7 =	sadd.s32 $0xFFFFFF80, s30;
	[sflag:s25] =	ssyncset.done $0x0  }
0x65: {  	s0 =	sadd.s32 s5, s0;
	s7 =	sand.u32 $0x380, s7;
	[sflag:s25] =	ssyncadd.s32 $0xFFFFC000  }
0x66: {  	s0 =	sor.u32 s0, s7;
	_ =	swait.ge [sflag:s26], $0x80  }
0x67: {  	s31 =	smov.u32 s2;
	s0 =	sshrl.u32 s0, $0x3;
	[sflag:s26] =	ssyncset.done $0x0  }
0x68: {  	[sflag:s26] =	ssyncadd.s32 $0xFFFFFF80  }
0x69: {  	[spmem:s1] =	stream.indirect.scatter.add.f32 [tilespmem:s20], [sflag:$0x5], $0x80, s21, s18, $0xb8;
	[tilespmem:$0x1E900] =	vst v63  }
0x6a: {  	_ =	swait.ge [sflag:s16], $0x4000  }
0x6b: {  	[sflag:s16] =	ssyncset.done $0x0  }
0x6c: {  	s0 =	sadd.s32 s6, s0;
	[sflag:s16] =	ssyncadd.s32 $0xFFFFC000  }
0x6d: {  	[tilespmem:s21], [sflag:$0x4] =	stream.linear.gather [hbm4b:s0+s3], $0x80, $0x38;
	[tilespmem:$0x1E900] =	vst v63  }
0x6e: {  	s29 =	sadd.s32 $0x100, s29  }
0x6f: {  	[tilespmem:s20], [sflag:$0x2] =	stream.indirect.gather [hbm4b:s4+s18], $0x80, s29, s18, $0xb8;
	[tilespmem:$0x1E900] =	vst v63  }
0x70: {  	_ =	swait.ge [sflag:s22], $0x4000  }
0x71: {  	[sflag:s22] =	ssyncset.done $0x0  }
0x72: {  	[sflag:s22] =	ssyncadd.s32 $0xFFFFC000  }
0x73: {  	_ =	swait.ge [sflag:s23], $0x80  }
0x74: {  	s2 =	sand.u32 $0x7C00, s30;
	[sflag:s23] =	ssyncset.done $0x0  }
0x75: {  	s7 =	sand.u32 $0x300, s30;
	s2 =	sadd.s32 s5, s2;
	[sflag:s23] =	ssyncadd.s32 $0xFFFFFF80  }
0x76: {  	[spmem:s1] =	stream.indirect.scatter.add.f32 [tilespmem:s19], [sflag:$0x6], $0x80, s17, s18, $0xb8;
	[tilespmem:$0x1E900] =	vst v63  }
0x77: {  	s2 =	sor.u32 s7, s2;
	_ =	swait.ge [sflag:s24], $0x4000  }
0x78: {  	s2 =	sshrl.u32 s2, $0x3;
	[sflag:s24] =	ssyncset.done $0x0  }
0x79: {  	s2 =	sadd.s32 s6, s2;
	[sflag:s24] =	ssyncadd.s32 $0xFFFFC000  }
0x7a: {  	[tilespmem:s17], [sflag:$0x3] =	stream.linear.gather [hbm4b:s2+s3], $0x80, $0x38;
	[tilespmem:$0x1E900] =	vst v63  }
0x7b: {  	s0 =	sadd.s32 $0x80, s29  }
0x7c: {  	[tilespmem:s19], [sflag:$0x1] =	stream.indirect.gather [hbm4b:s4+s18], $0x80, s0, s18, $0xb8;
	[tilespmem:$0x1E900] =	vst v63  }
0x7d: {  	_ =	swait.ge [sflag:s25], $0x4000  }
0x7e: {  	[sflag:s25] =	ssyncset.done $0x0  }
0x7f: {  	[sflag:s25] =	ssyncadd.s32 $0xFFFFC000  }
0x80: {  	_ =	swait.ge [sflag:s26], $0x80  }
0x81: {  	[sflag:s26] =	ssyncset.done $0x0  }
0x82: {  	[sflag:s26] =	ssyncadd.s32 $0xFFFFFF80  }
0x83: {  	[spmem:s1] =	stream.indirect.scatter.add.f32 [tilespmem:s20], [sflag:$0x5], $0x80, s21, s18, $0xb8;
	[tilespmem:$0x1E900] =	vst v63  }
0x84: {  	_ =	swait.ge [sflag:s16], $0x4000  }
0x85: {  	[sflag:s16] =	ssyncset.done $0x0  }
0x86: {  	[sflag:s16] =	ssyncadd.s32 $0xFFFFC000  }
0x87: {  	_ =	swait.ge [sflag:s22], $0x4000  }
0x88: {  	[sflag:s22] =	ssyncset.done $0x0  }
0x89: {  	[sflag:s22] =	ssyncadd.s32 $0xFFFFC000  }
0x8a: {  	_ =	swait.ge [sflag:s23], $0x80  }
0x8b: {  	[sflag:s23] =	ssyncset.done $0x0  }
0x8c: {  	[sflag:s23] =	ssyncadd.s32 $0xFFFFFF80  }
0x8d: {  	[spmem:s1] =	stream.indirect.scatter.add.f32 [tilespmem:s19], [sflag:$0x6], $0x80, s17, s18, $0xb8;
	[tilespmem:$0x1E900] =	vst v63  }
0x8e: {  	s30 =	stileid.u32;
	_ =	swait.ge [sflag:s24], $0x4000  }
0x8f: {  	s31 =	sshrl.u32 s9, $0x3;
	s28 =	sadd.s32 $0x1, s28;
	[sflag:s24] =	ssyncset.done $0x0  }
0x90: {  	p0 =	sne.s32 s28, s11;
	s0 =	sshll.u32 s30, $0x6;
	[sflag:s24] =	ssyncadd.s32 $0xFFFFC000  }
.Ltmp2:
0x91: {  	s0 =	sor.u32 $0x1C05, s0;
	[bflag:$0x0] =	sbarrier.arrive $0xFFFF;
	(pc) =	sbr.rel @p0 .LBB2_1-.Ltmp2, $4  }
0x92: {  	[hbm:s10], [sflag:s0] =	dma.local [spmem:s31], $0x2800  }
0x93: {  	_ =	swait.ge [sflag:s16], $0x2800  }
0x94: {  	[sflag:s16] =	ssyncset.done $0x0  }
0x95: {  	[sflag:s16] =	ssyncadd.s32 $0xFFFFD800  }
0x96: {  	_ =	sfence.sel $0x180000  }
0x97: {  	[bflag:$0x0] =	sbarrier.arrive $0xFFFF  }
0x98: {  	_ =	strace $0x90000047  }
0x99: {  	s0 =	stileid.u32;
	[bflag:$0x2] =	sbarrier.arrive $0xFFFF  }
0x9a: {  	p0 =	sne.s32 s0, $0x0;
	s0 =	rddreg [dreg:$0x3]  }
0x9b: {  	s0 =	sadd.s32 @!p0 $0x100000, s0  }
0x9c: {  	[sflag:s0] =	ssyncadd.tile.s32 @!p0 $0x1;
	_ =	shalt  }
.Lfunc_end2:
_tile_overlayer_lowered:
.L_overlay_start_2:
0x9d: {  	(tag) =	ssettag $0x2  }
0x9e: {  	s0 =	rddreg [dreg:$0x0];
	s2 =	stileid.u32  }
0x9f: {  	s1 =	rddreg [dreg:$0x1];
	p0 =	sne.s32 s2, $0x0  }
0xa0: {  	s3 =	rddreg [dreg:$0x2];
	[bflag:$0x3] =	sbarrier.arrive $0xFFFF;
	s2 =	simm.s32 @!p0 $0x1C05  }
0xa1: {  	[timem:s3], [sflag:s2] =	dma.local @!p0 [hbm:s0], s1  }
0xa2: {  	s0 =	simm.s32 @!p0 $0x5  }
0xa3: {  	_ =	swait.ge @!p0 [sflag:s0], s1  }
0xa4: {  	s1 =	ssub.s32 @!p0 $0x0, s1;
	[sflag:s0] =	ssyncset.done @!p0 $0x0  }
0xa5: {  	[sflag:s0] =	ssyncadd.s32 @!p0 s1  }
0xa6: {  	[bflag:$0x3] =	sbarrier.arrive $0xFFFF  }
0xa7: {  	_ =	shalt  }

// kernel: kernel.22.cloned.1.call-start
scs
__scs_entry_jumppad:
0x0: {  	(pc) =	sbr.rel $0x88, $3  }
0x1: {  	(tag) =	ssettag $0x0;
	lr =	simm.s32 $0x1  }
0x2: {  	[smem:$0x3F94] =	sst lr;
	_ =	strace $0xD0000000  }
0x3: {  	_ = 	snop  }
0x4: {  	_ = 	snop  }
0x5: {  	_ = 	snop  }
0x6: {  	_ = 	snop  }
0x7: {  	_ = 	snop  }
__scs_overlays_trampoline_lowered:
0x8: {  	[smem:$0x3FA3] =	sst s0  }
0x9: {  	[smem:$0x3FA4] =	sst s1  }
0xa: {  	[smem:$0x3FA5] =	sst s2  }
0xb: {  	[smem:$0x3FA6] =	sst s3  }
0xc: {  	[smem:$0x3FA7] =	sst s4  }
0xd: {  	[smem:$0x3FA8] =	sst s5  }
0xe: {  	[smem:$0x3FA9] =	sst s6  }
0xf: {  	[smem:$0x3FAA] =	sst s7  }
0x10: {  	[smem:$0x3FAB] =	sst s8  }
0x11: {  	[smem:$0x3FAC] =	sst s9;
	s0 =	simm.s32 @!p0 $0x0  }
0x12: {  	s1 =	sld [smem:$0x3F92];
	s0 =	simm.s32 @p0 $0x1  }
0x13: {  	[smem:$0x3FAD] =	sst s0;
	s0 =	simm.s32 @!p1 $0x0  }
0x14: {  	s2 =	sld [smem:$0x3F91];
	s0 =	simm.s32 @p1 $0x1  }
0x15: {  	[smem:$0x3FAE] =	sst s0;
	s0 =	simm.s32 @!p2 $0x0  }
0x16: {  	s3 =	sld [smem:$0x3FDB];
	s0 =	simm.s32 @p2 $0x1  }
0x17: {  	s4 =	simm.s32 $0x1BF5;
	[smem:$0x3FB0] =	sst s0  }
0x18: {  	s0 =	sld [smem:$0x3F93];
	_ =	swait.ge [sflag:s4], $0x0  }
0x19: {  	s7 =	sld [smem:$0x3F94]  }
0x1a: {  	s8 =	sadd.s32 $0xFFFFE003, lr  }
0x1b: {  	s9 =	sadd.s32 $0xFFFFFEF7, lr;
	s5 =	simm.s32 $0xFFFFFFFF;
	p2 =	slt.u32 s8, $0xFFFFF086  }
0x1c: {  	p1 =	slt.u32 s9, $0xF7A;
	s5 =	simm.s32 @!p2 $0x0  }
0x1d: {  	s5 =	simm.s32 @p1 $0x1;
	p0 =	seq.s32 s7, s2  }
0x1e: {  	s7 =	smul.u32 @!p0 $0xF7A, s2;
	p2 =	seq.s32 @!p0 s5, $0x0  }
0x1f: {  	s9 =	smul.u32 $0xF7A, s1;
	s8 =	simm.s32 @!p0 $0x1BF5;
	p2 =	por !p2, p0  }
0x20: {  	[sflag:s8] =	ssyncset.s32 @!p0 $0xFFFFF086;
	s6 =	sadd.s32 @!p0 s3, s7;
	s7 =	simm.s32 @!p0 $0x108  }
0x21: {  	s3 =	sadd.s32 s3, s9;
	s6 =	sadd.s32 @!p0 $0x88, s6;
	s7 =	simm.s32 @p2 $0x1082  }
0x22: {  	[simem:s7], [sflag:s8] =	dma.local @!p0 [hbm:s6], $0xF7A  }
0x23: {  	s9 =	sor.u32 $0xD0000000, s2;
	s6 =	simm.s32 $0x108;
	_ =	swait.ge @!p0 [sflag:s8], $0x0  }
0x24: {  	s3 =	sadd.s32 $0x88, s3;
	s6 =	simm.s32 @!p1 $0x1082;
	[sflag:s4] =	ssyncset.s32 $0xFFFFF086  }
0x25: {  	[simem:s6], [sflag:s4] =	dma.local [hbm:s3], $0xF7A  }
0x26: {  	[smem:$0x3F94] =	sst s1;
	(tag) =	ssettag s2;
	_ =	strace s9  }
0x27: {  	s1 =	sld [smem:$0x3FA4]  }
0x28: {  	s2 =	sld [smem:$0x3FA5]  }
0x29: {  	s4 =	sld [smem:$0x3FA7]  }
0x2a: {  	p0 =	seq.s32 s5, $0x0;
	s5 =	sld [smem:$0x3FA8]  }
0x2b: {  	s6 =	sld [smem:$0x3FA9]  }
0x2c: {  	s7 =	sld [smem:$0x3FAA]  }
0x2d: {  	s3 =	simm.s32 $0x108;
	s8 =	sld [smem:$0x3FAB]  }
0x2e: {  	s3 =	simm.s32 @!p0 $0x1082;
	s9 =	sld [smem:$0x3FAC]  }
0x2f: {  	lr =	sadd.s32 s0, s3;
	s0 =	sld [smem:$0x3FA3]  }
0x30: {  	s3 =	sld [smem:$0x3FA6]  }
0x31: {  	[smem:$0x3FAF] =	sst s10  }
0x32: {  	s10 =	sld [smem:$0x3FAD];
	_ =	sdelay $0x3  }
0x33: {  	p0 =	seq.s32 s10, $0x1;
	s10 =	sld [smem:$0x3FAF];
	_ =	sdelay $0x3  }
0x34: {  	[smem:$0x3FAF] =	sst s10  }
0x35: {  	s10 =	sld [smem:$0x3FAE];
	_ =	sdelay $0x3  }
0x36: {  	p1 =	seq.s32 s10, $0x1;
	s10 =	sld [smem:$0x3FAF];
	_ =	sdelay $0x3  }
0x37: {  	[smem:$0x3FAF] =	sst s10  }
0x38: {  	s10 =	sld [smem:$0x3FB0]  }
0x39: {  	_ = 	snop;
	(pc) =	sbr.ind lr, $3  }
0x3a: {  	_ = 	snop  }
0x3b: {  	_ = 	snop  }
0x3c: {  	p2 =	seq.s32 s10, $0x1;
	s10 =	sld [smem:$0x3FAF]  }
0x3d: {  	_ =	shalt  }
0x3e: {  	_ =	shalt  }
0x3f: {  	_ =	shalt  }
0x40: {  	_ =	shalt  }
0x41: {  	_ =	shalt  }
0x42: {  	_ =	shalt  }
0x43: {  	_ =	shalt  }
0x44: {  	_ =	shalt  }
0x45: {  	_ =	shalt  }
0x46: {  	_ =	shalt  }
0x47: {  	_ =	shalt  }
0x48: {  	_ =	shalt  }
0x49: {  	_ =	shalt  }
0x4a: {  	_ =	shalt  }
0x4b: {  	_ =	shalt  }
0x4c: {  	_ =	shalt  }
0x4d: {  	_ =	shalt  }
0x4e: {  	_ =	shalt  }
0x4f: {  	_ =	shalt  }
0x50: {  	_ =	shalt  }
0x51: {  	_ =	shalt  }
0x52: {  	_ =	shalt  }
0x53: {  	_ =	shalt  }
0x54: {  	_ =	shalt  }
0x55: {  	_ =	shalt  }
0x56: {  	_ =	shalt  }
0x57: {  	_ =	shalt  }
0x58: {  	_ =	shalt  }
0x59: {  	_ =	shalt  }
0x5a: {  	_ =	shalt  }
0x5b: {  	_ =	shalt  }
0x5c: {  	_ =	shalt  }
0x5d: {  	_ =	shalt  }
0x5e: {  	_ =	shalt  }
0x5f: {  	_ =	shalt  }
0x60: {  	_ =	shalt  }
0x61: {  	_ =	shalt  }
0x62: {  	_ =	shalt  }
0x63: {  	_ =	shalt  }
0x64: {  	_ =	shalt  }
0x65: {  	_ =	shalt  }
0x66: {  	_ =	shalt  }
0x67: {  	_ =	shalt  }
0x68: {  	_ =	shalt  }
0x69: {  	_ =	shalt  }
0x6a: {  	_ =	shalt  }
0x6b: {  	_ =	shalt  }
0x6c: {  	_ =	shalt  }
0x6d: {  	_ =	shalt  }
0x6e: {  	_ =	shalt  }
0x6f: {  	_ =	shalt  }
0x70: {  	_ =	shalt  }
0x71: {  	_ =	shalt  }
0x72: {  	_ =	shalt  }
0x73: {  	_ =	shalt  }
0x74: {  	_ =	shalt  }
0x75: {  	_ =	shalt  }
0x76: {  	_ =	shalt  }
0x77: {  	_ =	shalt  }
0x78: {  	_ =	shalt  }
0x79: {  	_ =	shalt  }
0x7a: {  	_ =	shalt  }
0x7b: {  	_ =	shalt  }
0x7c: {  	_ =	shalt  }
0x7d: {  	_ =	shalt  }
0x7e: {  	_ =	shalt  }
0x7f: {  	_ =	shalt  }
0x80: {  	_ =	shalt  }
0x81: {  	_ =	shalt  }
0x82: {  	_ =	shalt  }
0x83: {  	_ =	shalt  }
0x84: {  	_ =	shalt  }
0x85: {  	_ =	shalt  }
0x86: {  	_ =	shalt  }
0x87: {  	_ =	shalt  }
.Lfunc_end0:
.L_simem_size_0:
called_computation.1_lowered:
.L_overlay_start_0:
0x88: {  	s2 =	sld [smem:$0x3FD9]  }
0x89: {  	s3 =	sld [smem:$0x3FFE];
	_ =	sdelay $0x1  }
0x8a: {  	s1 =	srdreg.scid  }
0x8b: {  	s0 =	sand.u32 $0x1, s1  }
0x8c: {  	s17 =	sshll.u32 s0, $0xA;
	s2 =	sadd.s32 s3, s2  }
0x8d: {  	s2 =	sadd.s32 s2, s17  }
0x8e: {  	[smem:$0x3FBB] =	sst s2  }
0x8f: {  	_ = 	snop  }
0x90: {  	s2 =	sld [smem:$0x3FD0];
	(tm) =	ssettm $0x1  }
0x91: {  	s18 =	sld [smem:$0x3FFB];
	_ =	sdelay $0x3  }
0x92: {  	_ =	strace s18  }
0x93: {  	s3 =	sld [smem:$0x3FFC];
	_ =	sdelay $0x3  }
0x94: {  	_ =	strace s3  }
0x95: {  	s3 =	sld [smem:$0x3FFD];
	_ =	sdelay $0x3  }
0x96: {  	_ =	strace s3  }
0x97: {  	_ =	strace $0x8FFFFFFF  }
0x98: {  	s19 =	sld [smem:$0x3FDB];
	_ =	sdelay $0x1  }
0x99: {  	s4 =	simm.s32 $_scs_section_size  }
0x9a: {  	s5 =	simm.s32 $_size__tile_overlayer_lowered;
	s6 =	simm.s32 $_tile_overlayer_lowered  }
0x9b: {  	s22 =	simm.s32 $0x1BFF;
	s21 =	sshll.u32 s6, $0x1;
	s3 =	sadd.s32 s4, s19  }
0x9c: {  	s7 =	simm.s32 $0x0;
	s20 =	sshll.u32 s5, $0x1;
	s5 =	sadd.s32 s21, s3  }
0x9d: {  	[timem:s7], [sflag:s22] =	dma.local [hbm:s5], s20  }
0x9e: {  	_ =	swait.ge [sflag:s22], s20  }
0x9f: {  	s4 =	ssub.s32 $0x0, s20;
	[sflag:s22] =	ssyncset.done $0x0  }
0xa0: {  	[sflag:s22] =	ssyncadd.s32 s4;
	_ =	sdelay $0x1  }
0xa1: {  	s23 =	simm.s32 $0x1B8B  }
0xa2: {  	_ =	swait.ge [sflag:s23], $0x1  }
0xa3: {  	[sflag:s23] =	ssyncset.done $0x0  }
0xa4: {  	s25 =	simm.s32 $0x1B8E;
	s24 =	sld [smem:$0x3FFE];
	[sflag:s23] =	ssyncadd.s32 $0xFFFFFFFF  }
0xa5: {  	s26 =	simm.s32 $execute0_lowered;
	[smem:$0x3FD2] =	sst s25  }
0xa6: {  	s5 =	sshll.u32 s26, $0x1;
	_ =	strace $0x80000049;
	[dreg:$0x1] =	wrdreg $0xFFFFFFFF  }
0xa7: {  	s28 =	simm.s32 $_size_execute0_lowered;
	s3 =	sadd.s32 s3, s5;
	[dreg:$0x0] =	wrdreg $0x0  }
0xa8: {  	s5 =	sshll.u32 s28, $0x1;
	[dreg:$0x2] =	wrdreg s3  }
0xa9: {  	[dreg:$0x3] =	wrdreg s5  }
0xaa: {  	[dreg:$0x4] =	wrdreg $0xC0  }
0xab: {  	_ =	task [dreg:s7], $0x5FFFF  }
0xac: {  	[dreg:$0x1] =	wrdreg $0xFFFFFFFF  }
0xad: {  	[dreg:$0x0] =	wrdreg $0x60  }
0xae: {  	[dreg:$0x2] =	wrdreg s2  }
0xaf: {  	[dreg:$0x3] =	wrdreg s24  }
0xb0: {  	[dreg:$0x4] =	wrdreg $0xA9000  }
0xb1: {  	[dreg:$0x5] =	wrdreg $0x9  }
0xb2: {  	_ =	task.clear_ibuf [dreg:s7], $0x6FFFF;
	_ =	strace $0x90000049  }
0xb3: {  	s29 =	simm.s32 $0x9;
	_ =	strace $0x8000004B  }
0xb4: {  	_ =	swait.ge [sflag:s29], $0x1  }
0xb5: {  	[sflag:s29] =	ssyncadd.s32 $0xFFFFFFFF  }
0xb6: {  	_ =	strace $0x9000004B  }
0xb7: {  	_ =	sfence  }
0xb8: {  	s30 =	sld [smem:$0x0];
	_ =	sdelay $0x2  }
0xb9: {  	s31 =	sshll.u32 s1, $0xD;
	s1 =	sshrl.u32 s1, $0x2  }
0xba: {  	s3 =	sand.u32 $0x4000, s31;
	s1 =	sadd.s32 s1, s30  }
0xbb: {  	s0 =	sor.u32 s3, s0;
	s1 =	sshll.u32 s1, $0x11  }
0xbc: {  	s0 =	sor.u32 s1, s0  }
0xbd: {  	s0 =	sadd.s32 $0x8F2B, s0  }
0xbe: {  	[sflag:s0] =	ssyncadd.remote.s32 $0x1  }
0xbf: {  	_ =	sfence.sel $0xFFFF  }
0xc0: {  	[dreg:$0x0] =	wrdreg $0xFFFFFFFF;
	(pc) =	sbr.abs _section_cstart, $3  }
0xc1: {  	[dreg:$0x1] =	wrdreg $0xFFFFFFFF  }
0xc2: {  	_ =	task.clear_ibuf [dreg:s7], $0x2FFFF;
	_ =	strace $0x9FFFFFFF  }
0xc3: {  	(tm) =	ssettm $0x7FFFFFFF  }
tec
execute0_lowered:
.L_overlay_start_1:
0x0: {  	(tag) =	ssettag $0x1  }
0x1: {  	s1 =	rddreg [dreg:$0x0]  }
0x2: {  	s0 =	srdreg.scid;
	s7 =	rddreg [dreg:$0x1]  }
0x3: {  	s10 =	stileid.u32;
	s3 =	rddreg [dreg:$0x2]  }
0x4: {  	s5 =	simm.s32 $0x0;
	s16 =	simm.s32 $0x5;
	s17 =	simm.s32 $0x2800  }
0x5: {  	s18 =	simm.s32 $0x80;
	s19 =	simm.s32 $0x2900;
	s20 =	simm.s32 $0x6900  }
0x6: {  	s21 =	simm.s32 $0x2880;
	s22 =	simm.s32 $0x1;
	s23 =	simm.s32 $0x3  }
0x7: {  	s24 =	simm.s32 $0x6;
	s25 =	simm.s32 $0x2;
	s26 =	simm.s32 $0x4  }
0x8: {  	s28 =	simm.s32 $0x0;
	s0 =	sand.u32 $0x1, s0;
	s6 =	smul.u32 $0x14000, s10  }
0x9: {  	[smem:$0x7FF] =	sst s5;
	s2 =	sshll.u32 s0, $0x4;
	s30 =	smul.u32 $0x140000, s0  }
0xa: {  	s0 =	ssub.s32 $0x2, s0;
	s2 =	sor.u32 s10, s2;
	s10 =	smul.u32 $0x50000, s10  }
0xb: {  	_ =	strace $0x8000004A;
	s11 =	sshrl.u32 s0, $0x1;
	s4 =	smul.u32 $0x2800, s2  }
0xc: {  	s2 =	sadd.s32 s6, s30;
	s6 =	sadd.s32 $0x5600, s7;
	s0 =	ssub.s32 s0, s11  }
0xd: {  	s2 =	sshrl.u32 s2, $0x3;
	s10 =	sshrl.u32 s10, $0x2;
	s8 =	sshrl.u32 s4, $0x3  }
0xe: {  	s11 =	smax.u32 s0, $0x1;
	s2 =	sadd.s32 s2, s7;
	s9 =	sadd.s32 s8, s7  }
0xf: {  	s8 =	sadd.s32 s6, s8;
	s31 =	sadd.s32 $0x61600, s9;
	s9 =	sadd.s32 s10, s3  }
0x10: {  	s10 =	sadd.s32 $0xF600, s2;
	[dreg:$0x4] =	wrdreg s31;
	s12 =	sadd.s32 $0x4000, s9  }
0x11: {  	v0 =	vimm.f32 $0.0e+00;
	s13 =	sadd.s32 $0x8000, s9;
	s14 =	sadd.s32 $0xC000, s9;
	s15 =	sadd.s32 $0x10000, s9  }
.LBB2_1:
0x12: {  	s0 =	rddreg [dreg:$0x4]  }
0x13: {  	[tilespmem:s5], [sflag:$0x5] =	stream.linear.gather [hbm4b:s0+s5], $0x2780, $0x38;
	[tilespmem:$0x1E900] =	vst v63  }
0x14: {  	_ =	swait.ge [sflag:s16], $0x2780  }
0x15: {  	s31 =	sand.u32 $0xFE00, s5;
	[sflag:s16] =	ssyncset.done $0x0  }
0x16: {  	s29 =	sand.u32 $0x70, s5;
	s0 =	sshrl.u32 s31, $0x2;
	[sflag:s16] =	ssyncadd.s32 $0xFFFFD880  }
0x17: {  	[tilespmem:s17], [sflag:$0x3] =	stream.linear.gather [hbm4b:s8+s5], $0x80, $0x38;
	[tilespmem:$0x1E900] =	vst v63  }
0x18: {  	s2 =	simm.s32 $0x40;
	s0 =	sor.u32 s29, s0;
	s29 =	simm.s32 $0x0  }
0x19: {  	[tilespmem:s19], [sflag:$0x1] =	stream.indirect.gather [hbm4b:s1+s18], $0x80, s5, s18, $0xb8;
	[tilespmem:$0x1E900] =	vst v63  }
.LBB2_2:
0x1a: {  	p0 =	sne.s32 s2, $0xFFC0  }
0x1b: {  	[tilespmem:s0+$0x6900] =	vst v0;
	s29 =	sadd.s32 $0x10, s29;
	s0 =	smov.u32 s2;
	s2 =	sadd.s32 $0x40, s2  }
.Ltmp0:
0x1c: {  	(pc) =	sbr.rel @p0 .LBB2_2-.Ltmp0, $4  }
0x1d: {  	_ = 	snop  }
0x1e: {  	s0 =	sand.u32 $0xFE00, s0  }
0x1f: {  	s30 =	sand.u32 $0x70, s29;
	s0 =	sshrl.u32 s0, $0x2  }
0x20: {  	s0 =	sor.u32 s30, s0  }
0x21: {  	[tilespmem:s0+$0x6900] =	vst v0  }
0x22: {  	[spmem:s9] =	stream.linear.scatter [tilespmem:s20], [sflag:$0x5], $0x4000, $0x38;
	[tilespmem:$0x1E900] =	vst v63  }
0x23: {  	_ =	swait.ge [sflag:s16], $0x4000  }
0x24: {  	[sflag:s16] =	ssyncset.done $0x0  }
0x25: {  	[sflag:s16] =	ssyncadd.s32 $0xFFFFC000  }
0x26: {  	[spmem:s12] =	stream.linear.scatter [tilespmem:s20], [sflag:$0x5], $0x4000, $0x38;
	[tilespmem:$0x1E900] =	vst v63  }
0x27: {  	_ =	swait.ge [sflag:s16], $0x4000  }
0x28: {  	[sflag:s16] =	ssyncset.done $0x0  }
0x29: {  	[sflag:s16] =	ssyncadd.s32 $0xFFFFC000  }
0x2a: {  	[spmem:s13] =	stream.linear.scatter [tilespmem:s20], [sflag:$0x5], $0x4000, $0x38;
	[tilespmem:$0x1E900] =	vst v63  }
0x2b: {  	_ =	swait.ge [sflag:s16], $0x4000  }
0x2c: {  	[sflag:s16] =	ssyncset.done $0x0  }
0x2d: {  	[sflag:s16] =	ssyncadd.s32 $0xFFFFC000  }
0x2e: {  	[spmem:s14] =	stream.linear.scatter [tilespmem:s20], [sflag:$0x5], $0x4000, $0x38;
	[tilespmem:$0x1E900] =	vst v63  }
0x2f: {  	_ =	swait.ge [sflag:s16], $0x4000  }
0x30: {  	s2 =	simm.s32 $0x0;
	[sflag:s16] =	ssyncset.done $0x0  }
0x31: {  	s0 =	sand.u32 $0x3C00, s2;
	s2 =	simm.s32 $0x80;
	[sflag:s16] =	ssyncadd.s32 $0xFFFFC000  }
0x32: {  	[spmem:s15] =	stream.linear.scatter [tilespmem:s20], [sflag:$0x5], $0x4000, $0x38;
	[tilespmem:$0x1E900] =	vst v63  }
0x33: {  	s0 =	sadd.s32 s4, s0;
	s2 =	sand.u32 $0x380, s2;
	_ =	swait.ge [sflag:s16], $0x4000  }
0x34: {  	s0 =	sor.u32 s0, s2;
	[sflag:s16] =	ssyncset.done $0x0  }
0x35: {  	s0 =	sshrl.u32 s0, $0x3;
	[sflag:s16] =	ssyncadd.s32 $0xFFFFC000  }
0x36: {  	s0 =	sadd.s32 s6, s0;
	[bflag:$0x0] =	sbarrier.arrive $0xFFFF  }
0x37: {  	[tilespmem:s21], [sflag:$0x4] =	stream.linear.gather [hbm4b:s0+s5], $0x80, $0x38;
	[tilespmem:$0x1E900] =	vst v63  }
0x38: {  	s29 =	simm.s32 $0x80  }
0x39: {  	[tilespmem:s20], [sflag:$0x2] =	stream.indirect.gather [hbm4b:s1+s18], $0x80, s29, s18, $0xb8;
	[tilespmem:$0x1E900] =	vst v63  }
0x3a: {  	_ =	swait.ge [sflag:s22], $0x4000  }
0x3b: {  	[sflag:s22] =	ssyncset.done $0x0  }
0x3c: {  	[sflag:s22] =	ssyncadd.s32 $0xFFFFC000  }
0x3d: {  	s0 =	simm.s32 $0x100;
	_ =	swait.ge [sflag:s23], $0x80  }
0x3e: {  	s7 =	sand.u32 $0x7C00, s0;
	[sflag:s23] =	ssyncset.done $0x0  }
0x3f: {  	s0 =	sand.u32 $0x300, s0;
	s2 =	sadd.s32 s4, s7;
	[sflag:s23] =	ssyncadd.s32 $0xFFFFFF80  }
0x40: {  	[spmem:s3] =	stream.indirect.scatter.add.f32 [tilespmem:s19], [sflag:$0x6], $0x80, s17, s18, $0xb8;
	[tilespmem:$0x1E900] =	vst v63  }
0x41: {  	s0 =	sor.u32 s0, s2;
	_ =	swait.ge [sflag:s24], $0x4000  }
0x42: {  	s0 =	sshrl.u32 s0, $0x3;
	[sflag:s24] =	ssyncset.done $0x0  }
0x43: {  	s0 =	sadd.s32 s6, s0;
	[sflag:s24] =	ssyncadd.s32 $0xFFFFC000  }
0x44: {  	[tilespmem:s17], [sflag:$0x3] =	stream.linear.gather [hbm4b:s0+s5], $0x80, $0x38;
	[tilespmem:$0x1E900] =	vst v63  }
0x45: {  	s7 =	simm.s32 $0x100  }
0x46: {  	[tilespmem:s19], [sflag:$0x1] =	stream.indirect.gather [hbm4b:s1+s18], $0x80, s7, s18, $0xb8;
	[tilespmem:$0x1E900] =	vst v63  }
0x47: {  	s2 =	simm.s32 $0x100;
	_ =	swait.ge [sflag:s25], $0x4000  }
0x48: {  	s0 =	sand.u32 $0x3C00, s2;
	s7 =	simm.s32 $0x180;
	[sflag:s25] =	ssyncset.done $0x0  }
0x49: {  	s0 =	sadd.s32 s4, s0;
	s2 =	sand.u32 $0x380, s7;
	[sflag:s25] =	ssyncadd.s32 $0xFFFFC000  }
0x4a: {  	s30 =	simm.s32 $0x200;
	s0 =	sor.u32 s0, s2;
	_ =	swait.ge [sflag:s26], $0x80  }
0x4b: {  	s31 =	simm.s32 $0x300;
	s2 =	sshrl.u32 s0, $0x3;
	[sflag:s26] =	ssyncset.done $0x0  }
.LBB2_4:
0x4c: {  	[sflag:s26] =	ssyncadd.s32 $0xFFFFFF80  }
0x4d: {  	s29 =	sadd.s32 $0x100, s29;
	s7 =	smov.u32 s31;
	s0 =	sadd.s32 $0x100, s31  }
0x4e: {  	[spmem:s3] =	stream.indirect.scatter.add.f32 [tilespmem:s20], [sflag:$0x5], $0x80, s21, s18, $0xb8;
	[tilespmem:$0x1E900] =	vst v63  }
0x4f: {  	p0 =	sne.s32 s31, $0x2700;
	_ =	swait.ge [sflag:s16], $0x4000  }
0x50: {  	s2 =	sadd.s32 s6, s2;
	[sflag:s16] =	ssyncset.done $0x0  }
0x51: {  	[sflag:s16] =	ssyncadd.s32 $0xFFFFC000  }
0x52: {  	[tilespmem:s21], [sflag:$0x4] =	stream.linear.gather [hbm4b:s2+s5], $0x80, $0x38;
	[tilespmem:$0x1E900] =	vst v63  }
0x53: {  	_ = 	snop  }
0x54: {  	[tilespmem:s20], [sflag:$0x2] =	stream.indirect.gather [hbm4b:s1+s18], $0x80, s29, s18, $0xb8;
	[tilespmem:$0x1E900] =	vst v63  }
0x55: {  	_ =	swait.ge [sflag:s22], $0x4000  }
0x56: {  	[sflag:s22] =	ssyncset.done $0x0  }
0x57: {  	[sflag:s22] =	ssyncadd.s32 $0xFFFFC000  }
0x58: {  	_ =	swait.ge [sflag:s23], $0x80  }
0x59: {  	s2 =	sand.u32 $0x7C00, s30;
	[sflag:s23] =	ssyncset.done $0x0  }
0x5a: {  	s30 =	sand.u32 $0x300, s30;
	s2 =	sadd.s32 s4, s2;
	[sflag:s23] =	ssyncadd.s32 $0xFFFFFF80  }
0x5b: {  	[spmem:s3] =	stream.indirect.scatter.add.f32 [tilespmem:s19], [sflag:$0x6], $0x80, s17, s18, $0xb8;
	[tilespmem:$0x1E900] =	vst v63  }
0x5c: {  	s2 =	sor.u32 s30, s2;
	s30 =	smov.u32 s7;
	_ =	swait.ge [sflag:s24], $0x4000  }
0x5d: {  	s2 =	sshrl.u32 s2, $0x3;
	[sflag:s24] =	ssyncset.done $0x0  }
0x5e: {  	s7 =	sadd.s32 $0x80, s29;
	s2 =	sadd.s32 s6, s2;
	[sflag:s24] =	ssyncadd.s32 $0xFFFFC000  }
0x5f: {  	[tilespmem:s17], [sflag:$0x3] =	stream.linear.gather [hbm4b:s2+s5], $0x80, $0x38;
	[tilespmem:$0x1E900] =	vst v63  }
0x60: {  	_ = 	snop  }
0x61: {  	[tilespmem:s19], [sflag:$0x1] =	stream.indirect.gather [hbm4b:s1+s18], $0x80, s7, s18, $0xb8;
	[tilespmem:$0x1E900] =	vst v63  }
.Ltmp1:
0x62: {  	s2 =	sadd.s32 $0xFFFFFF00, s30;
	_ =	swait.ge [sflag:s25], $0x4000;
	(pc) =	sbr.rel @p0 .LBB2_4-.Ltmp1, $4  }
0x63: {  	s2 =	sand.u32 $0x3C00, s2;
	s7 =	sadd.s32 $0xFFFFFF80, s30;
	[sflag:s25] =	ssyncset.done $0x0  }
0x64: {  	s2 =	sadd.s32 s4, s2;
	s7 =	sand.u32 $0x380, s7;
	[sflag:s25] =	ssyncadd.s32 $0xFFFFC000  }
0x65: {  	s2 =	sor.u32 s2, s7;
	_ =	swait.ge [sflag:s26], $0x80  }
0x66: {  	s31 =	smov.u32 s0;
	s2 =	sshrl.u32 s2, $0x3;
	[sflag:s26] =	ssyncset.done $0x0  }
0x67: {  	[sflag:s26] =	ssyncadd.s32 $0xFFFFFF80  }
0x68: {  	[spmem:s3] =	stream.indirect.scatter.add.f32 [tilespmem:s20], [sflag:$0x5], $0x80, s21, s18, $0xb8;
	[tilespmem:$0x1E900] =	vst v63  }
0x69: {  	_ =	swait.ge [sflag:s16], $0x4000  }
0x6a: {  	[sflag:s16] =	ssyncset.done $0x0  }
0x6b: {  	s0 =	sadd.s32 s6, s2;
	[sflag:s16] =	ssyncadd.s32 $0xFFFFC000  }
0x6c: {  	[tilespmem:s21], [sflag:$0x4] =	stream.linear.gather [hbm4b:s0+s5], $0x80, $0x38;
	[tilespmem:$0x1E900] =	vst v63  }
0x6d: {  	s31 =	sadd.s32 $0x100, s29  }
0x6e: {  	[tilespmem:s20], [sflag:$0x2] =	stream.indirect.gather [hbm4b:s1+s18], $0x80, s31, s18, $0xb8;
	[tilespmem:$0x1E900] =	vst v63  }
0x6f: {  	_ =	swait.ge [sflag:s22], $0x4000  }
0x70: {  	[sflag:s22] =	ssyncset.done $0x0  }
0x71: {  	[sflag:s22] =	ssyncadd.s32 $0xFFFFC000  }
0x72: {  	_ =	swait.ge [sflag:s23], $0x80  }
0x73: {  	s29 =	sand.u32 $0x7C00, s30;
	[sflag:s23] =	ssyncset.done $0x0  }
0x74: {  	s7 =	sand.u32 $0x300, s30;
	s2 =	sadd.s32 s4, s29;
	[sflag:s23] =	ssyncadd.s32 $0xFFFFFF80  }
0x75: {  	[spmem:s3] =	stream.indirect.scatter.add.f32 [tilespmem:s19], [sflag:$0x6], $0x80, s17, s18, $0xb8;
	[tilespmem:$0x1E900] =	vst v63  }
0x76: {  	s2 =	sor.u32 s7, s2;
	_ =	swait.ge [sflag:s24], $0x4000  }
0x77: {  	s2 =	sshrl.u32 s2, $0x3;
	[sflag:s24] =	ssyncset.done $0x0  }
0x78: {  	s2 =	sadd.s32 s6, s2;
	[sflag:s24] =	ssyncadd.s32 $0xFFFFC000  }
0x79: {  	[tilespmem:s17], [sflag:$0x3] =	stream.linear.gather [hbm4b:s2+s5], $0x80, $0x38;
	[tilespmem:$0x1E900] =	vst v63  }
0x7a: {  	s0 =	sadd.s32 $0x80, s31  }
0x7b: {  	[tilespmem:s19], [sflag:$0x1] =	stream.indirect.gather [hbm4b:s1+s18], $0x80, s0, s18, $0xb8;
	[tilespmem:$0x1E900] =	vst v63  }
0x7c: {  	_ =	swait.ge [sflag:s25], $0x4000  }
0x7d: {  	[sflag:s25] =	ssyncset.done $0x0  }
0x7e: {  	[sflag:s25] =	ssyncadd.s32 $0xFFFFC000  }
0x7f: {  	_ =	swait.ge [sflag:s26], $0x80  }
0x80: {  	[sflag:s26] =	ssyncset.done $0x0  }
0x81: {  	[sflag:s26] =	ssyncadd.s32 $0xFFFFFF80  }
0x82: {  	[spmem:s3] =	stream.indirect.scatter.add.f32 [tilespmem:s20], [sflag:$0x5], $0x80, s21, s18, $0xb8;
	[tilespmem:$0x1E900] =	vst v63  }
0x83: {  	_ =	swait.ge [sflag:s16], $0x4000  }
0x84: {  	[sflag:s16] =	ssyncset.done $0x0  }
0x85: {  	[sflag:s16] =	ssyncadd.s32 $0xFFFFC000  }
0x86: {  	_ =	swait.ge [sflag:s22], $0x4000  }
0x87: {  	[sflag:s22] =	ssyncset.done $0x0  }
0x88: {  	[sflag:s22] =	ssyncadd.s32 $0xFFFFC000  }
0x89: {  	_ =	swait.ge [sflag:s23], $0x80  }
0x8a: {  	[sflag:s23] =	ssyncset.done $0x0  }
0x8b: {  	[sflag:s23] =	ssyncadd.s32 $0xFFFFFF80  }
0x8c: {  	[spmem:s3] =	stream.indirect.scatter.add.f32 [tilespmem:s19], [sflag:$0x6], $0x80, s17, s18, $0xb8;
	[tilespmem:$0x1E900] =	vst v63  }
0x8d: {  	s28 =	sadd.s32 $0x1, s28;
	_ =	swait.ge [sflag:s24], $0x4000  }
0x8e: {  	s30 =	stileid.u32;
	p0 =	sne.s32 s28, s11;
	[sflag:s24] =	ssyncset.done $0x0  }
0x8f: {  	s31 =	sshrl.u32 s9, $0x3;
	s0 =	sshll.u32 s30, $0x6;
	[sflag:s24] =	ssyncadd.s32 $0xFFFFC000  }
.Ltmp2:
0x90: {  	s0 =	sor.u32 $0x1C05, s0;
	[bflag:$0x0] =	sbarrier.arrive $0xFFFF;
	(pc) =	sbr.rel @p0 .LBB2_1-.Ltmp2, $4  }
0x91: {  	[hbm:s10], [sflag:s0] =	dma.local [spmem:s31], $0x2800  }
0x92: {  	_ =	swait.ge [sflag:s16], $0x2800  }
0x93: {  	[sflag:s16] =	ssyncset.done $0x0  }
0x94: {  	[sflag:s16] =	ssyncadd.s32 $0xFFFFD800  }
0x95: {  	_ =	sfence.sel $0x180000  }
0x96: {  	[bflag:$0x0] =	sbarrier.arrive $0xFFFF  }
0x97: {  	_ =	strace $0x9000004A  }
0x98: {  	s0 =	stileid.u32;
	[bflag:$0x2] =	sbarrier.arrive $0xFFFF  }
0x99: {  	p0 =	sne.s32 s0, $0x0;
	s0 =	rddreg [dreg:$0x3]  }
0x9a: {  	s0 =	sadd.s32 @!p0 $0x100000, s0  }
0x9b: {  	[sflag:s0] =	ssyncadd.tile.s32 @!p0 $0x1;
	_ =	shalt  }
.Lfunc_end2:
_tile_overlayer_lowered:
.L_overlay_start_2:
0x9c: {  	(tag) =	ssettag $0x2  }
0x9d: {  	s0 =	rddreg [dreg:$0x0];
	s2 =	stileid.u32  }
0x9e: {  	s1 =	rddreg [dreg:$0x1];
	p0 =	sne.s32 s2, $0x0  }
0x9f: {  	s3 =	rddreg [dreg:$0x2];
	[bflag:$0x3] =	sbarrier.arrive $0xFFFF;
	s2 =	simm.s32 @!p0 $0x1C05  }
0xa0: {  	[timem:s3], [sflag:s2] =	dma.local @!p0 [hbm:s0], s1  }
0xa1: {  	s0 =	simm.s32 @!p0 $0x5  }
0xa2: {  	_ =	swait.ge @!p0 [sflag:s0], s1  }
0xa3: {  	s1 =	ssub.s32 @!p0 $0x0, s1;
	[sflag:s0] =	ssyncset.done @!p0 $0x0  }
0xa4: {  	[sflag:s0] =	ssyncadd.s32 @!p0 s1  }
0xa5: {  	[bflag:$0x3] =	sbarrier.arrive $0xFFFF  }
0xa6: {  	_ =	shalt  }

// kernel: kernel.25.cloned.1.call-start
scs
__scs_entry_jumppad:
0x0: {  	(pc) =	sbr.rel $0x88, $3  }
0x1: {  	(tag) =	ssettag $0x0;
	lr =	simm.s32 $0x1  }
0x2: {  	[smem:$0x3F94] =	sst lr;
	_ =	strace $0xD0000000  }
0x3: {  	_ = 	snop  }
0x4: {  	_ = 	snop  }
0x5: {  	_ = 	snop  }
0x6: {  	_ = 	snop  }
0x7: {  	_ = 	snop  }
__scs_overlays_trampoline_lowered:
0x8: {  	[smem:$0x3FA3] =	sst s0  }
0x9: {  	[smem:$0x3FA4] =	sst s1  }
0xa: {  	[smem:$0x3FA5] =	sst s2  }
0xb: {  	[smem:$0x3FA6] =	sst s3  }
0xc: {  	[smem:$0x3FA7] =	sst s4  }
0xd: {  	[smem:$0x3FA8] =	sst s5  }
0xe: {  	[smem:$0x3FA9] =	sst s6  }
0xf: {  	[smem:$0x3FAA] =	sst s7  }
0x10: {  	[smem:$0x3FAB] =	sst s8  }
0x11: {  	[smem:$0x3FAC] =	sst s9;
	s0 =	simm.s32 @!p0 $0x0  }
0x12: {  	s1 =	sld [smem:$0x3F92];
	s0 =	simm.s32 @p0 $0x1  }
0x13: {  	[smem:$0x3FAD] =	sst s0;
	s0 =	simm.s32 @!p1 $0x0  }
0x14: {  	s2 =	sld [smem:$0x3F91];
	s0 =	simm.s32 @p1 $0x1  }
0x15: {  	[smem:$0x3FAE] =	sst s0;
	s0 =	simm.s32 @!p2 $0x0  }
0x16: {  	s3 =	sld [smem:$0x3FDB];
	s0 =	simm.s32 @p2 $0x1  }
0x17: {  	s4 =	simm.s32 $0x1BF5;
	[smem:$0x3FB0] =	sst s0  }
0x18: {  	s0 =	sld [smem:$0x3F93];
	_ =	swait.ge [sflag:s4], $0x0  }
0x19: {  	s7 =	sld [smem:$0x3F94]  }
0x1a: {  	s8 =	sadd.s32 $0xFFFFE003, lr  }
0x1b: {  	s9 =	sadd.s32 $0xFFFFFEF7, lr;
	s5 =	simm.s32 $0xFFFFFFFF;
	p2 =	slt.u32 s8, $0xFFFFF086  }
0x1c: {  	p1 =	slt.u32 s9, $0xF7A;
	s5 =	simm.s32 @!p2 $0x0  }
0x1d: {  	s5 =	simm.s32 @p1 $0x1;
	p0 =	seq.s32 s7, s2  }
0x1e: {  	s7 =	smul.u32 @!p0 $0xF7A, s2;
	p2 =	seq.s32 @!p0 s5, $0x0  }
0x1f: {  	s9 =	smul.u32 $0xF7A, s1;
	s8 =	simm.s32 @!p0 $0x1BF5;
	p2 =	por !p2, p0  }
0x20: {  	[sflag:s8] =	ssyncset.s32 @!p0 $0xFFFFF086;
	s6 =	sadd.s32 @!p0 s3, s7;
	s7 =	simm.s32 @!p0 $0x108  }
0x21: {  	s3 =	sadd.s32 s3, s9;
	s6 =	sadd.s32 @!p0 $0x88, s6;
	s7 =	simm.s32 @p2 $0x1082  }
0x22: {  	[simem:s7], [sflag:s8] =	dma.local @!p0 [hbm:s6], $0xF7A  }
0x23: {  	s9 =	sor.u32 $0xD0000000, s2;
	s6 =	simm.s32 $0x108;
	_ =	swait.ge @!p0 [sflag:s8], $0x0  }
0x24: {  	s3 =	sadd.s32 $0x88, s3;
	s6 =	simm.s32 @!p1 $0x1082;
	[sflag:s4] =	ssyncset.s32 $0xFFFFF086  }
0x25: {  	[simem:s6], [sflag:s4] =	dma.local [hbm:s3], $0xF7A  }
0x26: {  	[smem:$0x3F94] =	sst s1;
	(tag) =	ssettag s2;
	_ =	strace s9  }
0x27: {  	s1 =	sld [smem:$0x3FA4]  }
0x28: {  	s2 =	sld [smem:$0x3FA5]  }
0x29: {  	s4 =	sld [smem:$0x3FA7]  }
0x2a: {  	p0 =	seq.s32 s5, $0x0;
	s5 =	sld [smem:$0x3FA8]  }
0x2b: {  	s6 =	sld [smem:$0x3FA9]  }
0x2c: {  	s7 =	sld [smem:$0x3FAA]  }
0x2d: {  	s3 =	simm.s32 $0x108;
	s8 =	sld [smem:$0x3FAB]  }
0x2e: {  	s3 =	simm.s32 @!p0 $0x1082;
	s9 =	sld [smem:$0x3FAC]  }
0x2f: {  	lr =	sadd.s32 s0, s3;
	s0 =	sld [smem:$0x3FA3]  }
0x30: {  	s3 =	sld [smem:$0x3FA6]  }
0x31: {  	[smem:$0x3FAF] =	sst s10  }
0x32: {  	s10 =	sld [smem:$0x3FAD];
	_ =	sdelay $0x3  }
0x33: {  	p0 =	seq.s32 s10, $0x1;
	s10 =	sld [smem:$0x3FAF];
	_ =	sdelay $0x3  }
0x34: {  	[smem:$0x3FAF] =	sst s10  }
0x35: {  	s10 =	sld [smem:$0x3FAE];
	_ =	sdelay $0x3  }
0x36: {  	p1 =	seq.s32 s10, $0x1;
	s10 =	sld [smem:$0x3FAF];
	_ =	sdelay $0x3  }
0x37: {  	[smem:$0x3FAF] =	sst s10  }
0x38: {  	s10 =	sld [smem:$0x3FB0]  }
0x39: {  	_ = 	snop;
	(pc) =	sbr.ind lr, $3  }
0x3a: {  	_ = 	snop  }
0x3b: {  	_ = 	snop  }
0x3c: {  	p2 =	seq.s32 s10, $0x1;
	s10 =	sld [smem:$0x3FAF]  }
0x3d: {  	_ =	shalt  }
0x3e: {  	_ =	shalt  }
0x3f: {  	_ =	shalt  }
0x40: {  	_ =	shalt  }
0x41: {  	_ =	shalt  }
0x42: {  	_ =	shalt  }
0x43: {  	_ =	shalt  }
0x44: {  	_ =	shalt  }
0x45: {  	_ =	shalt  }
0x46: {  	_ =	shalt  }
0x47: {  	_ =	shalt  }
0x48: {  	_ =	shalt  }
0x49: {  	_ =	shalt  }
0x4a: {  	_ =	shalt  }
0x4b: {  	_ =	shalt  }
0x4c: {  	_ =	shalt  }
0x4d: {  	_ =	shalt  }
0x4e: {  	_ =	shalt  }
0x4f: {  	_ =	shalt  }
0x50: {  	_ =	shalt  }
0x51: {  	_ =	shalt  }
0x52: {  	_ =	shalt  }
0x53: {  	_ =	shalt  }
0x54: {  	_ =	shalt  }
0x55: {  	_ =	shalt  }
0x56: {  	_ =	shalt  }
0x57: {  	_ =	shalt  }
0x58: {  	_ =	shalt  }
0x59: {  	_ =	shalt  }
0x5a: {  	_ =	shalt  }
0x5b: {  	_ =	shalt  }
0x5c: {  	_ =	shalt  }
0x5d: {  	_ =	shalt  }
0x5e: {  	_ =	shalt  }
0x5f: {  	_ =	shalt  }
0x60: {  	_ =	shalt  }
0x61: {  	_ =	shalt  }
0x62: {  	_ =	shalt  }
0x63: {  	_ =	shalt  }
0x64: {  	_ =	shalt  }
0x65: {  	_ =	shalt  }
0x66: {  	_ =	shalt  }
0x67: {  	_ =	shalt  }
0x68: {  	_ =	shalt  }
0x69: {  	_ =	shalt  }
0x6a: {  	_ =	shalt  }
0x6b: {  	_ =	shalt  }
0x6c: {  	_ =	shalt  }
0x6d: {  	_ =	shalt  }
0x6e: {  	_ =	shalt  }
0x6f: {  	_ =	shalt  }
0x70: {  	_ =	shalt  }
0x71: {  	_ =	shalt  }
0x72: {  	_ =	shalt  }
0x73: {  	_ =	shalt  }
0x74: {  	_ =	shalt  }
0x75: {  	_ =	shalt  }
0x76: {  	_ =	shalt  }
0x77: {  	_ =	shalt  }
0x78: {  	_ =	shalt  }
0x79: {  	_ =	shalt  }
0x7a: {  	_ =	shalt  }
0x7b: {  	_ =	shalt  }
0x7c: {  	_ =	shalt  }
0x7d: {  	_ =	shalt  }
0x7e: {  	_ =	shalt  }
0x7f: {  	_ =	shalt  }
0x80: {  	_ =	shalt  }
0x81: {  	_ =	shalt  }
0x82: {  	_ =	shalt  }
0x83: {  	_ =	shalt  }
0x84: {  	_ =	shalt  }
0x85: {  	_ =	shalt  }
0x86: {  	_ =	shalt  }
0x87: {  	_ =	shalt  }
.Lfunc_end0:
.L_simem_size_0:
called_computation.2_lowered:
.L_overlay_start_0:
0x88: {  	s2 =	sld [smem:$0x3FD9]  }
0x89: {  	s3 =	sld [smem:$0x3FFE];
	_ =	sdelay $0x1  }
0x8a: {  	s1 =	srdreg.scid  }
0x8b: {  	s0 =	sand.u32 $0x1, s1  }
0x8c: {  	s17 =	sshll.u32 s0, $0xA;
	s2 =	sadd.s32 s3, s2  }
0x8d: {  	s2 =	sadd.s32 s2, s17  }
0x8e: {  	[smem:$0x3FBB] =	sst s2  }
0x8f: {  	_ = 	snop  }
0x90: {  	s2 =	sld [smem:$0x3FD0];
	(tm) =	ssettm $0x1  }
0x91: {  	s18 =	sld [smem:$0x3FFB];
	_ =	sdelay $0x3  }
0x92: {  	_ =	strace s18  }
0x93: {  	s3 =	sld [smem:$0x3FFC];
	_ =	sdelay $0x3  }
0x94: {  	_ =	strace s3  }
0x95: {  	s3 =	sld [smem:$0x3FFD];
	_ =	sdelay $0x3  }
0x96: {  	_ =	strace s3  }
0x97: {  	_ =	strace $0x8FFFFFFF  }
0x98: {  	s19 =	sld [smem:$0x3FDB];
	_ =	sdelay $0x1  }
0x99: {  	s4 =	simm.s32 $_scs_section_size  }
0x9a: {  	s5 =	simm.s32 $_size__tile_overlayer_lowered;
	s6 =	simm.s32 $_tile_overlayer_lowered  }
0x9b: {  	s22 =	simm.s32 $0x1BFF;
	s21 =	sshll.u32 s6, $0x1;
	s3 =	sadd.s32 s4, s19  }
0x9c: {  	s7 =	simm.s32 $0x0;
	s20 =	sshll.u32 s5, $0x1;
	s5 =	sadd.s32 s21, s3  }
0x9d: {  	[timem:s7], [sflag:s22] =	dma.local [hbm:s5], s20  }
0x9e: {  	_ =	swait.ge [sflag:s22], s20  }
0x9f: {  	s4 =	ssub.s32 $0x0, s20;
	[sflag:s22] =	ssyncset.done $0x0  }
0xa0: {  	[sflag:s22] =	ssyncadd.s32 s4;
	_ =	sdelay $0x1  }
0xa1: {  	s23 =	simm.s32 $0x1B8B  }
0xa2: {  	_ =	swait.ge [sflag:s23], $0x1  }
0xa3: {  	[sflag:s23] =	ssyncset.done $0x0  }
0xa4: {  	s25 =	simm.s32 $0x1B8E;
	s24 =	sld [smem:$0x3FFE];
	[sflag:s23] =	ssyncadd.s32 $0xFFFFFFFF  }
0xa5: {  	s26 =	simm.s32 $execute0_lowered;
	[smem:$0x3FD2] =	sst s25  }
0xa6: {  	s5 =	sshll.u32 s26, $0x1;
	_ =	strace $0x8000004C;
	[dreg:$0x1] =	wrdreg $0xFFFFFFFF  }
0xa7: {  	s28 =	simm.s32 $_size_execute0_lowered;
	s3 =	sadd.s32 s3, s5;
	[dreg:$0x0] =	wrdreg $0x0  }
0xa8: {  	s5 =	sshll.u32 s28, $0x1;
	[dreg:$0x2] =	wrdreg s3  }
0xa9: {  	[dreg:$0x3] =	wrdreg s5  }
0xaa: {  	[dreg:$0x4] =	wrdreg $0xC0  }
0xab: {  	_ =	task [dreg:s7], $0x5FFFF  }
0xac: {  	[dreg:$0x1] =	wrdreg $0xFFFFFFFF  }
0xad: {  	[dreg:$0x0] =	wrdreg $0x60  }
0xae: {  	[dreg:$0x2] =	wrdreg s2  }
0xaf: {  	[dreg:$0x3] =	wrdreg s24  }
0xb0: {  	[dreg:$0x4] =	wrdreg $0xA9000  }
0xb1: {  	[dreg:$0x5] =	wrdreg $0x9  }
0xb2: {  	_ =	task.clear_ibuf [dreg:s7], $0x6FFFF;
	_ =	strace $0x9000004C  }
0xb3: {  	s29 =	simm.s32 $0x9;
	_ =	strace $0x8000004E  }
0xb4: {  	_ =	swait.ge [sflag:s29], $0x1  }
0xb5: {  	[sflag:s29] =	ssyncadd.s32 $0xFFFFFFFF  }
0xb6: {  	_ =	strace $0x9000004E  }
0xb7: {  	_ =	sfence  }
0xb8: {  	s30 =	sld [smem:$0x0];
	_ =	sdelay $0x2  }
0xb9: {  	s31 =	sshll.u32 s1, $0xD;
	s1 =	sshrl.u32 s1, $0x2  }
0xba: {  	s3 =	sand.u32 $0x4000, s31;
	s1 =	sadd.s32 s1, s30  }
0xbb: {  	s0 =	sor.u32 s3, s0;
	s1 =	sshll.u32 s1, $0x11  }
0xbc: {  	s0 =	sor.u32 s1, s0  }
0xbd: {  	s0 =	sadd.s32 $0x8F2B, s0  }
0xbe: {  	[sflag:s0] =	ssyncadd.remote.s32 $0x1  }
0xbf: {  	_ =	sfence.sel $0xFFFF  }
0xc0: {  	[dreg:$0x0] =	wrdreg $0xFFFFFFFF;
	(pc) =	sbr.abs _section_cstart, $3  }
0xc1: {  	[dreg:$0x1] =	wrdreg $0xFFFFFFFF  }
0xc2: {  	_ =	task.clear_ibuf [dreg:s7], $0x2FFFF;
	_ =	strace $0x9FFFFFFF  }
0xc3: {  	(tm) =	ssettm $0x7FFFFFFF  }
tec
execute0_lowered:
.L_overlay_start_1:
0x0: {  	(tag) =	ssettag $0x1  }
0x1: {  	s1 =	rddreg [dreg:$0x0]  }
0x2: {  	s0 =	srdreg.scid;
	s7 =	rddreg [dreg:$0x1]  }
0x3: {  	s10 =	stileid.u32;
	s3 =	rddreg [dreg:$0x2]  }
0x4: {  	s5 =	simm.s32 $0x0;
	s16 =	simm.s32 $0x5;
	s17 =	simm.s32 $0x2800  }
0x5: {  	s18 =	simm.s32 $0x80;
	s19 =	simm.s32 $0x2900;
	s20 =	simm.s32 $0x6900  }
0x6: {  	s21 =	simm.s32 $0x2880;
	s22 =	simm.s32 $0x1;
	s23 =	simm.s32 $0x3  }
0x7: {  	s24 =	simm.s32 $0x6;
	s25 =	simm.s32 $0x2;
	s26 =	simm.s32 $0x4  }
0x8: {  	s28 =	simm.s32 $0x0;
	s0 =	sand.u32 $0x1, s0;
	s6 =	smul.u32 $0x14000, s10  }
0x9: {  	[smem:$0x7FF] =	sst s5;
	s2 =	sshll.u32 s0, $0x4;
	s30 =	smul.u32 $0x140000, s0  }
0xa: {  	s0 =	ssub.s32 $0x2, s0;
	s2 =	sor.u32 s10, s2;
	s10 =	smul.u32 $0x50000, s10  }
0xb: {  	_ =	strace $0x8000004D;
	s11 =	sshrl.u32 s0, $0x1;
	s4 =	smul.u32 $0x2800, s2  }
0xc: {  	s2 =	sadd.s32 s6, s30;
	s6 =	sadd.s32 $0x5600, s7;
	s0 =	ssub.s32 s0, s11  }
0xd: {  	s2 =	sshrl.u32 s2, $0x3;
	s10 =	sshrl.u32 s10, $0x2;
	s8 =	sshrl.u32 s4, $0x3  }
0xe: {  	s11 =	smax.u32 s0, $0x1;
	s2 =	sadd.s32 s2, s7;
	s9 =	sadd.s32 s8, s7  }
0xf: {  	s8 =	sadd.s32 s6, s8;
	s31 =	sadd.s32 $0x61600, s9;
	s9 =	sadd.s32 s10, s3  }
0x10: {  	s10 =	sadd.s32 $0xF600, s2;
	[dreg:$0x4] =	wrdreg s31;
	s12 =	sadd.s32 $0x4000, s9  }
0x11: {  	v0 =	vimm.f32 $0.0e+00;
	s13 =	sadd.s32 $0x8000, s9;
	s14 =	sadd.s32 $0xC000, s9;
	s15 =	sadd.s32 $0x10000, s9  }
.LBB2_1:
0x12: {  	s0 =	rddreg [dreg:$0x4]  }
0x13: {  	[tilespmem:s5], [sflag:$0x5] =	stream.linear.gather [hbm4b:s0+s5], $0x2780, $0x38;
	[tilespmem:$0x1E900] =	vst v63  }
0x14: {  	_ =	swait.ge [sflag:s16], $0x2780  }
0x15: {  	s31 =	sand.u32 $0xFE00, s5;
	[sflag:s16] =	ssyncset.done $0x0  }
0x16: {  	s29 =	sand.u32 $0x70, s5;
	s0 =	sshrl.u32 s31, $0x2;
	[sflag:s16] =	ssyncadd.s32 $0xFFFFD880  }
0x17: {  	[tilespmem:s17], [sflag:$0x3] =	stream.linear.gather [hbm4b:s8+s5], $0x80, $0x38;
	[tilespmem:$0x1E900] =	vst v63  }
0x18: {  	s2 =	simm.s32 $0x40;
	s0 =	sor.u32 s29, s0;
	s29 =	simm.s32 $0x0  }
0x19: {  	[tilespmem:s19], [sflag:$0x1] =	stream.indirect.gather [hbm4b:s1+s18], $0x80, s5, s18, $0xb8;
	[tilespmem:$0x1E900] =	vst v63  }
.LBB2_2:
0x1a: {  	p0 =	sne.s32 s2, $0xFFC0  }
0x1b: {  	[tilespmem:s0+$0x6900] =	vst v0;
	s29 =	sadd.s32 $0x10, s29;
	s0 =	smov.u32 s2;
	s2 =	sadd.s32 $0x40, s2  }
.Ltmp0:
0x1c: {  	(pc) =	sbr.rel @p0 .LBB2_2-.Ltmp0, $4  }
0x1d: {  	_ = 	snop  }
0x1e: {  	s0 =	sand.u32 $0xFE00, s0  }
0x1f: {  	s30 =	sand.u32 $0x70, s29;
	s0 =	sshrl.u32 s0, $0x2  }
0x20: {  	s0 =	sor.u32 s30, s0  }
0x21: {  	[tilespmem:s0+$0x6900] =	vst v0  }
0x22: {  	[spmem:s9] =	stream.linear.scatter [tilespmem:s20], [sflag:$0x5], $0x4000, $0x38;
	[tilespmem:$0x1E900] =	vst v63  }
0x23: {  	_ =	swait.ge [sflag:s16], $0x4000  }
0x24: {  	[sflag:s16] =	ssyncset.done $0x0  }
0x25: {  	[sflag:s16] =	ssyncadd.s32 $0xFFFFC000  }
0x26: {  	[spmem:s12] =	stream.linear.scatter [tilespmem:s20], [sflag:$0x5], $0x4000, $0x38;
	[tilespmem:$0x1E900] =	vst v63  }
0x27: {  	_ =	swait.ge [sflag:s16], $0x4000  }
0x28: {  	[sflag:s16] =	ssyncset.done $0x0  }
0x29: {  	[sflag:s16] =	ssyncadd.s32 $0xFFFFC000  }
0x2a: {  	[spmem:s13] =	stream.linear.scatter [tilespmem:s20], [sflag:$0x5], $0x4000, $0x38;
	[tilespmem:$0x1E900] =	vst v63  }
0x2b: {  	_ =	swait.ge [sflag:s16], $0x4000  }
0x2c: {  	[sflag:s16] =	ssyncset.done $0x0  }
0x2d: {  	[sflag:s16] =	ssyncadd.s32 $0xFFFFC000  }
0x2e: {  	[spmem:s14] =	stream.linear.scatter [tilespmem:s20], [sflag:$0x5], $0x4000, $0x38;
	[tilespmem:$0x1E900] =	vst v63  }
0x2f: {  	_ =	swait.ge [sflag:s16], $0x4000  }
0x30: {  	s2 =	simm.s32 $0x0;
	[sflag:s16] =	ssyncset.done $0x0  }
0x31: {  	s0 =	sand.u32 $0x3C00, s2;
	s2 =	simm.s32 $0x80;
	[sflag:s16] =	ssyncadd.s32 $0xFFFFC000  }
0x32: {  	[spmem:s15] =	stream.linear.scatter [tilespmem:s20], [sflag:$0x5], $0x4000, $0x38;
	[tilespmem:$0x1E900] =	vst v63  }
0x33: {  	s0 =	sadd.s32 s4, s0;
	s2 =	sand.u32 $0x380, s2;
	_ =	swait.ge [sflag:s16], $0x4000  }
0x34: {  	s0 =	sor.u32 s0, s2;
	[sflag:s16] =	ssyncset.done $0x0  }
0x35: {  	s0 =	sshrl.u32 s0, $0x3;
	[sflag:s16] =	ssyncadd.s32 $0xFFFFC000  }
0x36: {  	s0 =	sadd.s32 s6, s0;
	[bflag:$0x0] =	sbarrier.arrive $0xFFFF  }
0x37: {  	[tilespmem:s21], [sflag:$0x4] =	stream.linear.gather [hbm4b:s0+s5], $0x80, $0x38;
	[tilespmem:$0x1E900] =	vst v63  }
0x38: {  	s29 =	simm.s32 $0x80  }
0x39: {  	[tilespmem:s20], [sflag:$0x2] =	stream.indirect.gather [hbm4b:s1+s18], $0x80, s29, s18, $0xb8;
	[tilespmem:$0x1E900] =	vst v63  }
0x3a: {  	_ =	swait.ge [sflag:s22], $0x4000  }
0x3b: {  	[sflag:s22] =	ssyncset.done $0x0  }
0x3c: {  	[sflag:s22] =	ssyncadd.s32 $0xFFFFC000  }
0x3d: {  	s0 =	simm.s32 $0x100;
	_ =	swait.ge [sflag:s23], $0x80  }
0x3e: {  	s7 =	sand.u32 $0x7C00, s0;
	[sflag:s23] =	ssyncset.done $0x0  }
0x3f: {  	s0 =	sand.u32 $0x300, s0;
	s2 =	sadd.s32 s4, s7;
	[sflag:s23] =	ssyncadd.s32 $0xFFFFFF80  }
0x40: {  	[spmem:s3] =	stream.indirect.scatter.add.f32 [tilespmem:s19], [sflag:$0x6], $0x80, s17, s18, $0xb8;
	[tilespmem:$0x1E900] =	vst v63  }
0x41: {  	s0 =	sor.u32 s0, s2;
	_ =	swait.ge [sflag:s24], $0x4000  }
0x42: {  	s0 =	sshrl.u32 s0, $0x3;
	[sflag:s24] =	ssyncset.done $0x0  }
0x43: {  	s0 =	sadd.s32 s6, s0;
	[sflag:s24] =	ssyncadd.s32 $0xFFFFC000  }
0x44: {  	[tilespmem:s17], [sflag:$0x3] =	stream.linear.gather [hbm4b:s0+s5], $0x80, $0x38;
	[tilespmem:$0x1E900] =	vst v63  }
0x45: {  	s7 =	simm.s32 $0x100  }
0x46: {  	[tilespmem:s19], [sflag:$0x1] =	stream.indirect.gather [hbm4b:s1+s18], $0x80, s7, s18, $0xb8;
	[tilespmem:$0x1E900] =	vst v63  }
0x47: {  	s2 =	simm.s32 $0x100;
	_ =	swait.ge [sflag:s25], $0x4000  }
0x48: {  	s0 =	sand.u32 $0x3C00, s2;
	s7 =	simm.s32 $0x180;
	[sflag:s25] =	ssyncset.done $0x0  }
0x49: {  	s0 =	sadd.s32 s4, s0;
	s2 =	sand.u32 $0x380, s7;
	[sflag:s25] =	ssyncadd.s32 $0xFFFFC000  }
0x4a: {  	s30 =	simm.s32 $0x200;
	s0 =	sor.u32 s0, s2;
	_ =	swait.ge [sflag:s26], $0x80  }
0x4b: {  	s31 =	simm.s32 $0x300;
	s2 =	sshrl.u32 s0, $0x3;
	[sflag:s26] =	ssyncset.done $0x0  }
.LBB2_4:
0x4c: {  	[sflag:s26] =	ssyncadd.s32 $0xFFFFFF80  }
0x4d: {  	s29 =	sadd.s32 $0x100, s29;
	s7 =	smov.u32 s31;
	s0 =	sadd.s32 $0x100, s31  }
0x4e: {  	[spmem:s3] =	stream.indirect.scatter.add.f32 [tilespmem:s20], [sflag:$0x5], $0x80, s21, s18, $0xb8;
	[tilespmem:$0x1E900] =	vst v63  }
0x4f: {  	p0 =	sne.s32 s31, $0x2700;
	_ =	swait.ge [sflag:s16], $0x4000  }
0x50: {  	s2 =	sadd.s32 s6, s2;
	[sflag:s16] =	ssyncset.done $0x0  }
0x51: {  	[sflag:s16] =	ssyncadd.s32 $0xFFFFC000  }
0x52: {  	[tilespmem:s21], [sflag:$0x4] =	stream.linear.gather [hbm4b:s2+s5], $0x80, $0x38;
	[tilespmem:$0x1E900] =	vst v63  }
0x53: {  	_ = 	snop  }
0x54: {  	[tilespmem:s20], [sflag:$0x2] =	stream.indirect.gather [hbm4b:s1+s18], $0x80, s29, s18, $0xb8;
	[tilespmem:$0x1E900] =	vst v63  }
0x55: {  	_ =	swait.ge [sflag:s22], $0x4000  }
0x56: {  	[sflag:s22] =	ssyncset.done $0x0  }
0x57: {  	[sflag:s22] =	ssyncadd.s32 $0xFFFFC000  }
0x58: {  	_ =	swait.ge [sflag:s23], $0x80  }
0x59: {  	s2 =	sand.u32 $0x7C00, s30;
	[sflag:s23] =	ssyncset.done $0x0  }
0x5a: {  	s30 =	sand.u32 $0x300, s30;
	s2 =	sadd.s32 s4, s2;
	[sflag:s23] =	ssyncadd.s32 $0xFFFFFF80  }
0x5b: {  	[spmem:s3] =	stream.indirect.scatter.add.f32 [tilespmem:s19], [sflag:$0x6], $0x80, s17, s18, $0xb8;
	[tilespmem:$0x1E900] =	vst v63  }
0x5c: {  	s2 =	sor.u32 s30, s2;
	s30 =	smov.u32 s7;
	_ =	swait.ge [sflag:s24], $0x4000  }
0x5d: {  	s2 =	sshrl.u32 s2, $0x3;
	[sflag:s24] =	ssyncset.done $0x0  }
0x5e: {  	s7 =	sadd.s32 $0x80, s29;
	s2 =	sadd.s32 s6, s2;
	[sflag:s24] =	ssyncadd.s32 $0xFFFFC000  }
0x5f: {  	[tilespmem:s17], [sflag:$0x3] =	stream.linear.gather [hbm4b:s2+s5], $0x80, $0x38;
	[tilespmem:$0x1E900] =	vst v63  }
0x60: {  	_ = 	snop  }
0x61: {  	[tilespmem:s19], [sflag:$0x1] =	stream.indirect.gather [hbm4b:s1+s18], $0x80, s7, s18, $0xb8;
	[tilespmem:$0x1E900] =	vst v63  }
.Ltmp1:
0x62: {  	s2 =	sadd.s32 $0xFFFFFF00, s30;
	_ =	swait.ge [sflag:s25], $0x4000;
	(pc) =	sbr.rel @p0 .LBB2_4-.Ltmp1, $4  }
0x63: {  	s2 =	sand.u32 $0x3C00, s2;
	s7 =	sadd.s32 $0xFFFFFF80, s30;
	[sflag:s25] =	ssyncset.done $0x0  }
0x64: {  	s2 =	sadd.s32 s4, s2;
	s7 =	sand.u32 $0x380, s7;
	[sflag:s25] =	ssyncadd.s32 $0xFFFFC000  }
0x65: {  	s2 =	sor.u32 s2, s7;
	_ =	swait.ge [sflag:s26], $0x80  }
0x66: {  	s31 =	smov.u32 s0;
	s2 =	sshrl.u32 s2, $0x3;
	[sflag:s26] =	ssyncset.done $0x0  }
0x67: {  	[sflag:s26] =	ssyncadd.s32 $0xFFFFFF80  }
0x68: {  	[spmem:s3] =	stream.indirect.scatter.add.f32 [tilespmem:s20], [sflag:$0x5], $0x80, s21, s18, $0xb8;
	[tilespmem:$0x1E900] =	vst v63  }
0x69: {  	_ =	swait.ge [sflag:s16], $0x4000  }
0x6a: {  	[sflag:s16] =	ssyncset.done $0x0  }
0x6b: {  	s0 =	sadd.s32 s6, s2;
	[sflag:s16] =	ssyncadd.s32 $0xFFFFC000  }
0x6c: {  	[tilespmem:s21], [sflag:$0x4] =	stream.linear.gather [hbm4b:s0+s5], $0x80, $0x38;
	[tilespmem:$0x1E900] =	vst v63  }
0x6d: {  	s31 =	sadd.s32 $0x100, s29  }
0x6e: {  	[tilespmem:s20], [sflag:$0x2] =	stream.indirect.gather [hbm4b:s1+s18], $0x80, s31, s18, $0xb8;
	[tilespmem:$0x1E900] =	vst v63  }
0x6f: {  	_ =	swait.ge [sflag:s22], $0x4000  }
0x70: {  	[sflag:s22] =	ssyncset.done $0x0  }
0x71: {  	[sflag:s22] =	ssyncadd.s32 $0xFFFFC000  }
0x72: {  	_ =	swait.ge [sflag:s23], $0x80  }
0x73: {  	s29 =	sand.u32 $0x7C00, s30;
	[sflag:s23] =	ssyncset.done $0x0  }
0x74: {  	s7 =	sand.u32 $0x300, s30;
	s2 =	sadd.s32 s4, s29;
	[sflag:s23] =	ssyncadd.s32 $0xFFFFFF80  }
0x75: {  	[spmem:s3] =	stream.indirect.scatter.add.f32 [tilespmem:s19], [sflag:$0x6], $0x80, s17, s18, $0xb8;
	[tilespmem:$0x1E900] =	vst v63  }
0x76: {  	s2 =	sor.u32 s7, s2;
	_ =	swait.ge [sflag:s24], $0x4000  }
0x77: {  	s2 =	sshrl.u32 s2, $0x3;
	[sflag:s24] =	ssyncset.done $0x0  }
0x78: {  	s2 =	sadd.s32 s6, s2;
	[sflag:s24] =	ssyncadd.s32 $0xFFFFC000  }
0x79: {  	[tilespmem:s17], [sflag:$0x3] =	stream.linear.gather [hbm4b:s2+s5], $0x80, $0x38;
	[tilespmem:$0x1E900] =	vst v63  }
0x7a: {  	s0 =	sadd.s32 $0x80, s31  }
0x7b: {  	[tilespmem:s19], [sflag:$0x1] =	stream.indirect.gather [hbm4b:s1+s18], $0x80, s0, s18, $0xb8;
	[tilespmem:$0x1E900] =	vst v63  }
0x7c: {  	_ =	swait.ge [sflag:s25], $0x4000  }
0x7d: {  	[sflag:s25] =	ssyncset.done $0x0  }
0x7e: {  	[sflag:s25] =	ssyncadd.s32 $0xFFFFC000  }
0x7f: {  	_ =	swait.ge [sflag:s26], $0x80  }
0x80: {  	[sflag:s26] =	ssyncset.done $0x0  }
0x81: {  	[sflag:s26] =	ssyncadd.s32 $0xFFFFFF80  }
0x82: {  	[spmem:s3] =	stream.indirect.scatter.add.f32 [tilespmem:s20], [sflag:$0x5], $0x80, s21, s18, $0xb8;
	[tilespmem:$0x1E900] =	vst v63  }
0x83: {  	_ =	swait.ge [sflag:s16], $0x4000  }
0x84: {  	[sflag:s16] =	ssyncset.done $0x0  }
0x85: {  	[sflag:s16] =	ssyncadd.s32 $0xFFFFC000  }
0x86: {  	_ =	swait.ge [sflag:s22], $0x4000  }
0x87: {  	[sflag:s22] =	ssyncset.done $0x0  }
0x88: {  	[sflag:s22] =	ssyncadd.s32 $0xFFFFC000  }
0x89: {  	_ =	swait.ge [sflag:s23], $0x80  }
0x8a: {  	[sflag:s23] =	ssyncset.done $0x0  }
0x8b: {  	[sflag:s23] =	ssyncadd.s32 $0xFFFFFF80  }
0x8c: {  	[spmem:s3] =	stream.indirect.scatter.add.f32 [tilespmem:s19], [sflag:$0x6], $0x80, s17, s18, $0xb8;
	[tilespmem:$0x1E900] =	vst v63  }
0x8d: {  	s28 =	sadd.s32 $0x1, s28;
	_ =	swait.ge [sflag:s24], $0x4000  }
0x8e: {  	s30 =	stileid.u32;
	p0 =	sne.s32 s28, s11;
	[sflag:s24] =	ssyncset.done $0x0  }
0x8f: {  	s31 =	sshrl.u32 s9, $0x3;
	s0 =	sshll.u32 s30, $0x6;
	[sflag:s24] =	ssyncadd.s32 $0xFFFFC000  }
.Ltmp2:
0x90: {  	s0 =	sor.u32 $0x1C05, s0;
	[bflag:$0x0] =	sbarrier.arrive $0xFFFF;
	(pc) =	sbr.rel @p0 .LBB2_1-.Ltmp2, $4  }
0x91: {  	[hbm:s10], [sflag:s0] =	dma.local [spmem:s31], $0x2800  }
0x92: {  	_ =	swait.ge [sflag:s16], $0x2800  }
0x93: {  	[sflag:s16] =	ssyncset.done $0x0  }
0x94: {  	[sflag:s16] =	ssyncadd.s32 $0xFFFFD800  }
0x95: {  	_ =	sfence.sel $0x180000  }
0x96: {  	[bflag:$0x0] =	sbarrier.arrive $0xFFFF  }
0x97: {  	_ =	strace $0x9000004D  }
0x98: {  	s0 =	stileid.u32;
	[bflag:$0x2] =	sbarrier.arrive $0xFFFF  }
0x99: {  	p0 =	sne.s32 s0, $0x0;
	s0 =	rddreg [dreg:$0x3]  }
0x9a: {  	s0 =	sadd.s32 @!p0 $0x100000, s0  }
0x9b: {  	[sflag:s0] =	ssyncadd.tile.s32 @!p0 $0x1;
	_ =	shalt  }
.Lfunc_end2:
_tile_overlayer_lowered:
.L_overlay_start_2:
0x9c: {  	(tag) =	ssettag $0x2  }
0x9d: {  	s0 =	rddreg [dreg:$0x0];
	s2 =	stileid.u32  }
0x9e: {  	s1 =	rddreg [dreg:$0x1];
	p0 =	sne.s32 s2, $0x0  }
0x9f: {  	s3 =	rddreg [dreg:$0x2];
	[bflag:$0x3] =	sbarrier.arrive $0xFFFF;
	s2 =	simm.s32 @!p0 $0x1C05  }
0xa0: {  	[timem:s3], [sflag:s2] =	dma.local @!p0 [hbm:s0], s1  }
0xa1: {  	s0 =	simm.s32 @!p0 $0x5  }
0xa2: {  	_ =	swait.ge @!p0 [sflag:s0], s1  }
0xa3: {  	s1 =	ssub.s32 @!p0 $0x0, s1;
	[sflag:s0] =	ssyncset.done @!p0 $0x0  }
0xa4: {  	[sflag:s0] =	ssyncadd.s32 @!p0 s1  }
0xa5: {  	[bflag:$0x3] =	sbarrier.arrive $0xFFFF  }
0xa6: {  	_ =	shalt  }

// kernel: kernel.28.cloned.1.call-start
scs
__scs_entry_jumppad:
0x0: {  	(pc) =	sbr.rel $0x88, $3  }
0x1: {  	(tag) =	ssettag $0x0;
	lr =	simm.s32 $0x1  }
0x2: {  	[smem:$0x3F94] =	sst lr;
	_ =	strace $0xD0000000  }
0x3: {  	_ = 	snop  }
0x4: {  	_ = 	snop  }
0x5: {  	_ = 	snop  }
0x6: {  	_ = 	snop  }
0x7: {  	_ = 	snop  }
__scs_overlays_trampoline_lowered:
0x8: {  	[smem:$0x3FA3] =	sst s0  }
0x9: {  	[smem:$0x3FA4] =	sst s1  }
0xa: {  	[smem:$0x3FA5] =	sst s2  }
0xb: {  	[smem:$0x3FA6] =	sst s3  }
0xc: {  	[smem:$0x3FA7] =	sst s4  }
0xd: {  	[smem:$0x3FA8] =	sst s5  }
0xe: {  	[smem:$0x3FA9] =	sst s6  }
0xf: {  	[smem:$0x3FAA] =	sst s7  }
0x10: {  	[smem:$0x3FAB] =	sst s8  }
0x11: {  	[smem:$0x3FAC] =	sst s9;
	s0 =	simm.s32 @!p0 $0x0  }
0x12: {  	s1 =	sld [smem:$0x3F92];
	s0 =	simm.s32 @p0 $0x1  }
0x13: {  	[smem:$0x3FAD] =	sst s0;
	s0 =	simm.s32 @!p1 $0x0  }
0x14: {  	s2 =	sld [smem:$0x3F91];
	s0 =	simm.s32 @p1 $0x1  }
0x15: {  	[smem:$0x3FAE] =	sst s0;
	s0 =	simm.s32 @!p2 $0x0  }
0x16: {  	s3 =	sld [smem:$0x3FDB];
	s0 =	simm.s32 @p2 $0x1  }
0x17: {  	s4 =	simm.s32 $0x1BF5;
	[smem:$0x3FB0] =	sst s0  }
0x18: {  	s0 =	sld [smem:$0x3F93];
	_ =	swait.ge [sflag:s4], $0x0  }
0x19: {  	s7 =	sld [smem:$0x3F94]  }
0x1a: {  	s8 =	sadd.s32 $0xFFFFE003, lr  }
0x1b: {  	s9 =	sadd.s32 $0xFFFFFEF7, lr;
	s5 =	simm.s32 $0xFFFFFFFF;
	p2 =	slt.u32 s8, $0xFFFFF086  }
0x1c: {  	p1 =	slt.u32 s9, $0xF7A;
	s5 =	simm.s32 @!p2 $0x0  }
0x1d: {  	s5 =	simm.s32 @p1 $0x1;
	p0 =	seq.s32 s7, s2  }
0x1e: {  	s7 =	smul.u32 @!p0 $0xF7A, s2;
	p2 =	seq.s32 @!p0 s5, $0x0  }
0x1f: {  	s9 =	smul.u32 $0xF7A, s1;
	s8 =	simm.s32 @!p0 $0x1BF5;
	p2 =	por !p2, p0  }
0x20: {  	[sflag:s8] =	ssyncset.s32 @!p0 $0xFFFFF086;
	s6 =	sadd.s32 @!p0 s3, s7;
	s7 =	simm.s32 @!p0 $0x108  }
0x21: {  	s3 =	sadd.s32 s3, s9;
	s6 =	sadd.s32 @!p0 $0x88, s6;
	s7 =	simm.s32 @p2 $0x1082  }
0x22: {  	[simem:s7], [sflag:s8] =	dma.local @!p0 [hbm:s6], $0xF7A  }
0x23: {  	s9 =	sor.u32 $0xD0000000, s2;
	s6 =	simm.s32 $0x108;
	_ =	swait.ge @!p0 [sflag:s8], $0x0  }
0x24: {  	s3 =	sadd.s32 $0x88, s3;
	s6 =	simm.s32 @!p1 $0x1082;
	[sflag:s4] =	ssyncset.s32 $0xFFFFF086  }
0x25: {  	[simem:s6], [sflag:s4] =	dma.local [hbm:s3], $0xF7A  }
0x26: {  	[smem:$0x3F94] =	sst s1;
	(tag) =	ssettag s2;
	_ =	strace s9  }
0x27: {  	s1 =	sld [smem:$0x3FA4]  }
0x28: {  	s2 =	sld [smem:$0x3FA5]  }
0x29: {  	s4 =	sld [smem:$0x3FA7]  }
0x2a: {  	p0 =	seq.s32 s5, $0x0;
	s5 =	sld [smem:$0x3FA8]  }
0x2b: {  	s6 =	sld [smem:$0x3FA9]  }
0x2c: {  	s7 =	sld [smem:$0x3FAA]  }
0x2d: {  	s3 =	simm.s32 $0x108;
	s8 =	sld [smem:$0x3FAB]  }
0x2e: {  	s3 =	simm.s32 @!p0 $0x1082;
	s9 =	sld [smem:$0x3FAC]  }
0x2f: {  	lr =	sadd.s32 s0, s3;
	s0 =	sld [smem:$0x3FA3]  }
0x30: {  	s3 =	sld [smem:$0x3FA6]  }
0x31: {  	[smem:$0x3FAF] =	sst s10  }
0x32: {  	s10 =	sld [smem:$0x3FAD];
	_ =	sdelay $0x3  }
0x33: {  	p0 =	seq.s32 s10, $0x1;
	s10 =	sld [smem:$0x3FAF];
	_ =	sdelay $0x3  }
0x34: {  	[smem:$0x3FAF] =	sst s10  }
0x35: {  	s10 =	sld [smem:$0x3FAE];
	_ =	sdelay $0x3  }
0x36: {  	p1 =	seq.s32 s10, $0x1;
	s10 =	sld [smem:$0x3FAF];
	_ =	sdelay $0x3  }
0x37: {  	[smem:$0x3FAF] =	sst s10  }
0x38: {  	s10 =	sld [smem:$0x3FB0]  }
0x39: {  	_ = 	snop;
	(pc) =	sbr.ind lr, $3  }
0x3a: {  	_ = 	snop  }
0x3b: {  	_ = 	snop  }
0x3c: {  	p2 =	seq.s32 s10, $0x1;
	s10 =	sld [smem:$0x3FAF]  }
0x3d: {  	_ =	shalt  }
0x3e: {  	_ =	shalt  }
0x3f: {  	_ =	shalt  }
0x40: {  	_ =	shalt  }
0x41: {  	_ =	shalt  }
0x42: {  	_ =	shalt  }
0x43: {  	_ =	shalt  }
0x44: {  	_ =	shalt  }
0x45: {  	_ =	shalt  }
0x46: {  	_ =	shalt  }
0x47: {  	_ =	shalt  }
0x48: {  	_ =	shalt  }
0x49: {  	_ =	shalt  }
0x4a: {  	_ =	shalt  }
0x4b: {  	_ =	shalt  }
0x4c: {  	_ =	shalt  }
0x4d: {  	_ =	shalt  }
0x4e: {  	_ =	shalt  }
0x4f: {  	_ =	shalt  }
0x50: {  	_ =	shalt  }
0x51: {  	_ =	shalt  }
0x52: {  	_ =	shalt  }
0x53: {  	_ =	shalt  }
0x54: {  	_ =	shalt  }
0x55: {  	_ =	shalt  }
0x56: {  	_ =	shalt  }
0x57: {  	_ =	shalt  }
0x58: {  	_ =	shalt  }
0x59: {  	_ =	shalt  }
0x5a: {  	_ =	shalt  }
0x5b: {  	_ =	shalt  }
0x5c: {  	_ =	shalt  }
0x5d: {  	_ =	shalt  }
0x5e: {  	_ =	shalt  }
0x5f: {  	_ =	shalt  }
0x60: {  	_ =	shalt  }
0x61: {  	_ =	shalt  }
0x62: {  	_ =	shalt  }
0x63: {  	_ =	shalt  }
0x64: {  	_ =	shalt  }
0x65: {  	_ =	shalt  }
0x66: {  	_ =	shalt  }
0x67: {  	_ =	shalt  }
0x68: {  	_ =	shalt  }
0x69: {  	_ =	shalt  }
0x6a: {  	_ =	shalt  }
0x6b: {  	_ =	shalt  }
0x6c: {  	_ =	shalt  }
0x6d: {  	_ =	shalt  }
0x6e: {  	_ =	shalt  }
0x6f: {  	_ =	shalt  }
0x70: {  	_ =	shalt  }
0x71: {  	_ =	shalt  }
0x72: {  	_ =	shalt  }
0x73: {  	_ =	shalt  }
0x74: {  	_ =	shalt  }
0x75: {  	_ =	shalt  }
0x76: {  	_ =	shalt  }
0x77: {  	_ =	shalt  }
0x78: {  	_ =	shalt  }
0x79: {  	_ =	shalt  }
0x7a: {  	_ =	shalt  }
0x7b: {  	_ =	shalt  }
0x7c: {  	_ =	shalt  }
0x7d: {  	_ =	shalt  }
0x7e: {  	_ =	shalt  }
0x7f: {  	_ =	shalt  }
0x80: {  	_ =	shalt  }
0x81: {  	_ =	shalt  }
0x82: {  	_ =	shalt  }
0x83: {  	_ =	shalt  }
0x84: {  	_ =	shalt  }
0x85: {  	_ =	shalt  }
0x86: {  	_ =	shalt  }
0x87: {  	_ =	shalt  }
.Lfunc_end0:
.L_simem_size_0:
called_computation.3_lowered:
.L_overlay_start_0:
0x88: {  	s2 =	sld [smem:$0x3FD9]  }
0x89: {  	s3 =	sld [smem:$0x3FFE];
	_ =	sdelay $0x1  }
0x8a: {  	s1 =	srdreg.scid  }
0x8b: {  	s0 =	sand.u32 $0x1, s1  }
0x8c: {  	s17 =	sshll.u32 s0, $0xA;
	s2 =	sadd.s32 s3, s2  }
0x8d: {  	s2 =	sadd.s32 s2, s17  }
0x8e: {  	[smem:$0x3FBB] =	sst s2  }
0x8f: {  	_ = 	snop  }
0x90: {  	s2 =	sld [smem:$0x3FD0];
	(tm) =	ssettm $0x1  }
0x91: {  	s18 =	sld [smem:$0x3FFB];
	_ =	sdelay $0x3  }
0x92: {  	_ =	strace s18  }
0x93: {  	s3 =	sld [smem:$0x3FFC];
	_ =	sdelay $0x3  }
0x94: {  	_ =	strace s3  }
0x95: {  	s3 =	sld [smem:$0x3FFD];
	_ =	sdelay $0x3  }
0x96: {  	_ =	strace s3  }
0x97: {  	_ =	strace $0x8FFFFFFF  }
0x98: {  	s19 =	sld [smem:$0x3FDB];
	_ =	sdelay $0x1  }
0x99: {  	s4 =	simm.s32 $_scs_section_size  }
0x9a: {  	s5 =	simm.s32 $_size__tile_overlayer_lowered;
	s6 =	simm.s32 $_tile_overlayer_lowered  }
0x9b: {  	s22 =	simm.s32 $0x1BFF;
	s21 =	sshll.u32 s6, $0x1;
	s3 =	sadd.s32 s4, s19  }
0x9c: {  	s7 =	simm.s32 $0x0;
	s20 =	sshll.u32 s5, $0x1;
	s5 =	sadd.s32 s21, s3  }
0x9d: {  	[timem:s7], [sflag:s22] =	dma.local [hbm:s5], s20  }
0x9e: {  	_ =	swait.ge [sflag:s22], s20  }
0x9f: {  	s4 =	ssub.s32 $0x0, s20;
	[sflag:s22] =	ssyncset.done $0x0  }
0xa0: {  	[sflag:s22] =	ssyncadd.s32 s4;
	_ =	sdelay $0x1  }
0xa1: {  	s23 =	simm.s32 $0x1B8B  }
0xa2: {  	_ =	swait.ge [sflag:s23], $0x1  }
0xa3: {  	[sflag:s23] =	ssyncset.done $0x0  }
0xa4: {  	s25 =	simm.s32 $0x1B8E;
	s24 =	sld [smem:$0x3FFE];
	[sflag:s23] =	ssyncadd.s32 $0xFFFFFFFF  }
0xa5: {  	s26 =	simm.s32 $execute0_lowered;
	[smem:$0x3FD2] =	sst s25  }
0xa6: {  	s5 =	sshll.u32 s26, $0x1;
	_ =	strace $0x8000004F;
	[dreg:$0x1] =	wrdreg $0xFFFFFFFF  }
0xa7: {  	s28 =	simm.s32 $_size_execute0_lowered;
	s3 =	sadd.s32 s3, s5;
	[dreg:$0x0] =	wrdreg $0x0  }
0xa8: {  	s5 =	sshll.u32 s28, $0x1;
	[dreg:$0x2] =	wrdreg s3  }
0xa9: {  	[dreg:$0x3] =	wrdreg s5  }
0xaa: {  	[dreg:$0x4] =	wrdreg $0xC0  }
0xab: {  	_ =	task [dreg:s7], $0x5FFFF  }
0xac: {  	[dreg:$0x1] =	wrdreg $0xFFFFFFFF  }
0xad: {  	[dreg:$0x0] =	wrdreg $0x60  }
0xae: {  	[dreg:$0x2] =	wrdreg s2  }
0xaf: {  	[dreg:$0x3] =	wrdreg s24  }
0xb0: {  	[dreg:$0x4] =	wrdreg $0xA9000  }
0xb1: {  	[dreg:$0x5] =	wrdreg $0x9  }
0xb2: {  	_ =	task.clear_ibuf [dreg:s7], $0x6FFFF;
	_ =	strace $0x9000004F  }
0xb3: {  	s29 =	simm.s32 $0x9;
	_ =	strace $0x80000051  }
0xb4: {  	_ =	swait.ge [sflag:s29], $0x1  }
0xb5: {  	[sflag:s29] =	ssyncadd.s32 $0xFFFFFFFF  }
0xb6: {  	_ =	strace $0x90000051  }
0xb7: {  	_ =	sfence  }
0xb8: {  	s30 =	sld [smem:$0x0];
	_ =	sdelay $0x2  }
0xb9: {  	s31 =	sshll.u32 s1, $0xD;
	s1 =	sshrl.u32 s1, $0x2  }
0xba: {  	s3 =	sand.u32 $0x4000, s31;
	s1 =	sadd.s32 s1, s30  }
0xbb: {  	s0 =	sor.u32 s3, s0;
	s1 =	sshll.u32 s1, $0x11  }
0xbc: {  	s0 =	sor.u32 s1, s0  }
0xbd: {  	s0 =	sadd.s32 $0x8F2B, s0  }
0xbe: {  	[sflag:s0] =	ssyncadd.remote.s32 $0x1  }
0xbf: {  	_ =	sfence.sel $0xFFFF  }
0xc0: {  	[dreg:$0x0] =	wrdreg $0xFFFFFFFF;
	(pc) =	sbr.abs _section_cstart, $3  }
0xc1: {  	[dreg:$0x1] =	wrdreg $0xFFFFFFFF  }
0xc2: {  	_ =	task.clear_ibuf [dreg:s7], $0x2FFFF;
	_ =	strace $0x9FFFFFFF  }
0xc3: {  	(tm) =	ssettm $0x7FFFFFFF  }
tec
execute0_lowered:
.L_overlay_start_1:
0x0: {  	(tag) =	ssettag $0x1  }
0x1: {  	s1 =	rddreg [dreg:$0x0]  }
0x2: {  	s0 =	srdreg.scid;
	s7 =	rddreg [dreg:$0x1]  }
0x3: {  	s10 =	stileid.u32;
	s3 =	rddreg [dreg:$0x2]  }
0x4: {  	s5 =	simm.s32 $0x0;
	s16 =	simm.s32 $0x5;
	s17 =	simm.s32 $0x2800  }
0x5: {  	s18 =	simm.s32 $0x80;
	s19 =	simm.s32 $0x2900;
	s20 =	simm.s32 $0x6900  }
0x6: {  	s21 =	simm.s32 $0x2880;
	s22 =	simm.s32 $0x1;
	s23 =	simm.s32 $0x3  }
0x7: {  	s24 =	simm.s32 $0x6;
	s25 =	simm.s32 $0x2;
	s26 =	simm.s32 $0x4  }
0x8: {  	s28 =	simm.s32 $0x0;
	s0 =	sand.u32 $0x1, s0;
	s6 =	smul.u32 $0x14000, s10  }
0x9: {  	[smem:$0x7FF] =	sst s5;
	s2 =	sshll.u32 s0, $0x4;
	s30 =	smul.u32 $0x140000, s0  }
0xa: {  	s0 =	ssub.s32 $0x2, s0;
	s2 =	sor.u32 s10, s2;
	s10 =	smul.u32 $0x50000, s10  }
0xb: {  	_ =	strace $0x80000050;
	s11 =	sshrl.u32 s0, $0x1;
	s4 =	smul.u32 $0x2800, s2  }
0xc: {  	s2 =	sadd.s32 s6, s30;
	s6 =	sadd.s32 $0x5600, s7;
	s0 =	ssub.s32 s0, s11  }
0xd: {  	s2 =	sshrl.u32 s2, $0x3;
	s10 =	sshrl.u32 s10, $0x2;
	s8 =	sshrl.u32 s4, $0x3  }
0xe: {  	s11 =	smax.u32 s0, $0x1;
	s2 =	sadd.s32 s2, s7;
	s9 =	sadd.s32 s8, s7  }
0xf: {  	s8 =	sadd.s32 s6, s8;
	s31 =	sadd.s32 $0x61600, s9;
	s9 =	sadd.s32 s10, s3  }
0x10: {  	s10 =	sadd.s32 $0xF600, s2;
	[dreg:$0x4] =	wrdreg s31;
	s12 =	sadd.s32 $0x4000, s9  }
0x11: {  	v0 =	vimm.f32 $0.0e+00;
	s13 =	sadd.s32 $0x8000, s9;
	s14 =	sadd.s32 $0xC000, s9;
	s15 =	sadd.s32 $0x10000, s9  }
.LBB2_1:
0x12: {  	s0 =	rddreg [dreg:$0x4]  }
0x13: {  	[tilespmem:s5], [sflag:$0x5] =	stream.linear.gather [hbm4b:s0+s5], $0x2780, $0x38;
	[tilespmem:$0x1E900] =	vst v63  }
0x14: {  	_ =	swait.ge [sflag:s16], $0x2780  }
0x15: {  	s31 =	sand.u32 $0xFE00, s5;
	[sflag:s16] =	ssyncset.done $0x0  }
0x16: {  	s29 =	sand.u32 $0x70, s5;
	s0 =	sshrl.u32 s31, $0x2;
	[sflag:s16] =	ssyncadd.s32 $0xFFFFD880  }
0x17: {  	[tilespmem:s17], [sflag:$0x3] =	stream.linear.gather [hbm4b:s8+s5], $0x80, $0x38;
	[tilespmem:$0x1E900] =	vst v63  }
0x18: {  	s2 =	simm.s32 $0x40;
	s0 =	sor.u32 s29, s0;
	s29 =	simm.s32 $0x0  }
0x19: {  	[tilespmem:s19], [sflag:$0x1] =	stream.indirect.gather [hbm4b:s1+s18], $0x80, s5, s18, $0xb8;
	[tilespmem:$0x1E900] =	vst v63  }
.LBB2_2:
0x1a: {  	p0 =	sne.s32 s2, $0xFFC0  }
0x1b: {  	[tilespmem:s0+$0x6900] =	vst v0;
	s29 =	sadd.s32 $0x10, s29;
	s0 =	smov.u32 s2;
	s2 =	sadd.s32 $0x40, s2  }
.Ltmp0:
0x1c: {  	(pc) =	sbr.rel @p0 .LBB2_2-.Ltmp0, $4  }
0x1d: {  	_ = 	snop  }
0x1e: {  	s0 =	sand.u32 $0xFE00, s0  }
0x1f: {  	s30 =	sand.u32 $0x70, s29;
	s0 =	sshrl.u32 s0, $0x2  }
0x20: {  	s0 =	sor.u32 s30, s0  }
0x21: {  	[tilespmem:s0+$0x6900] =	vst v0  }
0x22: {  	[spmem:s9] =	stream.linear.scatter [tilespmem:s20], [sflag:$0x5], $0x4000, $0x38;
	[tilespmem:$0x1E900] =	vst v63  }
0x23: {  	_ =	swait.ge [sflag:s16], $0x4000  }
0x24: {  	[sflag:s16] =	ssyncset.done $0x0  }
0x25: {  	[sflag:s16] =	ssyncadd.s32 $0xFFFFC000  }
0x26: {  	[spmem:s12] =	stream.linear.scatter [tilespmem:s20], [sflag:$0x5], $0x4000, $0x38;
	[tilespmem:$0x1E900] =	vst v63  }
0x27: {  	_ =	swait.ge [sflag:s16], $0x4000  }
0x28: {  	[sflag:s16] =	ssyncset.done $0x0  }
0x29: {  	[sflag:s16] =	ssyncadd.s32 $0xFFFFC000  }
0x2a: {  	[spmem:s13] =	stream.linear.scatter [tilespmem:s20], [sflag:$0x5], $0x4000, $0x38;
	[tilespmem:$0x1E900] =	vst v63  }
0x2b: {  	_ =	swait.ge [sflag:s16], $0x4000  }
0x2c: {  	[sflag:s16] =	ssyncset.done $0x0  }
0x2d: {  	[sflag:s16] =	ssyncadd.s32 $0xFFFFC000  }
0x2e: {  	[spmem:s14] =	stream.linear.scatter [tilespmem:s20], [sflag:$0x5], $0x4000, $0x38;
	[tilespmem:$0x1E900] =	vst v63  }
0x2f: {  	_ =	swait.ge [sflag:s16], $0x4000  }
0x30: {  	s2 =	simm.s32 $0x0;
	[sflag:s16] =	ssyncset.done $0x0  }
0x31: {  	s0 =	sand.u32 $0x3C00, s2;
	s2 =	simm.s32 $0x80;
	[sflag:s16] =	ssyncadd.s32 $0xFFFFC000  }
0x32: {  	[spmem:s15] =	stream.linear.scatter [tilespmem:s20], [sflag:$0x5], $0x4000, $0x38;
	[tilespmem:$0x1E900] =	vst v63  }
0x33: {  	s0 =	sadd.s32 s4, s0;
	s2 =	sand.u32 $0x380, s2;
	_ =	swait.ge [sflag:s16], $0x4000  }
0x34: {  	s0 =	sor.u32 s0, s2;
	[sflag:s16] =	ssyncset.done $0x0  }
0x35: {  	s0 =	sshrl.u32 s0, $0x3;
	[sflag:s16] =	ssyncadd.s32 $0xFFFFC000  }
0x36: {  	s0 =	sadd.s32 s6, s0;
	[bflag:$0x0] =	sbarrier.arrive $0xFFFF  }
0x37: {  	[tilespmem:s21], [sflag:$0x4] =	stream.linear.gather [hbm4b:s0+s5], $0x80, $0x38;
	[tilespmem:$0x1E900] =	vst v63  }
0x38: {  	s29 =	simm.s32 $0x80  }
0x39: {  	[tilespmem:s20], [sflag:$0x2] =	stream.indirect.gather [hbm4b:s1+s18], $0x80, s29, s18, $0xb8;
	[tilespmem:$0x1E900] =	vst v63  }
0x3a: {  	_ =	swait.ge [sflag:s22], $0x4000  }
0x3b: {  	[sflag:s22] =	ssyncset.done $0x0  }
0x3c: {  	[sflag:s22] =	ssyncadd.s32 $0xFFFFC000  }
0x3d: {  	s0 =	simm.s32 $0x100;
	_ =	swait.ge [sflag:s23], $0x80  }
0x3e: {  	s7 =	sand.u32 $0x7C00, s0;
	[sflag:s23] =	ssyncset.done $0x0  }
0x3f: {  	s0 =	sand.u32 $0x300, s0;
	s2 =	sadd.s32 s4, s7;
	[sflag:s23] =	ssyncadd.s32 $0xFFFFFF80  }
0x40: {  	[spmem:s3] =	stream.indirect.scatter.add.f32 [tilespmem:s19], [sflag:$0x6], $0x80, s17, s18, $0xb8;
	[tilespmem:$0x1E900] =	vst v63  }
0x41: {  	s0 =	sor.u32 s0, s2;
	_ =	swait.ge [sflag:s24], $0x4000  }
0x42: {  	s0 =	sshrl.u32 s0, $0x3;
	[sflag:s24] =	ssyncset.done $0x0  }
0x43: {  	s0 =	sadd.s32 s6, s0;
	[sflag:s24] =	ssyncadd.s32 $0xFFFFC000  }
0x44: {  	[tilespmem:s17], [sflag:$0x3] =	stream.linear.gather [hbm4b:s0+s5], $0x80, $0x38;
	[tilespmem:$0x1E900] =	vst v63  }
0x45: {  	s7 =	simm.s32 $0x100  }
0x46: {  	[tilespmem:s19], [sflag:$0x1] =	stream.indirect.gather [hbm4b:s1+s18], $0x80, s7, s18, $0xb8;
	[tilespmem:$0x1E900] =	vst v63  }
0x47: {  	s2 =	simm.s32 $0x100;
	_ =	swait.ge [sflag:s25], $0x4000  }
0x48: {  	s0 =	sand.u32 $0x3C00, s2;
	s7 =	simm.s32 $0x180;
	[sflag:s25] =	ssyncset.done $0x0  }
0x49: {  	s0 =	sadd.s32 s4, s0;
	s2 =	sand.u32 $0x380, s7;
	[sflag:s25] =	ssyncadd.s32 $0xFFFFC000  }
0x4a: {  	s30 =	simm.s32 $0x200;
	s0 =	sor.u32 s0, s2;
	_ =	swait.ge [sflag:s26], $0x80  }
0x4b: {  	s31 =	simm.s32 $0x300;
	s2 =	sshrl.u32 s0, $0x3;
	[sflag:s26] =	ssyncset.done $0x0  }
.LBB2_4:
0x4c: {  	[sflag:s26] =	ssyncadd.s32 $0xFFFFFF80  }
0x4d: {  	s29 =	sadd.s32 $0x100, s29;
	s7 =	smov.u32 s31;
	s0 =	sadd.s32 $0x100, s31  }
0x4e: {  	[spmem:s3] =	stream.indirect.scatter.add.f32 [tilespmem:s20], [sflag:$0x5], $0x80, s21, s18, $0xb8;
	[tilespmem:$0x1E900] =	vst v63  }
0x4f: {  	p0 =	sne.s32 s31, $0x2700;
	_ =	swait.ge [sflag:s16], $0x4000  }
0x50: {  	s2 =	sadd.s32 s6, s2;
	[sflag:s16] =	ssyncset.done $0x0  }
0x51: {  	[sflag:s16] =	ssyncadd.s32 $0xFFFFC000  }
0x52: {  	[tilespmem:s21], [sflag:$0x4] =	stream.linear.gather [hbm4b:s2+s5], $0x80, $0x38;
	[tilespmem:$0x1E900] =	vst v63  }
0x53: {  	_ = 	snop  }
0x54: {  	[tilespmem:s20], [sflag:$0x2] =	stream.indirect.gather [hbm4b:s1+s18], $0x80, s29, s18, $0xb8;
	[tilespmem:$0x1E900] =	vst v63  }
0x55: {  	_ =	swait.ge [sflag:s22], $0x4000  }
0x56: {  	[sflag:s22] =	ssyncset.done $0x0  }
0x57: {  	[sflag:s22] =	ssyncadd.s32 $0xFFFFC000  }
0x58: {  	_ =	swait.ge [sflag:s23], $0x80  }
0x59: {  	s2 =	sand.u32 $0x7C00, s30;
	[sflag:s23] =	ssyncset.done $0x0  }
0x5a: {  	s30 =	sand.u32 $0x300, s30;
	s2 =	sadd.s32 s4, s2;
	[sflag:s23] =	ssyncadd.s32 $0xFFFFFF80  }
0x5b: {  	[spmem:s3] =	stream.indirect.scatter.add.f32 [tilespmem:s19], [sflag:$0x6], $0x80, s17, s18, $0xb8;
	[tilespmem:$0x1E900] =	vst v63  }
0x5c: {  	s2 =	sor.u32 s30, s2;
	s30 =	smov.u32 s7;
	_ =	swait.ge [sflag:s24], $0x4000  }
0x5d: {  	s2 =	sshrl.u32 s2, $0x3;
	[sflag:s24] =	ssyncset.done $0x0  }
0x5e: {  	s7 =	sadd.s32 $0x80, s29;
	s2 =	sadd.s32 s6, s2;
	[sflag:s24] =	ssyncadd.s32 $0xFFFFC000  }
0x5f: {  	[tilespmem:s17], [sflag:$0x3] =	stream.linear.gather [hbm4b:s2+s5], $0x80, $0x38;
	[tilespmem:$0x1E900] =	vst v63  }
0x60: {  	_ = 	snop  }
0x61: {  	[tilespmem:s19], [sflag:$0x1] =	stream.indirect.gather [hbm4b:s1+s18], $0x80, s7, s18, $0xb8;
	[tilespmem:$0x1E900] =	vst v63  }
.Ltmp1:
0x62: {  	s2 =	sadd.s32 $0xFFFFFF00, s30;
	_ =	swait.ge [sflag:s25], $0x4000;
	(pc) =	sbr.rel @p0 .LBB2_4-.Ltmp1, $4  }
0x63: {  	s2 =	sand.u32 $0x3C00, s2;
	s7 =	sadd.s32 $0xFFFFFF80, s30;
	[sflag:s25] =	ssyncset.done $0x0  }
0x64: {  	s2 =	sadd.s32 s4, s2;
	s7 =	sand.u32 $0x380, s7;
	[sflag:s25] =	ssyncadd.s32 $0xFFFFC000  }
0x65: {  	s2 =	sor.u32 s2, s7;
	_ =	swait.ge [sflag:s26], $0x80  }
0x66: {  	s31 =	smov.u32 s0;
	s2 =	sshrl.u32 s2, $0x3;
	[sflag:s26] =	ssyncset.done $0x0  }
0x67: {  	[sflag:s26] =	ssyncadd.s32 $0xFFFFFF80  }
0x68: {  	[spmem:s3] =	stream.indirect.scatter.add.f32 [tilespmem:s20], [sflag:$0x5], $0x80, s21, s18, $0xb8;
	[tilespmem:$0x1E900] =	vst v63  }
0x69: {  	_ =	swait.ge [sflag:s16], $0x4000  }
0x6a: {  	[sflag:s16] =	ssyncset.done $0x0  }
0x6b: {  	s0 =	sadd.s32 s6, s2;
	[sflag:s16] =	ssyncadd.s32 $0xFFFFC000  }
0x6c: {  	[tilespmem:s21], [sflag:$0x4] =	stream.linear.gather [hbm4b:s0+s5], $0x80, $0x38;
	[tilespmem:$0x1E900] =	vst v63  }
0x6d: {  	s31 =	sadd.s32 $0x100, s29  }
0x6e: {  	[tilespmem:s20], [sflag:$0x2] =	stream.indirect.gather [hbm4b:s1+s18], $0x80, s31, s18, $0xb8;
	[tilespmem:$0x1E900] =	vst v63  }
0x6f: {  	_ =	swait.ge [sflag:s22], $0x4000  }
0x70: {  	[sflag:s22] =	ssyncset.done $0x0  }
0x71: {  	[sflag:s22] =	ssyncadd.s32 $0xFFFFC000  }
0x72: {  	_ =	swait.ge [sflag:s23], $0x80  }
0x73: {  	s29 =	sand.u32 $0x7C00, s30;
	[sflag:s23] =	ssyncset.done $0x0  }
0x74: {  	s7 =	sand.u32 $0x300, s30;
	s2 =	sadd.s32 s4, s29;
	[sflag:s23] =	ssyncadd.s32 $0xFFFFFF80  }
0x75: {  	[spmem:s3] =	stream.indirect.scatter.add.f32 [tilespmem:s19], [sflag:$0x6], $0x80, s17, s18, $0xb8;
	[tilespmem:$0x1E900] =	vst v63  }
0x76: {  	s2 =	sor.u32 s7, s2;
	_ =	swait.ge [sflag:s24], $0x4000  }
0x77: {  	s2 =	sshrl.u32 s2, $0x3;
	[sflag:s24] =	ssyncset.done $0x0  }
0x78: {  	s2 =	sadd.s32 s6, s2;
	[sflag:s24] =	ssyncadd.s32 $0xFFFFC000  }
0x79: {  	[tilespmem:s17], [sflag:$0x3] =	stream.linear.gather [hbm4b:s2+s5], $0x80, $0x38;
	[tilespmem:$0x1E900] =	vst v63  }
0x7a: {  	s0 =	sadd.s32 $0x80, s31  }
0x7b: {  	[tilespmem:s19], [sflag:$0x1] =	stream.indirect.gather [hbm4b:s1+s18], $0x80, s0, s18, $0xb8;
	[tilespmem:$0x1E900] =	vst v63  }
0x7c: {  	_ =	swait.ge [sflag:s25], $0x4000  }
0x7d: {  	[sflag:s25] =	ssyncset.done $0x0  }
0x7e: {  	[sflag:s25] =	ssyncadd.s32 $0xFFFFC000  }
0x7f: {  	_ =	swait.ge [sflag:s26], $0x80  }
0x80: {  	[sflag:s26] =	ssyncset.done $0x0  }
0x81: {  	[sflag:s26] =	ssyncadd.s32 $0xFFFFFF80  }
0x82: {  	[spmem:s3] =	stream.indirect.scatter.add.f32 [tilespmem:s20], [sflag:$0x5], $0x80, s21, s18, $0xb8;
	[tilespmem:$0x1E900] =	vst v63  }
0x83: {  	_ =	swait.ge [sflag:s16], $0x4000  }
0x84: {  	[sflag:s16] =	ssyncset.done $0x0  }
0x85: {  	[sflag:s16] =	ssyncadd.s32 $0xFFFFC000  }
0x86: {  	_ =	swait.ge [sflag:s22], $0x4000  }
0x87: {  	[sflag:s22] =	ssyncset.done $0x0  }
0x88: {  	[sflag:s22] =	ssyncadd.s32 $0xFFFFC000  }
0x89: {  	_ =	swait.ge [sflag:s23], $0x80  }
0x8a: {  	[sflag:s23] =	ssyncset.done $0x0  }
0x8b: {  	[sflag:s23] =	ssyncadd.s32 $0xFFFFFF80  }
0x8c: {  	[spmem:s3] =	stream.indirect.scatter.add.f32 [tilespmem:s19], [sflag:$0x6], $0x80, s17, s18, $0xb8;
	[tilespmem:$0x1E900] =	vst v63  }
0x8d: {  	s28 =	sadd.s32 $0x1, s28;
	_ =	swait.ge [sflag:s24], $0x4000  }
0x8e: {  	s30 =	stileid.u32;
	p0 =	sne.s32 s28, s11;
	[sflag:s24] =	ssyncset.done $0x0  }
0x8f: {  	s31 =	sshrl.u32 s9, $0x3;
	s0 =	sshll.u32 s30, $0x6;
	[sflag:s24] =	ssyncadd.s32 $0xFFFFC000  }
.Ltmp2:
0x90: {  	s0 =	sor.u32 $0x1C05, s0;
	[bflag:$0x0] =	sbarrier.arrive $0xFFFF;
	(pc) =	sbr.rel @p0 .LBB2_1-.Ltmp2, $4  }
0x91: {  	[hbm:s10], [sflag:s0] =	dma.local [spmem:s31], $0x2800  }
0x92: {  	_ =	swait.ge [sflag:s16], $0x2800  }
0x93: {  	[sflag:s16] =	ssyncset.done $0x0  }
0x94: {  	[sflag:s16] =	ssyncadd.s32 $0xFFFFD800  }
0x95: {  	_ =	sfence.sel $0x180000  }
0x96: {  	[bflag:$0x0] =	sbarrier.arrive $0xFFFF  }
0x97: {  	_ =	strace $0x90000050  }
0x98: {  	s0 =	stileid.u32;
	[bflag:$0x2] =	sbarrier.arrive $0xFFFF  }
0x99: {  	p0 =	sne.s32 s0, $0x0;
	s0 =	rddreg [dreg:$0x3]  }
0x9a: {  	s0 =	sadd.s32 @!p0 $0x100000, s0  }
0x9b: {  	[sflag:s0] =	ssyncadd.tile.s32 @!p0 $0x1;
	_ =	shalt  }
.Lfunc_end2:
_tile_overlayer_lowered:
.L_overlay_start_2:
0x9c: {  	(tag) =	ssettag $0x2  }
0x9d: {  	s0 =	rddreg [dreg:$0x0];
	s2 =	stileid.u32  }
0x9e: {  	s1 =	rddreg [dreg:$0x1];
	p0 =	sne.s32 s2, $0x0  }
0x9f: {  	s3 =	rddreg [dreg:$0x2];
	[bflag:$0x3] =	sbarrier.arrive $0xFFFF;
	s2 =	simm.s32 @!p0 $0x1C05  }
0xa0: {  	[timem:s3], [sflag:s2] =	dma.local @!p0 [hbm:s0], s1  }
0xa1: {  	s0 =	simm.s32 @!p0 $0x5  }
0xa2: {  	_ =	swait.ge @!p0 [sflag:s0], s1  }
0xa3: {  	s1 =	ssub.s32 @!p0 $0x0, s1;
	[sflag:s0] =	ssyncset.done @!p0 $0x0  }
0xa4: {  	[sflag:s0] =	ssyncadd.s32 @!p0 s1  }
0xa5: {  	[bflag:$0x3] =	sbarrier.arrive $0xFFFF  }
0xa6: {  	_ =	shalt  }

// kernel: kernel.31.cloned.1.call-start
scs
__scs_entry_jumppad:
0x0: {  	(pc) =	sbr.rel $0x88, $3  }
0x1: {  	(tag) =	ssettag $0x0;
	lr =	simm.s32 $0x1  }
0x2: {  	[smem:$0x3F94] =	sst lr;
	_ =	strace $0xD0000000  }
0x3: {  	_ = 	snop  }
0x4: {  	_ = 	snop  }
0x5: {  	_ = 	snop  }
0x6: {  	_ = 	snop  }
0x7: {  	_ = 	snop  }
__scs_overlays_trampoline_lowered:
0x8: {  	[smem:$0x3FA3] =	sst s0  }
0x9: {  	[smem:$0x3FA4] =	sst s1  }
0xa: {  	[smem:$0x3FA5] =	sst s2  }
0xb: {  	[smem:$0x3FA6] =	sst s3  }
0xc: {  	[smem:$0x3FA7] =	sst s4  }
0xd: {  	[smem:$0x3FA8] =	sst s5  }
0xe: {  	[smem:$0x3FA9] =	sst s6  }
0xf: {  	[smem:$0x3FAA] =	sst s7  }
0x10: {  	[smem:$0x3FAB] =	sst s8  }
0x11: {  	[smem:$0x3FAC] =	sst s9;
	s0 =	simm.s32 @!p0 $0x0  }
0x12: {  	s1 =	sld [smem:$0x3F92];
	s0 =	simm.s32 @p0 $0x1  }
0x13: {  	[smem:$0x3FAD] =	sst s0;
	s0 =	simm.s32 @!p1 $0x0  }
0x14: {  	s2 =	sld [smem:$0x3F91];
	s0 =	simm.s32 @p1 $0x1  }
0x15: {  	[smem:$0x3FAE] =	sst s0;
	s0 =	simm.s32 @!p2 $0x0  }
0x16: {  	s3 =	sld [smem:$0x3FDB];
	s0 =	simm.s32 @p2 $0x1  }
0x17: {  	s4 =	simm.s32 $0x1BF5;
	[smem:$0x3FB0] =	sst s0  }
0x18: {  	s0 =	sld [smem:$0x3F93];
	_ =	swait.ge [sflag:s4], $0x0  }
0x19: {  	s7 =	sld [smem:$0x3F94]  }
0x1a: {  	s8 =	sadd.s32 $0xFFFFE003, lr  }
0x1b: {  	s9 =	sadd.s32 $0xFFFFFEF7, lr;
	s5 =	simm.s32 $0xFFFFFFFF;
	p2 =	slt.u32 s8, $0xFFFFF086  }
0x1c: {  	p1 =	slt.u32 s9, $0xF7A;
	s5 =	simm.s32 @!p2 $0x0  }
0x1d: {  	s5 =	simm.s32 @p1 $0x1;
	p0 =	seq.s32 s7, s2  }
0x1e: {  	s7 =	smul.u32 @!p0 $0xF7A, s2;
	p2 =	seq.s32 @!p0 s5, $0x0  }
0x1f: {  	s9 =	smul.u32 $0xF7A, s1;
	s8 =	simm.s32 @!p0 $0x1BF5;
	p2 =	por !p2, p0  }
0x20: {  	[sflag:s8] =	ssyncset.s32 @!p0 $0xFFFFF086;
	s6 =	sadd.s32 @!p0 s3, s7;
	s7 =	simm.s32 @!p0 $0x108  }
0x21: {  	s3 =	sadd.s32 s3, s9;
	s6 =	sadd.s32 @!p0 $0x88, s6;
	s7 =	simm.s32 @p2 $0x1082  }
0x22: {  	[simem:s7], [sflag:s8] =	dma.local @!p0 [hbm:s6], $0xF7A  }
0x23: {  	s9 =	sor.u32 $0xD0000000, s2;
	s6 =	simm.s32 $0x108;
	_ =	swait.ge @!p0 [sflag:s8], $0x0  }
0x24: {  	s3 =	sadd.s32 $0x88, s3;
	s6 =	simm.s32 @!p1 $0x1082;
	[sflag:s4] =	ssyncset.s32 $0xFFFFF086  }
0x25: {  	[simem:s6], [sflag:s4] =	dma.local [hbm:s3], $0xF7A  }
0x26: {  	[smem:$0x3F94] =	sst s1;
	(tag) =	ssettag s2;
	_ =	strace s9  }
0x27: {  	s1 =	sld [smem:$0x3FA4]  }
0x28: {  	s2 =	sld [smem:$0x3FA5]  }
0x29: {  	s4 =	sld [smem:$0x3FA7]  }
0x2a: {  	p0 =	seq.s32 s5, $0x0;
	s5 =	sld [smem:$0x3FA8]  }
0x2b: {  	s6 =	sld [smem:$0x3FA9]  }
0x2c: {  	s7 =	sld [smem:$0x3FAA]  }
0x2d: {  	s3 =	simm.s32 $0x108;
	s8 =	sld [smem:$0x3FAB]  }
0x2e: {  	s3 =	simm.s32 @!p0 $0x1082;
	s9 =	sld [smem:$0x3FAC]  }
0x2f: {  	lr =	sadd.s32 s0, s3;
	s0 =	sld [smem:$0x3FA3]  }
0x30: {  	s3 =	sld [smem:$0x3FA6]  }
0x31: {  	[smem:$0x3FAF] =	sst s10  }
0x32: {  	s10 =	sld [smem:$0x3FAD];
	_ =	sdelay $0x3  }
0x33: {  	p0 =	seq.s32 s10, $0x1;
	s10 =	sld [smem:$0x3FAF];
	_ =	sdelay $0x3  }
0x34: {  	[smem:$0x3FAF] =	sst s10  }
0x35: {  	s10 =	sld [smem:$0x3FAE];
	_ =	sdelay $0x3  }
0x36: {  	p1 =	seq.s32 s10, $0x1;
	s10 =	sld [smem:$0x3FAF];
	_ =	sdelay $0x3  }
0x37: {  	[smem:$0x3FAF] =	sst s10  }
0x38: {  	s10 =	sld [smem:$0x3FB0]  }
0x39: {  	_ = 	snop;
	(pc) =	sbr.ind lr, $3  }
0x3a: {  	_ = 	snop  }
0x3b: {  	_ = 	snop  }
0x3c: {  	p2 =	seq.s32 s10, $0x1;
	s10 =	sld [smem:$0x3FAF]  }
0x3d: {  	_ =	shalt  }
0x3e: {  	_ =	shalt  }
0x3f: {  	_ =	shalt  }
0x40: {  	_ =	shalt  }
0x41: {  	_ =	shalt  }
0x42: {  	_ =	shalt  }
0x43: {  	_ =	shalt  }
0x44: {  	_ =	shalt  }
0x45: {  	_ =	shalt  }
0x46: {  	_ =	shalt  }
0x47: {  	_ =	shalt  }
0x48: {  	_ =	shalt  }
0x49: {  	_ =	shalt  }
0x4a: {  	_ =	shalt  }
0x4b: {  	_ =	shalt  }
0x4c: {  	_ =	shalt  }
0x4d: {  	_ =	shalt  }
0x4e: {  	_ =	shalt  }
0x4f: {  	_ =	shalt  }
0x50: {  	_ =	shalt  }
0x51: {  	_ =	shalt  }
0x52: {  	_ =	shalt  }
0x53: {  	_ =	shalt  }
0x54: {  	_ =	shalt  }
0x55: {  	_ =	shalt  }
0x56: {  	_ =	shalt  }
0x57: {  	_ =	shalt  }
0x58: {  	_ =	shalt  }
0x59: {  	_ =	shalt  }
0x5a: {  	_ =	shalt  }
0x5b: {  	_ =	shalt  }
0x5c: {  	_ =	shalt  }
0x5d: {  	_ =	shalt  }
0x5e: {  	_ =	shalt  }
0x5f: {  	_ =	shalt  }
0x60: {  	_ =	shalt  }
0x61: {  	_ =	shalt  }
0x62: {  	_ =	shalt  }
0x63: {  	_ =	shalt  }
0x64: {  	_ =	shalt  }
0x65: {  	_ =	shalt  }
0x66: {  	_ =	shalt  }
0x67: {  	_ =	shalt  }
0x68: {  	_ =	shalt  }
0x69: {  	_ =	shalt  }
0x6a: {  	_ =	shalt  }
0x6b: {  	_ =	shalt  }
0x6c: {  	_ =	shalt  }
0x6d: {  	_ =	shalt  }
0x6e: {  	_ =	shalt  }
0x6f: {  	_ =	shalt  }
0x70: {  	_ =	shalt  }
0x71: {  	_ =	shalt  }
0x72: {  	_ =	shalt  }
0x73: {  	_ =	shalt  }
0x74: {  	_ =	shalt  }
0x75: {  	_ =	shalt  }
0x76: {  	_ =	shalt  }
0x77: {  	_ =	shalt  }
0x78: {  	_ =	shalt  }
0x79: {  	_ =	shalt  }
0x7a: {  	_ =	shalt  }
0x7b: {  	_ =	shalt  }
0x7c: {  	_ =	shalt  }
0x7d: {  	_ =	shalt  }
0x7e: {  	_ =	shalt  }
0x7f: {  	_ =	shalt  }
0x80: {  	_ =	shalt  }
0x81: {  	_ =	shalt  }
0x82: {  	_ =	shalt  }
0x83: {  	_ =	shalt  }
0x84: {  	_ =	shalt  }
0x85: {  	_ =	shalt  }
0x86: {  	_ =	shalt  }
0x87: {  	_ =	shalt  }
.Lfunc_end0:
.L_simem_size_0:
called_computation.4_lowered:
.L_overlay_start_0:
0x88: {  	s2 =	sld [smem:$0x3FD9]  }
0x89: {  	s3 =	sld [smem:$0x3FFE];
	_ =	sdelay $0x1  }
0x8a: {  	s1 =	srdreg.scid  }
0x8b: {  	s0 =	sand.u32 $0x1, s1  }
0x8c: {  	s17 =	sshll.u32 s0, $0xA;
	s2 =	sadd.s32 s3, s2  }
0x8d: {  	s2 =	sadd.s32 s2, s17  }
0x8e: {  	[smem:$0x3FBB] =	sst s2  }
0x8f: {  	_ = 	snop  }
0x90: {  	s2 =	sld [smem:$0x3FD0];
	(tm) =	ssettm $0x1  }
0x91: {  	s18 =	sld [smem:$0x3FFB];
	_ =	sdelay $0x3  }
0x92: {  	_ =	strace s18  }
0x93: {  	s3 =	sld [smem:$0x3FFC];
	_ =	sdelay $0x3  }
0x94: {  	_ =	strace s3  }
0x95: {  	s3 =	sld [smem:$0x3FFD];
	_ =	sdelay $0x3  }
0x96: {  	_ =	strace s3  }
0x97: {  	_ =	strace $0x8FFFFFFF  }
0x98: {  	s19 =	sld [smem:$0x3FDB];
	_ =	sdelay $0x1  }
0x99: {  	s4 =	simm.s32 $_scs_section_size  }
0x9a: {  	s5 =	simm.s32 $_size__tile_overlayer_lowered;
	s6 =	simm.s32 $_tile_overlayer_lowered  }
0x9b: {  	s22 =	simm.s32 $0x1BFF;
	s21 =	sshll.u32 s6, $0x1;
	s3 =	sadd.s32 s4, s19  }
0x9c: {  	s7 =	simm.s32 $0x0;
	s20 =	sshll.u32 s5, $0x1;
	s5 =	sadd.s32 s21, s3  }
0x9d: {  	[timem:s7], [sflag:s22] =	dma.local [hbm:s5], s20  }
0x9e: {  	_ =	swait.ge [sflag:s22], s20  }
0x9f: {  	s4 =	ssub.s32 $0x0, s20;
	[sflag:s22] =	ssyncset.done $0x0  }
0xa0: {  	[sflag:s22] =	ssyncadd.s32 s4;
	_ =	sdelay $0x1  }
0xa1: {  	s23 =	simm.s32 $0x1B8B  }
0xa2: {  	_ =	swait.ge [sflag:s23], $0x1  }
0xa3: {  	[sflag:s23] =	ssyncset.done $0x0  }
0xa4: {  	s25 =	simm.s32 $0x1B8E;
	s24 =	sld [smem:$0x3FFE];
	[sflag:s23] =	ssyncadd.s32 $0xFFFFFFFF  }
0xa5: {  	s26 =	simm.s32 $execute0_lowered;
	[smem:$0x3FD2] =	sst s25  }
0xa6: {  	s5 =	sshll.u32 s26, $0x1;
	_ =	strace $0x80000052;
	[dreg:$0x1] =	wrdreg $0xFFFFFFFF  }
0xa7: {  	s28 =	simm.s32 $_size_execute0_lowered;
	s3 =	sadd.s32 s3, s5;
	[dreg:$0x0] =	wrdreg $0x0  }
0xa8: {  	s5 =	sshll.u32 s28, $0x1;
	[dreg:$0x2] =	wrdreg s3  }
0xa9: {  	[dreg:$0x3] =	wrdreg s5  }
0xaa: {  	[dreg:$0x4] =	wrdreg $0xC0  }
0xab: {  	_ =	task [dreg:s7], $0x5FFFF  }
0xac: {  	[dreg:$0x1] =	wrdreg $0xFFFFFFFF  }
0xad: {  	[dreg:$0x0] =	wrdreg $0x60  }
0xae: {  	[dreg:$0x2] =	wrdreg s2  }
0xaf: {  	[dreg:$0x3] =	wrdreg s24  }
0xb0: {  	[dreg:$0x4] =	wrdreg $0xA9000  }
0xb1: {  	[dreg:$0x5] =	wrdreg $0x9  }
0xb2: {  	_ =	task.clear_ibuf [dreg:s7], $0x6FFFF;
	_ =	strace $0x90000052  }
0xb3: {  	s29 =	simm.s32 $0x9;
	_ =	strace $0x80000054  }
0xb4: {  	_ =	swait.ge [sflag:s29], $0x1  }
0xb5: {  	[sflag:s29] =	ssyncadd.s32 $0xFFFFFFFF  }
0xb6: {  	_ =	strace $0x90000054  }
0xb7: {  	_ =	sfence  }
0xb8: {  	s30 =	sld [smem:$0x0];
	_ =	sdelay $0x2  }
0xb9: {  	s31 =	sshll.u32 s1, $0xD;
	s1 =	sshrl.u32 s1, $0x2  }
0xba: {  	s3 =	sand.u32 $0x4000, s31;
	s1 =	sadd.s32 s1, s30  }
0xbb: {  	s0 =	sor.u32 s3, s0;
	s1 =	sshll.u32 s1, $0x11  }
0xbc: {  	s0 =	sor.u32 s1, s0  }
0xbd: {  	s0 =	sadd.s32 $0x8F2B, s0  }
0xbe: {  	[sflag:s0] =	ssyncadd.remote.s32 $0x1  }
0xbf: {  	_ =	sfence.sel $0xFFFF  }
0xc0: {  	[dreg:$0x0] =	wrdreg $0xFFFFFFFF;
	(pc) =	sbr.abs _section_cstart, $3  }
0xc1: {  	[dreg:$0x1] =	wrdreg $0xFFFFFFFF  }
0xc2: {  	_ =	task.clear_ibuf [dreg:s7], $0x2FFFF;
	_ =	strace $0x9FFFFFFF  }
0xc3: {  	(tm) =	ssettm $0x7FFFFFFF  }
tec
execute0_lowered:
.L_overlay_start_1:
0x0: {  	(tag) =	ssettag $0x1  }
0x1: {  	s1 =	rddreg [dreg:$0x0]  }
0x2: {  	s0 =	srdreg.scid;
	s7 =	rddreg [dreg:$0x1]  }
0x3: {  	s10 =	stileid.u32;
	s3 =	rddreg [dreg:$0x2]  }
0x4: {  	s5 =	simm.s32 $0x0;
	s16 =	simm.s32 $0x5;
	s17 =	simm.s32 $0x2800  }
0x5: {  	s18 =	simm.s32 $0x80;
	s19 =	simm.s32 $0x2900;
	s20 =	simm.s32 $0x6900  }
0x6: {  	s21 =	simm.s32 $0x2880;
	s22 =	simm.s32 $0x1;
	s23 =	simm.s32 $0x3  }
0x7: {  	s24 =	simm.s32 $0x6;
	s25 =	simm.s32 $0x2;
	s26 =	simm.s32 $0x4  }
0x8: {  	s28 =	simm.s32 $0x0;
	s0 =	sand.u32 $0x1, s0;
	s6 =	smul.u32 $0x14000, s10  }
0x9: {  	[smem:$0x7FF] =	sst s5;
	s2 =	sshll.u32 s0, $0x4;
	s30 =	smul.u32 $0x140000, s0  }
0xa: {  	s0 =	ssub.s32 $0x2, s0;
	s2 =	sor.u32 s10, s2;
	s10 =	smul.u32 $0x50000, s10  }
0xb: {  	_ =	strace $0x80000053;
	s11 =	sshrl.u32 s0, $0x1;
	s4 =	smul.u32 $0x2800, s2  }
0xc: {  	s2 =	sadd.s32 s6, s30;
	s6 =	sadd.s32 $0x5600, s7;
	s0 =	ssub.s32 s0, s11  }
0xd: {  	s2 =	sshrl.u32 s2, $0x3;
	s10 =	sshrl.u32 s10, $0x2;
	s8 =	sshrl.u32 s4, $0x3  }
0xe: {  	s11 =	smax.u32 s0, $0x1;
	s2 =	sadd.s32 s2, s7;
	s9 =	sadd.s32 s8, s7  }
0xf: {  	s8 =	sadd.s32 s6, s8;
	s31 =	sadd.s32 $0x61600, s9;
	s9 =	sadd.s32 s10, s3  }
0x10: {  	s10 =	sadd.s32 $0xF600, s2;
	[dreg:$0x4] =	wrdreg s31;
	s12 =	sadd.s32 $0x4000, s9  }
0x11: {  	v0 =	vimm.f32 $0.0e+00;
	s13 =	sadd.s32 $0x8000, s9;
	s14 =	sadd.s32 $0xC000, s9;
	s15 =	sadd.s32 $0x10000, s9  }
.LBB2_1:
0x12: {  	s0 =	rddreg [dreg:$0x4]  }
0x13: {  	[tilespmem:s5], [sflag:$0x5] =	stream.linear.gather [hbm4b:s0+s5], $0x2780, $0x38;
	[tilespmem:$0x1E900] =	vst v63  }
0x14: {  	_ =	swait.ge [sflag:s16], $0x2780  }
0x15: {  	s31 =	sand.u32 $0xFE00, s5;
	[sflag:s16] =	ssyncset.done $0x0  }
0x16: {  	s29 =	sand.u32 $0x70, s5;
	s0 =	sshrl.u32 s31, $0x2;
	[sflag:s16] =	ssyncadd.s32 $0xFFFFD880  }
0x17: {  	[tilespmem:s17], [sflag:$0x3] =	stream.linear.gather [hbm4b:s8+s5], $0x80, $0x38;
	[tilespmem:$0x1E900] =	vst v63  }
0x18: {  	s2 =	simm.s32 $0x40;
	s0 =	sor.u32 s29, s0;
	s29 =	simm.s32 $0x0  }
0x19: {  	[tilespmem:s19], [sflag:$0x1] =	stream.indirect.gather [hbm4b:s1+s18], $0x80, s5, s18, $0xb8;
	[tilespmem:$0x1E900] =	vst v63  }
.LBB2_2:
0x1a: {  	p0 =	sne.s32 s2, $0xFFC0  }
0x1b: {  	[tilespmem:s0+$0x6900] =	vst v0;
	s29 =	sadd.s32 $0x10, s29;
	s0 =	smov.u32 s2;
	s2 =	sadd.s32 $0x40, s2  }
.Ltmp0:
0x1c: {  	(pc) =	sbr.rel @p0 .LBB2_2-.Ltmp0, $4  }
0x1d: {  	_ = 	snop  }
0x1e: {  	s0 =	sand.u32 $0xFE00, s0  }
0x1f: {  	s30 =	sand.u32 $0x70, s29;
	s0 =	sshrl.u32 s0, $0x2  }
0x20: {  	s0 =	sor.u32 s30, s0  }
0x21: {  	[tilespmem:s0+$0x6900] =	vst v0  }
0x22: {  	[spmem:s9] =	stream.linear.scatter [tilespmem:s20], [sflag:$0x5], $0x4000, $0x38;
	[tilespmem:$0x1E900] =	vst v63  }
0x23: {  	_ =	swait.ge [sflag:s16], $0x4000  }
0x24: {  	[sflag:s16] =	ssyncset.done $0x0  }
0x25: {  	[sflag:s16] =	ssyncadd.s32 $0xFFFFC000  }
0x26: {  	[spmem:s12] =	stream.linear.scatter [tilespmem:s20], [sflag:$0x5], $0x4000, $0x38;
	[tilespmem:$0x1E900] =	vst v63  }
0x27: {  	_ =	swait.ge [sflag:s16], $0x4000  }
0x28: {  	[sflag:s16] =	ssyncset.done $0x0  }
0x29: {  	[sflag:s16] =	ssyncadd.s32 $0xFFFFC000  }
0x2a: {  	[spmem:s13] =	stream.linear.scatter [tilespmem:s20], [sflag:$0x5], $0x4000, $0x38;
	[tilespmem:$0x1E900] =	vst v63  }
0x2b: {  	_ =	swait.ge [sflag:s16], $0x4000  }
0x2c: {  	[sflag:s16] =	ssyncset.done $0x0  }
0x2d: {  	[sflag:s16] =	ssyncadd.s32 $0xFFFFC000  }
0x2e: {  	[spmem:s14] =	stream.linear.scatter [tilespmem:s20], [sflag:$0x5], $0x4000, $0x38;
	[tilespmem:$0x1E900] =	vst v63  }
0x2f: {  	_ =	swait.ge [sflag:s16], $0x4000  }
0x30: {  	s2 =	simm.s32 $0x0;
	[sflag:s16] =	ssyncset.done $0x0  }
0x31: {  	s0 =	sand.u32 $0x3C00, s2;
	s2 =	simm.s32 $0x80;
	[sflag:s16] =	ssyncadd.s32 $0xFFFFC000  }
0x32: {  	[spmem:s15] =	stream.linear.scatter [tilespmem:s20], [sflag:$0x5], $0x4000, $0x38;
	[tilespmem:$0x1E900] =	vst v63  }
0x33: {  	s0 =	sadd.s32 s4, s0;
	s2 =	sand.u32 $0x380, s2;
	_ =	swait.ge [sflag:s16], $0x4000  }
0x34: {  	s0 =	sor.u32 s0, s2;
	[sflag:s16] =	ssyncset.done $0x0  }
0x35: {  	s0 =	sshrl.u32 s0, $0x3;
	[sflag:s16] =	ssyncadd.s32 $0xFFFFC000  }
0x36: {  	s0 =	sadd.s32 s6, s0;
	[bflag:$0x0] =	sbarrier.arrive $0xFFFF  }
0x37: {  	[tilespmem:s21], [sflag:$0x4] =	stream.linear.gather [hbm4b:s0+s5], $0x80, $0x38;
	[tilespmem:$0x1E900] =	vst v63  }
0x38: {  	s29 =	simm.s32 $0x80  }
0x39: {  	[tilespmem:s20], [sflag:$0x2] =	stream.indirect.gather [hbm4b:s1+s18], $0x80, s29, s18, $0xb8;
	[tilespmem:$0x1E900] =	vst v63  }
0x3a: {  	_ =	swait.ge [sflag:s22], $0x4000  }
0x3b: {  	[sflag:s22] =	ssyncset.done $0x0  }
0x3c: {  	[sflag:s22] =	ssyncadd.s32 $0xFFFFC000  }
0x3d: {  	s0 =	simm.s32 $0x100;
	_ =	swait.ge [sflag:s23], $0x80  }
0x3e: {  	s7 =	sand.u32 $0x7C00, s0;
	[sflag:s23] =	ssyncset.done $0x0  }
0x3f: {  	s0 =	sand.u32 $0x300, s0;
	s2 =	sadd.s32 s4, s7;
	[sflag:s23] =	ssyncadd.s32 $0xFFFFFF80  }
0x40: {  	[spmem:s3] =	stream.indirect.scatter.add.f32 [tilespmem:s19], [sflag:$0x6], $0x80, s17, s18, $0xb8;
	[tilespmem:$0x1E900] =	vst v63  }
0x41: {  	s0 =	sor.u32 s0, s2;
	_ =	swait.ge [sflag:s24], $0x4000  }
0x42: {  	s0 =	sshrl.u32 s0, $0x3;
	[sflag:s24] =	ssyncset.done $0x0  }
0x43: {  	s0 =	sadd.s32 s6, s0;
	[sflag:s24] =	ssyncadd.s32 $0xFFFFC000  }
0x44: {  	[tilespmem:s17], [sflag:$0x3] =	stream.linear.gather [hbm4b:s0+s5], $0x80, $0x38;
	[tilespmem:$0x1E900] =	vst v63  }
0x45: {  	s7 =	simm.s32 $0x100  }
0x46: {  	[tilespmem:s19], [sflag:$0x1] =	stream.indirect.gather [hbm4b:s1+s18], $0x80, s7, s18, $0xb8;
	[tilespmem:$0x1E900] =	vst v63  }
0x47: {  	s2 =	simm.s32 $0x100;
	_ =	swait.ge [sflag:s25], $0x4000  }
0x48: {  	s0 =	sand.u32 $0x3C00, s2;
	s7 =	simm.s32 $0x180;
	[sflag:s25] =	ssyncset.done $0x0  }
0x49: {  	s0 =	sadd.s32 s4, s0;
	s2 =	sand.u32 $0x380, s7;
	[sflag:s25] =	ssyncadd.s32 $0xFFFFC000  }
0x4a: {  	s30 =	simm.s32 $0x200;
	s0 =	sor.u32 s0, s2;
	_ =	swait.ge [sflag:s26], $0x80  }
0x4b: {  	s31 =	simm.s32 $0x300;
	s2 =	sshrl.u32 s0, $0x3;
	[sflag:s26] =	ssyncset.done $0x0  }
.LBB2_4:
0x4c: {  	[sflag:s26] =	ssyncadd.s32 $0xFFFFFF80  }
0x4d: {  	s29 =	sadd.s32 $0x100, s29;
	s7 =	smov.u32 s31;
	s0 =	sadd.s32 $0x100, s31  }
0x4e: {  	[spmem:s3] =	stream.indirect.scatter.add.f32 [tilespmem:s20], [sflag:$0x5], $0x80, s21, s18, $0xb8;
	[tilespmem:$0x1E900] =	vst v63  }
0x4f: {  	p0 =	sne.s32 s31, $0x2700;
	_ =	swait.ge [sflag:s16], $0x4000  }
0x50: {  	s2 =	sadd.s32 s6, s2;
	[sflag:s16] =	ssyncset.done $0x0  }
0x51: {  	[sflag:s16] =	ssyncadd.s32 $0xFFFFC000  }
0x52: {  	[tilespmem:s21], [sflag:$0x4] =	stream.linear.gather [hbm4b:s2+s5], $0x80, $0x38;
	[tilespmem:$0x1E900] =	vst v63  }
0x53: {  	_ = 	snop  }
0x54: {  	[tilespmem:s20], [sflag:$0x2] =	stream.indirect.gather [hbm4b:s1+s18], $0x80, s29, s18, $0xb8;
	[tilespmem:$0x1E900] =	vst v63  }
0x55: {  	_ =	swait.ge [sflag:s22], $0x4000  }
0x56: {  	[sflag:s22] =	ssyncset.done $0x0  }
0x57: {  	[sflag:s22] =	ssyncadd.s32 $0xFFFFC000  }
0x58: {  	_ =	swait.ge [sflag:s23], $0x80  }
0x59: {  	s2 =	sand.u32 $0x7C00, s30;
	[sflag:s23] =	ssyncset.done $0x0  }
0x5a: {  	s30 =	sand.u32 $0x300, s30;
	s2 =	sadd.s32 s4, s2;
	[sflag:s23] =	ssyncadd.s32 $0xFFFFFF80  }
0x5b: {  	[spmem:s3] =	stream.indirect.scatter.add.f32 [tilespmem:s19], [sflag:$0x6], $0x80, s17, s18, $0xb8;
	[tilespmem:$0x1E900] =	vst v63  }
0x5c: {  	s2 =	sor.u32 s30, s2;
	s30 =	smov.u32 s7;
	_ =	swait.ge [sflag:s24], $0x4000  }
0x5d: {  	s2 =	sshrl.u32 s2, $0x3;
	[sflag:s24] =	ssyncset.done $0x0  }
0x5e: {  	s7 =	sadd.s32 $0x80, s29;
	s2 =	sadd.s32 s6, s2;
	[sflag:s24] =	ssyncadd.s32 $0xFFFFC000  }
0x5f: {  	[tilespmem:s17], [sflag:$0x3] =	stream.linear.gather [hbm4b:s2+s5], $0x80, $0x38;
	[tilespmem:$0x1E900] =	vst v63  }
0x60: {  	_ = 	snop  }
0x61: {  	[tilespmem:s19], [sflag:$0x1] =	stream.indirect.gather [hbm4b:s1+s18], $0x80, s7, s18, $0xb8;
	[tilespmem:$0x1E900] =	vst v63  }
.Ltmp1:
0x62: {  	s2 =	sadd.s32 $0xFFFFFF00, s30;
	_ =	swait.ge [sflag:s25], $0x4000;
	(pc) =	sbr.rel @p0 .LBB2_4-.Ltmp1, $4  }
0x63: {  	s2 =	sand.u32 $0x3C00, s2;
	s7 =	sadd.s32 $0xFFFFFF80, s30;
	[sflag:s25] =	ssyncset.done $0x0  }
0x64: {  	s2 =	sadd.s32 s4, s2;
	s7 =	sand.u32 $0x380, s7;
	[sflag:s25] =	ssyncadd.s32 $0xFFFFC000  }
0x65: {  	s2 =	sor.u32 s2, s7;
	_ =	swait.ge [sflag:s26], $0x80  }
0x66: {  	s31 =	smov.u32 s0;
	s2 =	sshrl.u32 s2, $0x3;
	[sflag:s26] =	ssyncset.done $0x0  }
0x67: {  	[sflag:s26] =	ssyncadd.s32 $0xFFFFFF80  }
0x68: {  	[spmem:s3] =	stream.indirect.scatter.add.f32 [tilespmem:s20], [sflag:$0x5], $0x80, s21, s18, $0xb8;
	[tilespmem:$0x1E900] =	vst v63  }
0x69: {  	_ =	swait.ge [sflag:s16], $0x4000  }
0x6a: {  	[sflag:s16] =	ssyncset.done $0x0  }
0x6b: {  	s0 =	sadd.s32 s6, s2;
	[sflag:s16] =	ssyncadd.s32 $0xFFFFC000  }
0x6c: {  	[tilespmem:s21], [sflag:$0x4] =	stream.linear.gather [hbm4b:s0+s5], $0x80, $0x38;
	[tilespmem:$0x1E900] =	vst v63  }
0x6d: {  	s31 =	sadd.s32 $0x100, s29  }
0x6e: {  	[tilespmem:s20], [sflag:$0x2] =	stream.indirect.gather [hbm4b:s1+s18], $0x80, s31, s18, $0xb8;
	[tilespmem:$0x1E900] =	vst v63  }
0x6f: {  	_ =	swait.ge [sflag:s22], $0x4000  }
0x70: {  	[sflag:s22] =	ssyncset.done $0x0  }
0x71: {  	[sflag:s22] =	ssyncadd.s32 $0xFFFFC000  }
0x72: {  	_ =	swait.ge [sflag:s23], $0x80  }
0x73: {  	s29 =	sand.u32 $0x7C00, s30;
	[sflag:s23] =	ssyncset.done $0x0  }
0x74: {  	s7 =	sand.u32 $0x300, s30;
	s2 =	sadd.s32 s4, s29;
	[sflag:s23] =	ssyncadd.s32 $0xFFFFFF80  }
0x75: {  	[spmem:s3] =	stream.indirect.scatter.add.f32 [tilespmem:s19], [sflag:$0x6], $0x80, s17, s18, $0xb8;
	[tilespmem:$0x1E900] =	vst v63  }
0x76: {  	s2 =	sor.u32 s7, s2;
	_ =	swait.ge [sflag:s24], $0x4000  }
0x77: {  	s2 =	sshrl.u32 s2, $0x3;
	[sflag:s24] =	ssyncset.done $0x0  }
0x78: {  	s2 =	sadd.s32 s6, s2;
	[sflag:s24] =	ssyncadd.s32 $0xFFFFC000  }
0x79: {  	[tilespmem:s17], [sflag:$0x3] =	stream.linear.gather [hbm4b:s2+s5], $0x80, $0x38;
	[tilespmem:$0x1E900] =	vst v63  }
0x7a: {  	s0 =	sadd.s32 $0x80, s31  }
0x7b: {  	[tilespmem:s19], [sflag:$0x1] =	stream.indirect.gather [hbm4b:s1+s18], $0x80, s0, s18, $0xb8;
	[tilespmem:$0x1E900] =	vst v63  }
0x7c: {  	_ =	swait.ge [sflag:s25], $0x4000  }
0x7d: {  	[sflag:s25] =	ssyncset.done $0x0  }
0x7e: {  	[sflag:s25] =	ssyncadd.s32 $0xFFFFC000  }
0x7f: {  	_ =	swait.ge [sflag:s26], $0x80  }
0x80: {  	[sflag:s26] =	ssyncset.done $0x0  }
0x81: {  	[sflag:s26] =	ssyncadd.s32 $0xFFFFFF80  }
0x82: {  	[spmem:s3] =	stream.indirect.scatter.add.f32 [tilespmem:s20], [sflag:$0x5], $0x80, s21, s18, $0xb8;
	[tilespmem:$0x1E900] =	vst v63  }
0x83: {  	_ =	swait.ge [sflag:s16], $0x4000  }
0x84: {  	[sflag:s16] =	ssyncset.done $0x0  }
0x85: {  	[sflag:s16] =	ssyncadd.s32 $0xFFFFC000  }
0x86: {  	_ =	swait.ge [sflag:s22], $0x4000  }
0x87: {  	[sflag:s22] =	ssyncset.done $0x0  }
0x88: {  	[sflag:s22] =	ssyncadd.s32 $0xFFFFC000  }
0x89: {  	_ =	swait.ge [sflag:s23], $0x80  }
0x8a: {  	[sflag:s23] =	ssyncset.done $0x0  }
0x8b: {  	[sflag:s23] =	ssyncadd.s32 $0xFFFFFF80  }
0x8c: {  	[spmem:s3] =	stream.indirect.scatter.add.f32 [tilespmem:s19], [sflag:$0x6], $0x80, s17, s18, $0xb8;
	[tilespmem:$0x1E900] =	vst v63  }
0x8d: {  	s28 =	sadd.s32 $0x1, s28;
	_ =	swait.ge [sflag:s24], $0x4000  }
0x8e: {  	s30 =	stileid.u32;
	p0 =	sne.s32 s28, s11;
	[sflag:s24] =	ssyncset.done $0x0  }
0x8f: {  	s31 =	sshrl.u32 s9, $0x3;
	s0 =	sshll.u32 s30, $0x6;
	[sflag:s24] =	ssyncadd.s32 $0xFFFFC000  }
.Ltmp2:
0x90: {  	s0 =	sor.u32 $0x1C05, s0;
	[bflag:$0x0] =	sbarrier.arrive $0xFFFF;
	(pc) =	sbr.rel @p0 .LBB2_1-.Ltmp2, $4  }
0x91: {  	[hbm:s10], [sflag:s0] =	dma.local [spmem:s31], $0x2800  }
0x92: {  	_ =	swait.ge [sflag:s16], $0x2800  }
0x93: {  	[sflag:s16] =	ssyncset.done $0x0  }
0x94: {  	[sflag:s16] =	ssyncadd.s32 $0xFFFFD800  }
0x95: {  	_ =	sfence.sel $0x180000  }
0x96: {  	[bflag:$0x0] =	sbarrier.arrive $0xFFFF  }
0x97: {  	_ =	strace $0x90000053  }
0x98: {  	s0 =	stileid.u32;
	[bflag:$0x2] =	sbarrier.arrive $0xFFFF  }
0x99: {  	p0 =	sne.s32 s0, $0x0;
	s0 =	rddreg [dreg:$0x3]  }
0x9a: {  	s0 =	sadd.s32 @!p0 $0x100000, s0  }
0x9b: {  	[sflag:s0] =	ssyncadd.tile.s32 @!p0 $0x1;
	_ =	shalt  }
.Lfunc_end2:
_tile_overlayer_lowered:
.L_overlay_start_2:
0x9c: {  	(tag) =	ssettag $0x2  }
0x9d: {  	s0 =	rddreg [dreg:$0x0];
	s2 =	stileid.u32  }
0x9e: {  	s1 =	rddreg [dreg:$0x1];
	p0 =	sne.s32 s2, $0x0  }
0x9f: {  	s3 =	rddreg [dreg:$0x2];
	[bflag:$0x3] =	sbarrier.arrive $0xFFFF;
	s2 =	simm.s32 @!p0 $0x1C05  }
0xa0: {  	[timem:s3], [sflag:s2] =	dma.local @!p0 [hbm:s0], s1  }
0xa1: {  	s0 =	simm.s32 @!p0 $0x5  }
0xa2: {  	_ =	swait.ge @!p0 [sflag:s0], s1  }
0xa3: {  	s1 =	ssub.s32 @!p0 $0x0, s1;
	[sflag:s0] =	ssyncset.done @!p0 $0x0  }
0xa4: {  	[sflag:s0] =	ssyncadd.s32 @!p0 s1  }
0xa5: {  	[bflag:$0x3] =	sbarrier.arrive $0xFFFF  }
0xa6: {  	_ =	shalt  }

// kernel: kernel.34.cloned.1.call-start
scs
__scs_entry_jumppad:
0x0: {  	(pc) =	sbr.rel $0x88, $3  }
0x1: {  	(tag) =	ssettag $0x0;
	lr =	simm.s32 $0x1  }
0x2: {  	[smem:$0x3F94] =	sst lr;
	_ =	strace $0xD0000000  }
0x3: {  	_ = 	snop  }
0x4: {  	_ = 	snop  }
0x5: {  	_ = 	snop  }
0x6: {  	_ = 	snop  }
0x7: {  	_ = 	snop  }
__scs_overlays_trampoline_lowered:
0x8: {  	[smem:$0x3FA3] =	sst s0  }
0x9: {  	[smem:$0x3FA4] =	sst s1  }
0xa: {  	[smem:$0x3FA5] =	sst s2  }
0xb: {  	[smem:$0x3FA6] =	sst s3  }
0xc: {  	[smem:$0x3FA7] =	sst s4  }
0xd: {  	[smem:$0x3FA8] =	sst s5  }
0xe: {  	[smem:$0x3FA9] =	sst s6  }
0xf: {  	[smem:$0x3FAA] =	sst s7  }
0x10: {  	[smem:$0x3FAB] =	sst s8  }
0x11: {  	[smem:$0x3FAC] =	sst s9;
	s0 =	simm.s32 @!p0 $0x0  }
0x12: {  	s1 =	sld [smem:$0x3F92];
	s0 =	simm.s32 @p0 $0x1  }
0x13: {  	[smem:$0x3FAD] =	sst s0;
	s0 =	simm.s32 @!p1 $0x0  }
0x14: {  	s2 =	sld [smem:$0x3F91];
	s0 =	simm.s32 @p1 $0x1  }
0x15: {  	[smem:$0x3FAE] =	sst s0;
	s0 =	simm.s32 @!p2 $0x0  }
0x16: {  	s3 =	sld [smem:$0x3FDB];
	s0 =	simm.s32 @p2 $0x1  }
0x17: {  	s4 =	simm.s32 $0x1BF5;
	[smem:$0x3FB0] =	sst s0  }
0x18: {  	s0 =	sld [smem:$0x3F93];
	_ =	swait.ge [sflag:s4], $0x0  }
0x19: {  	s7 =	sld [smem:$0x3F94]  }
0x1a: {  	s8 =	sadd.s32 $0xFFFFE003, lr  }
0x1b: {  	s9 =	sadd.s32 $0xFFFFFEF7, lr;
	s5 =	simm.s32 $0xFFFFFFFF;
	p2 =	slt.u32 s8, $0xFFFFF086  }
0x1c: {  	p1 =	slt.u32 s9, $0xF7A;
	s5 =	simm.s32 @!p2 $0x0  }
0x1d: {  	s5 =	simm.s32 @p1 $0x1;
	p0 =	seq.s32 s7, s2  }
0x1e: {  	s7 =	smul.u32 @!p0 $0xF7A, s2;
	p2 =	seq.s32 @!p0 s5, $0x0  }
0x1f: {  	s9 =	smul.u32 $0xF7A, s1;
	s8 =	simm.s32 @!p0 $0x1BF5;
	p2 =	por !p2, p0  }
0x20: {  	[sflag:s8] =	ssyncset.s32 @!p0 $0xFFFFF086;
	s6 =	sadd.s32 @!p0 s3, s7;
	s7 =	simm.s32 @!p0 $0x108  }
0x21: {  	s3 =	sadd.s32 s3, s9;
	s6 =	sadd.s32 @!p0 $0x88, s6;
	s7 =	simm.s32 @p2 $0x1082  }
0x22: {  	[simem:s7], [sflag:s8] =	dma.local @!p0 [hbm:s6], $0xF7A  }
0x23: {  	s9 =	sor.u32 $0xD0000000, s2;
	s6 =	simm.s32 $0x108;
	_ =	swait.ge @!p0 [sflag:s8], $0x0  }
0x24: {  	s3 =	sadd.s32 $0x88, s3;
	s6 =	simm.s32 @!p1 $0x1082;
	[sflag:s4] =	ssyncset.s32 $0xFFFFF086  }
0x25: {  	[simem:s6], [sflag:s4] =	dma.local [hbm:s3], $0xF7A  }
0x26: {  	[smem:$0x3F94] =	sst s1;
	(tag) =	ssettag s2;
	_ =	strace s9  }
0x27: {  	s1 =	sld [smem:$0x3FA4]  }
0x28: {  	s2 =	sld [smem:$0x3FA5]  }
0x29: {  	s4 =	sld [smem:$0x3FA7]  }
0x2a: {  	p0 =	seq.s32 s5, $0x0;
	s5 =	sld [smem:$0x3FA8]  }
0x2b: {  	s6 =	sld [smem:$0x3FA9]  }
0x2c: {  	s7 =	sld [smem:$0x3FAA]  }
0x2d: {  	s3 =	simm.s32 $0x108;
	s8 =	sld [smem:$0x3FAB]  }
0x2e: {  	s3 =	simm.s32 @!p0 $0x1082;
	s9 =	sld [smem:$0x3FAC]  }
0x2f: {  	lr =	sadd.s32 s0, s3;
	s0 =	sld [smem:$0x3FA3]  }
0x30: {  	s3 =	sld [smem:$0x3FA6]  }
0x31: {  	[smem:$0x3FAF] =	sst s10  }
0x32: {  	s10 =	sld [smem:$0x3FAD];
	_ =	sdelay $0x3  }
0x33: {  	p0 =	seq.s32 s10, $0x1;
	s10 =	sld [smem:$0x3FAF];
	_ =	sdelay $0x3  }
0x34: {  	[smem:$0x3FAF] =	sst s10  }
0x35: {  	s10 =	sld [smem:$0x3FAE];
	_ =	sdelay $0x3  }
0x36: {  	p1 =	seq.s32 s10, $0x1;
	s10 =	sld [smem:$0x3FAF];
	_ =	sdelay $0x3  }
0x37: {  	[smem:$0x3FAF] =	sst s10  }
0x38: {  	s10 =	sld [smem:$0x3FB0]  }
0x39: {  	_ = 	snop;
	(pc) =	sbr.ind lr, $3  }
0x3a: {  	_ = 	snop  }
0x3b: {  	_ = 	snop  }
0x3c: {  	p2 =	seq.s32 s10, $0x1;
	s10 =	sld [smem:$0x3FAF]  }
0x3d: {  	_ =	shalt  }
0x3e: {  	_ =	shalt  }
0x3f: {  	_ =	shalt  }
0x40: {  	_ =	shalt  }
0x41: {  	_ =	shalt  }
0x42: {  	_ =	shalt  }
0x43: {  	_ =	shalt  }
0x44: {  	_ =	shalt  }
0x45: {  	_ =	shalt  }
0x46: {  	_ =	shalt  }
0x47: {  	_ =	shalt  }
0x48: {  	_ =	shalt  }
0x49: {  	_ =	shalt  }
0x4a: {  	_ =	shalt  }
0x4b: {  	_ =	shalt  }
0x4c: {  	_ =	shalt  }
0x4d: {  	_ =	shalt  }
0x4e: {  	_ =	shalt  }
0x4f: {  	_ =	shalt  }
0x50: {  	_ =	shalt  }
0x51: {  	_ =	shalt  }
0x52: {  	_ =	shalt  }
0x53: {  	_ =	shalt  }
0x54: {  	_ =	shalt  }
0x55: {  	_ =	shalt  }
0x56: {  	_ =	shalt  }
0x57: {  	_ =	shalt  }
0x58: {  	_ =	shalt  }
0x59: {  	_ =	shalt  }
0x5a: {  	_ =	shalt  }
0x5b: {  	_ =	shalt  }
0x5c: {  	_ =	shalt  }
0x5d: {  	_ =	shalt  }
0x5e: {  	_ =	shalt  }
0x5f: {  	_ =	shalt  }
0x60: {  	_ =	shalt  }
0x61: {  	_ =	shalt  }
0x62: {  	_ =	shalt  }
0x63: {  	_ =	shalt  }
0x64: {  	_ =	shalt  }
0x65: {  	_ =	shalt  }
0x66: {  	_ =	shalt  }
0x67: {  	_ =	shalt  }
0x68: {  	_ =	shalt  }
0x69: {  	_ =	shalt  }
0x6a: {  	_ =	shalt  }
0x6b: {  	_ =	shalt  }
0x6c: {  	_ =	shalt  }
0x6d: {  	_ =	shalt  }
0x6e: {  	_ =	shalt  }
0x6f: {  	_ =	shalt  }
0x70: {  	_ =	shalt  }
0x71: {  	_ =	shalt  }
0x72: {  	_ =	shalt  }
0x73: {  	_ =	shalt  }
0x74: {  	_ =	shalt  }
0x75: {  	_ =	shalt  }
0x76: {  	_ =	shalt  }
0x77: {  	_ =	shalt  }
0x78: {  	_ =	shalt  }
0x79: {  	_ =	shalt  }
0x7a: {  	_ =	shalt  }
0x7b: {  	_ =	shalt  }
0x7c: {  	_ =	shalt  }
0x7d: {  	_ =	shalt  }
0x7e: {  	_ =	shalt  }
0x7f: {  	_ =	shalt  }
0x80: {  	_ =	shalt  }
0x81: {  	_ =	shalt  }
0x82: {  	_ =	shalt  }
0x83: {  	_ =	shalt  }
0x84: {  	_ =	shalt  }
0x85: {  	_ =	shalt  }
0x86: {  	_ =	shalt  }
0x87: {  	_ =	shalt  }
.Lfunc_end0:
.L_simem_size_0:
called_computation.5_lowered:
.L_overlay_start_0:
0x88: {  	s2 =	sld [smem:$0x3FD9]  }
0x89: {  	s3 =	sld [smem:$0x3FFE];
	_ =	sdelay $0x1  }
0x8a: {  	s1 =	srdreg.scid  }
0x8b: {  	s0 =	sand.u32 $0x1, s1  }
0x8c: {  	s17 =	sshll.u32 s0, $0xA;
	s2 =	sadd.s32 s3, s2  }
0x8d: {  	s2 =	sadd.s32 s2, s17  }
0x8e: {  	[smem:$0x3FBB] =	sst s2  }
0x8f: {  	_ = 	snop  }
0x90: {  	s2 =	sld [smem:$0x3FD0];
	(tm) =	ssettm $0x1  }
0x91: {  	s18 =	sld [smem:$0x3FFB];
	_ =	sdelay $0x3  }
0x92: {  	_ =	strace s18  }
0x93: {  	s3 =	sld [smem:$0x3FFC];
	_ =	sdelay $0x3  }
0x94: {  	_ =	strace s3  }
0x95: {  	s3 =	sld [smem:$0x3FFD];
	_ =	sdelay $0x3  }
0x96: {  	_ =	strace s3  }
0x97: {  	_ =	strace $0x8FFFFFFF  }
0x98: {  	s19 =	sld [smem:$0x3FDB];
	_ =	sdelay $0x1  }
0x99: {  	s4 =	simm.s32 $_scs_section_size  }
0x9a: {  	s5 =	simm.s32 $_size__tile_overlayer_lowered;
	s6 =	simm.s32 $_tile_overlayer_lowered  }
0x9b: {  	s22 =	simm.s32 $0x1BFF;
	s21 =	sshll.u32 s6, $0x1;
	s3 =	sadd.s32 s4, s19  }
0x9c: {  	s7 =	simm.s32 $0x0;
	s20 =	sshll.u32 s5, $0x1;
	s5 =	sadd.s32 s21, s3  }
0x9d: {  	[timem:s7], [sflag:s22] =	dma.local [hbm:s5], s20  }
0x9e: {  	_ =	swait.ge [sflag:s22], s20  }
0x9f: {  	s4 =	ssub.s32 $0x0, s20;
	[sflag:s22] =	ssyncset.done $0x0  }
0xa0: {  	[sflag:s22] =	ssyncadd.s32 s4;
	_ =	sdelay $0x1  }
0xa1: {  	s23 =	simm.s32 $0x1B8B  }
0xa2: {  	_ =	swait.ge [sflag:s23], $0x1  }
0xa3: {  	[sflag:s23] =	ssyncset.done $0x0  }
0xa4: {  	s25 =	simm.s32 $0x1B8E;
	s24 =	sld [smem:$0x3FFE];
	[sflag:s23] =	ssyncadd.s32 $0xFFFFFFFF  }
0xa5: {  	s26 =	simm.s32 $execute0_lowered;
	[smem:$0x3FD2] =	sst s25  }
0xa6: {  	s5 =	sshll.u32 s26, $0x1;
	_ =	strace $0x80000055;
	[dreg:$0x1] =	wrdreg $0xFFFFFFFF  }
0xa7: {  	s28 =	simm.s32 $_size_execute0_lowered;
	s3 =	sadd.s32 s3, s5;
	[dreg:$0x0] =	wrdreg $0x0  }
0xa8: {  	s5 =	sshll.u32 s28, $0x1;
	[dreg:$0x2] =	wrdreg s3  }
0xa9: {  	[dreg:$0x3] =	wrdreg s5  }
0xaa: {  	[dreg:$0x4] =	wrdreg $0xC0  }
0xab: {  	_ =	task [dreg:s7], $0x5FFFF  }
0xac: {  	[dreg:$0x1] =	wrdreg $0xFFFFFFFF  }
0xad: {  	[dreg:$0x0] =	wrdreg $0x60  }
0xae: {  	[dreg:$0x2] =	wrdreg s2  }
0xaf: {  	[dreg:$0x3] =	wrdreg s24  }
0xb0: {  	[dreg:$0x4] =	wrdreg $0xA9000  }
0xb1: {  	[dreg:$0x5] =	wrdreg $0x9  }
0xb2: {  	_ =	task.clear_ibuf [dreg:s7], $0x6FFFF;
	_ =	strace $0x90000055  }
0xb3: {  	s29 =	simm.s32 $0x9;
	_ =	strace $0x80000057  }
0xb4: {  	_ =	swait.ge [sflag:s29], $0x1  }
0xb5: {  	[sflag:s29] =	ssyncadd.s32 $0xFFFFFFFF  }
0xb6: {  	_ =	strace $0x90000057  }
0xb7: {  	_ =	sfence  }
0xb8: {  	s30 =	sld [smem:$0x0];
	_ =	sdelay $0x2  }
0xb9: {  	s31 =	sshll.u32 s1, $0xD;
	s1 =	sshrl.u32 s1, $0x2  }
0xba: {  	s3 =	sand.u32 $0x4000, s31;
	s1 =	sadd.s32 s1, s30  }
0xbb: {  	s0 =	sor.u32 s3, s0;
	s1 =	sshll.u32 s1, $0x11  }
0xbc: {  	s0 =	sor.u32 s1, s0  }
0xbd: {  	s0 =	sadd.s32 $0x8F2B, s0  }
0xbe: {  	[sflag:s0] =	ssyncadd.remote.s32 $0x1  }
0xbf: {  	_ =	sfence.sel $0xFFFF  }
0xc0: {  	[dreg:$0x0] =	wrdreg $0xFFFFFFFF;
	(pc) =	sbr.abs _section_cstart, $3  }
0xc1: {  	[dreg:$0x1] =	wrdreg $0xFFFFFFFF  }
0xc2: {  	_ =	task.clear_ibuf [dreg:s7], $0x2FFFF;
	_ =	strace $0x9FFFFFFF  }
0xc3: {  	(tm) =	ssettm $0x7FFFFFFF  }
tec
execute0_lowered:
.L_overlay_start_1:
0x0: {  	(tag) =	ssettag $0x1  }
0x1: {  	s1 =	rddreg [dreg:$0x0]  }
0x2: {  	s0 =	srdreg.scid;
	s7 =	rddreg [dreg:$0x1]  }
0x3: {  	s10 =	stileid.u32;
	s3 =	rddreg [dreg:$0x2]  }
0x4: {  	s5 =	simm.s32 $0x0;
	s16 =	simm.s32 $0x5;
	s17 =	simm.s32 $0x2800  }
0x5: {  	s18 =	simm.s32 $0x80;
	s19 =	simm.s32 $0x2900;
	s20 =	simm.s32 $0x6900  }
0x6: {  	s21 =	simm.s32 $0x2880;
	s22 =	simm.s32 $0x1;
	s23 =	simm.s32 $0x3  }
0x7: {  	s24 =	simm.s32 $0x6;
	s25 =	simm.s32 $0x2;
	s26 =	simm.s32 $0x4  }
0x8: {  	s28 =	simm.s32 $0x0;
	s0 =	sand.u32 $0x1, s0;
	s6 =	smul.u32 $0x14000, s10  }
0x9: {  	[smem:$0x7FF] =	sst s5;
	s2 =	sshll.u32 s0, $0x4;
	s30 =	smul.u32 $0x140000, s0  }
0xa: {  	s0 =	ssub.s32 $0x2, s0;
	s2 =	sor.u32 s10, s2;
	s10 =	smul.u32 $0x50000, s10  }
0xb: {  	_ =	strace $0x80000056;
	s11 =	sshrl.u32 s0, $0x1;
	s4 =	smul.u32 $0x2800, s2  }
0xc: {  	s2 =	sadd.s32 s6, s30;
	s6 =	sadd.s32 $0x5600, s7;
	s0 =	ssub.s32 s0, s11  }
0xd: {  	s2 =	sshrl.u32 s2, $0x3;
	s10 =	sshrl.u32 s10, $0x2;
	s8 =	sshrl.u32 s4, $0x3  }
0xe: {  	s11 =	smax.u32 s0, $0x1;
	s2 =	sadd.s32 s2, s7;
	s9 =	sadd.s32 s8, s7  }
0xf: {  	s8 =	sadd.s32 s6, s8;
	s31 =	sadd.s32 $0x61600, s9;
	s9 =	sadd.s32 s10, s3  }
0x10: {  	s10 =	sadd.s32 $0xF600, s2;
	[dreg:$0x4] =	wrdreg s31;
	s12 =	sadd.s32 $0x4000, s9  }
0x11: {  	v0 =	vimm.f32 $0.0e+00;
	s13 =	sadd.s32 $0x8000, s9;
	s14 =	sadd.s32 $0xC000, s9;
	s15 =	sadd.s32 $0x10000, s9  }
.LBB2_1:
0x12: {  	s0 =	rddreg [dreg:$0x4]  }
0x13: {  	[tilespmem:s5], [sflag:$0x5] =	stream.linear.gather [hbm4b:s0+s5], $0x2780, $0x38;
	[tilespmem:$0x1E900] =	vst v63  }
0x14: {  	_ =	swait.ge [sflag:s16], $0x2780  }
0x15: {  	s31 =	sand.u32 $0xFE00, s5;
	[sflag:s16] =	ssyncset.done $0x0  }
0x16: {  	s29 =	sand.u32 $0x70, s5;
	s0 =	sshrl.u32 s31, $0x2;
	[sflag:s16] =	ssyncadd.s32 $0xFFFFD880  }
0x17: {  	[tilespmem:s17], [sflag:$0x3] =	stream.linear.gather [hbm4b:s8+s5], $0x80, $0x38;
	[tilespmem:$0x1E900] =	vst v63  }
0x18: {  	s2 =	simm.s32 $0x40;
	s0 =	sor.u32 s29, s0;
	s29 =	simm.s32 $0x0  }
0x19: {  	[tilespmem:s19], [sflag:$0x1] =	stream.indirect.gather [hbm4b:s1+s18], $0x80, s5, s18, $0xb8;
	[tilespmem:$0x1E900] =	vst v63  }
.LBB2_2:
0x1a: {  	p0 =	sne.s32 s2, $0xFFC0  }
0x1b: {  	[tilespmem:s0+$0x6900] =	vst v0;
	s29 =	sadd.s32 $0x10, s29;
	s0 =	smov.u32 s2;
	s2 =	sadd.s32 $0x40, s2  }
.Ltmp0:
0x1c: {  	(pc) =	sbr.rel @p0 .LBB2_2-.Ltmp0, $4  }
0x1d: {  	_ = 	snop  }
0x1e: {  	s0 =	sand.u32 $0xFE00, s0  }
0x1f: {  	s30 =	sand.u32 $0x70, s29;
	s0 =	sshrl.u32 s0, $0x2  }
0x20: {  	s0 =	sor.u32 s30, s0  }
0x21: {  	[tilespmem:s0+$0x6900] =	vst v0  }
0x22: {  	[spmem:s9] =	stream.linear.scatter [tilespmem:s20], [sflag:$0x5], $0x4000, $0x38;
	[tilespmem:$0x1E900] =	vst v63  }
0x23: {  	_ =	swait.ge [sflag:s16], $0x4000  }
0x24: {  	[sflag:s16] =	ssyncset.done $0x0  }
0x25: {  	[sflag:s16] =	ssyncadd.s32 $0xFFFFC000  }
0x26: {  	[spmem:s12] =	stream.linear.scatter [tilespmem:s20], [sflag:$0x5], $0x4000, $0x38;
	[tilespmem:$0x1E900] =	vst v63  }
0x27: {  	_ =	swait.ge [sflag:s16], $0x4000  }
0x28: {  	[sflag:s16] =	ssyncset.done $0x0  }
0x29: {  	[sflag:s16] =	ssyncadd.s32 $0xFFFFC000  }
0x2a: {  	[spmem:s13] =	stream.linear.scatter [tilespmem:s20], [sflag:$0x5], $0x4000, $0x38;
	[tilespmem:$0x1E900] =	vst v63  }
0x2b: {  	_ =	swait.ge [sflag:s16], $0x4000  }
0x2c: {  	[sflag:s16] =	ssyncset.done $0x0  }
0x2d: {  	[sflag:s16] =	ssyncadd.s32 $0xFFFFC000  }
0x2e: {  	[spmem:s14] =	stream.linear.scatter [tilespmem:s20], [sflag:$0x5], $0x4000, $0x38;
	[tilespmem:$0x1E900] =	vst v63  }
0x2f: {  	_ =	swait.ge [sflag:s16], $0x4000  }
0x30: {  	s2 =	simm.s32 $0x0;
	[sflag:s16] =	ssyncset.done $0x0  }
0x31: {  	s0 =	sand.u32 $0x3C00, s2;
	s2 =	simm.s32 $0x80;
	[sflag:s16] =	ssyncadd.s32 $0xFFFFC000  }
0x32: {  	[spmem:s15] =	stream.linear.scatter [tilespmem:s20], [sflag:$0x5], $0x4000, $0x38;
	[tilespmem:$0x1E900] =	vst v63  }
0x33: {  	s0 =	sadd.s32 s4, s0;
	s2 =	sand.u32 $0x380, s2;
	_ =	swait.ge [sflag:s16], $0x4000  }
0x34: {  	s0 =	sor.u32 s0, s2;
	[sflag:s16] =	ssyncset.done $0x0  }
0x35: {  	s0 =	sshrl.u32 s0, $0x3;
	[sflag:s16] =	ssyncadd.s32 $0xFFFFC000  }
0x36: {  	s0 =	sadd.s32 s6, s0;
	[bflag:$0x0] =	sbarrier.arrive $0xFFFF  }
0x37: {  	[tilespmem:s21], [sflag:$0x4] =	stream.linear.gather [hbm4b:s0+s5], $0x80, $0x38;
	[tilespmem:$0x1E900] =	vst v63  }
0x38: {  	s29 =	simm.s32 $0x80  }
0x39: {  	[tilespmem:s20], [sflag:$0x2] =	stream.indirect.gather [hbm4b:s1+s18], $0x80, s29, s18, $0xb8;
	[tilespmem:$0x1E900] =	vst v63  }
0x3a: {  	_ =	swait.ge [sflag:s22], $0x4000  }
0x3b: {  	[sflag:s22] =	ssyncset.done $0x0  }
0x3c: {  	[sflag:s22] =	ssyncadd.s32 $0xFFFFC000  }
0x3d: {  	s0 =	simm.s32 $0x100;
	_ =	swait.ge [sflag:s23], $0x80  }
0x3e: {  	s7 =	sand.u32 $0x7C00, s0;
	[sflag:s23] =	ssyncset.done $0x0  }
0x3f: {  	s0 =	sand.u32 $0x300, s0;
	s2 =	sadd.s32 s4, s7;
	[sflag:s23] =	ssyncadd.s32 $0xFFFFFF80  }
0x40: {  	[spmem:s3] =	stream.indirect.scatter.add.f32 [tilespmem:s19], [sflag:$0x6], $0x80, s17, s18, $0xb8;
	[tilespmem:$0x1E900] =	vst v63  }
0x41: {  	s0 =	sor.u32 s0, s2;
	_ =	swait.ge [sflag:s24], $0x4000  }
0x42: {  	s0 =	sshrl.u32 s0, $0x3;
	[sflag:s24] =	ssyncset.done $0x0  }
0x43: {  	s0 =	sadd.s32 s6, s0;
	[sflag:s24] =	ssyncadd.s32 $0xFFFFC000  }
0x44: {  	[tilespmem:s17], [sflag:$0x3] =	stream.linear.gather [hbm4b:s0+s5], $0x80, $0x38;
	[tilespmem:$0x1E900] =	vst v63  }
0x45: {  	s7 =	simm.s32 $0x100  }
0x46: {  	[tilespmem:s19], [sflag:$0x1] =	stream.indirect.gather [hbm4b:s1+s18], $0x80, s7, s18, $0xb8;
	[tilespmem:$0x1E900] =	vst v63  }
0x47: {  	s2 =	simm.s32 $0x100;
	_ =	swait.ge [sflag:s25], $0x4000  }
0x48: {  	s0 =	sand.u32 $0x3C00, s2;
	s7 =	simm.s32 $0x180;
	[sflag:s25] =	ssyncset.done $0x0  }
0x49: {  	s0 =	sadd.s32 s4, s0;
	s2 =	sand.u32 $0x380, s7;
	[sflag:s25] =	ssyncadd.s32 $0xFFFFC000  }
0x4a: {  	s30 =	simm.s32 $0x200;
	s0 =	sor.u32 s0, s2;
	_ =	swait.ge [sflag:s26], $0x80  }
0x4b: {  	s31 =	simm.s32 $0x300;
	s2 =	sshrl.u32 s0, $0x3;
	[sflag:s26] =	ssyncset.done $0x0  }
.LBB2_4:
0x4c: {  	[sflag:s26] =	ssyncadd.s32 $0xFFFFFF80  }
0x4d: {  	s29 =	sadd.s32 $0x100, s29;
	s7 =	smov.u32 s31;
	s0 =	sadd.s32 $0x100, s31  }
0x4e: {  	[spmem:s3] =	stream.indirect.scatter.add.f32 [tilespmem:s20], [sflag:$0x5], $0x80, s21, s18, $0xb8;
	[tilespmem:$0x1E900] =	vst v63  }
0x4f: {  	p0 =	sne.s32 s31, $0x2700;
	_ =	swait.ge [sflag:s16], $0x4000  }
0x50: {  	s2 =	sadd.s32 s6, s2;
	[sflag:s16] =	ssyncset.done $0x0  }
0x51: {  	[sflag:s16] =	ssyncadd.s32 $0xFFFFC000  }
0x52: {  	[tilespmem:s21], [sflag:$0x4] =	stream.linear.gather [hbm4b:s2+s5], $0x80, $0x38;
	[tilespmem:$0x1E900] =	vst v63  }
0x53: {  	_ = 	snop  }
0x54: {  	[tilespmem:s20], [sflag:$0x2] =	stream.indirect.gather [hbm4b:s1+s18], $0x80, s29, s18, $0xb8;
	[tilespmem:$0x1E900] =	vst v63  }
0x55: {  	_ =	swait.ge [sflag:s22], $0x4000  }
0x56: {  	[sflag:s22] =	ssyncset.done $0x0  }
0x57: {  	[sflag:s22] =	ssyncadd.s32 $0xFFFFC000  }
0x58: {  	_ =	swait.ge [sflag:s23], $0x80  }
0x59: {  	s2 =	sand.u32 $0x7C00, s30;
	[sflag:s23] =	ssyncset.done $0x0  }
0x5a: {  	s30 =	sand.u32 $0x300, s30;
	s2 =	sadd.s32 s4, s2;
	[sflag:s23] =	ssyncadd.s32 $0xFFFFFF80  }
0x5b: {  	[spmem:s3] =	stream.indirect.scatter.add.f32 [tilespmem:s19], [sflag:$0x6], $0x80, s17, s18, $0xb8;
	[tilespmem:$0x1E900] =	vst v63  }
0x5c: {  	s2 =	sor.u32 s30, s2;
	s30 =	smov.u32 s7;
	_ =	swait.ge [sflag:s24], $0x4000  }
0x5d: {  	s2 =	sshrl.u32 s2, $0x3;
	[sflag:s24] =	ssyncset.done $0x0  }
0x5e: {  	s7 =	sadd.s32 $0x80, s29;
	s2 =	sadd.s32 s6, s2;
	[sflag:s24] =	ssyncadd.s32 $0xFFFFC000  }
0x5f: {  	[tilespmem:s17], [sflag:$0x3] =	stream.linear.gather [hbm4b:s2+s5], $0x80, $0x38;
	[tilespmem:$0x1E900] =	vst v63  }
0x60: {  	_ = 	snop  }
0x61: {  	[tilespmem:s19], [sflag:$0x1] =	stream.indirect.gather [hbm4b:s1+s18], $0x80, s7, s18, $0xb8;
	[tilespmem:$0x1E900] =	vst v63  }
.Ltmp1:
0x62: {  	s2 =	sadd.s32 $0xFFFFFF00, s30;
	_ =	swait.ge [sflag:s25], $0x4000;
	(pc) =	sbr.rel @p0 .LBB2_4-.Ltmp1, $4  }
0x63: {  	s2 =	sand.u32 $0x3C00, s2;
	s7 =	sadd.s32 $0xFFFFFF80, s30;
	[sflag:s25] =	ssyncset.done $0x0  }
0x64: {  	s2 =	sadd.s32 s4, s2;
	s7 =	sand.u32 $0x380, s7;
	[sflag:s25] =	ssyncadd.s32 $0xFFFFC000  }
0x65: {  	s2 =	sor.u32 s2, s7;
	_ =	swait.ge [sflag:s26], $0x80  }
0x66: {  	s31 =	smov.u32 s0;
	s2 =	sshrl.u32 s2, $0x3;
	[sflag:s26] =	ssyncset.done $0x0  }
0x67: {  	[sflag:s26] =	ssyncadd.s32 $0xFFFFFF80  }
0x68: {  	[spmem:s3] =	stream.indirect.scatter.add.f32 [tilespmem:s20], [sflag:$0x5], $0x80, s21, s18, $0xb8;
	[tilespmem:$0x1E900] =	vst v63  }
0x69: {  	_ =	swait.ge [sflag:s16], $0x4000  }
0x6a: {  	[sflag:s16] =	ssyncset.done $0x0  }
0x6b: {  	s0 =	sadd.s32 s6, s2;
	[sflag:s16] =	ssyncadd.s32 $0xFFFFC000  }
0x6c: {  	[tilespmem:s21], [sflag:$0x4] =	stream.linear.gather [hbm4b:s0+s5], $0x80, $0x38;
	[tilespmem:$0x1E900] =	vst v63  }
0x6d: {  	s31 =	sadd.s32 $0x100, s29  }
0x6e: {  	[tilespmem:s20], [sflag:$0x2] =	stream.indirect.gather [hbm4b:s1+s18], $0x80, s31, s18, $0xb8;
	[tilespmem:$0x1E900] =	vst v63  }
0x6f: {  	_ =	swait.ge [sflag:s22], $0x4000  }
0x70: {  	[sflag:s22] =	ssyncset.done $0x0  }
0x71: {  	[sflag:s22] =	ssyncadd.s32 $0xFFFFC000  }
0x72: {  	_ =	swait.ge [sflag:s23], $0x80  }
0x73: {  	s29 =	sand.u32 $0x7C00, s30;
	[sflag:s23] =	ssyncset.done $0x0  }
0x74: {  	s7 =	sand.u32 $0x300, s30;
	s2 =	sadd.s32 s4, s29;
	[sflag:s23] =	ssyncadd.s32 $0xFFFFFF80  }
0x75: {  	[spmem:s3] =	stream.indirect.scatter.add.f32 [tilespmem:s19], [sflag:$0x6], $0x80, s17, s18, $0xb8;
	[tilespmem:$0x1E900] =	vst v63  }
0x76: {  	s2 =	sor.u32 s7, s2;
	_ =	swait.ge [sflag:s24], $0x4000  }
0x77: {  	s2 =	sshrl.u32 s2, $0x3;
	[sflag:s24] =	ssyncset.done $0x0  }
0x78: {  	s2 =	sadd.s32 s6, s2;
	[sflag:s24] =	ssyncadd.s32 $0xFFFFC000  }
0x79: {  	[tilespmem:s17], [sflag:$0x3] =	stream.linear.gather [hbm4b:s2+s5], $0x80, $0x38;
	[tilespmem:$0x1E900] =	vst v63  }
0x7a: {  	s0 =	sadd.s32 $0x80, s31  }
0x7b: {  	[tilespmem:s19], [sflag:$0x1] =	stream.indirect.gather [hbm4b:s1+s18], $0x80, s0, s18, $0xb8;
	[tilespmem:$0x1E900] =	vst v63  }
0x7c: {  	_ =	swait.ge [sflag:s25], $0x4000  }
0x7d: {  	[sflag:s25] =	ssyncset.done $0x0  }
0x7e: {  	[sflag:s25] =	ssyncadd.s32 $0xFFFFC000  }
0x7f: {  	_ =	swait.ge [sflag:s26], $0x80  }
0x80: {  	[sflag:s26] =	ssyncset.done $0x0  }
0x81: {  	[sflag:s26] =	ssyncadd.s32 $0xFFFFFF80  }
0x82: {  	[spmem:s3] =	stream.indirect.scatter.add.f32 [tilespmem:s20], [sflag:$0x5], $0x80, s21, s18, $0xb8;
	[tilespmem:$0x1E900] =	vst v63  }
0x83: {  	_ =	swait.ge [sflag:s16], $0x4000  }
0x84: {  	[sflag:s16] =	ssyncset.done $0x0  }
0x85: {  	[sflag:s16] =	ssyncadd.s32 $0xFFFFC000  }
0x86: {  	_ =	swait.ge [sflag:s22], $0x4000  }
0x87: {  	[sflag:s22] =	ssyncset.done $0x0  }
0x88: {  	[sflag:s22] =	ssyncadd.s32 $0xFFFFC000  }
0x89: {  	_ =	swait.ge [sflag:s23], $0x80  }
0x8a: {  	[sflag:s23] =	ssyncset.done $0x0  }
0x8b: {  	[sflag:s23] =	ssyncadd.s32 $0xFFFFFF80  }
0x8c: {  	[spmem:s3] =	stream.indirect.scatter.add.f32 [tilespmem:s19], [sflag:$0x6], $0x80, s17, s18, $0xb8;
	[tilespmem:$0x1E900] =	vst v63  }
0x8d: {  	s28 =	sadd.s32 $0x1, s28;
	_ =	swait.ge [sflag:s24], $0x4000  }
0x8e: {  	s30 =	stileid.u32;
	p0 =	sne.s32 s28, s11;
	[sflag:s24] =	ssyncset.done $0x0  }
0x8f: {  	s31 =	sshrl.u32 s9, $0x3;
	s0 =	sshll.u32 s30, $0x6;
	[sflag:s24] =	ssyncadd.s32 $0xFFFFC000  }
.Ltmp2:
0x90: {  	s0 =	sor.u32 $0x1C05, s0;
	[bflag:$0x0] =	sbarrier.arrive $0xFFFF;
	(pc) =	sbr.rel @p0 .LBB2_1-.Ltmp2, $4  }
0x91: {  	[hbm:s10], [sflag:s0] =	dma.local [spmem:s31], $0x2800  }
0x92: {  	_ =	swait.ge [sflag:s16], $0x2800  }
0x93: {  	[sflag:s16] =	ssyncset.done $0x0  }
0x94: {  	[sflag:s16] =	ssyncadd.s32 $0xFFFFD800  }
0x95: {  	_ =	sfence.sel $0x180000  }
0x96: {  	[bflag:$0x0] =	sbarrier.arrive $0xFFFF  }
0x97: {  	_ =	strace $0x90000056  }
0x98: {  	s0 =	stileid.u32;
	[bflag:$0x2] =	sbarrier.arrive $0xFFFF  }
0x99: {  	p0 =	sne.s32 s0, $0x0;
	s0 =	rddreg [dreg:$0x3]  }
0x9a: {  	s0 =	sadd.s32 @!p0 $0x100000, s0  }
0x9b: {  	[sflag:s0] =	ssyncadd.tile.s32 @!p0 $0x1;
	_ =	shalt  }
.Lfunc_end2:
_tile_overlayer_lowered:
.L_overlay_start_2:
0x9c: {  	(tag) =	ssettag $0x2  }
0x9d: {  	s0 =	rddreg [dreg:$0x0];
	s2 =	stileid.u32  }
0x9e: {  	s1 =	rddreg [dreg:$0x1];
	p0 =	sne.s32 s2, $0x0  }
0x9f: {  	s3 =	rddreg [dreg:$0x2];
	[bflag:$0x3] =	sbarrier.arrive $0xFFFF;
	s2 =	simm.s32 @!p0 $0x1C05  }
0xa0: {  	[timem:s3], [sflag:s2] =	dma.local @!p0 [hbm:s0], s1  }
0xa1: {  	s0 =	simm.s32 @!p0 $0x5  }
0xa2: {  	_ =	swait.ge @!p0 [sflag:s0], s1  }
0xa3: {  	s1 =	ssub.s32 @!p0 $0x0, s1;
	[sflag:s0] =	ssyncset.done @!p0 $0x0  }
0xa4: {  	[sflag:s0] =	ssyncadd.s32 @!p0 s1  }
0xa5: {  	[bflag:$0x3] =	sbarrier.arrive $0xFFFF  }
0xa6: {  	_ =	shalt  }

</sc_bundles>
